<compile_context>
chip_gen: v7x
topology: tpu7x:2x2x1
jax: 0.10.2.dev20260603
libtpu: 0.0.44.dev20260713+nightly
codegen_flags: <defaults>
</compile_context>

<pallas_src>
import functools

import jax
import jax.numpy as jnp
from jax import lax
from jax.experimental import pallas as pl
from jax.experimental.pallas import tpu as pltpu
from jax.experimental.pallas import tpu_sc as plsc

def _affinity_body(w_ref, x_ref, out_t_ref):
    out_t_ref[...] = jax.lax.dot_general(
        w_ref[...], x_ref[...],
        (((1,), (1,)), ((), ())),
        preferred_element_type=jnp.float32,
    )


def _float_key(a):
    bits = jax.lax.bitcast_convert_type(a, jnp.int32)
    return jnp.where(bits >= 0, bits, bits ^ jnp.int32(0x7FFFFFFF))


def _stats_body(aff_ref, theta_ref, jcut_ref, mx_ref, denom_ref, *, C):
    a = aff_ref[...]
    E, T = a.shape
    key = _float_key(a)

    cnt_pos = jnp.sum((key >= 0).astype(jnp.int32), axis=1, keepdims=True)
    theta0 = jnp.where(cnt_pos >= C, 0, -2147483648).astype(jnp.int32)

    def _count_ge(cand):
        return jnp.sum((key >= cand).astype(jnp.int32), axis=1, keepdims=True)

    def _theta_step2(i, prefix):
        hi = jnp.int32(1) << (30 - 2 * i)
        lo = jnp.int32(1) << (29 - 2 * i)
        c1 = prefix + lo
        c2 = prefix + hi
        c3 = prefix + hi + lo
        n1, n2, n3 = _count_ge(c1), _count_ge(c2), _count_ge(c3)
        return jnp.where(n3 >= C, c3,
                         jnp.where(n2 >= C, c2,
                                   jnp.where(n1 >= C, c1, prefix)))

    theta = jax.lax.fori_loop(0, 15, _theta_step2, theta0)
    cand = theta + 1
    theta = jnp.where(_count_ge(cand) >= C, cand, theta)

    gt = key > theta
    eq = key == theta
    n_gt = jnp.sum(gt.astype(jnp.int32), axis=1, keepdims=True)
    n_eq = jnp.sum(eq.astype(jnp.int32), axis=1, keepdims=True)
    m = C - n_gt

    def _j_fast(_):
        return jnp.full((E, 1), T, jnp.int32)

    idx = jax.lax.broadcasted_iota(jnp.int32, (E, T), 1)

    def _j_search(_):
        def _j_step(i, J):
            cand_j = J + (jnp.int32(1) << (15 - i))
            cnt = jnp.sum((eq & (idx < cand_j)).astype(jnp.int32),
                          axis=1, keepdims=True)
            return jnp.where(cnt <= m, cand_j, J)

        return jax.lax.fori_loop(0, 16, _j_step,
                                 jnp.zeros((E, 1), jnp.int32))

    jcut = jax.lax.cond(jnp.all(n_eq == m), _j_fast, _j_search, 0)

    sel = gt | (eq & (idx < jcut))
    mx = jnp.max(a, axis=1, keepdims=True)
    denom = jnp.sum(jnp.where(sel, jnp.exp(a - mx), 0.0),
                    axis=1, keepdims=True)

    theta_ref[...] = theta
    jcut_ref[...] = jcut
    mx_ref[...] = mx
    denom_ref[...] = denom


def _sc_stats_body(aff_hbm, out_hbm, va, hist, ovec, *, C, T):
    wid = lax.axis_index("s") * 2 + lax.axis_index("c")
    nch8 = T // 128

    def _keys(base, u):
        return lax.bitcast_convert_type(va[pl.ds(base + u * 16, 16)], jnp.int32)

    results = []
    for j in range(2):
        e = 2 * wid + j
        pltpu.sync_copy(aff_hbm.at[e], va)

        def _pre(i, carry):
            mxv, posv = carry
            base = i * 128
            for u in range(8):
                c = va[pl.ds(base + u * 16, 16)]
                b = lax.bitcast_convert_type(c, jnp.int32)
                k = jnp.where(b >= 0, b, b ^ 0x7FFFFFFF)
                va[pl.ds(base + u * 16, 16)] = lax.bitcast_convert_type(k, jnp.float32)
                mxv = jnp.maximum(mxv, c)
                posv = posv + jnp.where(k >= 0, 1, 0)
            return mxv, posv

        mxv, posv = lax.fori_loop(
            0, nch8, _pre,
            (jnp.full((16,), -3.0e38, jnp.float32),
             jnp.zeros((16,), jnp.int32)))
        mxf = jnp.max(mxv)

        def _hist_level(shift, prefix, match_shift):
            def _z(i, _):
                hist[pl.ds(i * 16, 16)] = jnp.zeros((16,), jnp.int32)
                return 0

            lax.fori_loop(0, 64, _z, 0)
            ones = jnp.ones((16,), jnp.int32)

            def _acc(i, _):
                base = i * 128
                for u in range(8):
                    k = _keys(base, u)
                    if match_shift is None:
                        d = (k >> shift) + 512
                        plsc.addupdate_scatter(hist, [d], ones)
                    else:
                        valid = ((k >> match_shift)
                                 == (prefix >> match_shift))
                        d = (k >> shift) & 1023
                        plsc.addupdate_scatter(hist, [d], ones, mask=valid)
                return 0

            lax.fori_loop(0, nch8, _acc, 0)

        def _find_bucket(need):
            def _cs(i, carry):
                cum, dchunk, cum_above = carry
                jj = 63 - i
                s = jnp.sum(hist[pl.ds(jj * 16, 16)])
                newcum = cum + s
                crossed = (cum < need) & (newcum >= need)
                dchunk = jnp.where(crossed, jj, dchunk)
                cum_above = jnp.where(crossed, cum, cum_above)
                return newcum, dchunk, cum_above

            _, dchunk, cum_above = lax.fori_loop(
                0, 64, _cs,
                (jnp.int32(0), jnp.int32(0), jnp.int32(0)))
            h = hist[pl.ds(dchunk * 16, 16)]
            csum = plsc.cumsum(h)
            total = jnp.max(csum)
            suff = cum_above + total - csum + h
            npop = jnp.max(plsc.all_reduce_population_count(suff >= need))
            lstar = npop - 1
            lanes16 = lax.iota(jnp.int32, 16)
            csum_l = jnp.sum(jnp.where(lanes16 == lstar, csum, 0))
            d = dchunk * 16 + lstar
            return d, cum_above + total - csum_l

        _hist_level(22, jnp.int32(0), None)
        d1, n_hi = _find_bucket(jnp.int32(C))
        prefix = (d1 - 512) << 22
        _hist_level(12, prefix, 22)
        d2, r2 = _find_bucket(C - n_hi)
        n_hi = n_hi + r2
        prefix = prefix | (d2 << 12)
        _hist_level(2, prefix, 12)
        d3, r3 = _find_bucket(C - n_hi)
        prefix = prefix | (d3 << 2)

        def _count_ge(cand):
            def _cp(i, acc):
                base = i * 128
                for u in range(8):
                    k = _keys(base, u)
                    acc = acc + jnp.where(k >= cand, 1, 0)
                return acc

            return jnp.sum(lax.fori_loop(0, nch8, _cp,
                                         jnp.zeros((16,), jnp.int32)))

        for b in (1, 0):
            cand = prefix + (1 << b)
            prefix = jnp.where(_count_ge(cand) >= C, cand, prefix)
        theta = prefix

        def _fin(i, carry):
            g, q, se = carry
            base = i * 128
            for u in range(8):
                k = _keys(base, u)
                b2 = jnp.where(k >= 0, k, k ^ 0x7FFFFFFF)
                a = lax.bitcast_convert_type(b2, jnp.float32)
                gtm = k > theta
                g = g + jnp.where(gtm, 1, 0)
                q = q + jnp.where(k == theta, 1, 0)
                se = se + jnp.where(gtm, jnp.exp(a - mxf), 0.0)
            return g, q, se

        g, q, se = lax.fori_loop(
            0, nch8, _fin,
            (jnp.zeros((16,), jnp.int32), jnp.zeros((16,), jnp.int32),
             jnp.zeros((16,), jnp.float32)))
        n_gt = jnp.sum(g)
        n_eq = jnp.sum(q)
        m = C - n_gt
        tb = jnp.zeros((16,), jnp.int32) + theta
        tf = lax.bitcast_convert_type(jnp.where(tb >= 0, tb, tb ^ 0x7FFFFFFF),
                          jnp.float32)
        exp_theta = jnp.max(jnp.exp(tf - mxf))
        denom = (jnp.sum(se)
                 + lax.convert_element_type(m, jnp.float32) * exp_theta)

        def _fastj(_):
            return jnp.int32(T)

        def _searchj(_):
            def _jstep(s, J):
                candj = J + (jnp.int32(1) << (15 - s))

                def _cp(i, acc):
                    base = i * 128
                    for u in range(8):
                        k = _keys(base, u)
                        idxv = base + u * 16 + lax.iota(jnp.int32, 16)
                        acc = acc + jnp.where(
                            (k == theta) & (idxv < candj), 1, 0)
                    return acc

                cnt = jnp.sum(lax.fori_loop(0, nch8, _cp,
                                            jnp.zeros((16,), jnp.int32)))
                return jnp.where(cnt <= m, candj, J)

            return lax.fori_loop(0, 16, _jstep, jnp.int32(0))

        jcut = lax.cond(n_eq == m, _fastj, _searchj, 0)
        results.append((theta, jcut, mxf, denom))

    lanes = lax.iota(jnp.int32, 16)
    vi = jnp.where(lanes == 0, results[0][0],
                   jnp.where(lanes == 1, results[1][0],
                             jnp.where(lanes == 2, results[0][1],
                                       results[1][1])))
    vf = jnp.where(lanes == 4, results[0][2],
                   jnp.where(lanes == 5, results[1][2],
                             jnp.where(lanes == 6, results[0][3],
                                       results[1][3])))
    ovec[...] = jnp.where(lanes < 4, lax.bitcast_convert_type(vi, jnp.float32), vf)
    pltpu.sync_copy(ovec, out_hbm.at[wid])


def _sc_stats_call(aff_t, C):
    n_exp, T = aff_t.shape
    mesh = plsc.VectorSubcoreMesh(core_axis_name="c", subcore_axis_name="s")
    run = pl.kernel(
        functools.partial(_sc_stats_body, C=C, T=T),
        mesh=mesh,
        compiler_params=pltpu.CompilerParams(needs_layout_passes=False),
        out_type=jax.ShapeDtypeStruct((n_exp // 2, 16), jnp.float32),
        scratch_types=[
            pltpu.VMEM((T,), jnp.float32),
            pltpu.VMEM((1024,), jnp.int32),
            pltpu.VMEM((16,), jnp.float32),
        ],
    )
    packed = run(aff_t)
    pi = lax.bitcast_convert_type(packed[:, 0:4], jnp.int32)
    theta = pi[:, 0:2].reshape(n_exp, 1)
    jcut = pi[:, 2:4].reshape(n_exp, 1)
    mx = packed[:, 4:6].reshape(n_exp, 1)
    denom = packed[:, 6:8].reshape(n_exp, 1)
    return theta, jcut, mx, denom


def _emit_body(aff_ref, theta_ref, jcut_ref, mx_ref, denom_ref,
               w_out_ref, a_out_ref, *, bt):
    i = pl.program_id(0)
    a = aff_ref[...]
    E = a.shape[0]
    key = _float_key(a)
    theta = theta_ref[...]
    idx = i * bt + jax.lax.broadcasted_iota(jnp.int32, (E, bt), 1)
    sel = (key > theta) | ((key == theta) & (idx < jcut_ref[...]))
    ex = jnp.exp(a - mx_ref[...])
    w_un = jnp.where(sel, ex / denom_ref[...], 0.0)
    cnt = jnp.sum(sel.astype(jnp.float32), axis=0, keepdims=True)
    w = w_un / jnp.maximum(cnt, 1.0)
    w_out_ref[...] = w.T
    a_out_ref[...] = sel.astype(jnp.float32).T


def kernel(hidden_states, W_sel):
    batch, seq, d_model = hidden_states.shape
    n_exp = W_sel.shape[0]
    num_tokens = batch * seq
    capacity = int(num_tokens * 1.0 / n_exp)
    C = min(capacity, num_tokens)

    x = hidden_states.reshape(num_tokens, d_model)

    bt = 4096
    aff_t = pl.pallas_call(
        _affinity_body,
        grid=(num_tokens // bt,),
        in_specs=[
            pl.BlockSpec((n_exp, d_model), lambda i: (0, 0)),
            pl.BlockSpec((bt, d_model), lambda i: (i, 0)),
        ],
        out_specs=pl.BlockSpec((n_exp, bt), lambda i: (0, i)),
        out_shape=jax.ShapeDtypeStruct((n_exp, num_tokens), jnp.float32),
    )(W_sel, x)

    theta, jcut, mx, denom = _sc_stats_call(aff_t, C)

    bt2 = 4096
    full_stat = pl.BlockSpec((n_exp, 1), lambda i: (0, 0))
    weights, assignments = pl.pallas_call(
        functools.partial(_emit_body, bt=bt2),
        grid=(num_tokens // bt2,),
        in_specs=[
            pl.BlockSpec((n_exp, bt2), lambda i: (0, i)),
            full_stat, full_stat, full_stat, full_stat,
        ],
        out_specs=(
            pl.BlockSpec((bt2, n_exp), lambda i: (i, 0)),
            pl.BlockSpec((bt2, n_exp), lambda i: (i, 0)),
        ),
        out_shape=(
            jax.ShapeDtypeStruct((num_tokens, n_exp), jnp.float32),
            jax.ShapeDtypeStruct((num_tokens, n_exp), jnp.float32),
        ),
    )(aff_t, theta, jcut, mx, denom)

    return weights, assignments, capacity

# --- scband reference (transcript-rebuilt; emitter-appended) ---
"""Pipeline reference for scband-expert-choice-router-18184891532041 (READ-ONLY COPY).

The authoritative reference and input builder live on the scoring server;
editing this copy changes nothing except your own understanding.
"""

import jax, jax.numpy as jnp
import numpy as np

D_MODEL = 768
NUM_EXPERTS = 64
CAPACITY_FACTOR = 1.0

def setup_inputs(seed: int = 0) -> dict:
    key = jax.random.key(seed)
    k1, k2 = jax.random.split(key)
    hidden_states = jax.random.normal(k1, (4, 8192, D_MODEL), dtype=jnp.float32)
    # stacked expert selector weights: one (d_model,) row per expert (nn.Linear(d_model,1,bias=False))
    W_sel = jax.random.normal(k2, (NUM_EXPERTS, D_MODEL), dtype=jnp.float32) * (1.0 / np.sqrt(D_MODEL))
    return {"hidden_states": hidden_states, "W_sel": W_sel}

def reference(hidden_states, W_sel):
    batch_size, seq_len, d_model = hidden_states.shape
    num_tokens = batch_size * seq_len
    capacity_per_expert = int(num_tokens * CAPACITY_FACTOR / NUM_EXPERTS)
    C = min(capacity_per_expert, num_tokens)
    tokens = hidden_states.reshape(-1, d_model)
    # affinity_scores for all experts at once: [num_tokens, E]
    affinity = tokens @ W_sel.T
    # per-expert top-C tokens: operate on [E, num_tokens]
    top_scores, top_idx = jax.lax.top_k(affinity.T, C)  # [E, C]
    sm = jax.nn.softmax(top_scores, axis=1)  # softmax over each expert's selected tokens
    expert_ids = jnp.broadcast_to(jnp.arange(NUM_EXPERTS)[:, None], (NUM_EXPERTS, C))
    flat_tok = top_idx.reshape(-1)
    flat_exp = expert_ids.reshape(-1)
    expert_assignments = jnp.zeros((num_tokens, NUM_EXPERTS), dtype=jnp.float32).at[flat_tok, flat_exp].set(1.0)
    expert_weights = jnp.zeros((num_tokens, NUM_EXPERTS), dtype=jnp.float32).at[flat_tok, flat_exp].set(sm.reshape(-1))
    token_expert_counts = jnp.clip(expert_assignments.sum(axis=1, keepdims=True), 1.0, None)
    expert_weights = expert_weights / token_expert_counts
    return (expert_weights, expert_assignments, capacity_per_expert)

if __name__ == "__main__":
    import jax
    _d = setup_inputs()
    print(jax.jit(kernel)(*tuple(_d.values())))

</pallas_src>

<mosaic_0001>
#map = affine_map<(d0, d1) -> (0, 0)>
module attributes {stable_mosaic.version = 14 : i64} {
  func.func @_sc_stats_body(%arg0: i32, %arg1: i32, %arg2: memref<64x32768xf32, #tpu.memory_space<hbm>>, %arg3: memref<32x16xf32, #tpu.memory_space<hbm>>, %arg4: memref<32768xf32, #tpu.memory_space<vmem>>, %arg5: memref<1024xi32, #tpu.memory_space<vmem>>, %arg6: memref<16xf32, #tpu.memory_space<vmem>>) attributes {dimension_semantics = [#tpu.dimension_semantics<core_parallel>, #tpu.dimension_semantics<subcore_parallel>], iteration_bounds = array<i64: 2, 16>, scalar_prefetch = 0 : i64, scratch_operands = 3 : i64, tpu.core_type = #tpu.core_type<sc_vector_subcore>, window_params = [{transform_indices = #map}, {transform_indices = #map}]} {
    %mul3A = arith.constant 2 : i32
    %mul3A_0 = arith.muli %arg1, %mul3A : i32
    %add3A = arith.addi %mul3A_0, %arg0 : i32
    %mul3A_1 = arith.constant 2 : i32
    %mul3A_2 = arith.muli %mul3A_1, %add3A : i32
    %add3A_3 = arith.constant 0 : i32
    %add3A_4 = arith.addi %mul3A_2, %add3A_3 : i32
    "tpu.region"() ({
      %run_scoped3A = tpu.sem_alloc : memref<!tpu.dma_semaphore, #tpu.memory_space<semaphore_mem>>
      %dma_start3A = arith.constant 0 : i32
      %dma_start3A_697 = tpu.memref_slice %arg2[%add3A_4, %dma_start3A] : memref<64x32768xf32, #tpu.memory_space<hbm>> -> memref<1x32768xf32, #tpu.memory_space<hbm>>
      %dma_start3A_698 = tpu.memref_squeeze %dma_start3A_697 : memref<1x32768xf32, #tpu.memory_space<hbm>> -> memref<32768xf32, #tpu.memory_space<hbm>>
      %dma_start3A_699 = arith.constant 0 : i32
      %dma_start3A_700 = tpu.memref_slice %arg2[%add3A_4, %dma_start3A_699] : memref<64x32768xf32, #tpu.memory_space<hbm>> -> memref<1x32768xf32, #tpu.memory_space<hbm>>
      %dma_start3A_701 = tpu.memref_squeeze %dma_start3A_700 : memref<1x32768xf32, #tpu.memory_space<hbm>> -> memref<32768xf32, #tpu.memory_space<hbm>>
      tpu.enqueue_dma source(%dma_start3A_701 : memref<32768xf32, #tpu.memory_space<hbm>>) target(%arg4 : memref<32768xf32, #tpu.memory_space<vmem>>) target_semaphore(%run_scoped3A : memref<!tpu.dma_semaphore, #tpu.memory_space<semaphore_mem>>)
      %dma_wait3A = arith.constant 0 : i32
      %dma_wait3A_702 = tpu.memref_slice %arg2[%add3A_4, %dma_wait3A] : memref<64x32768xf32, #tpu.memory_space<hbm>> -> memref<1x32768xf32, #tpu.memory_space<hbm>>
      %dma_wait3A_703 = tpu.memref_squeeze %dma_wait3A_702 : memref<1x32768xf32, #tpu.memory_space<hbm>> -> memref<32768xf32, #tpu.memory_space<hbm>>
      %dma_wait3A_704 = arith.constant 0 : i32
      %dma_wait3A_705 = tpu.memref_slice %arg2[%add3A_4, %dma_wait3A_704] : memref<64x32768xf32, #tpu.memory_space<hbm>> -> memref<1x32768xf32, #tpu.memory_space<hbm>>
      %dma_wait3A_706 = tpu.memref_squeeze %dma_wait3A_705 : memref<1x32768xf32, #tpu.memory_space<hbm>> -> memref<32768xf32, #tpu.memory_space<hbm>>
      tpu.wait_dma2 semaphore(%run_scoped3A : memref<!tpu.dma_semaphore, #tpu.memory_space<semaphore_mem>>) src(%dma_wait3A_706 : memref<32768xf32, #tpu.memory_space<hbm>>) dst(%arg4 : memref<32768xf32, #tpu.memory_space<vmem>>)
      tpu.yield
    }) : () -> ()
    %broadcast_in_dim3A = arith.constant -3.000000e+38 : f32
    %broadcast_in_dim3A_5 = vector.broadcast %broadcast_in_dim3A : f32 to vector<16xf32>
    %broadcast_in_dim3A_6 = arith.constant 0 : i32
    %broadcast_in_dim3A_7 = vector.broadcast %broadcast_in_dim3A_6 : i32 to vector<16xi32>
    %scan3A = arith.constant 0 : i32
    %scan3A_8 = arith.constant 256 : i32
    %scan3A_9 = arith.addi %scan3A, %scan3A_8 : i32
    %scan3A_10 = arith.constant 1 : i32
    %scan3A_11:2 = scf.for %scan3A_697 = %scan3A to %scan3A_9 step %scan3A_10 iter_args(%scan3A_698 = %broadcast_in_dim3A_5, %scan3A_699 = %broadcast_in_dim3A_7) -> (vector<16xf32>, vector<16xi32>)  : i32 {
      %mul3A_700 = arith.constant 128 : i32
      %mul3A_701 = arith.muli %scan3A_697, %mul3A_700 : i32
      %add3A_702 = arith.constant 0 : i32
      %add3A_703 = arith.addi %mul3A_701, %add3A_702 : i32
      %get3A_704 = arith.index_cast %add3A_703 : i32 to index
      %get3A_705 = tpu.vector_load %arg4[%get3A_704] {strides = array<i32>} : memref<32768xf32, #tpu.memory_space<vmem>>, vector<16xf32>,
      %bitcast_convert_type3A_706 = tpu.bitcast %get3A_705 : vector<16xf32> -> vector<16xi32>
      %ge3A_707 = arith.constant 0 : i32
      %ge3A_708 = vector.broadcast %ge3A_707 : i32 to vector<16xi32>
      %ge3A_709 = arith.cmpi sge, %bitcast_convert_type3A_706, %ge3A_708 : vector<16xi32>
      %xor3A_710 = arith.constant 2147483647 : i32
      %xor3A_711 = vector.broadcast %xor3A_710 : i32 to vector<16xi32>
      %xor3A_712 = arith.xori %bitcast_convert_type3A_706, %xor3A_711 : vector<16xi32>
      %select_n3A_713 = arith.select %ge3A_709, %bitcast_convert_type3A_706, %xor3A_712 : vector<16xi1>, vector<16xi32>
      %bitcast_convert_type3A_714 = tpu.bitcast %select_n3A_713 : vector<16xi32> -> vector<16xf32>
      %add3A_715 = arith.constant 0 : i32
      %add3A_716 = arith.addi %mul3A_701, %add3A_715 : i32
      %swap3A_717 = arith.index_cast %add3A_716 : i32 to index
      %swap3A_718 = tpu.vector_load %arg4[%swap3A_717] {strides = array<i32>} : memref<32768xf32, #tpu.memory_space<vmem>>, vector<16xf32>,
      tpu.vector_store %arg4[%swap3A_717], %bitcast_convert_type3A_714 {strides = array<i32>} : memref<32768xf32, #tpu.memory_space<vmem>>, vector<16xf32>,
      %max3A = arith.maximumf %scan3A_698, %get3A_705 : vector<16xf32>
      %ge3A_719 = arith.constant 0 : i32
      %ge3A_720 = vector.broadcast %ge3A_719 : i32 to vector<16xi32>
      %ge3A_721 = arith.cmpi sge, %select_n3A_713, %ge3A_720 : vector<16xi32>
      %jit3A_722 = arith.constant 1 : i32
      %jit3A_723 = arith.constant 0 : i32
      %broadcast_in_dim3A_724 = vector.broadcast %jit3A_722 : i32 to vector<16xi32>
      %broadcast_in_dim3A_725 = vector.broadcast %jit3A_723 : i32 to vector<16xi32>
      %select_n3A_726 = arith.select %ge3A_721, %broadcast_in_dim3A_724, %broadcast_in_dim3A_725 : vector<16xi1>, vector<16xi32>
      %add3A_727 = arith.addi %scan3A_699, %select_n3A_726 : vector<16xi32>
      %add3A_728 = arith.constant 16 : i32
      %add3A_729 = arith.addi %mul3A_701, %add3A_728 : i32
      %get3A_730 = arith.index_cast %add3A_729 : i32 to index
      %get3A_731 = tpu.vector_load %arg4[%get3A_730] {strides = array<i32>} : memref<32768xf32, #tpu.memory_space<vmem>>, vector<16xf32>,
      %bitcast_convert_type3A_732 = tpu.bitcast %get3A_731 : vector<16xf32> -> vector<16xi32>
      %ge3A_733 = arith.constant 0 : i32
      %ge3A_734 = vector.broadcast %ge3A_733 : i32 to vector<16xi32>
      %ge3A_735 = arith.cmpi sge, %bitcast_convert_type3A_732, %ge3A_734 : vector<16xi32>
      %xor3A_736 = arith.constant 2147483647 : i32
      %xor3A_737 = vector.broadcast %xor3A_736 : i32 to vector<16xi32>
      %xor3A_738 = arith.xori %bitcast_convert_type3A_732, %xor3A_737 : vector<16xi32>
      %select_n3A_739 = arith.select %ge3A_735, %bitcast_convert_type3A_732, %xor3A_738 : vector<16xi1>, vector<16xi32>
      %bitcast_convert_type3A_740 = tpu.bitcast %select_n3A_739 : vector<16xi32> -> vector<16xf32>
      %add3A_741 = arith.constant 16 : i32
      %add3A_742 = arith.addi %mul3A_701, %add3A_741 : i32
      %swap3A_743 = arith.index_cast %add3A_742 : i32 to index
      %swap3A_744 = tpu.vector_load %arg4[%swap3A_743] {strides = array<i32>} : memref<32768xf32, #tpu.memory_space<vmem>>, vector<16xf32>,
      tpu.vector_store %arg4[%swap3A_743], %bitcast_convert_type3A_740 {strides = array<i32>} : memref<32768xf32, #tpu.memory_space<vmem>>, vector<16xf32>,
      %max3A_745 = arith.maximumf %max3A, %get3A_731 : vector<16xf32>
      %ge3A_746 = arith.constant 0 : i32
      %ge3A_747 = vector.broadcast %ge3A_746 : i32 to vector<16xi32>
      %ge3A_748 = arith.cmpi sge, %select_n3A_739, %ge3A_747 : vector<16xi32>
      %jit3A_749 = arith.constant 1 : i32
      %jit3A_750 = arith.constant 0 : i32
      %broadcast_in_dim3A_751 = vector.broadcast %jit3A_749 : i32 to vector<16xi32>
      %broadcast_in_dim3A_752 = vector.broadcast %jit3A_750 : i32 to vector<16xi32>
      %select_n3A_753 = arith.select %ge3A_748, %broadcast_in_dim3A_751, %broadcast_in_dim3A_752 : vector<16xi1>, vector<16xi32>
      %add3A_754 = arith.addi %add3A_727, %select_n3A_753 : vector<16xi32>
      %add3A_755 = arith.constant 32 : i32
      %add3A_756 = arith.addi %mul3A_701, %add3A_755 : i32
      %get3A_757 = arith.index_cast %add3A_756 : i32 to index
      %get3A_758 = tpu.vector_load %arg4[%get3A_757] {strides = array<i32>} : memref<32768xf32, #tpu.memory_space<vmem>>, vector<16xf32>,
      %bitcast_convert_type3A_759 = tpu.bitcast %get3A_758 : vector<16xf32> -> vector<16xi32>
      %ge3A_760 = arith.constant 0 : i32
      %ge3A_761 = vector.broadcast %ge3A_760 : i32 to vector<16xi32>
      %ge3A_762 = arith.cmpi sge, %bitcast_convert_type3A_759, %ge3A_761 : vector<16xi32>
      %xor3A_763 = arith.constant 2147483647 : i32
      %xor3A_764 = vector.broadcast %xor3A_763 : i32 to vector<16xi32>
      %xor3A_765 = arith.xori %bitcast_convert_type3A_759, %xor3A_764 : vector<16xi32>
      %select_n3A_766 = arith.select %ge3A_762, %bitcast_convert_type3A_759, %xor3A_765 : vector<16xi1>, vector<16xi32>
      %bitcast_convert_type3A_767 = tpu.bitcast %select_n3A_766 : vector<16xi32> -> vector<16xf32>
      %add3A_768 = arith.constant 32 : i32
      %add3A_769 = arith.addi %mul3A_701, %add3A_768 : i32
      %swap3A_770 = arith.index_cast %add3A_769 : i32 to index
      %swap3A_771 = tpu.vector_load %arg4[%swap3A_770] {strides = array<i32>} : memref<32768xf32, #tpu.memory_space<vmem>>, vector<16xf32>,
      tpu.vector_store %arg4[%swap3A_770], %bitcast_convert_type3A_767 {strides = array<i32>} : memref<32768xf32, #tpu.memory_space<vmem>>, vector<16xf32>,
      %max3A_772 = arith.maximumf %max3A_745, %get3A_758 : vector<16xf32>
      %ge3A_773 = arith.constant 0 : i32
      %ge3A_774 = vector.broadcast %ge3A_773 : i32 to vector<16xi32>
      %ge3A_775 = arith.cmpi sge, %select_n3A_766, %ge3A_774 : vector<16xi32>
      %jit3A_776 = arith.constant 1 : i32
      %jit3A_777 = arith.constant 0 : i32
      %broadcast_in_dim3A_778 = vector.broadcast %jit3A_776 : i32 to vector<16xi32>
      %broadcast_in_dim3A_779 = vector.broadcast %jit3A_777 : i32 to vector<16xi32>
      %select_n3A_780 = arith.select %ge3A_775, %broadcast_in_dim3A_778, %broadcast_in_dim3A_779 : vector<16xi1>, vector<16xi32>
      %add3A_781 = arith.addi %add3A_754, %select_n3A_780 : vector<16xi32>
      %add3A_782 = arith.constant 48 : i32
      %add3A_783 = arith.addi %mul3A_701, %add3A_782 : i32
      %get3A_784 = arith.index_cast %add3A_783 : i32 to index
      %get3A_785 = tpu.vector_load %arg4[%get3A_784] {strides = array<i32>} : memref<32768xf32, #tpu.memory_space<vmem>>, vector<16xf32>,
      %bitcast_convert_type3A_786 = tpu.bitcast %get3A_785 : vector<16xf32> -> vector<16xi32>
      %ge3A_787 = arith.constant 0 : i32
      %ge3A_788 = vector.broadcast %ge3A_787 : i32 to vector<16xi32>
      %ge3A_789 = arith.cmpi sge, %bitcast_convert_type3A_786, %ge3A_788 : vector<16xi32>
      %xor3A_790 = arith.constant 2147483647 : i32
      %xor3A_791 = vector.broadcast %xor3A_790 : i32 to vector<16xi32>
      %xor3A_792 = arith.xori %bitcast_convert_type3A_786, %xor3A_791 : vector<16xi32>
      %select_n3A_793 = arith.select %ge3A_789, %bitcast_convert_type3A_786, %xor3A_792 : vector<16xi1>, vector<16xi32>
      %bitcast_convert_type3A_794 = tpu.bitcast %select_n3A_793 : vector<16xi32> -> vector<16xf32>
      %add3A_795 = arith.constant 48 : i32
      %add3A_796 = arith.addi %mul3A_701, %add3A_795 : i32
      %swap3A_797 = arith.index_cast %add3A_796 : i32 to index
      %swap3A_798 = tpu.vector_load %arg4[%swap3A_797] {strides = array<i32>} : memref<32768xf32, #tpu.memory_space<vmem>>, vector<16xf32>,
      tpu.vector_store %arg4[%swap3A_797], %bitcast_convert_type3A_794 {strides = array<i32>} : memref<32768xf32, #tpu.memory_space<vmem>>, vector<16xf32>,
      %max3A_799 = arith.maximumf %max3A_772, %get3A_785 : vector<16xf32>
      %ge3A_800 = arith.constant 0 : i32
      %ge3A_801 = vector.broadcast %ge3A_800 : i32 to vector<16xi32>
      %ge3A_802 = arith.cmpi sge, %select_n3A_793, %ge3A_801 : vector<16xi32>
      %jit3A_803 = arith.constant 1 : i32
      %jit3A_804 = arith.constant 0 : i32
      %broadcast_in_dim3A_805 = vector.broadcast %jit3A_803 : i32 to vector<16xi32>
      %broadcast_in_dim3A_806 = vector.broadcast %jit3A_804 : i32 to vector<16xi32>
      %select_n3A_807 = arith.select %ge3A_802, %broadcast_in_dim3A_805, %broadcast_in_dim3A_806 : vector<16xi1>, vector<16xi32>
      %add3A_808 = arith.addi %add3A_781, %select_n3A_807 : vector<16xi32>
      %add3A_809 = arith.constant 64 : i32
      %add3A_810 = arith.addi %mul3A_701, %add3A_809 : i32
      %get3A_811 = arith.index_cast %add3A_810 : i32 to index
      %get3A_812 = tpu.vector_load %arg4[%get3A_811] {strides = array<i32>} : memref<32768xf32, #tpu.memory_space<vmem>>, vector<16xf32>,
      %bitcast_convert_type3A_813 = tpu.bitcast %get3A_812 : vector<16xf32> -> vector<16xi32>
      %ge3A_814 = arith.constant 0 : i32
      %ge3A_815 = vector.broadcast %ge3A_814 : i32 to vector<16xi32>
      %ge3A_816 = arith.cmpi sge, %bitcast_convert_type3A_813, %ge3A_815 : vector<16xi32>
      %xor3A_817 = arith.constant 2147483647 : i32
      %xor3A_818 = vector.broadcast %xor3A_817 : i32 to vector<16xi32>
      %xor3A_819 = arith.xori %bitcast_convert_type3A_813, %xor3A_818 : vector<16xi32>
      %select_n3A_820 = arith.select %ge3A_816, %bitcast_convert_type3A_813, %xor3A_819 : vector<16xi1>, vector<16xi32>
      %bitcast_convert_type3A_821 = tpu.bitcast %select_n3A_820 : vector<16xi32> -> vector<16xf32>
      %add3A_822 = arith.constant 64 : i32
      %add3A_823 = arith.addi %mul3A_701, %add3A_822 : i32
      %swap3A_824 = arith.index_cast %add3A_823 : i32 to index
      %swap3A_825 = tpu.vector_load %arg4[%swap3A_824] {strides = array<i32>} : memref<32768xf32, #tpu.memory_space<vmem>>, vector<16xf32>,
      tpu.vector_store %arg4[%swap3A_824], %bitcast_convert_type3A_821 {strides = array<i32>} : memref<32768xf32, #tpu.memory_space<vmem>>, vector<16xf32>,
      %max3A_826 = arith.maximumf %max3A_799, %get3A_812 : vector<16xf32>
      %ge3A_827 = arith.constant 0 : i32
      %ge3A_828 = vector.broadcast %ge3A_827 : i32 to vector<16xi32>
      %ge3A_829 = arith.cmpi sge, %select_n3A_820, %ge3A_828 : vector<16xi32>
      %jit3A_830 = arith.constant 1 : i32
      %jit3A_831 = arith.constant 0 : i32
      %broadcast_in_dim3A_832 = vector.broadcast %jit3A_830 : i32 to vector<16xi32>
      %broadcast_in_dim3A_833 = vector.broadcast %jit3A_831 : i32 to vector<16xi32>
      %select_n3A_834 = arith.select %ge3A_829, %broadcast_in_dim3A_832, %broadcast_in_dim3A_833 : vector<16xi1>, vector<16xi32>
      %add3A_835 = arith.addi %add3A_808, %select_n3A_834 : vector<16xi32>
      %add3A_836 = arith.constant 80 : i32
      %add3A_837 = arith.addi %mul3A_701, %add3A_836 : i32
      %get3A_838 = arith.index_cast %add3A_837 : i32 to index
      %get3A_839 = tpu.vector_load %arg4[%get3A_838] {strides = array<i32>} : memref<32768xf32, #tpu.memory_space<vmem>>, vector<16xf32>,
      %bitcast_convert_type3A_840 = tpu.bitcast %get3A_839 : vector<16xf32> -> vector<16xi32>
      %ge3A_841 = arith.constant 0 : i32
      %ge3A_842 = vector.broadcast %ge3A_841 : i32 to vector<16xi32>
      %ge3A_843 = arith.cmpi sge, %bitcast_convert_type3A_840, %ge3A_842 : vector<16xi32>
      %xor3A_844 = arith.constant 2147483647 : i32
      %xor3A_845 = vector.broadcast %xor3A_844 : i32 to vector<16xi32>
      %xor3A_846 = arith.xori %bitcast_convert_type3A_840, %xor3A_845 : vector<16xi32>
      %select_n3A_847 = arith.select %ge3A_843, %bitcast_convert_type3A_840, %xor3A_846 : vector<16xi1>, vector<16xi32>
      %bitcast_convert_type3A_848 = tpu.bitcast %select_n3A_847 : vector<16xi32> -> vector<16xf32>
      %add3A_849 = arith.constant 80 : i32
      %add3A_850 = arith.addi %mul3A_701, %add3A_849 : i32
      %swap3A_851 = arith.index_cast %add3A_850 : i32 to index
      %swap3A_852 = tpu.vector_load %arg4[%swap3A_851] {strides = array<i32>} : memref<32768xf32, #tpu.memory_space<vmem>>, vector<16xf32>,
      tpu.vector_store %arg4[%swap3A_851], %bitcast_convert_type3A_848 {strides = array<i32>} : memref<32768xf32, #tpu.memory_space<vmem>>, vector<16xf32>,
      %max3A_853 = arith.maximumf %max3A_826, %get3A_839 : vector<16xf32>
      %ge3A_854 = arith.constant 0 : i32
      %ge3A_855 = vector.broadcast %ge3A_854 : i32 to vector<16xi32>
      %ge3A_856 = arith.cmpi sge, %select_n3A_847, %ge3A_855 : vector<16xi32>
      %jit3A_857 = arith.constant 1 : i32
      %jit3A_858 = arith.constant 0 : i32
      %broadcast_in_dim3A_859 = vector.broadcast %jit3A_857 : i32 to vector<16xi32>
      %broadcast_in_dim3A_860 = vector.broadcast %jit3A_858 : i32 to vector<16xi32>
      %select_n3A_861 = arith.select %ge3A_856, %broadcast_in_dim3A_859, %broadcast_in_dim3A_860 : vector<16xi1>, vector<16xi32>
      %add3A_862 = arith.addi %add3A_835, %select_n3A_861 : vector<16xi32>
      %add3A_863 = arith.constant 96 : i32
      %add3A_864 = arith.addi %mul3A_701, %add3A_863 : i32
      %get3A_865 = arith.index_cast %add3A_864 : i32 to index
      %get3A_866 = tpu.vector_load %arg4[%get3A_865] {strides = array<i32>} : memref<32768xf32, #tpu.memory_space<vmem>>, vector<16xf32>,
      %bitcast_convert_type3A_867 = tpu.bitcast %get3A_866 : vector<16xf32> -> vector<16xi32>
      %ge3A_868 = arith.constant 0 : i32
      %ge3A_869 = vector.broadcast %ge3A_868 : i32 to vector<16xi32>
      %ge3A_870 = arith.cmpi sge, %bitcast_convert_type3A_867, %ge3A_869 : vector<16xi32>
      %xor3A_871 = arith.constant 2147483647 : i32
      %xor3A_872 = vector.broadcast %xor3A_871 : i32 to vector<16xi32>
      %xor3A_873 = arith.xori %bitcast_convert_type3A_867, %xor3A_872 : vector<16xi32>
      %select_n3A_874 = arith.select %ge3A_870, %bitcast_convert_type3A_867, %xor3A_873 : vector<16xi1>, vector<16xi32>
      %bitcast_convert_type3A_875 = tpu.bitcast %select_n3A_874 : vector<16xi32> -> vector<16xf32>
      %add3A_876 = arith.constant 96 : i32
      %add3A_877 = arith.addi %mul3A_701, %add3A_876 : i32
      %swap3A_878 = arith.index_cast %add3A_877 : i32 to index
      %swap3A_879 = tpu.vector_load %arg4[%swap3A_878] {strides = array<i32>} : memref<32768xf32, #tpu.memory_space<vmem>>, vector<16xf32>,
      tpu.vector_store %arg4[%swap3A_878], %bitcast_convert_type3A_875 {strides = array<i32>} : memref<32768xf32, #tpu.memory_space<vmem>>, vector<16xf32>,
      %max3A_880 = arith.maximumf %max3A_853, %get3A_866 : vector<16xf32>
      %ge3A_881 = arith.constant 0 : i32
      %ge3A_882 = vector.broadcast %ge3A_881 : i32 to vector<16xi32>
      %ge3A_883 = arith.cmpi sge, %select_n3A_874, %ge3A_882 : vector<16xi32>
      %jit3A_884 = arith.constant 1 : i32
      %jit3A_885 = arith.constant 0 : i32
      %broadcast_in_dim3A_886 = vector.broadcast %jit3A_884 : i32 to vector<16xi32>
      %broadcast_in_dim3A_887 = vector.broadcast %jit3A_885 : i32 to vector<16xi32>
      %select_n3A_888 = arith.select %ge3A_883, %broadcast_in_dim3A_886, %broadcast_in_dim3A_887 : vector<16xi1>, vector<16xi32>
      %add3A_889 = arith.addi %add3A_862, %select_n3A_888 : vector<16xi32>
      %add3A_890 = arith.constant 112 : i32
      %add3A_891 = arith.addi %mul3A_701, %add3A_890 : i32
      %get3A_892 = arith.index_cast %add3A_891 : i32 to index
      %get3A_893 = tpu.vector_load %arg4[%get3A_892] {strides = array<i32>} : memref<32768xf32, #tpu.memory_space<vmem>>, vector<16xf32>,
      %bitcast_convert_type3A_894 = tpu.bitcast %get3A_893 : vector<16xf32> -> vector<16xi32>
      %ge3A_895 = arith.constant 0 : i32
      %ge3A_896 = vector.broadcast %ge3A_895 : i32 to vector<16xi32>
      %ge3A_897 = arith.cmpi sge, %bitcast_convert_type3A_894, %ge3A_896 : vector<16xi32>
      %xor3A_898 = arith.constant 2147483647 : i32
      %xor3A_899 = vector.broadcast %xor3A_898 : i32 to vector<16xi32>
      %xor3A_900 = arith.xori %bitcast_convert_type3A_894, %xor3A_899 : vector<16xi32>
      %select_n3A_901 = arith.select %ge3A_897, %bitcast_convert_type3A_894, %xor3A_900 : vector<16xi1>, vector<16xi32>
      %bitcast_convert_type3A_902 = tpu.bitcast %select_n3A_901 : vector<16xi32> -> vector<16xf32>
      %add3A_903 = arith.constant 112 : i32
      %add3A_904 = arith.addi %mul3A_701, %add3A_903 : i32
      %swap3A_905 = arith.index_cast %add3A_904 : i32 to index
      %swap3A_906 = tpu.vector_load %arg4[%swap3A_905] {strides = array<i32>} : memref<32768xf32, #tpu.memory_space<vmem>>, vector<16xf32>,
      tpu.vector_store %arg4[%swap3A_905], %bitcast_convert_type3A_902 {strides = array<i32>} : memref<32768xf32, #tpu.memory_space<vmem>>, vector<16xf32>,
      %max3A_907 = arith.maximumf %max3A_880, %get3A_893 : vector<16xf32>
      %ge3A_908 = arith.constant 0 : i32
      %ge3A_909 = vector.broadcast %ge3A_908 : i32 to vector<16xi32>
      %ge3A_910 = arith.cmpi sge, %select_n3A_901, %ge3A_909 : vector<16xi32>
      %jit3A_911 = arith.constant 1 : i32
      %jit3A_912 = arith.constant 0 : i32
      %broadcast_in_dim3A_913 = vector.broadcast %jit3A_911 : i32 to vector<16xi32>
      %broadcast_in_dim3A_914 = vector.broadcast %jit3A_912 : i32 to vector<16xi32>
      %select_n3A_915 = arith.select %ge3A_910, %broadcast_in_dim3A_913, %broadcast_in_dim3A_914 : vector<16xi1>, vector<16xi32>
      %add3A_916 = arith.addi %add3A_889, %select_n3A_915 : vector<16xi32>
      scf.yield %max3A_907, %add3A_916 : vector<16xf32>, vector<16xi32>
    }
    %scan3A_12 = arith.constant 256 : i32
    %reduce_max3A = arith.constant true
    %reduce_max3A_13 = vector.broadcast %reduce_max3A : i1 to vector<16xi1>
    %reduce_max3A_14 = tpu.scan <max>, %scan3A_11#0 masked %reduce_max3A_13 : vector<16xf32>, vector<16xi1> -> vector<16xf32>
    %reduce_max3A_15 = vector.extract %reduce_max3A_14[15] : f32 from vector<16xf32>
    %scan3A_16 = arith.constant 0 : i32
    %scan3A_17 = arith.constant 0 : i32
    %scan3A_18 = arith.constant 64 : i32
    %scan3A_19 = arith.addi %scan3A_17, %scan3A_18 : i32
    %scan3A_20 = arith.constant 1 : i32
    %scan3A_21 = scf.for %scan3A_697 = %scan3A_17 to %scan3A_19 step %scan3A_20 iter_args(%scan3A_698 = %scan3A_16) -> (i32)  : i32 {
      %broadcast_in_dim3A_699 = arith.constant 0 : i32
      %broadcast_in_dim3A_700 = vector.broadcast %broadcast_in_dim3A_699 : i32 to vector<16xi32>
      %mul3A_701 = arith.constant 16 : i32
      %mul3A_702 = arith.muli %scan3A_697, %mul3A_701 : i32
      %swap3A_703 = arith.index_cast %mul3A_702 : i32 to index
      %swap3A_704 = tpu.vector_load %arg5[%swap3A_703] {strides = array<i32>} : memref<1024xi32, #tpu.memory_space<vmem>>, vector<16xi32>,
      tpu.vector_store %arg5[%swap3A_703], %broadcast_in_dim3A_700 {strides = array<i32>} : memref<1024xi32, #tpu.memory_space<vmem>>, vector<16xi32>,
      %scan3A_705 = arith.constant 0 : i32
      scf.yield %scan3A_705 : i32
    }
    %scan3A_22 = arith.constant 64 : i32
    %broadcast_in_dim3A_23 = arith.constant 1 : i32
    %broadcast_in_dim3A_24 = vector.broadcast %broadcast_in_dim3A_23 : i32 to vector<16xi32>
    %scan3A_25 = arith.constant 0 : i32
    %scan3A_26 = arith.constant 0 : i32
    %scan3A_27 = arith.constant 256 : i32
    %scan3A_28 = arith.addi %scan3A_26, %scan3A_27 : i32
    %scan3A_29 = arith.constant 1 : i32
    %scan3A_30 = scf.for %scan3A_697 = %scan3A_26 to %scan3A_28 step %scan3A_29 iter_args(%scan3A_698 = %scan3A_25) -> (i32)  : i32 {
      %mul3A_699 = arith.constant 128 : i32
      %mul3A_700 = arith.muli %scan3A_697, %mul3A_699 : i32
      %add3A_701 = arith.constant 0 : i32
      %add3A_702 = arith.addi %mul3A_700, %add3A_701 : i32
      %get3A_703 = arith.index_cast %add3A_702 : i32 to index
      %get3A_704 = tpu.vector_load %arg4[%get3A_703] {strides = array<i32>} : memref<32768xf32, #tpu.memory_space<vmem>>, vector<16xf32>,
      %bitcast_convert_type3A_705 = tpu.bitcast %get3A_704 : vector<16xf32> -> vector<16xi32>
      %shift_right_arithmetic3A = arith.constant 22 : i32
      %shift_right_arithmetic3A_706 = vector.broadcast %shift_right_arithmetic3A : i32 to vector<16xi32>
      %shift_right_arithmetic3A_707 = arith.shrsi %bitcast_convert_type3A_705, %shift_right_arithmetic3A_706 : vector<16xi32>
      %add3A_708 = arith.constant 512 : i32
      %add3A_709 = vector.broadcast %add3A_708 : i32 to vector<16xi32>
      %add3A_710 = arith.addi %shift_right_arithmetic3A_707, %add3A_709 : vector<16xi32>
      tpu.vector_store_idx %arg5[%add3A_710], %broadcast_in_dim3A_24 {add = true} : memref<1024xi32, #tpu.memory_space<vmem>>[vector<16xi32>], vector<16xi32>,
      %add3A_711 = arith.constant 16 : i32
      %add3A_712 = arith.addi %mul3A_700, %add3A_711 : i32
      %get3A_713 = arith.index_cast %add3A_712 : i32 to index
      %get3A_714 = tpu.vector_load %arg4[%get3A_713] {strides = array<i32>} : memref<32768xf32, #tpu.memory_space<vmem>>, vector<16xf32>,
      %bitcast_convert_type3A_715 = tpu.bitcast %get3A_714 : vector<16xf32> -> vector<16xi32>
      %shift_right_arithmetic3A_716 = arith.constant 22 : i32
      %shift_right_arithmetic3A_717 = vector.broadcast %shift_right_arithmetic3A_716 : i32 to vector<16xi32>
      %shift_right_arithmetic3A_718 = arith.shrsi %bitcast_convert_type3A_715, %shift_right_arithmetic3A_717 : vector<16xi32>
      %add3A_719 = arith.constant 512 : i32
      %add3A_720 = vector.broadcast %add3A_719 : i32 to vector<16xi32>
      %add3A_721 = arith.addi %shift_right_arithmetic3A_718, %add3A_720 : vector<16xi32>
      tpu.vector_store_idx %arg5[%add3A_721], %broadcast_in_dim3A_24 {add = true} : memref<1024xi32, #tpu.memory_space<vmem>>[vector<16xi32>], vector<16xi32>,
      %add3A_722 = arith.constant 32 : i32
      %add3A_723 = arith.addi %mul3A_700, %add3A_722 : i32
      %get3A_724 = arith.index_cast %add3A_723 : i32 to index
      %get3A_725 = tpu.vector_load %arg4[%get3A_724] {strides = array<i32>} : memref<32768xf32, #tpu.memory_space<vmem>>, vector<16xf32>,
      %bitcast_convert_type3A_726 = tpu.bitcast %get3A_725 : vector<16xf32> -> vector<16xi32>
      %shift_right_arithmetic3A_727 = arith.constant 22 : i32
      %shift_right_arithmetic3A_728 = vector.broadcast %shift_right_arithmetic3A_727 : i32 to vector<16xi32>
      %shift_right_arithmetic3A_729 = arith.shrsi %bitcast_convert_type3A_726, %shift_right_arithmetic3A_728 : vector<16xi32>
      %add3A_730 = arith.constant 512 : i32
      %add3A_731 = vector.broadcast %add3A_730 : i32 to vector<16xi32>
      %add3A_732 = arith.addi %shift_right_arithmetic3A_729, %add3A_731 : vector<16xi32>
      tpu.vector_store_idx %arg5[%add3A_732], %broadcast_in_dim3A_24 {add = true} : memref<1024xi32, #tpu.memory_space<vmem>>[vector<16xi32>], vector<16xi32>,
      %add3A_733 = arith.constant 48 : i32
      %add3A_734 = arith.addi %mul3A_700, %add3A_733 : i32
      %get3A_735 = arith.index_cast %add3A_734 : i32 to index
      %get3A_736 = tpu.vector_load %arg4[%get3A_735] {strides = array<i32>} : memref<32768xf32, #tpu.memory_space<vmem>>, vector<16xf32>,
      %bitcast_convert_type3A_737 = tpu.bitcast %get3A_736 : vector<16xf32> -> vector<16xi32>
      %shift_right_arithmetic3A_738 = arith.constant 22 : i32
      %shift_right_arithmetic3A_739 = vector.broadcast %shift_right_arithmetic3A_738 : i32 to vector<16xi32>
      %shift_right_arithmetic3A_740 = arith.shrsi %bitcast_convert_type3A_737, %shift_right_arithmetic3A_739 : vector<16xi32>
      %add3A_741 = arith.constant 512 : i32
      %add3A_742 = vector.broadcast %add3A_741 : i32 to vector<16xi32>
      %add3A_743 = arith.addi %shift_right_arithmetic3A_740, %add3A_742 : vector<16xi32>
      tpu.vector_store_idx %arg5[%add3A_743], %broadcast_in_dim3A_24 {add = true} : memref<1024xi32, #tpu.memory_space<vmem>>[vector<16xi32>], vector<16xi32>,
      %add3A_744 = arith.constant 64 : i32
      %add3A_745 = arith.addi %mul3A_700, %add3A_744 : i32
      %get3A_746 = arith.index_cast %add3A_745 : i32 to index
      %get3A_747 = tpu.vector_load %arg4[%get3A_746] {strides = array<i32>} : memref<32768xf32, #tpu.memory_space<vmem>>, vector<16xf32>,
      %bitcast_convert_type3A_748 = tpu.bitcast %get3A_747 : vector<16xf32> -> vector<16xi32>
      %shift_right_arithmetic3A_749 = arith.constant 22 : i32
      %shift_right_arithmetic3A_750 = vector.broadcast %shift_right_arithmetic3A_749 : i32 to vector<16xi32>
      %shift_right_arithmetic3A_751 = arith.shrsi %bitcast_convert_type3A_748, %shift_right_arithmetic3A_750 : vector<16xi32>
      %add3A_752 = arith.constant 512 : i32
      %add3A_753 = vector.broadcast %add3A_752 : i32 to vector<16xi32>
      %add3A_754 = arith.addi %shift_right_arithmetic3A_751, %add3A_753 : vector<16xi32>
      tpu.vector_store_idx %arg5[%add3A_754], %broadcast_in_dim3A_24 {add = true} : memref<1024xi32, #tpu.memory_space<vmem>>[vector<16xi32>], vector<16xi32>,
      %add3A_755 = arith.constant 80 : i32
      %add3A_756 = arith.addi %mul3A_700, %add3A_755 : i32
      %get3A_757 = arith.index_cast %add3A_756 : i32 to index
      %get3A_758 = tpu.vector_load %arg4[%get3A_757] {strides = array<i32>} : memref<32768xf32, #tpu.memory_space<vmem>>, vector<16xf32>,
      %bitcast_convert_type3A_759 = tpu.bitcast %get3A_758 : vector<16xf32> -> vector<16xi32>
      %shift_right_arithmetic3A_760 = arith.constant 22 : i32
      %shift_right_arithmetic3A_761 = vector.broadcast %shift_right_arithmetic3A_760 : i32 to vector<16xi32>
      %shift_right_arithmetic3A_762 = arith.shrsi %bitcast_convert_type3A_759, %shift_right_arithmetic3A_761 : vector<16xi32>
      %add3A_763 = arith.constant 512 : i32
      %add3A_764 = vector.broadcast %add3A_763 : i32 to vector<16xi32>
      %add3A_765 = arith.addi %shift_right_arithmetic3A_762, %add3A_764 : vector<16xi32>
      tpu.vector_store_idx %arg5[%add3A_765], %broadcast_in_dim3A_24 {add = true} : memref<1024xi32, #tpu.memory_space<vmem>>[vector<16xi32>], vector<16xi32>,
      %add3A_766 = arith.constant 96 : i32
      %add3A_767 = arith.addi %mul3A_700, %add3A_766 : i32
      %get3A_768 = arith.index_cast %add3A_767 : i32 to index
      %get3A_769 = tpu.vector_load %arg4[%get3A_768] {strides = array<i32>} : memref<32768xf32, #tpu.memory_space<vmem>>, vector<16xf32>,
      %bitcast_convert_type3A_770 = tpu.bitcast %get3A_769 : vector<16xf32> -> vector<16xi32>
      %shift_right_arithmetic3A_771 = arith.constant 22 : i32
      %shift_right_arithmetic3A_772 = vector.broadcast %shift_right_arithmetic3A_771 : i32 to vector<16xi32>
      %shift_right_arithmetic3A_773 = arith.shrsi %bitcast_convert_type3A_770, %shift_right_arithmetic3A_772 : vector<16xi32>
      %add3A_774 = arith.constant 512 : i32
      %add3A_775 = vector.broadcast %add3A_774 : i32 to vector<16xi32>
      %add3A_776 = arith.addi %shift_right_arithmetic3A_773, %add3A_775 : vector<16xi32>
      tpu.vector_store_idx %arg5[%add3A_776], %broadcast_in_dim3A_24 {add = true} : memref<1024xi32, #tpu.memory_space<vmem>>[vector<16xi32>], vector<16xi32>,
      %add3A_777 = arith.constant 112 : i32
      %add3A_778 = arith.addi %mul3A_700, %add3A_777 : i32
      %get3A_779 = arith.index_cast %add3A_778 : i32 to index
      %get3A_780 = tpu.vector_load %arg4[%get3A_779] {strides = array<i32>} : memref<32768xf32, #tpu.memory_space<vmem>>, vector<16xf32>,
      %bitcast_convert_type3A_781 = tpu.bitcast %get3A_780 : vector<16xf32> -> vector<16xi32>
      %shift_right_arithmetic3A_782 = arith.constant 22 : i32
      %shift_right_arithmetic3A_783 = vector.broadcast %shift_right_arithmetic3A_782 : i32 to vector<16xi32>
      %shift_right_arithmetic3A_784 = arith.shrsi %bitcast_convert_type3A_781, %shift_right_arithmetic3A_783 : vector<16xi32>
      %add3A_785 = arith.constant 512 : i32
      %add3A_786 = vector.broadcast %add3A_785 : i32 to vector<16xi32>
      %add3A_787 = arith.addi %shift_right_arithmetic3A_784, %add3A_786 : vector<16xi32>
      tpu.vector_store_idx %arg5[%add3A_787], %broadcast_in_dim3A_24 {add = true} : memref<1024xi32, #tpu.memory_space<vmem>>[vector<16xi32>], vector<16xi32>,
      %scan3A_788 = arith.constant 0 : i32
      scf.yield %scan3A_788 : i32
    }
    %scan3A_31 = arith.constant 256 : i32
    %scan3A_32 = arith.constant 512 : i32
    %scan3A_33 = arith.constant 0 : i32
    %scan3A_34 = arith.constant 0 : i32
    %scan3A_35 = arith.constant 0 : i32
    %scan3A_36 = arith.constant 0 : i32
    %scan3A_37 = arith.constant 64 : i32
    %scan3A_38 = arith.addi %scan3A_36, %scan3A_37 : i32
    %scan3A_39 = arith.constant 1 : i32
    %scan3A_40:3 = scf.for %scan3A_697 = %scan3A_36 to %scan3A_38 step %scan3A_39 iter_args(%scan3A_698 = %scan3A_33, %scan3A_699 = %scan3A_34, %scan3A_700 = %scan3A_35) -> (i32, i32, i32)  : i32 {
      %sub3A_701 = arith.constant 63 : i32
      %sub3A_702 = arith.subi %sub3A_701, %scan3A_697 : i32
      %mul3A_703 = arith.constant 16 : i32
      %mul3A_704 = arith.muli %sub3A_702, %mul3A_703 : i32
      %get3A_705 = arith.index_cast %mul3A_704 : i32 to index
      %get3A_706 = tpu.vector_load %arg5[%get3A_705] {strides = array<i32>} : memref<1024xi32, #tpu.memory_space<vmem>>, vector<16xi32>,
      %reduce_sum3A_707 = arith.constant true
      %reduce_sum3A_708 = vector.broadcast %reduce_sum3A_707 : i1 to vector<16xi1>
      %reduce_sum3A_709 = tpu.scan <sum>, %get3A_706 masked %reduce_sum3A_708 : vector<16xi32>, vector<16xi1> -> vector<16xi32>
      %reduce_sum3A_710 = vector.extract %reduce_sum3A_709[15] : i32 from vector<16xi32>
      %add3A_711 = arith.addi %scan3A_698, %reduce_sum3A_710 : i32
      %lt3A_712 = arith.cmpi slt, %scan3A_698, %scan3A_32 : i32
      %ge3A_713 = arith.cmpi sge, %add3A_711, %scan3A_32 : i32
      %and3A = arith.andi %lt3A_712, %ge3A_713 : i1
      %select_n3A_714 = arith.select %and3A, %sub3A_702, %scan3A_699 : i32
      %select_n3A_715 = arith.select %and3A, %scan3A_698, %scan3A_700 : i32
      scf.yield %add3A_711, %select_n3A_714, %select_n3A_715 : i32, i32, i32
    }
    %scan3A_41 = arith.constant 64 : i32
    %mul3A_42 = arith.constant 16 : i32
    %mul3A_43 = arith.muli %scan3A_40#1, %mul3A_42 : i32
    %get3A = arith.index_cast %mul3A_43 : i32 to index
    %get3A_44 = tpu.vector_load %arg5[%get3A] {strides = array<i32>} : memref<1024xi32, #tpu.memory_space<vmem>>, vector<16xi32>,
    %broadcast_in_dim3A_45 = arith.constant true
    %broadcast_in_dim3A_46 = vector.broadcast %broadcast_in_dim3A_45 : i1 to vector<16xi1>
    %masked_cumsum3A = tpu.scan <sum>, %get3A_44 masked %broadcast_in_dim3A_46 : vector<16xi32>, vector<16xi1> -> vector<16xi32>
    %reduce_max3A_47 = arith.constant true
    %reduce_max3A_48 = vector.broadcast %reduce_max3A_47 : i1 to vector<16xi1>
    %reduce_max3A_49 = arith.constant -2147483648 : i32
    %reduce_max3A_50 = vector.broadcast %reduce_max3A_49 : i32 to vector<16xi32>
    %reduce_max3A_51 = arith.xori %masked_cumsum3A, %reduce_max3A_50 : vector<16xi32>
    %reduce_max3A_52 = tpu.scan <max>, %reduce_max3A_51 masked %reduce_max3A_48 : vector<16xi32>, vector<16xi1> -> vector<16xi32>
    %reduce_max3A_53 = arith.xori %reduce_max3A_52, %reduce_max3A_50 : vector<16xi32>
    %reduce_max3A_54 = vector.extract %reduce_max3A_53[15] : i32 from vector<16xi32>
    %add3A_55 = arith.addi %scan3A_40#2, %reduce_max3A_54 : i32
    %sub3A = vector.broadcast %add3A_55 : i32 to vector<16xi32>
    %sub3A_56 = arith.subi %sub3A, %masked_cumsum3A : vector<16xi32>
    %add3A_57 = arith.addi %sub3A_56, %get3A_44 : vector<16xi32>
    %ge3A = arith.constant 512 : i32
    %ge3A_58 = vector.broadcast %ge3A : i32 to vector<16xi32>
    %ge3A_59 = arith.cmpi sge, %add3A_57, %ge3A_58 : vector<16xi32>
    %all_reduce_population_count3A = tpu.all_reduce %ge3A_59 {dim = 0 : i64, kind = #tpu.reduction_kind<sum>} : vector<16xi1> -> vector<16xi32>
    %reduce_max3A_60 = arith.constant true
    %reduce_max3A_61 = vector.broadcast %reduce_max3A_60 : i1 to vector<16xi1>
    %reduce_max3A_62 = arith.constant -2147483648 : i32
    %reduce_max3A_63 = vector.broadcast %reduce_max3A_62 : i32 to vector<16xi32>
    %reduce_max3A_64 = arith.xori %all_reduce_population_count3A, %reduce_max3A_63 : vector<16xi32>
    %reduce_max3A_65 = tpu.scan <max>, %reduce_max3A_64 masked %reduce_max3A_61 : vector<16xi32>, vector<16xi1> -> vector<16xi32>
    %reduce_max3A_66 = arith.xori %reduce_max3A_65, %reduce_max3A_63 : vector<16xi32>
    %reduce_max3A_67 = vector.extract %reduce_max3A_66[15] : i32 from vector<16xi32>
    %sub3A_68 = arith.constant 1 : i32
    %sub3A_69 = arith.subi %reduce_max3A_67, %sub3A_68 : i32
    %iota3A = tpu.iota {dimensions = array<i32: 0>} : vector<16xi32>
    %eq3A = vector.broadcast %sub3A_69 : i32 to vector<16xi32>
    %eq3A_70 = arith.cmpi eq, %iota3A, %eq3A : vector<16xi32>
    %jit3A = arith.constant 0 : i32
    %broadcast_in_dim3A_71 = vector.broadcast %jit3A : i32 to vector<16xi32>
    %select_n3A = arith.select %eq3A_70, %masked_cumsum3A, %broadcast_in_dim3A_71 : vector<16xi1>, vector<16xi32>
    %reduce_sum3A = arith.constant true
    %reduce_sum3A_72 = vector.broadcast %reduce_sum3A : i1 to vector<16xi1>
    %reduce_sum3A_73 = tpu.scan <sum>, %select_n3A masked %reduce_sum3A_72 : vector<16xi32>, vector<16xi1> -> vector<16xi32>
    %reduce_sum3A_74 = vector.extract %reduce_sum3A_73[15] : i32 from vector<16xi32>
    %mul3A_75 = arith.constant 16 : i32
    %mul3A_76 = arith.muli %scan3A_40#1, %mul3A_75 : i32
    %add3A_77 = arith.addi %mul3A_76, %sub3A_69 : i32
    %add3A_78 = arith.addi %scan3A_40#2, %reduce_max3A_54 : i32
    %sub3A_79 = arith.subi %add3A_78, %reduce_sum3A_74 : i32
    %sub3A_80 = arith.constant 512 : i32
    %sub3A_81 = arith.subi %add3A_77, %sub3A_80 : i32
    %shift_left3A = arith.constant 22 : i32
    %shift_left3A_82 = arith.shli %sub3A_81, %shift_left3A : i32
    %scan3A_83 = arith.constant 0 : i32
    %scan3A_84 = arith.constant 0 : i32
    %scan3A_85 = arith.constant 64 : i32
    %scan3A_86 = arith.addi %scan3A_84, %scan3A_85 : i32
    %scan3A_87 = arith.constant 1 : i32
    %scan3A_88 = scf.for %scan3A_697 = %scan3A_84 to %scan3A_86 step %scan3A_87 iter_args(%scan3A_698 = %scan3A_83) -> (i32)  : i32 {
      %broadcast_in_dim3A_699 = arith.constant 0 : i32
      %broadcast_in_dim3A_700 = vector.broadcast %broadcast_in_dim3A_699 : i32 to vector<16xi32>
      %mul3A_701 = arith.constant 16 : i32
      %mul3A_702 = arith.muli %scan3A_697, %mul3A_701 : i32
      %swap3A_703 = arith.index_cast %mul3A_702 : i32 to index
      %swap3A_704 = tpu.vector_load %arg5[%swap3A_703] {strides = array<i32>} : memref<1024xi32, #tpu.memory_space<vmem>>, vector<16xi32>,
      tpu.vector_store %arg5[%swap3A_703], %broadcast_in_dim3A_700 {strides = array<i32>} : memref<1024xi32, #tpu.memory_space<vmem>>, vector<16xi32>,
      %scan3A_705 = arith.constant 0 : i32
      scf.yield %scan3A_705 : i32
    }
    %scan3A_89 = arith.constant 64 : i32
    %broadcast_in_dim3A_90 = arith.constant 1 : i32
    %broadcast_in_dim3A_91 = vector.broadcast %broadcast_in_dim3A_90 : i32 to vector<16xi32>
    %scan3A_92 = arith.constant 0 : i32
    %scan3A_93 = arith.constant 0 : i32
    %scan3A_94 = arith.constant 256 : i32
    %scan3A_95 = arith.addi %scan3A_93, %scan3A_94 : i32
    %scan3A_96 = arith.constant 1 : i32
    %scan3A_97 = scf.for %scan3A_697 = %scan3A_93 to %scan3A_95 step %scan3A_96 iter_args(%scan3A_698 = %scan3A_92) -> (i32)  : i32 {
      %mul3A_699 = arith.constant 128 : i32
      %mul3A_700 = arith.muli %scan3A_697, %mul3A_699 : i32
      %add3A_701 = arith.constant 0 : i32
      %add3A_702 = arith.addi %mul3A_700, %add3A_701 : i32
      %get3A_703 = arith.index_cast %add3A_702 : i32 to index
      %get3A_704 = tpu.vector_load %arg4[%get3A_703] {strides = array<i32>} : memref<32768xf32, #tpu.memory_space<vmem>>, vector<16xf32>,
      %bitcast_convert_type3A_705 = tpu.bitcast %get3A_704 : vector<16xf32> -> vector<16xi32>
      %shift_right_arithmetic3A = arith.constant 22 : i32
      %shift_right_arithmetic3A_706 = vector.broadcast %shift_right_arithmetic3A : i32 to vector<16xi32>
      %shift_right_arithmetic3A_707 = arith.shrsi %bitcast_convert_type3A_705, %shift_right_arithmetic3A_706 : vector<16xi32>
      %shift_right_arithmetic3A_708 = arith.constant 22 : i32
      %shift_right_arithmetic3A_709 = arith.shrsi %shift_left3A_82, %shift_right_arithmetic3A_708 : i32
      %eq3A_710 = vector.broadcast %shift_right_arithmetic3A_709 : i32 to vector<16xi32>
      %eq3A_711 = arith.cmpi eq, %shift_right_arithmetic3A_707, %eq3A_710 : vector<16xi32>
      %shift_right_arithmetic3A_712 = arith.constant 12 : i32
      %shift_right_arithmetic3A_713 = vector.broadcast %shift_right_arithmetic3A_712 : i32 to vector<16xi32>
      %shift_right_arithmetic3A_714 = arith.shrsi %bitcast_convert_type3A_705, %shift_right_arithmetic3A_713 : vector<16xi32>
      %and3A = arith.constant 1023 : i32
      %and3A_715 = vector.broadcast %and3A : i32 to vector<16xi32>
      %and3A_716 = arith.andi %shift_right_arithmetic3A_714, %and3A_715 : vector<16xi32>
      tpu.vector_store_idx %arg5[%and3A_716], %broadcast_in_dim3A_91 masked %eq3A_711 {add = true} : memref<1024xi32, #tpu.memory_space<vmem>>[vector<16xi32>], vector<16xi32>, vector<16xi1>
      %add3A_717 = arith.constant 16 : i32
      %add3A_718 = arith.addi %mul3A_700, %add3A_717 : i32
      %get3A_719 = arith.index_cast %add3A_718 : i32 to index
      %get3A_720 = tpu.vector_load %arg4[%get3A_719] {strides = array<i32>} : memref<32768xf32, #tpu.memory_space<vmem>>, vector<16xf32>,
      %bitcast_convert_type3A_721 = tpu.bitcast %get3A_720 : vector<16xf32> -> vector<16xi32>
      %shift_right_arithmetic3A_722 = arith.constant 22 : i32
      %shift_right_arithmetic3A_723 = vector.broadcast %shift_right_arithmetic3A_722 : i32 to vector<16xi32>
      %shift_right_arithmetic3A_724 = arith.shrsi %bitcast_convert_type3A_721, %shift_right_arithmetic3A_723 : vector<16xi32>
      %shift_right_arithmetic3A_725 = arith.constant 22 : i32
      %shift_right_arithmetic3A_726 = arith.shrsi %shift_left3A_82, %shift_right_arithmetic3A_725 : i32
      %eq3A_727 = vector.broadcast %shift_right_arithmetic3A_726 : i32 to vector<16xi32>
      %eq3A_728 = arith.cmpi eq, %shift_right_arithmetic3A_724, %eq3A_727 : vector<16xi32>
      %shift_right_arithmetic3A_729 = arith.constant 12 : i32
      %shift_right_arithmetic3A_730 = vector.broadcast %shift_right_arithmetic3A_729 : i32 to vector<16xi32>
      %shift_right_arithmetic3A_731 = arith.shrsi %bitcast_convert_type3A_721, %shift_right_arithmetic3A_730 : vector<16xi32>
      %and3A_732 = arith.constant 1023 : i32
      %and3A_733 = vector.broadcast %and3A_732 : i32 to vector<16xi32>
      %and3A_734 = arith.andi %shift_right_arithmetic3A_731, %and3A_733 : vector<16xi32>
      tpu.vector_store_idx %arg5[%and3A_734], %broadcast_in_dim3A_91 masked %eq3A_728 {add = true} : memref<1024xi32, #tpu.memory_space<vmem>>[vector<16xi32>], vector<16xi32>, vector<16xi1>
      %add3A_735 = arith.constant 32 : i32
      %add3A_736 = arith.addi %mul3A_700, %add3A_735 : i32
      %get3A_737 = arith.index_cast %add3A_736 : i32 to index
      %get3A_738 = tpu.vector_load %arg4[%get3A_737] {strides = array<i32>} : memref<32768xf32, #tpu.memory_space<vmem>>, vector<16xf32>,
      %bitcast_convert_type3A_739 = tpu.bitcast %get3A_738 : vector<16xf32> -> vector<16xi32>
      %shift_right_arithmetic3A_740 = arith.constant 22 : i32
      %shift_right_arithmetic3A_741 = vector.broadcast %shift_right_arithmetic3A_740 : i32 to vector<16xi32>
      %shift_right_arithmetic3A_742 = arith.shrsi %bitcast_convert_type3A_739, %shift_right_arithmetic3A_741 : vector<16xi32>
      %shift_right_arithmetic3A_743 = arith.constant 22 : i32
      %shift_right_arithmetic3A_744 = arith.shrsi %shift_left3A_82, %shift_right_arithmetic3A_743 : i32
      %eq3A_745 = vector.broadcast %shift_right_arithmetic3A_744 : i32 to vector<16xi32>
      %eq3A_746 = arith.cmpi eq, %shift_right_arithmetic3A_742, %eq3A_745 : vector<16xi32>
      %shift_right_arithmetic3A_747 = arith.constant 12 : i32
      %shift_right_arithmetic3A_748 = vector.broadcast %shift_right_arithmetic3A_747 : i32 to vector<16xi32>
      %shift_right_arithmetic3A_749 = arith.shrsi %bitcast_convert_type3A_739, %shift_right_arithmetic3A_748 : vector<16xi32>
      %and3A_750 = arith.constant 1023 : i32
      %and3A_751 = vector.broadcast %and3A_750 : i32 to vector<16xi32>
      %and3A_752 = arith.andi %shift_right_arithmetic3A_749, %and3A_751 : vector<16xi32>
      tpu.vector_store_idx %arg5[%and3A_752], %broadcast_in_dim3A_91 masked %eq3A_746 {add = true} : memref<1024xi32, #tpu.memory_space<vmem>>[vector<16xi32>], vector<16xi32>, vector<16xi1>
      %add3A_753 = arith.constant 48 : i32
      %add3A_754 = arith.addi %mul3A_700, %add3A_753 : i32
      %get3A_755 = arith.index_cast %add3A_754 : i32 to index
      %get3A_756 = tpu.vector_load %arg4[%get3A_755] {strides = array<i32>} : memref<32768xf32, #tpu.memory_space<vmem>>, vector<16xf32>,
      %bitcast_convert_type3A_757 = tpu.bitcast %get3A_756 : vector<16xf32> -> vector<16xi32>
      %shift_right_arithmetic3A_758 = arith.constant 22 : i32
      %shift_right_arithmetic3A_759 = vector.broadcast %shift_right_arithmetic3A_758 : i32 to vector<16xi32>
      %shift_right_arithmetic3A_760 = arith.shrsi %bitcast_convert_type3A_757, %shift_right_arithmetic3A_759 : vector<16xi32>
      %shift_right_arithmetic3A_761 = arith.constant 22 : i32
      %shift_right_arithmetic3A_762 = arith.shrsi %shift_left3A_82, %shift_right_arithmetic3A_761 : i32
      %eq3A_763 = vector.broadcast %shift_right_arithmetic3A_762 : i32 to vector<16xi32>
      %eq3A_764 = arith.cmpi eq, %shift_right_arithmetic3A_760, %eq3A_763 : vector<16xi32>
      %shift_right_arithmetic3A_765 = arith.constant 12 : i32
      %shift_right_arithmetic3A_766 = vector.broadcast %shift_right_arithmetic3A_765 : i32 to vector<16xi32>
      %shift_right_arithmetic3A_767 = arith.shrsi %bitcast_convert_type3A_757, %shift_right_arithmetic3A_766 : vector<16xi32>
      %and3A_768 = arith.constant 1023 : i32
      %and3A_769 = vector.broadcast %and3A_768 : i32 to vector<16xi32>
      %and3A_770 = arith.andi %shift_right_arithmetic3A_767, %and3A_769 : vector<16xi32>
      tpu.vector_store_idx %arg5[%and3A_770], %broadcast_in_dim3A_91 masked %eq3A_764 {add = true} : memref<1024xi32, #tpu.memory_space<vmem>>[vector<16xi32>], vector<16xi32>, vector<16xi1>
      %add3A_771 = arith.constant 64 : i32
      %add3A_772 = arith.addi %mul3A_700, %add3A_771 : i32
      %get3A_773 = arith.index_cast %add3A_772 : i32 to index
      %get3A_774 = tpu.vector_load %arg4[%get3A_773] {strides = array<i32>} : memref<32768xf32, #tpu.memory_space<vmem>>, vector<16xf32>,
      %bitcast_convert_type3A_775 = tpu.bitcast %get3A_774 : vector<16xf32> -> vector<16xi32>
      %shift_right_arithmetic3A_776 = arith.constant 22 : i32
      %shift_right_arithmetic3A_777 = vector.broadcast %shift_right_arithmetic3A_776 : i32 to vector<16xi32>
      %shift_right_arithmetic3A_778 = arith.shrsi %bitcast_convert_type3A_775, %shift_right_arithmetic3A_777 : vector<16xi32>
      %shift_right_arithmetic3A_779 = arith.constant 22 : i32
      %shift_right_arithmetic3A_780 = arith.shrsi %shift_left3A_82, %shift_right_arithmetic3A_779 : i32
      %eq3A_781 = vector.broadcast %shift_right_arithmetic3A_780 : i32 to vector<16xi32>
      %eq3A_782 = arith.cmpi eq, %shift_right_arithmetic3A_778, %eq3A_781 : vector<16xi32>
      %shift_right_arithmetic3A_783 = arith.constant 12 : i32
      %shift_right_arithmetic3A_784 = vector.broadcast %shift_right_arithmetic3A_783 : i32 to vector<16xi32>
      %shift_right_arithmetic3A_785 = arith.shrsi %bitcast_convert_type3A_775, %shift_right_arithmetic3A_784 : vector<16xi32>
      %and3A_786 = arith.constant 1023 : i32
      %and3A_787 = vector.broadcast %and3A_786 : i32 to vector<16xi32>
      %and3A_788 = arith.andi %shift_right_arithmetic3A_785, %and3A_787 : vector<16xi32>
      tpu.vector_store_idx %arg5[%and3A_788], %broadcast_in_dim3A_91 masked %eq3A_782 {add = true} : memref<1024xi32, #tpu.memory_space<vmem>>[vector<16xi32>], vector<16xi32>, vector<16xi1>
      %add3A_789 = arith.constant 80 : i32
      %add3A_790 = arith.addi %mul3A_700, %add3A_789 : i32
      %get3A_791 = arith.index_cast %add3A_790 : i32 to index
      %get3A_792 = tpu.vector_load %arg4[%get3A_791] {strides = array<i32>} : memref<32768xf32, #tpu.memory_space<vmem>>, vector<16xf32>,
      %bitcast_convert_type3A_793 = tpu.bitcast %get3A_792 : vector<16xf32> -> vector<16xi32>
      %shift_right_arithmetic3A_794 = arith.constant 22 : i32
      %shift_right_arithmetic3A_795 = vector.broadcast %shift_right_arithmetic3A_794 : i32 to vector<16xi32>
      %shift_right_arithmetic3A_796 = arith.shrsi %bitcast_convert_type3A_793, %shift_right_arithmetic3A_795 : vector<16xi32>
      %shift_right_arithmetic3A_797 = arith.constant 22 : i32
      %shift_right_arithmetic3A_798 = arith.shrsi %shift_left3A_82, %shift_right_arithmetic3A_797 : i32
      %eq3A_799 = vector.broadcast %shift_right_arithmetic3A_798 : i32 to vector<16xi32>
      %eq3A_800 = arith.cmpi eq, %shift_right_arithmetic3A_796, %eq3A_799 : vector<16xi32>
      %shift_right_arithmetic3A_801 = arith.constant 12 : i32
      %shift_right_arithmetic3A_802 = vector.broadcast %shift_right_arithmetic3A_801 : i32 to vector<16xi32>
      %shift_right_arithmetic3A_803 = arith.shrsi %bitcast_convert_type3A_793, %shift_right_arithmetic3A_802 : vector<16xi32>
      %and3A_804 = arith.constant 1023 : i32
      %and3A_805 = vector.broadcast %and3A_804 : i32 to vector<16xi32>
      %and3A_806 = arith.andi %shift_right_arithmetic3A_803, %and3A_805 : vector<16xi32>
      tpu.vector_store_idx %arg5[%and3A_806], %broadcast_in_dim3A_91 masked %eq3A_800 {add = true} : memref<1024xi32, #tpu.memory_space<vmem>>[vector<16xi32>], vector<16xi32>, vector<16xi1>
      %add3A_807 = arith.constant 96 : i32
      %add3A_808 = arith.addi %mul3A_700, %add3A_807 : i32
      %get3A_809 = arith.index_cast %add3A_808 : i32 to index
      %get3A_810 = tpu.vector_load %arg4[%get3A_809] {strides = array<i32>} : memref<32768xf32, #tpu.memory_space<vmem>>, vector<16xf32>,
      %bitcast_convert_type3A_811 = tpu.bitcast %get3A_810 : vector<16xf32> -> vector<16xi32>
      %shift_right_arithmetic3A_812 = arith.constant 22 : i32
      %shift_right_arithmetic3A_813 = vector.broadcast %shift_right_arithmetic3A_812 : i32 to vector<16xi32>
      %shift_right_arithmetic3A_814 = arith.shrsi %bitcast_convert_type3A_811, %shift_right_arithmetic3A_813 : vector<16xi32>
      %shift_right_arithmetic3A_815 = arith.constant 22 : i32
      %shift_right_arithmetic3A_816 = arith.shrsi %shift_left3A_82, %shift_right_arithmetic3A_815 : i32
      %eq3A_817 = vector.broadcast %shift_right_arithmetic3A_816 : i32 to vector<16xi32>
      %eq3A_818 = arith.cmpi eq, %shift_right_arithmetic3A_814, %eq3A_817 : vector<16xi32>
      %shift_right_arithmetic3A_819 = arith.constant 12 : i32
      %shift_right_arithmetic3A_820 = vector.broadcast %shift_right_arithmetic3A_819 : i32 to vector<16xi32>
      %shift_right_arithmetic3A_821 = arith.shrsi %bitcast_convert_type3A_811, %shift_right_arithmetic3A_820 : vector<16xi32>
      %and3A_822 = arith.constant 1023 : i32
      %and3A_823 = vector.broadcast %and3A_822 : i32 to vector<16xi32>
      %and3A_824 = arith.andi %shift_right_arithmetic3A_821, %and3A_823 : vector<16xi32>
      tpu.vector_store_idx %arg5[%and3A_824], %broadcast_in_dim3A_91 masked %eq3A_818 {add = true} : memref<1024xi32, #tpu.memory_space<vmem>>[vector<16xi32>], vector<16xi32>, vector<16xi1>
      %add3A_825 = arith.constant 112 : i32
      %add3A_826 = arith.addi %mul3A_700, %add3A_825 : i32
      %get3A_827 = arith.index_cast %add3A_826 : i32 to index
      %get3A_828 = tpu.vector_load %arg4[%get3A_827] {strides = array<i32>} : memref<32768xf32, #tpu.memory_space<vmem>>, vector<16xf32>,
      %bitcast_convert_type3A_829 = tpu.bitcast %get3A_828 : vector<16xf32> -> vector<16xi32>
      %shift_right_arithmetic3A_830 = arith.constant 22 : i32
      %shift_right_arithmetic3A_831 = vector.broadcast %shift_right_arithmetic3A_830 : i32 to vector<16xi32>
      %shift_right_arithmetic3A_832 = arith.shrsi %bitcast_convert_type3A_829, %shift_right_arithmetic3A_831 : vector<16xi32>
      %shift_right_arithmetic3A_833 = arith.constant 22 : i32
      %shift_right_arithmetic3A_834 = arith.shrsi %shift_left3A_82, %shift_right_arithmetic3A_833 : i32
      %eq3A_835 = vector.broadcast %shift_right_arithmetic3A_834 : i32 to vector<16xi32>
      %eq3A_836 = arith.cmpi eq, %shift_right_arithmetic3A_832, %eq3A_835 : vector<16xi32>
      %shift_right_arithmetic3A_837 = arith.constant 12 : i32
      %shift_right_arithmetic3A_838 = vector.broadcast %shift_right_arithmetic3A_837 : i32 to vector<16xi32>
      %shift_right_arithmetic3A_839 = arith.shrsi %bitcast_convert_type3A_829, %shift_right_arithmetic3A_838 : vector<16xi32>
      %and3A_840 = arith.constant 1023 : i32
      %and3A_841 = vector.broadcast %and3A_840 : i32 to vector<16xi32>
      %and3A_842 = arith.andi %shift_right_arithmetic3A_839, %and3A_841 : vector<16xi32>
      tpu.vector_store_idx %arg5[%and3A_842], %broadcast_in_dim3A_91 masked %eq3A_836 {add = true} : memref<1024xi32, #tpu.memory_space<vmem>>[vector<16xi32>], vector<16xi32>, vector<16xi1>
      %scan3A_843 = arith.constant 0 : i32
      scf.yield %scan3A_843 : i32
    }
    %scan3A_98 = arith.constant 256 : i32
    %sub3A_99 = arith.constant 512 : i32
    %sub3A_100 = arith.subi %sub3A_99, %sub3A_79 : i32
    %scan3A_101 = arith.constant 0 : i32
    %scan3A_102 = arith.constant 0 : i32
    %scan3A_103 = arith.constant 0 : i32
    %scan3A_104 = arith.constant 0 : i32
    %scan3A_105 = arith.constant 64 : i32
    %scan3A_106 = arith.addi %scan3A_104, %scan3A_105 : i32
    %scan3A_107 = arith.constant 1 : i32
    %scan3A_108:3 = scf.for %scan3A_697 = %scan3A_104 to %scan3A_106 step %scan3A_107 iter_args(%scan3A_698 = %scan3A_101, %scan3A_699 = %scan3A_102, %scan3A_700 = %scan3A_103) -> (i32, i32, i32)  : i32 {
      %sub3A_701 = arith.constant 63 : i32
      %sub3A_702 = arith.subi %sub3A_701, %scan3A_697 : i32
      %mul3A_703 = arith.constant 16 : i32
      %mul3A_704 = arith.muli %sub3A_702, %mul3A_703 : i32
      %get3A_705 = arith.index_cast %mul3A_704 : i32 to index
      %get3A_706 = tpu.vector_load %arg5[%get3A_705] {strides = array<i32>} : memref<1024xi32, #tpu.memory_space<vmem>>, vector<16xi32>,
      %reduce_sum3A_707 = arith.constant true
      %reduce_sum3A_708 = vector.broadcast %reduce_sum3A_707 : i1 to vector<16xi1>
      %reduce_sum3A_709 = tpu.scan <sum>, %get3A_706 masked %reduce_sum3A_708 : vector<16xi32>, vector<16xi1> -> vector<16xi32>
      %reduce_sum3A_710 = vector.extract %reduce_sum3A_709[15] : i32 from vector<16xi32>
      %add3A_711 = arith.addi %scan3A_698, %reduce_sum3A_710 : i32
      %lt3A_712 = arith.cmpi slt, %scan3A_698, %sub3A_100 : i32
      %ge3A_713 = arith.cmpi sge, %add3A_711, %sub3A_100 : i32
      %and3A = arith.andi %lt3A_712, %ge3A_713 : i1
      %select_n3A_714 = arith.select %and3A, %sub3A_702, %scan3A_699 : i32
      %select_n3A_715 = arith.select %and3A, %scan3A_698, %scan3A_700 : i32
      scf.yield %add3A_711, %select_n3A_714, %select_n3A_715 : i32, i32, i32
    }
    %scan3A_109 = arith.constant 64 : i32
    %mul3A_110 = arith.constant 16 : i32
    %mul3A_111 = arith.muli %scan3A_108#1, %mul3A_110 : i32
    %get3A_112 = arith.index_cast %mul3A_111 : i32 to index
    %get3A_113 = tpu.vector_load %arg5[%get3A_112] {strides = array<i32>} : memref<1024xi32, #tpu.memory_space<vmem>>, vector<16xi32>,
    %broadcast_in_dim3A_114 = arith.constant true
    %broadcast_in_dim3A_115 = vector.broadcast %broadcast_in_dim3A_114 : i1 to vector<16xi1>
    %masked_cumsum3A_116 = tpu.scan <sum>, %get3A_113 masked %broadcast_in_dim3A_115 : vector<16xi32>, vector<16xi1> -> vector<16xi32>
    %reduce_max3A_117 = arith.constant true
    %reduce_max3A_118 = vector.broadcast %reduce_max3A_117 : i1 to vector<16xi1>
    %reduce_max3A_119 = arith.constant -2147483648 : i32
    %reduce_max3A_120 = vector.broadcast %reduce_max3A_119 : i32 to vector<16xi32>
    %reduce_max3A_121 = arith.xori %masked_cumsum3A_116, %reduce_max3A_120 : vector<16xi32>
    %reduce_max3A_122 = tpu.scan <max>, %reduce_max3A_121 masked %reduce_max3A_118 : vector<16xi32>, vector<16xi1> -> vector<16xi32>
    %reduce_max3A_123 = arith.xori %reduce_max3A_122, %reduce_max3A_120 : vector<16xi32>
    %reduce_max3A_124 = vector.extract %reduce_max3A_123[15] : i32 from vector<16xi32>
    %add3A_125 = arith.addi %scan3A_108#2, %reduce_max3A_124 : i32
    %sub3A_126 = vector.broadcast %add3A_125 : i32 to vector<16xi32>
    %sub3A_127 = arith.subi %sub3A_126, %masked_cumsum3A_116 : vector<16xi32>
    %add3A_128 = arith.addi %sub3A_127, %get3A_113 : vector<16xi32>
    %ge3A_129 = vector.broadcast %sub3A_100 : i32 to vector<16xi32>
    %ge3A_130 = arith.cmpi sge, %add3A_128, %ge3A_129 : vector<16xi32>
    %all_reduce_population_count3A_131 = tpu.all_reduce %ge3A_130 {dim = 0 : i64, kind = #tpu.reduction_kind<sum>} : vector<16xi1> -> vector<16xi32>
    %reduce_max3A_132 = arith.constant true
    %reduce_max3A_133 = vector.broadcast %reduce_max3A_132 : i1 to vector<16xi1>
    %reduce_max3A_134 = arith.constant -2147483648 : i32
    %reduce_max3A_135 = vector.broadcast %reduce_max3A_134 : i32 to vector<16xi32>
    %reduce_max3A_136 = arith.xori %all_reduce_population_count3A_131, %reduce_max3A_135 : vector<16xi32>
    %reduce_max3A_137 = tpu.scan <max>, %reduce_max3A_136 masked %reduce_max3A_133 : vector<16xi32>, vector<16xi1> -> vector<16xi32>
    %reduce_max3A_138 = arith.xori %reduce_max3A_137, %reduce_max3A_135 : vector<16xi32>
    %reduce_max3A_139 = vector.extract %reduce_max3A_138[15] : i32 from vector<16xi32>
    %sub3A_140 = arith.constant 1 : i32
    %sub3A_141 = arith.subi %reduce_max3A_139, %sub3A_140 : i32
    %iota3A_142 = tpu.iota {dimensions = array<i32: 0>} : vector<16xi32>
    %eq3A_143 = vector.broadcast %sub3A_141 : i32 to vector<16xi32>
    %eq3A_144 = arith.cmpi eq, %iota3A_142, %eq3A_143 : vector<16xi32>
    %jit3A_145 = arith.constant 0 : i32
    %broadcast_in_dim3A_146 = vector.broadcast %jit3A_145 : i32 to vector<16xi32>
    %select_n3A_147 = arith.select %eq3A_144, %masked_cumsum3A_116, %broadcast_in_dim3A_146 : vector<16xi1>, vector<16xi32>
    %reduce_sum3A_148 = arith.constant true
    %reduce_sum3A_149 = vector.broadcast %reduce_sum3A_148 : i1 to vector<16xi1>
    %reduce_sum3A_150 = tpu.scan <sum>, %select_n3A_147 masked %reduce_sum3A_149 : vector<16xi32>, vector<16xi1> -> vector<16xi32>
    %reduce_sum3A_151 = vector.extract %reduce_sum3A_150[15] : i32 from vector<16xi32>
    %mul3A_152 = arith.constant 16 : i32
    %mul3A_153 = arith.muli %scan3A_108#1, %mul3A_152 : i32
    %add3A_154 = arith.addi %mul3A_153, %sub3A_141 : i32
    %add3A_155 = arith.addi %scan3A_108#2, %reduce_max3A_124 : i32
    %sub3A_156 = arith.subi %add3A_155, %reduce_sum3A_151 : i32
    %add3A_157 = arith.addi %sub3A_79, %sub3A_156 : i32
    %shift_left3A_158 = arith.constant 12 : i32
    %shift_left3A_159 = arith.shli %add3A_154, %shift_left3A_158 : i32
    %or3A = arith.ori %shift_left3A_82, %shift_left3A_159 : i32
    %scan3A_160 = arith.constant 0 : i32
    %scan3A_161 = arith.constant 0 : i32
    %scan3A_162 = arith.constant 64 : i32
    %scan3A_163 = arith.addi %scan3A_161, %scan3A_162 : i32
    %scan3A_164 = arith.constant 1 : i32
    %scan3A_165 = scf.for %scan3A_697 = %scan3A_161 to %scan3A_163 step %scan3A_164 iter_args(%scan3A_698 = %scan3A_160) -> (i32)  : i32 {
      %broadcast_in_dim3A_699 = arith.constant 0 : i32
      %broadcast_in_dim3A_700 = vector.broadcast %broadcast_in_dim3A_699 : i32 to vector<16xi32>
      %mul3A_701 = arith.constant 16 : i32
      %mul3A_702 = arith.muli %scan3A_697, %mul3A_701 : i32
      %swap3A_703 = arith.index_cast %mul3A_702 : i32 to index
      %swap3A_704 = tpu.vector_load %arg5[%swap3A_703] {strides = array<i32>} : memref<1024xi32, #tpu.memory_space<vmem>>, vector<16xi32>,
      tpu.vector_store %arg5[%swap3A_703], %broadcast_in_dim3A_700 {strides = array<i32>} : memref<1024xi32, #tpu.memory_space<vmem>>, vector<16xi32>,
      %scan3A_705 = arith.constant 0 : i32
      scf.yield %scan3A_705 : i32
    }
    %scan3A_166 = arith.constant 64 : i32
    %broadcast_in_dim3A_167 = arith.constant 1 : i32
    %broadcast_in_dim3A_168 = vector.broadcast %broadcast_in_dim3A_167 : i32 to vector<16xi32>
    %scan3A_169 = arith.constant 0 : i32
    %scan3A_170 = arith.constant 0 : i32
    %scan3A_171 = arith.constant 256 : i32
    %scan3A_172 = arith.addi %scan3A_170, %scan3A_171 : i32
    %scan3A_173 = arith.constant 1 : i32
    %scan3A_174 = scf.for %scan3A_697 = %scan3A_170 to %scan3A_172 step %scan3A_173 iter_args(%scan3A_698 = %scan3A_169) -> (i32)  : i32 {
      %mul3A_699 = arith.constant 128 : i32
      %mul3A_700 = arith.muli %scan3A_697, %mul3A_699 : i32
      %add3A_701 = arith.constant 0 : i32
      %add3A_702 = arith.addi %mul3A_700, %add3A_701 : i32
      %get3A_703 = arith.index_cast %add3A_702 : i32 to index
      %get3A_704 = tpu.vector_load %arg4[%get3A_703] {strides = array<i32>} : memref<32768xf32, #tpu.memory_space<vmem>>, vector<16xf32>,
      %bitcast_convert_type3A_705 = tpu.bitcast %get3A_704 : vector<16xf32> -> vector<16xi32>
      %shift_right_arithmetic3A = arith.constant 12 : i32
      %shift_right_arithmetic3A_706 = vector.broadcast %shift_right_arithmetic3A : i32 to vector<16xi32>
      %shift_right_arithmetic3A_707 = arith.shrsi %bitcast_convert_type3A_705, %shift_right_arithmetic3A_706 : vector<16xi32>
      %shift_right_arithmetic3A_708 = arith.constant 12 : i32
      %shift_right_arithmetic3A_709 = arith.shrsi %or3A, %shift_right_arithmetic3A_708 : i32
      %eq3A_710 = vector.broadcast %shift_right_arithmetic3A_709 : i32 to vector<16xi32>
      %eq3A_711 = arith.cmpi eq, %shift_right_arithmetic3A_707, %eq3A_710 : vector<16xi32>
      %shift_right_arithmetic3A_712 = arith.constant 2 : i32
      %shift_right_arithmetic3A_713 = vector.broadcast %shift_right_arithmetic3A_712 : i32 to vector<16xi32>
      %shift_right_arithmetic3A_714 = arith.shrsi %bitcast_convert_type3A_705, %shift_right_arithmetic3A_713 : vector<16xi32>
      %and3A = arith.constant 1023 : i32
      %and3A_715 = vector.broadcast %and3A : i32 to vector<16xi32>
      %and3A_716 = arith.andi %shift_right_arithmetic3A_714, %and3A_715 : vector<16xi32>
      tpu.vector_store_idx %arg5[%and3A_716], %broadcast_in_dim3A_168 masked %eq3A_711 {add = true} : memref<1024xi32, #tpu.memory_space<vmem>>[vector<16xi32>], vector<16xi32>, vector<16xi1>
      %add3A_717 = arith.constant 16 : i32
      %add3A_718 = arith.addi %mul3A_700, %add3A_717 : i32
      %get3A_719 = arith.index_cast %add3A_718 : i32 to index
      %get3A_720 = tpu.vector_load %arg4[%get3A_719] {strides = array<i32>} : memref<32768xf32, #tpu.memory_space<vmem>>, vector<16xf32>,
      %bitcast_convert_type3A_721 = tpu.bitcast %get3A_720 : vector<16xf32> -> vector<16xi32>
      %shift_right_arithmetic3A_722 = arith.constant 12 : i32
      %shift_right_arithmetic3A_723 = vector.broadcast %shift_right_arithmetic3A_722 : i32 to vector<16xi32>
      %shift_right_arithmetic3A_724 = arith.shrsi %bitcast_convert_type3A_721, %shift_right_arithmetic3A_723 : vector<16xi32>
      %shift_right_arithmetic3A_725 = arith.constant 12 : i32
      %shift_right_arithmetic3A_726 = arith.shrsi %or3A, %shift_right_arithmetic3A_725 : i32
      %eq3A_727 = vector.broadcast %shift_right_arithmetic3A_726 : i32 to vector<16xi32>
      %eq3A_728 = arith.cmpi eq, %shift_right_arithmetic3A_724, %eq3A_727 : vector<16xi32>
      %shift_right_arithmetic3A_729 = arith.constant 2 : i32
      %shift_right_arithmetic3A_730 = vector.broadcast %shift_right_arithmetic3A_729 : i32 to vector<16xi32>
      %shift_right_arithmetic3A_731 = arith.shrsi %bitcast_convert_type3A_721, %shift_right_arithmetic3A_730 : vector<16xi32>
      %and3A_732 = arith.constant 1023 : i32
      %and3A_733 = vector.broadcast %and3A_732 : i32 to vector<16xi32>
      %and3A_734 = arith.andi %shift_right_arithmetic3A_731, %and3A_733 : vector<16xi32>
      tpu.vector_store_idx %arg5[%and3A_734], %broadcast_in_dim3A_168 masked %eq3A_728 {add = true} : memref<1024xi32, #tpu.memory_space<vmem>>[vector<16xi32>], vector<16xi32>, vector<16xi1>
      %add3A_735 = arith.constant 32 : i32
      %add3A_736 = arith.addi %mul3A_700, %add3A_735 : i32
      %get3A_737 = arith.index_cast %add3A_736 : i32 to index
      %get3A_738 = tpu.vector_load %arg4[%get3A_737] {strides = array<i32>} : memref<32768xf32, #tpu.memory_space<vmem>>, vector<16xf32>,
      %bitcast_convert_type3A_739 = tpu.bitcast %get3A_738 : vector<16xf32> -> vector<16xi32>
      %shift_right_arithmetic3A_740 = arith.constant 12 : i32
      %shift_right_arithmetic3A_741 = vector.broadcast %shift_right_arithmetic3A_740 : i32 to vector<16xi32>
      %shift_right_arithmetic3A_742 = arith.shrsi %bitcast_convert_type3A_739, %shift_right_arithmetic3A_741 : vector<16xi32>
      %shift_right_arithmetic3A_743 = arith.constant 12 : i32
      %shift_right_arithmetic3A_744 = arith.shrsi %or3A, %shift_right_arithmetic3A_743 : i32
      %eq3A_745 = vector.broadcast %shift_right_arithmetic3A_744 : i32 to vector<16xi32>
      %eq3A_746 = arith.cmpi eq, %shift_right_arithmetic3A_742, %eq3A_745 : vector<16xi32>
      %shift_right_arithmetic3A_747 = arith.constant 2 : i32
      %shift_right_arithmetic3A_748 = vector.broadcast %shift_right_arithmetic3A_747 : i32 to vector<16xi32>
      %shift_right_arithmetic3A_749 = arith.shrsi %bitcast_convert_type3A_739, %shift_right_arithmetic3A_748 : vector<16xi32>
      %and3A_750 = arith.constant 1023 : i32
      %and3A_751 = vector.broadcast %and3A_750 : i32 to vector<16xi32>
      %and3A_752 = arith.andi %shift_right_arithmetic3A_749, %and3A_751 : vector<16xi32>
      tpu.vector_store_idx %arg5[%and3A_752], %broadcast_in_dim3A_168 masked %eq3A_746 {add = true} : memref<1024xi32, #tpu.memory_space<vmem>>[vector<16xi32>], vector<16xi32>, vector<16xi1>
      %add3A_753 = arith.constant 48 : i32
      %add3A_754 = arith.addi %mul3A_700, %add3A_753 : i32
      %get3A_755 = arith.index_cast %add3A_754 : i32 to index
      %get3A_756 = tpu.vector_load %arg4[%get3A_755] {strides = array<i32>} : memref<32768xf32, #tpu.memory_space<vmem>>, vector<16xf32>,
      %bitcast_convert_type3A_757 = tpu.bitcast %get3A_756 : vector<16xf32> -> vector<16xi32>
      %shift_right_arithmetic3A_758 = arith.constant 12 : i32
      %shift_right_arithmetic3A_759 = vector.broadcast %shift_right_arithmetic3A_758 : i32 to vector<16xi32>
      %shift_right_arithmetic3A_760 = arith.shrsi %bitcast_convert_type3A_757, %shift_right_arithmetic3A_759 : vector<16xi32>
      %shift_right_arithmetic3A_761 = arith.constant 12 : i32
      %shift_right_arithmetic3A_762 = arith.shrsi %or3A, %shift_right_arithmetic3A_761 : i32
      %eq3A_763 = vector.broadcast %shift_right_arithmetic3A_762 : i32 to vector<16xi32>
      %eq3A_764 = arith.cmpi eq, %shift_right_arithmetic3A_760, %eq3A_763 : vector<16xi32>
      %shift_right_arithmetic3A_765 = arith.constant 2 : i32
      %shift_right_arithmetic3A_766 = vector.broadcast %shift_right_arithmetic3A_765 : i32 to vector<16xi32>
      %shift_right_arithmetic3A_767 = arith.shrsi %bitcast_convert_type3A_757, %shift_right_arithmetic3A_766 : vector<16xi32>
      %and3A_768 = arith.constant 1023 : i32
      %and3A_769 = vector.broadcast %and3A_768 : i32 to vector<16xi32>
      %and3A_770 = arith.andi %shift_right_arithmetic3A_767, %and3A_769 : vector<16xi32>
      tpu.vector_store_idx %arg5[%and3A_770], %broadcast_in_dim3A_168 masked %eq3A_764 {add = true} : memref<1024xi32, #tpu.memory_space<vmem>>[vector<16xi32>], vector<16xi32>, vector<16xi1>
      %add3A_771 = arith.constant 64 : i32
      %add3A_772 = arith.addi %mul3A_700, %add3A_771 : i32
      %get3A_773 = arith.index_cast %add3A_772 : i32 to index
      %get3A_774 = tpu.vector_load %arg4[%get3A_773] {strides = array<i32>} : memref<32768xf32, #tpu.memory_space<vmem>>, vector<16xf32>,
      %bitcast_convert_type3A_775 = tpu.bitcast %get3A_774 : vector<16xf32> -> vector<16xi32>
      %shift_right_arithmetic3A_776 = arith.constant 12 : i32
      %shift_right_arithmetic3A_777 = vector.broadcast %shift_right_arithmetic3A_776 : i32 to vector<16xi32>
      %shift_right_arithmetic3A_778 = arith.shrsi %bitcast_convert_type3A_775, %shift_right_arithmetic3A_777 : vector<16xi32>
      %shift_right_arithmetic3A_779 = arith.constant 12 : i32
      %shift_right_arithmetic3A_780 = arith.shrsi %or3A, %shift_right_arithmetic3A_779 : i32
      %eq3A_781 = vector.broadcast %shift_right_arithmetic3A_780 : i32 to vector<16xi32>
      %eq3A_782 = arith.cmpi eq, %shift_right_arithmetic3A_778, %eq3A_781 : vector<16xi32>
      %shift_right_arithmetic3A_783 = arith.constant 2 : i32
      %shift_right_arithmetic3A_784 = vector.broadcast %shift_right_arithmetic3A_783 : i32 to vector<16xi32>
      %shift_right_arithmetic3A_785 = arith.shrsi %bitcast_convert_type3A_775, %shift_right_arithmetic3A_784 : vector<16xi32>
      %and3A_786 = arith.constant 1023 : i32
      %and3A_787 = vector.broadcast %and3A_786 : i32 to vector<16xi32>
      %and3A_788 = arith.andi %shift_right_arithmetic3A_785, %and3A_787 : vector<16xi32>
      tpu.vector_store_idx %arg5[%and3A_788], %broadcast_in_dim3A_168 masked %eq3A_782 {add = true} : memref<1024xi32, #tpu.memory_space<vmem>>[vector<16xi32>], vector<16xi32>, vector<16xi1>
      %add3A_789 = arith.constant 80 : i32
      %add3A_790 = arith.addi %mul3A_700, %add3A_789 : i32
      %get3A_791 = arith.index_cast %add3A_790 : i32 to index
      %get3A_792 = tpu.vector_load %arg4[%get3A_791] {strides = array<i32>} : memref<32768xf32, #tpu.memory_space<vmem>>, vector<16xf32>,
      %bitcast_convert_type3A_793 = tpu.bitcast %get3A_792 : vector<16xf32> -> vector<16xi32>
      %shift_right_arithmetic3A_794 = arith.constant 12 : i32
      %shift_right_arithmetic3A_795 = vector.broadcast %shift_right_arithmetic3A_794 : i32 to vector<16xi32>
      %shift_right_arithmetic3A_796 = arith.shrsi %bitcast_convert_type3A_793, %shift_right_arithmetic3A_795 : vector<16xi32>
      %shift_right_arithmetic3A_797 = arith.constant 12 : i32
      %shift_right_arithmetic3A_798 = arith.shrsi %or3A, %shift_right_arithmetic3A_797 : i32
      %eq3A_799 = vector.broadcast %shift_right_arithmetic3A_798 : i32 to vector<16xi32>
      %eq3A_800 = arith.cmpi eq, %shift_right_arithmetic3A_796, %eq3A_799 : vector<16xi32>
      %shift_right_arithmetic3A_801 = arith.constant 2 : i32
      %shift_right_arithmetic3A_802 = vector.broadcast %shift_right_arithmetic3A_801 : i32 to vector<16xi32>
      %shift_right_arithmetic3A_803 = arith.shrsi %bitcast_convert_type3A_793, %shift_right_arithmetic3A_802 : vector<16xi32>
      %and3A_804 = arith.constant 1023 : i32
      %and3A_805 = vector.broadcast %and3A_804 : i32 to vector<16xi32>
      %and3A_806 = arith.andi %shift_right_arithmetic3A_803, %and3A_805 : vector<16xi32>
      tpu.vector_store_idx %arg5[%and3A_806], %broadcast_in_dim3A_168 masked %eq3A_800 {add = true} : memref<1024xi32, #tpu.memory_space<vmem>>[vector<16xi32>], vector<16xi32>, vector<16xi1>
      %add3A_807 = arith.constant 96 : i32
      %add3A_808 = arith.addi %mul3A_700, %add3A_807 : i32
      %get3A_809 = arith.index_cast %add3A_808 : i32 to index
      %get3A_810 = tpu.vector_load %arg4[%get3A_809] {strides = array<i32>} : memref<32768xf32, #tpu.memory_space<vmem>>, vector<16xf32>,
      %bitcast_convert_type3A_811 = tpu.bitcast %get3A_810 : vector<16xf32> -> vector<16xi32>
      %shift_right_arithmetic3A_812 = arith.constant 12 : i32
      %shift_right_arithmetic3A_813 = vector.broadcast %shift_right_arithmetic3A_812 : i32 to vector<16xi32>
      %shift_right_arithmetic3A_814 = arith.shrsi %bitcast_convert_type3A_811, %shift_right_arithmetic3A_813 : vector<16xi32>
      %shift_right_arithmetic3A_815 = arith.constant 12 : i32
      %shift_right_arithmetic3A_816 = arith.shrsi %or3A, %shift_right_arithmetic3A_815 : i32
      %eq3A_817 = vector.broadcast %shift_right_arithmetic3A_816 : i32 to vector<16xi32>
      %eq3A_818 = arith.cmpi eq, %shift_right_arithmetic3A_814, %eq3A_817 : vector<16xi32>
      %shift_right_arithmetic3A_819 = arith.constant 2 : i32
      %shift_right_arithmetic3A_820 = vector.broadcast %shift_right_arithmetic3A_819 : i32 to vector<16xi32>
      %shift_right_arithmetic3A_821 = arith.shrsi %bitcast_convert_type3A_811, %shift_right_arithmetic3A_820 : vector<16xi32>
      %and3A_822 = arith.constant 1023 : i32
      %and3A_823 = vector.broadcast %and3A_822 : i32 to vector<16xi32>
      %and3A_824 = arith.andi %shift_right_arithmetic3A_821, %and3A_823 : vector<16xi32>
      tpu.vector_store_idx %arg5[%and3A_824], %broadcast_in_dim3A_168 masked %eq3A_818 {add = true} : memref<1024xi32, #tpu.memory_space<vmem>>[vector<16xi32>], vector<16xi32>, vector<16xi1>
      %add3A_825 = arith.constant 112 : i32
      %add3A_826 = arith.addi %mul3A_700, %add3A_825 : i32
      %get3A_827 = arith.index_cast %add3A_826 : i32 to index
      %get3A_828 = tpu.vector_load %arg4[%get3A_827] {strides = array<i32>} : memref<32768xf32, #tpu.memory_space<vmem>>, vector<16xf32>,
      %bitcast_convert_type3A_829 = tpu.bitcast %get3A_828 : vector<16xf32> -> vector<16xi32>
      %shift_right_arithmetic3A_830 = arith.constant 12 : i32
      %shift_right_arithmetic3A_831 = vector.broadcast %shift_right_arithmetic3A_830 : i32 to vector<16xi32>
      %shift_right_arithmetic3A_832 = arith.shrsi %bitcast_convert_type3A_829, %shift_right_arithmetic3A_831 : vector<16xi32>
      %shift_right_arithmetic3A_833 = arith.constant 12 : i32
      %shift_right_arithmetic3A_834 = arith.shrsi %or3A, %shift_right_arithmetic3A_833 : i32
      %eq3A_835 = vector.broadcast %shift_right_arithmetic3A_834 : i32 to vector<16xi32>
      %eq3A_836 = arith.cmpi eq, %shift_right_arithmetic3A_832, %eq3A_835 : vector<16xi32>
      %shift_right_arithmetic3A_837 = arith.constant 2 : i32
      %shift_right_arithmetic3A_838 = vector.broadcast %shift_right_arithmetic3A_837 : i32 to vector<16xi32>
      %shift_right_arithmetic3A_839 = arith.shrsi %bitcast_convert_type3A_829, %shift_right_arithmetic3A_838 : vector<16xi32>
      %and3A_840 = arith.constant 1023 : i32
      %and3A_841 = vector.broadcast %and3A_840 : i32 to vector<16xi32>
      %and3A_842 = arith.andi %shift_right_arithmetic3A_839, %and3A_841 : vector<16xi32>
      tpu.vector_store_idx %arg5[%and3A_842], %broadcast_in_dim3A_168 masked %eq3A_836 {add = true} : memref<1024xi32, #tpu.memory_space<vmem>>[vector<16xi32>], vector<16xi32>, vector<16xi1>
      %scan3A_843 = arith.constant 0 : i32
      scf.yield %scan3A_843 : i32
    }
    %scan3A_175 = arith.constant 256 : i32
    %sub3A_176 = arith.constant 512 : i32
    %sub3A_177 = arith.subi %sub3A_176, %add3A_157 : i32
    %scan3A_178 = arith.constant 0 : i32
    %scan3A_179 = arith.constant 0 : i32
    %scan3A_180 = arith.constant 0 : i32
    %scan3A_181 = arith.constant 0 : i32
    %scan3A_182 = arith.constant 64 : i32
    %scan3A_183 = arith.addi %scan3A_181, %scan3A_182 : i32
    %scan3A_184 = arith.constant 1 : i32
    %scan3A_185:3 = scf.for %scan3A_697 = %scan3A_181 to %scan3A_183 step %scan3A_184 iter_args(%scan3A_698 = %scan3A_178, %scan3A_699 = %scan3A_179, %scan3A_700 = %scan3A_180) -> (i32, i32, i32)  : i32 {
      %sub3A_701 = arith.constant 63 : i32
      %sub3A_702 = arith.subi %sub3A_701, %scan3A_697 : i32
      %mul3A_703 = arith.constant 16 : i32
      %mul3A_704 = arith.muli %sub3A_702, %mul3A_703 : i32
      %get3A_705 = arith.index_cast %mul3A_704 : i32 to index
      %get3A_706 = tpu.vector_load %arg5[%get3A_705] {strides = array<i32>} : memref<1024xi32, #tpu.memory_space<vmem>>, vector<16xi32>,
      %reduce_sum3A_707 = arith.constant true
      %reduce_sum3A_708 = vector.broadcast %reduce_sum3A_707 : i1 to vector<16xi1>
      %reduce_sum3A_709 = tpu.scan <sum>, %get3A_706 masked %reduce_sum3A_708 : vector<16xi32>, vector<16xi1> -> vector<16xi32>
      %reduce_sum3A_710 = vector.extract %reduce_sum3A_709[15] : i32 from vector<16xi32>
      %add3A_711 = arith.addi %scan3A_698, %reduce_sum3A_710 : i32
      %lt3A_712 = arith.cmpi slt, %scan3A_698, %sub3A_177 : i32
      %ge3A_713 = arith.cmpi sge, %add3A_711, %sub3A_177 : i32
      %and3A = arith.andi %lt3A_712, %ge3A_713 : i1
      %select_n3A_714 = arith.select %and3A, %sub3A_702, %scan3A_699 : i32
      %select_n3A_715 = arith.select %and3A, %scan3A_698, %scan3A_700 : i32
      scf.yield %add3A_711, %select_n3A_714, %select_n3A_715 : i32, i32, i32
    }
    %scan3A_186 = arith.constant 64 : i32
    %mul3A_187 = arith.constant 16 : i32
    %mul3A_188 = arith.muli %scan3A_185#1, %mul3A_187 : i32
    %get3A_189 = arith.index_cast %mul3A_188 : i32 to index
    %get3A_190 = tpu.vector_load %arg5[%get3A_189] {strides = array<i32>} : memref<1024xi32, #tpu.memory_space<vmem>>, vector<16xi32>,
    %broadcast_in_dim3A_191 = arith.constant true
    %broadcast_in_dim3A_192 = vector.broadcast %broadcast_in_dim3A_191 : i1 to vector<16xi1>
    %masked_cumsum3A_193 = tpu.scan <sum>, %get3A_190 masked %broadcast_in_dim3A_192 : vector<16xi32>, vector<16xi1> -> vector<16xi32>
    %reduce_max3A_194 = arith.constant true
    %reduce_max3A_195 = vector.broadcast %reduce_max3A_194 : i1 to vector<16xi1>
    %reduce_max3A_196 = arith.constant -2147483648 : i32
    %reduce_max3A_197 = vector.broadcast %reduce_max3A_196 : i32 to vector<16xi32>
    %reduce_max3A_198 = arith.xori %masked_cumsum3A_193, %reduce_max3A_197 : vector<16xi32>
    %reduce_max3A_199 = tpu.scan <max>, %reduce_max3A_198 masked %reduce_max3A_195 : vector<16xi32>, vector<16xi1> -> vector<16xi32>
    %reduce_max3A_200 = arith.xori %reduce_max3A_199, %reduce_max3A_197 : vector<16xi32>
    %reduce_max3A_201 = vector.extract %reduce_max3A_200[15] : i32 from vector<16xi32>
    %add3A_202 = arith.addi %scan3A_185#2, %reduce_max3A_201 : i32
    %sub3A_203 = vector.broadcast %add3A_202 : i32 to vector<16xi32>
    %sub3A_204 = arith.subi %sub3A_203, %masked_cumsum3A_193 : vector<16xi32>
    %add3A_205 = arith.addi %sub3A_204, %get3A_190 : vector<16xi32>
    %ge3A_206 = vector.broadcast %sub3A_177 : i32 to vector<16xi32>
    %ge3A_207 = arith.cmpi sge, %add3A_205, %ge3A_206 : vector<16xi32>
    %all_reduce_population_count3A_208 = tpu.all_reduce %ge3A_207 {dim = 0 : i64, kind = #tpu.reduction_kind<sum>} : vector<16xi1> -> vector<16xi32>
    %reduce_max3A_209 = arith.constant true
    %reduce_max3A_210 = vector.broadcast %reduce_max3A_209 : i1 to vector<16xi1>
    %reduce_max3A_211 = arith.constant -2147483648 : i32
    %reduce_max3A_212 = vector.broadcast %reduce_max3A_211 : i32 to vector<16xi32>
    %reduce_max3A_213 = arith.xori %all_reduce_population_count3A_208, %reduce_max3A_212 : vector<16xi32>
    %reduce_max3A_214 = tpu.scan <max>, %reduce_max3A_213 masked %reduce_max3A_210 : vector<16xi32>, vector<16xi1> -> vector<16xi32>
    %reduce_max3A_215 = arith.xori %reduce_max3A_214, %reduce_max3A_212 : vector<16xi32>
    %reduce_max3A_216 = vector.extract %reduce_max3A_215[15] : i32 from vector<16xi32>
    %sub3A_217 = arith.constant 1 : i32
    %sub3A_218 = arith.subi %reduce_max3A_216, %sub3A_217 : i32
    %iota3A_219 = tpu.iota {dimensions = array<i32: 0>} : vector<16xi32>
    %eq3A_220 = vector.broadcast %sub3A_218 : i32 to vector<16xi32>
    %eq3A_221 = arith.cmpi eq, %iota3A_219, %eq3A_220 : vector<16xi32>
    %jit3A_222 = arith.constant 0 : i32
    %broadcast_in_dim3A_223 = vector.broadcast %jit3A_222 : i32 to vector<16xi32>
    %select_n3A_224 = arith.select %eq3A_221, %masked_cumsum3A_193, %broadcast_in_dim3A_223 : vector<16xi1>, vector<16xi32>
    %reduce_sum3A_225 = arith.constant true
    %reduce_sum3A_226 = vector.broadcast %reduce_sum3A_225 : i1 to vector<16xi1>
    %reduce_sum3A_227 = tpu.scan <sum>, %select_n3A_224 masked %reduce_sum3A_226 : vector<16xi32>, vector<16xi1> -> vector<16xi32>
    %reduce_sum3A_228 = vector.extract %reduce_sum3A_227[15] : i32 from vector<16xi32>
    %mul3A_229 = arith.constant 16 : i32
    %mul3A_230 = arith.muli %scan3A_185#1, %mul3A_229 : i32
    %add3A_231 = arith.addi %mul3A_230, %sub3A_218 : i32
    %add3A_232 = arith.addi %scan3A_185#2, %reduce_max3A_201 : i32
    %sub3A_233 = arith.subi %add3A_232, %reduce_sum3A_228 : i32
    %shift_left3A_234 = arith.constant 2 : i32
    %shift_left3A_235 = arith.shli %add3A_231, %shift_left3A_234 : i32
    %or3A_236 = arith.ori %or3A, %shift_left3A_235 : i32
    %add3A_237 = arith.constant 2 : i32
    %add3A_238 = arith.addi %or3A_236, %add3A_237 : i32
    %broadcast_in_dim3A_239 = arith.constant 0 : i32
    %broadcast_in_dim3A_240 = vector.broadcast %broadcast_in_dim3A_239 : i32 to vector<16xi32>
    %scan3A_241 = arith.constant 0 : i32
    %scan3A_242 = arith.constant 256 : i32
    %scan3A_243 = arith.addi %scan3A_241, %scan3A_242 : i32
    %scan3A_244 = arith.constant 1 : i32
    %scan3A_245 = scf.for %scan3A_697 = %scan3A_241 to %scan3A_243 step %scan3A_244 iter_args(%scan3A_698 = %broadcast_in_dim3A_240) -> (vector<16xi32>)  : i32 {
      %mul3A_699 = arith.constant 128 : i32
      %mul3A_700 = arith.muli %scan3A_697, %mul3A_699 : i32
      %add3A_701 = arith.constant 0 : i32
      %add3A_702 = arith.addi %mul3A_700, %add3A_701 : i32
      %get3A_703 = arith.index_cast %add3A_702 : i32 to index
      %get3A_704 = tpu.vector_load %arg4[%get3A_703] {strides = array<i32>} : memref<32768xf32, #tpu.memory_space<vmem>>, vector<16xf32>,
      %bitcast_convert_type3A_705 = tpu.bitcast %get3A_704 : vector<16xf32> -> vector<16xi32>
      %ge3A_706 = vector.broadcast %add3A_238 : i32 to vector<16xi32>
      %ge3A_707 = arith.cmpi sge, %bitcast_convert_type3A_705, %ge3A_706 : vector<16xi32>
      %jit3A_708 = arith.constant 1 : i32
      %jit3A_709 = arith.constant 0 : i32
      %broadcast_in_dim3A_710 = vector.broadcast %jit3A_708 : i32 to vector<16xi32>
      %broadcast_in_dim3A_711 = vector.broadcast %jit3A_709 : i32 to vector<16xi32>
      %select_n3A_712 = arith.select %ge3A_707, %broadcast_in_dim3A_710, %broadcast_in_dim3A_711 : vector<16xi1>, vector<16xi32>
      %add3A_713 = arith.addi %scan3A_698, %select_n3A_712 : vector<16xi32>
      %add3A_714 = arith.constant 16 : i32
      %add3A_715 = arith.addi %mul3A_700, %add3A_714 : i32
      %get3A_716 = arith.index_cast %add3A_715 : i32 to index
      %get3A_717 = tpu.vector_load %arg4[%get3A_716] {strides = array<i32>} : memref<32768xf32, #tpu.memory_space<vmem>>, vector<16xf32>,
      %bitcast_convert_type3A_718 = tpu.bitcast %get3A_717 : vector<16xf32> -> vector<16xi32>
      %ge3A_719 = vector.broadcast %add3A_238 : i32 to vector<16xi32>
      %ge3A_720 = arith.cmpi sge, %bitcast_convert_type3A_718, %ge3A_719 : vector<16xi32>
      %jit3A_721 = arith.constant 1 : i32
      %jit3A_722 = arith.constant 0 : i32
      %broadcast_in_dim3A_723 = vector.broadcast %jit3A_721 : i32 to vector<16xi32>
      %broadcast_in_dim3A_724 = vector.broadcast %jit3A_722 : i32 to vector<16xi32>
      %select_n3A_725 = arith.select %ge3A_720, %broadcast_in_dim3A_723, %broadcast_in_dim3A_724 : vector<16xi1>, vector<16xi32>
      %add3A_726 = arith.addi %add3A_713, %select_n3A_725 : vector<16xi32>
      %add3A_727 = arith.constant 32 : i32
      %add3A_728 = arith.addi %mul3A_700, %add3A_727 : i32
      %get3A_729 = arith.index_cast %add3A_728 : i32 to index
      %get3A_730 = tpu.vector_load %arg4[%get3A_729] {strides = array<i32>} : memref<32768xf32, #tpu.memory_space<vmem>>, vector<16xf32>,
      %bitcast_convert_type3A_731 = tpu.bitcast %get3A_730 : vector<16xf32> -> vector<16xi32>
      %ge3A_732 = vector.broadcast %add3A_238 : i32 to vector<16xi32>
      %ge3A_733 = arith.cmpi sge, %bitcast_convert_type3A_731, %ge3A_732 : vector<16xi32>
      %jit3A_734 = arith.constant 1 : i32
      %jit3A_735 = arith.constant 0 : i32
      %broadcast_in_dim3A_736 = vector.broadcast %jit3A_734 : i32 to vector<16xi32>
      %broadcast_in_dim3A_737 = vector.broadcast %jit3A_735 : i32 to vector<16xi32>
      %select_n3A_738 = arith.select %ge3A_733, %broadcast_in_dim3A_736, %broadcast_in_dim3A_737 : vector<16xi1>, vector<16xi32>
      %add3A_739 = arith.addi %add3A_726, %select_n3A_738 : vector<16xi32>
      %add3A_740 = arith.constant 48 : i32
      %add3A_741 = arith.addi %mul3A_700, %add3A_740 : i32
      %get3A_742 = arith.index_cast %add3A_741 : i32 to index
      %get3A_743 = tpu.vector_load %arg4[%get3A_742] {strides = array<i32>} : memref<32768xf32, #tpu.memory_space<vmem>>, vector<16xf32>,
      %bitcast_convert_type3A_744 = tpu.bitcast %get3A_743 : vector<16xf32> -> vector<16xi32>
      %ge3A_745 = vector.broadcast %add3A_238 : i32 to vector<16xi32>
      %ge3A_746 = arith.cmpi sge, %bitcast_convert_type3A_744, %ge3A_745 : vector<16xi32>
      %jit3A_747 = arith.constant 1 : i32
      %jit3A_748 = arith.constant 0 : i32
      %broadcast_in_dim3A_749 = vector.broadcast %jit3A_747 : i32 to vector<16xi32>
      %broadcast_in_dim3A_750 = vector.broadcast %jit3A_748 : i32 to vector<16xi32>
      %select_n3A_751 = arith.select %ge3A_746, %broadcast_in_dim3A_749, %broadcast_in_dim3A_750 : vector<16xi1>, vector<16xi32>
      %add3A_752 = arith.addi %add3A_739, %select_n3A_751 : vector<16xi32>
      %add3A_753 = arith.constant 64 : i32
      %add3A_754 = arith.addi %mul3A_700, %add3A_753 : i32
      %get3A_755 = arith.index_cast %add3A_754 : i32 to index
      %get3A_756 = tpu.vector_load %arg4[%get3A_755] {strides = array<i32>} : memref<32768xf32, #tpu.memory_space<vmem>>, vector<16xf32>,
      %bitcast_convert_type3A_757 = tpu.bitcast %get3A_756 : vector<16xf32> -> vector<16xi32>
      %ge3A_758 = vector.broadcast %add3A_238 : i32 to vector<16xi32>
      %ge3A_759 = arith.cmpi sge, %bitcast_convert_type3A_757, %ge3A_758 : vector<16xi32>
      %jit3A_760 = arith.constant 1 : i32
      %jit3A_761 = arith.constant 0 : i32
      %broadcast_in_dim3A_762 = vector.broadcast %jit3A_760 : i32 to vector<16xi32>
      %broadcast_in_dim3A_763 = vector.broadcast %jit3A_761 : i32 to vector<16xi32>
      %select_n3A_764 = arith.select %ge3A_759, %broadcast_in_dim3A_762, %broadcast_in_dim3A_763 : vector<16xi1>, vector<16xi32>
      %add3A_765 = arith.addi %add3A_752, %select_n3A_764 : vector<16xi32>
      %add3A_766 = arith.constant 80 : i32
      %add3A_767 = arith.addi %mul3A_700, %add3A_766 : i32
      %get3A_768 = arith.index_cast %add3A_767 : i32 to index
      %get3A_769 = tpu.vector_load %arg4[%get3A_768] {strides = array<i32>} : memref<32768xf32, #tpu.memory_space<vmem>>, vector<16xf32>,
      %bitcast_convert_type3A_770 = tpu.bitcast %get3A_769 : vector<16xf32> -> vector<16xi32>
      %ge3A_771 = vector.broadcast %add3A_238 : i32 to vector<16xi32>
      %ge3A_772 = arith.cmpi sge, %bitcast_convert_type3A_770, %ge3A_771 : vector<16xi32>
      %jit3A_773 = arith.constant 1 : i32
      %jit3A_774 = arith.constant 0 : i32
      %broadcast_in_dim3A_775 = vector.broadcast %jit3A_773 : i32 to vector<16xi32>
      %broadcast_in_dim3A_776 = vector.broadcast %jit3A_774 : i32 to vector<16xi32>
      %select_n3A_777 = arith.select %ge3A_772, %broadcast_in_dim3A_775, %broadcast_in_dim3A_776 : vector<16xi1>, vector<16xi32>
      %add3A_778 = arith.addi %add3A_765, %select_n3A_777 : vector<16xi32>
      %add3A_779 = arith.constant 96 : i32
      %add3A_780 = arith.addi %mul3A_700, %add3A_779 : i32
      %get3A_781 = arith.index_cast %add3A_780 : i32 to index
      %get3A_782 = tpu.vector_load %arg4[%get3A_781] {strides = array<i32>} : memref<32768xf32, #tpu.memory_space<vmem>>, vector<16xf32>,
      %bitcast_convert_type3A_783 = tpu.bitcast %get3A_782 : vector<16xf32> -> vector<16xi32>
      %ge3A_784 = vector.broadcast %add3A_238 : i32 to vector<16xi32>
      %ge3A_785 = arith.cmpi sge, %bitcast_convert_type3A_783, %ge3A_784 : vector<16xi32>
      %jit3A_786 = arith.constant 1 : i32
      %jit3A_787 = arith.constant 0 : i32
      %broadcast_in_dim3A_788 = vector.broadcast %jit3A_786 : i32 to vector<16xi32>
      %broadcast_in_dim3A_789 = vector.broadcast %jit3A_787 : i32 to vector<16xi32>
      %select_n3A_790 = arith.select %ge3A_785, %broadcast_in_dim3A_788, %broadcast_in_dim3A_789 : vector<16xi1>, vector<16xi32>
      %add3A_791 = arith.addi %add3A_778, %select_n3A_790 : vector<16xi32>
      %add3A_792 = arith.constant 112 : i32
      %add3A_793 = arith.addi %mul3A_700, %add3A_792 : i32
      %get3A_794 = arith.index_cast %add3A_793 : i32 to index
      %get3A_795 = tpu.vector_load %arg4[%get3A_794] {strides = array<i32>} : memref<32768xf32, #tpu.memory_space<vmem>>, vector<16xf32>,
      %bitcast_convert_type3A_796 = tpu.bitcast %get3A_795 : vector<16xf32> -> vector<16xi32>
      %ge3A_797 = vector.broadcast %add3A_238 : i32 to vector<16xi32>
      %ge3A_798 = arith.cmpi sge, %bitcast_convert_type3A_796, %ge3A_797 : vector<16xi32>
      %jit3A_799 = arith.constant 1 : i32
      %jit3A_800 = arith.constant 0 : i32
      %broadcast_in_dim3A_801 = vector.broadcast %jit3A_799 : i32 to vector<16xi32>
      %broadcast_in_dim3A_802 = vector.broadcast %jit3A_800 : i32 to vector<16xi32>
      %select_n3A_803 = arith.select %ge3A_798, %broadcast_in_dim3A_801, %broadcast_in_dim3A_802 : vector<16xi1>, vector<16xi32>
      %add3A_804 = arith.addi %add3A_791, %select_n3A_803 : vector<16xi32>
      scf.yield %add3A_804 : vector<16xi32>
    }
    %scan3A_246 = arith.constant 256 : i32
    %reduce_sum3A_247 = arith.constant true
    %reduce_sum3A_248 = vector.broadcast %reduce_sum3A_247 : i1 to vector<16xi1>
    %reduce_sum3A_249 = tpu.scan <sum>, %scan3A_245 masked %reduce_sum3A_248 : vector<16xi32>, vector<16xi1> -> vector<16xi32>
    %reduce_sum3A_250 = vector.extract %reduce_sum3A_249[15] : i32 from vector<16xi32>
    %ge3A_251 = arith.constant 512 : i32
    %ge3A_252 = arith.cmpi sge, %reduce_sum3A_250, %ge3A_251 : i32
    %select_n3A_253 = arith.select %ge3A_252, %add3A_238, %or3A_236 : i32
    %add3A_254 = arith.constant 1 : i32
    %add3A_255 = arith.addi %select_n3A_253, %add3A_254 : i32
    %broadcast_in_dim3A_256 = arith.constant 0 : i32
    %broadcast_in_dim3A_257 = vector.broadcast %broadcast_in_dim3A_256 : i32 to vector<16xi32>
    %scan3A_258 = arith.constant 0 : i32
    %scan3A_259 = arith.constant 256 : i32
    %scan3A_260 = arith.addi %scan3A_258, %scan3A_259 : i32
    %scan3A_261 = arith.constant 1 : i32
    %scan3A_262 = scf.for %scan3A_697 = %scan3A_258 to %scan3A_260 step %scan3A_261 iter_args(%scan3A_698 = %broadcast_in_dim3A_257) -> (vector<16xi32>)  : i32 {
      %mul3A_699 = arith.constant 128 : i32
      %mul3A_700 = arith.muli %scan3A_697, %mul3A_699 : i32
      %add3A_701 = arith.constant 0 : i32
      %add3A_702 = arith.addi %mul3A_700, %add3A_701 : i32
      %get3A_703 = arith.index_cast %add3A_702 : i32 to index
      %get3A_704 = tpu.vector_load %arg4[%get3A_703] {strides = array<i32>} : memref<32768xf32, #tpu.memory_space<vmem>>, vector<16xf32>,
      %bitcast_convert_type3A_705 = tpu.bitcast %get3A_704 : vector<16xf32> -> vector<16xi32>
      %ge3A_706 = vector.broadcast %add3A_255 : i32 to vector<16xi32>
      %ge3A_707 = arith.cmpi sge, %bitcast_convert_type3A_705, %ge3A_706 : vector<16xi32>
      %jit3A_708 = arith.constant 1 : i32
      %jit3A_709 = arith.constant 0 : i32
      %broadcast_in_dim3A_710 = vector.broadcast %jit3A_708 : i32 to vector<16xi32>
      %broadcast_in_dim3A_711 = vector.broadcast %jit3A_709 : i32 to vector<16xi32>
      %select_n3A_712 = arith.select %ge3A_707, %broadcast_in_dim3A_710, %broadcast_in_dim3A_711 : vector<16xi1>, vector<16xi32>
      %add3A_713 = arith.addi %scan3A_698, %select_n3A_712 : vector<16xi32>
      %add3A_714 = arith.constant 16 : i32
      %add3A_715 = arith.addi %mul3A_700, %add3A_714 : i32
      %get3A_716 = arith.index_cast %add3A_715 : i32 to index
      %get3A_717 = tpu.vector_load %arg4[%get3A_716] {strides = array<i32>} : memref<32768xf32, #tpu.memory_space<vmem>>, vector<16xf32>,
      %bitcast_convert_type3A_718 = tpu.bitcast %get3A_717 : vector<16xf32> -> vector<16xi32>
      %ge3A_719 = vector.broadcast %add3A_255 : i32 to vector<16xi32>
      %ge3A_720 = arith.cmpi sge, %bitcast_convert_type3A_718, %ge3A_719 : vector<16xi32>
      %jit3A_721 = arith.constant 1 : i32
      %jit3A_722 = arith.constant 0 : i32
      %broadcast_in_dim3A_723 = vector.broadcast %jit3A_721 : i32 to vector<16xi32>
      %broadcast_in_dim3A_724 = vector.broadcast %jit3A_722 : i32 to vector<16xi32>
      %select_n3A_725 = arith.select %ge3A_720, %broadcast_in_dim3A_723, %broadcast_in_dim3A_724 : vector<16xi1>, vector<16xi32>
      %add3A_726 = arith.addi %add3A_713, %select_n3A_725 : vector<16xi32>
      %add3A_727 = arith.constant 32 : i32
      %add3A_728 = arith.addi %mul3A_700, %add3A_727 : i32
      %get3A_729 = arith.index_cast %add3A_728 : i32 to index
      %get3A_730 = tpu.vector_load %arg4[%get3A_729] {strides = array<i32>} : memref<32768xf32, #tpu.memory_space<vmem>>, vector<16xf32>,
      %bitcast_convert_type3A_731 = tpu.bitcast %get3A_730 : vector<16xf32> -> vector<16xi32>
      %ge3A_732 = vector.broadcast %add3A_255 : i32 to vector<16xi32>
      %ge3A_733 = arith.cmpi sge, %bitcast_convert_type3A_731, %ge3A_732 : vector<16xi32>
      %jit3A_734 = arith.constant 1 : i32
      %jit3A_735 = arith.constant 0 : i32
      %broadcast_in_dim3A_736 = vector.broadcast %jit3A_734 : i32 to vector<16xi32>
      %broadcast_in_dim3A_737 = vector.broadcast %jit3A_735 : i32 to vector<16xi32>
      %select_n3A_738 = arith.select %ge3A_733, %broadcast_in_dim3A_736, %broadcast_in_dim3A_737 : vector<16xi1>, vector<16xi32>
      %add3A_739 = arith.addi %add3A_726, %select_n3A_738 : vector<16xi32>
      %add3A_740 = arith.constant 48 : i32
      %add3A_741 = arith.addi %mul3A_700, %add3A_740 : i32
      %get3A_742 = arith.index_cast %add3A_741 : i32 to index
      %get3A_743 = tpu.vector_load %arg4[%get3A_742] {strides = array<i32>} : memref<32768xf32, #tpu.memory_space<vmem>>, vector<16xf32>,
      %bitcast_convert_type3A_744 = tpu.bitcast %get3A_743 : vector<16xf32> -> vector<16xi32>
      %ge3A_745 = vector.broadcast %add3A_255 : i32 to vector<16xi32>
      %ge3A_746 = arith.cmpi sge, %bitcast_convert_type3A_744, %ge3A_745 : vector<16xi32>
      %jit3A_747 = arith.constant 1 : i32
      %jit3A_748 = arith.constant 0 : i32
      %broadcast_in_dim3A_749 = vector.broadcast %jit3A_747 : i32 to vector<16xi32>
      %broadcast_in_dim3A_750 = vector.broadcast %jit3A_748 : i32 to vector<16xi32>
      %select_n3A_751 = arith.select %ge3A_746, %broadcast_in_dim3A_749, %broadcast_in_dim3A_750 : vector<16xi1>, vector<16xi32>
      %add3A_752 = arith.addi %add3A_739, %select_n3A_751 : vector<16xi32>
      %add3A_753 = arith.constant 64 : i32
      %add3A_754 = arith.addi %mul3A_700, %add3A_753 : i32
      %get3A_755 = arith.index_cast %add3A_754 : i32 to index
      %get3A_756 = tpu.vector_load %arg4[%get3A_755] {strides = array<i32>} : memref<32768xf32, #tpu.memory_space<vmem>>, vector<16xf32>,
      %bitcast_convert_type3A_757 = tpu.bitcast %get3A_756 : vector<16xf32> -> vector<16xi32>
      %ge3A_758 = vector.broadcast %add3A_255 : i32 to vector<16xi32>
      %ge3A_759 = arith.cmpi sge, %bitcast_convert_type3A_757, %ge3A_758 : vector<16xi32>
      %jit3A_760 = arith.constant 1 : i32
      %jit3A_761 = arith.constant 0 : i32
      %broadcast_in_dim3A_762 = vector.broadcast %jit3A_760 : i32 to vector<16xi32>
      %broadcast_in_dim3A_763 = vector.broadcast %jit3A_761 : i32 to vector<16xi32>
      %select_n3A_764 = arith.select %ge3A_759, %broadcast_in_dim3A_762, %broadcast_in_dim3A_763 : vector<16xi1>, vector<16xi32>
      %add3A_765 = arith.addi %add3A_752, %select_n3A_764 : vector<16xi32>
      %add3A_766 = arith.constant 80 : i32
      %add3A_767 = arith.addi %mul3A_700, %add3A_766 : i32
      %get3A_768 = arith.index_cast %add3A_767 : i32 to index
      %get3A_769 = tpu.vector_load %arg4[%get3A_768] {strides = array<i32>} : memref<32768xf32, #tpu.memory_space<vmem>>, vector<16xf32>,
      %bitcast_convert_type3A_770 = tpu.bitcast %get3A_769 : vector<16xf32> -> vector<16xi32>
      %ge3A_771 = vector.broadcast %add3A_255 : i32 to vector<16xi32>
      %ge3A_772 = arith.cmpi sge, %bitcast_convert_type3A_770, %ge3A_771 : vector<16xi32>
      %jit3A_773 = arith.constant 1 : i32
      %jit3A_774 = arith.constant 0 : i32
      %broadcast_in_dim3A_775 = vector.broadcast %jit3A_773 : i32 to vector<16xi32>
      %broadcast_in_dim3A_776 = vector.broadcast %jit3A_774 : i32 to vector<16xi32>
      %select_n3A_777 = arith.select %ge3A_772, %broadcast_in_dim3A_775, %broadcast_in_dim3A_776 : vector<16xi1>, vector<16xi32>
      %add3A_778 = arith.addi %add3A_765, %select_n3A_777 : vector<16xi32>
      %add3A_779 = arith.constant 96 : i32
      %add3A_780 = arith.addi %mul3A_700, %add3A_779 : i32
      %get3A_781 = arith.index_cast %add3A_780 : i32 to index
      %get3A_782 = tpu.vector_load %arg4[%get3A_781] {strides = array<i32>} : memref<32768xf32, #tpu.memory_space<vmem>>, vector<16xf32>,
      %bitcast_convert_type3A_783 = tpu.bitcast %get3A_782 : vector<16xf32> -> vector<16xi32>
      %ge3A_784 = vector.broadcast %add3A_255 : i32 to vector<16xi32>
      %ge3A_785 = arith.cmpi sge, %bitcast_convert_type3A_783, %ge3A_784 : vector<16xi32>
      %jit3A_786 = arith.constant 1 : i32
      %jit3A_787 = arith.constant 0 : i32
      %broadcast_in_dim3A_788 = vector.broadcast %jit3A_786 : i32 to vector<16xi32>
      %broadcast_in_dim3A_789 = vector.broadcast %jit3A_787 : i32 to vector<16xi32>
      %select_n3A_790 = arith.select %ge3A_785, %broadcast_in_dim3A_788, %broadcast_in_dim3A_789 : vector<16xi1>, vector<16xi32>
      %add3A_791 = arith.addi %add3A_778, %select_n3A_790 : vector<16xi32>
      %add3A_792 = arith.constant 112 : i32
      %add3A_793 = arith.addi %mul3A_700, %add3A_792 : i32
      %get3A_794 = arith.index_cast %add3A_793 : i32 to index
      %get3A_795 = tpu.vector_load %arg4[%get3A_794] {strides = array<i32>} : memref<32768xf32, #tpu.memory_space<vmem>>, vector<16xf32>,
      %bitcast_convert_type3A_796 = tpu.bitcast %get3A_795 : vector<16xf32> -> vector<16xi32>
      %ge3A_797 = vector.broadcast %add3A_255 : i32 to vector<16xi32>
      %ge3A_798 = arith.cmpi sge, %bitcast_convert_type3A_796, %ge3A_797 : vector<16xi32>
      %jit3A_799 = arith.constant 1 : i32
      %jit3A_800 = arith.constant 0 : i32
      %broadcast_in_dim3A_801 = vector.broadcast %jit3A_799 : i32 to vector<16xi32>
      %broadcast_in_dim3A_802 = vector.broadcast %jit3A_800 : i32 to vector<16xi32>
      %select_n3A_803 = arith.select %ge3A_798, %broadcast_in_dim3A_801, %broadcast_in_dim3A_802 : vector<16xi1>, vector<16xi32>
      %add3A_804 = arith.addi %add3A_791, %select_n3A_803 : vector<16xi32>
      scf.yield %add3A_804 : vector<16xi32>
    }
    %scan3A_263 = arith.constant 256 : i32
    %reduce_sum3A_264 = arith.constant true
    %reduce_sum3A_265 = vector.broadcast %reduce_sum3A_264 : i1 to vector<16xi1>
    %reduce_sum3A_266 = tpu.scan <sum>, %scan3A_262 masked %reduce_sum3A_265 : vector<16xi32>, vector<16xi1> -> vector<16xi32>
    %reduce_sum3A_267 = vector.extract %reduce_sum3A_266[15] : i32 from vector<16xi32>
    %ge3A_268 = arith.constant 512 : i32
    %ge3A_269 = arith.cmpi sge, %reduce_sum3A_267, %ge3A_268 : i32
    %select_n3A_270 = arith.select %ge3A_269, %add3A_255, %select_n3A_253 : i32
    %broadcast_in_dim3A_271 = arith.constant 0 : i32
    %broadcast_in_dim3A_272 = vector.broadcast %broadcast_in_dim3A_271 : i32 to vector<16xi32>
    %broadcast_in_dim3A_273 = arith.constant 0 : i32
    %broadcast_in_dim3A_274 = vector.broadcast %broadcast_in_dim3A_273 : i32 to vector<16xi32>
    %broadcast_in_dim3A_275 = arith.constant 0.000000e+00 : f32
    %broadcast_in_dim3A_276 = vector.broadcast %broadcast_in_dim3A_275 : f32 to vector<16xf32>
    %scan3A_277 = arith.constant 0 : i32
    %scan3A_278 = arith.constant 256 : i32
    %scan3A_279 = arith.addi %scan3A_277, %scan3A_278 : i32
    %scan3A_280 = arith.constant 1 : i32
    %scan3A_281:3 = scf.for %scan3A_697 = %scan3A_277 to %scan3A_279 step %scan3A_280 iter_args(%scan3A_698 = %broadcast_in_dim3A_272, %scan3A_699 = %broadcast_in_dim3A_274, %scan3A_700 = %broadcast_in_dim3A_276) -> (vector<16xi32>, vector<16xi32>, vector<16xf32>)  : i32 {
      %mul3A_701 = arith.constant 128 : i32
      %mul3A_702 = arith.muli %scan3A_697, %mul3A_701 : i32
      %add3A_703 = arith.constant 0 : i32
      %add3A_704 = arith.addi %mul3A_702, %add3A_703 : i32
      %get3A_705 = arith.index_cast %add3A_704 : i32 to index
      %get3A_706 = tpu.vector_load %arg4[%get3A_705] {strides = array<i32>} : memref<32768xf32, #tpu.memory_space<vmem>>, vector<16xf32>,
      %bitcast_convert_type3A_707 = tpu.bitcast %get3A_706 : vector<16xf32> -> vector<16xi32>
      %ge3A_708 = arith.constant 0 : i32
      %ge3A_709 = vector.broadcast %ge3A_708 : i32 to vector<16xi32>
      %ge3A_710 = arith.cmpi sge, %bitcast_convert_type3A_707, %ge3A_709 : vector<16xi32>
      %xor3A_711 = arith.constant 2147483647 : i32
      %xor3A_712 = vector.broadcast %xor3A_711 : i32 to vector<16xi32>
      %xor3A_713 = arith.xori %bitcast_convert_type3A_707, %xor3A_712 : vector<16xi32>
      %select_n3A_714 = arith.select %ge3A_710, %bitcast_convert_type3A_707, %xor3A_713 : vector<16xi1>, vector<16xi32>
      %bitcast_convert_type3A_715 = tpu.bitcast %select_n3A_714 : vector<16xi32> -> vector<16xf32>
      %gt3A = vector.broadcast %select_n3A_270 : i32 to vector<16xi32>
      %gt3A_716 = arith.cmpi sgt, %bitcast_convert_type3A_707, %gt3A : vector<16xi32>
      %jit3A_717 = arith.constant 1 : i32
      %jit3A_718 = arith.constant 0 : i32
      %broadcast_in_dim3A_719 = vector.broadcast %jit3A_717 : i32 to vector<16xi32>
      %broadcast_in_dim3A_720 = vector.broadcast %jit3A_718 : i32 to vector<16xi32>
      %select_n3A_721 = arith.select %gt3A_716, %broadcast_in_dim3A_719, %broadcast_in_dim3A_720 : vector<16xi1>, vector<16xi32>
      %add3A_722 = arith.addi %scan3A_698, %select_n3A_721 : vector<16xi32>
      %eq3A_723 = vector.broadcast %select_n3A_270 : i32 to vector<16xi32>
      %eq3A_724 = arith.cmpi eq, %bitcast_convert_type3A_707, %eq3A_723 : vector<16xi32>
      %jit3A_725 = arith.constant 1 : i32
      %jit3A_726 = arith.constant 0 : i32
      %broadcast_in_dim3A_727 = vector.broadcast %jit3A_725 : i32 to vector<16xi32>
      %broadcast_in_dim3A_728 = vector.broadcast %jit3A_726 : i32 to vector<16xi32>
      %select_n3A_729 = arith.select %eq3A_724, %broadcast_in_dim3A_727, %broadcast_in_dim3A_728 : vector<16xi1>, vector<16xi32>
      %add3A_730 = arith.addi %scan3A_699, %select_n3A_729 : vector<16xi32>
      %sub3A_731 = vector.broadcast %reduce_max3A_15 : f32 to vector<16xf32>
      %sub3A_732 = arith.subf %bitcast_convert_type3A_715, %sub3A_731 : vector<16xf32>
      %exp3A_733 = math.exp %sub3A_732 : vector<16xf32>
      %jit3A_734 = arith.constant 0.000000e+00 : f32
      %broadcast_in_dim3A_735 = vector.broadcast %jit3A_734 : f32 to vector<16xf32>
      %select_n3A_736 = arith.select %gt3A_716, %exp3A_733, %broadcast_in_dim3A_735 : vector<16xi1>, vector<16xf32>
      %add3A_737 = arith.addf %scan3A_700, %select_n3A_736 : vector<16xf32>
      %add3A_738 = arith.constant 16 : i32
      %add3A_739 = arith.addi %mul3A_702, %add3A_738 : i32
      %get3A_740 = arith.index_cast %add3A_739 : i32 to index
      %get3A_741 = tpu.vector_load %arg4[%get3A_740] {strides = array<i32>} : memref<32768xf32, #tpu.memory_space<vmem>>, vector<16xf32>,
      %bitcast_convert_type3A_742 = tpu.bitcast %get3A_741 : vector<16xf32> -> vector<16xi32>
      %ge3A_743 = arith.constant 0 : i32
      %ge3A_744 = vector.broadcast %ge3A_743 : i32 to vector<16xi32>
      %ge3A_745 = arith.cmpi sge, %bitcast_convert_type3A_742, %ge3A_744 : vector<16xi32>
      %xor3A_746 = arith.constant 2147483647 : i32
      %xor3A_747 = vector.broadcast %xor3A_746 : i32 to vector<16xi32>
      %xor3A_748 = arith.xori %bitcast_convert_type3A_742, %xor3A_747 : vector<16xi32>
      %select_n3A_749 = arith.select %ge3A_745, %bitcast_convert_type3A_742, %xor3A_748 : vector<16xi1>, vector<16xi32>
      %bitcast_convert_type3A_750 = tpu.bitcast %select_n3A_749 : vector<16xi32> -> vector<16xf32>
      %gt3A_751 = vector.broadcast %select_n3A_270 : i32 to vector<16xi32>
      %gt3A_752 = arith.cmpi sgt, %bitcast_convert_type3A_742, %gt3A_751 : vector<16xi32>
      %jit3A_753 = arith.constant 1 : i32
      %jit3A_754 = arith.constant 0 : i32
      %broadcast_in_dim3A_755 = vector.broadcast %jit3A_753 : i32 to vector<16xi32>
      %broadcast_in_dim3A_756 = vector.broadcast %jit3A_754 : i32 to vector<16xi32>
      %select_n3A_757 = arith.select %gt3A_752, %broadcast_in_dim3A_755, %broadcast_in_dim3A_756 : vector<16xi1>, vector<16xi32>
      %add3A_758 = arith.addi %add3A_722, %select_n3A_757 : vector<16xi32>
      %eq3A_759 = vector.broadcast %select_n3A_270 : i32 to vector<16xi32>
      %eq3A_760 = arith.cmpi eq, %bitcast_convert_type3A_742, %eq3A_759 : vector<16xi32>
      %jit3A_761 = arith.constant 1 : i32
      %jit3A_762 = arith.constant 0 : i32
      %broadcast_in_dim3A_763 = vector.broadcast %jit3A_761 : i32 to vector<16xi32>
      %broadcast_in_dim3A_764 = vector.broadcast %jit3A_762 : i32 to vector<16xi32>
      %select_n3A_765 = arith.select %eq3A_760, %broadcast_in_dim3A_763, %broadcast_in_dim3A_764 : vector<16xi1>, vector<16xi32>
      %add3A_766 = arith.addi %add3A_730, %select_n3A_765 : vector<16xi32>
      %sub3A_767 = vector.broadcast %reduce_max3A_15 : f32 to vector<16xf32>
      %sub3A_768 = arith.subf %bitcast_convert_type3A_750, %sub3A_767 : vector<16xf32>
      %exp3A_769 = math.exp %sub3A_768 : vector<16xf32>
      %jit3A_770 = arith.constant 0.000000e+00 : f32
      %broadcast_in_dim3A_771 = vector.broadcast %jit3A_770 : f32 to vector<16xf32>
      %select_n3A_772 = arith.select %gt3A_752, %exp3A_769, %broadcast_in_dim3A_771 : vector<16xi1>, vector<16xf32>
      %add3A_773 = arith.addf %add3A_737, %select_n3A_772 : vector<16xf32>
      %add3A_774 = arith.constant 32 : i32
      %add3A_775 = arith.addi %mul3A_702, %add3A_774 : i32
      %get3A_776 = arith.index_cast %add3A_775 : i32 to index
      %get3A_777 = tpu.vector_load %arg4[%get3A_776] {strides = array<i32>} : memref<32768xf32, #tpu.memory_space<vmem>>, vector<16xf32>,
      %bitcast_convert_type3A_778 = tpu.bitcast %get3A_777 : vector<16xf32> -> vector<16xi32>
      %ge3A_779 = arith.constant 0 : i32
      %ge3A_780 = vector.broadcast %ge3A_779 : i32 to vector<16xi32>
      %ge3A_781 = arith.cmpi sge, %bitcast_convert_type3A_778, %ge3A_780 : vector<16xi32>
      %xor3A_782 = arith.constant 2147483647 : i32
      %xor3A_783 = vector.broadcast %xor3A_782 : i32 to vector<16xi32>
      %xor3A_784 = arith.xori %bitcast_convert_type3A_778, %xor3A_783 : vector<16xi32>
      %select_n3A_785 = arith.select %ge3A_781, %bitcast_convert_type3A_778, %xor3A_784 : vector<16xi1>, vector<16xi32>
      %bitcast_convert_type3A_786 = tpu.bitcast %select_n3A_785 : vector<16xi32> -> vector<16xf32>
      %gt3A_787 = vector.broadcast %select_n3A_270 : i32 to vector<16xi32>
      %gt3A_788 = arith.cmpi sgt, %bitcast_convert_type3A_778, %gt3A_787 : vector<16xi32>
      %jit3A_789 = arith.constant 1 : i32
      %jit3A_790 = arith.constant 0 : i32
      %broadcast_in_dim3A_791 = vector.broadcast %jit3A_789 : i32 to vector<16xi32>
      %broadcast_in_dim3A_792 = vector.broadcast %jit3A_790 : i32 to vector<16xi32>
      %select_n3A_793 = arith.select %gt3A_788, %broadcast_in_dim3A_791, %broadcast_in_dim3A_792 : vector<16xi1>, vector<16xi32>
      %add3A_794 = arith.addi %add3A_758, %select_n3A_793 : vector<16xi32>
      %eq3A_795 = vector.broadcast %select_n3A_270 : i32 to vector<16xi32>
      %eq3A_796 = arith.cmpi eq, %bitcast_convert_type3A_778, %eq3A_795 : vector<16xi32>
      %jit3A_797 = arith.constant 1 : i32
      %jit3A_798 = arith.constant 0 : i32
      %broadcast_in_dim3A_799 = vector.broadcast %jit3A_797 : i32 to vector<16xi32>
      %broadcast_in_dim3A_800 = vector.broadcast %jit3A_798 : i32 to vector<16xi32>
      %select_n3A_801 = arith.select %eq3A_796, %broadcast_in_dim3A_799, %broadcast_in_dim3A_800 : vector<16xi1>, vector<16xi32>
      %add3A_802 = arith.addi %add3A_766, %select_n3A_801 : vector<16xi32>
      %sub3A_803 = vector.broadcast %reduce_max3A_15 : f32 to vector<16xf32>
      %sub3A_804 = arith.subf %bitcast_convert_type3A_786, %sub3A_803 : vector<16xf32>
      %exp3A_805 = math.exp %sub3A_804 : vector<16xf32>
      %jit3A_806 = arith.constant 0.000000e+00 : f32
      %broadcast_in_dim3A_807 = vector.broadcast %jit3A_806 : f32 to vector<16xf32>
      %select_n3A_808 = arith.select %gt3A_788, %exp3A_805, %broadcast_in_dim3A_807 : vector<16xi1>, vector<16xf32>
      %add3A_809 = arith.addf %add3A_773, %select_n3A_808 : vector<16xf32>
      %add3A_810 = arith.constant 48 : i32
      %add3A_811 = arith.addi %mul3A_702, %add3A_810 : i32
      %get3A_812 = arith.index_cast %add3A_811 : i32 to index
      %get3A_813 = tpu.vector_load %arg4[%get3A_812] {strides = array<i32>} : memref<32768xf32, #tpu.memory_space<vmem>>, vector<16xf32>,
      %bitcast_convert_type3A_814 = tpu.bitcast %get3A_813 : vector<16xf32> -> vector<16xi32>
      %ge3A_815 = arith.constant 0 : i32
      %ge3A_816 = vector.broadcast %ge3A_815 : i32 to vector<16xi32>
      %ge3A_817 = arith.cmpi sge, %bitcast_convert_type3A_814, %ge3A_816 : vector<16xi32>
      %xor3A_818 = arith.constant 2147483647 : i32
      %xor3A_819 = vector.broadcast %xor3A_818 : i32 to vector<16xi32>
      %xor3A_820 = arith.xori %bitcast_convert_type3A_814, %xor3A_819 : vector<16xi32>
      %select_n3A_821 = arith.select %ge3A_817, %bitcast_convert_type3A_814, %xor3A_820 : vector<16xi1>, vector<16xi32>
      %bitcast_convert_type3A_822 = tpu.bitcast %select_n3A_821 : vector<16xi32> -> vector<16xf32>
      %gt3A_823 = vector.broadcast %select_n3A_270 : i32 to vector<16xi32>
      %gt3A_824 = arith.cmpi sgt, %bitcast_convert_type3A_814, %gt3A_823 : vector<16xi32>
      %jit3A_825 = arith.constant 1 : i32
      %jit3A_826 = arith.constant 0 : i32
      %broadcast_in_dim3A_827 = vector.broadcast %jit3A_825 : i32 to vector<16xi32>
      %broadcast_in_dim3A_828 = vector.broadcast %jit3A_826 : i32 to vector<16xi32>
      %select_n3A_829 = arith.select %gt3A_824, %broadcast_in_dim3A_827, %broadcast_in_dim3A_828 : vector<16xi1>, vector<16xi32>
      %add3A_830 = arith.addi %add3A_794, %select_n3A_829 : vector<16xi32>
      %eq3A_831 = vector.broadcast %select_n3A_270 : i32 to vector<16xi32>
      %eq3A_832 = arith.cmpi eq, %bitcast_convert_type3A_814, %eq3A_831 : vector<16xi32>
      %jit3A_833 = arith.constant 1 : i32
      %jit3A_834 = arith.constant 0 : i32
      %broadcast_in_dim3A_835 = vector.broadcast %jit3A_833 : i32 to vector<16xi32>
      %broadcast_in_dim3A_836 = vector.broadcast %jit3A_834 : i32 to vector<16xi32>
      %select_n3A_837 = arith.select %eq3A_832, %broadcast_in_dim3A_835, %broadcast_in_dim3A_836 : vector<16xi1>, vector<16xi32>
      %add3A_838 = arith.addi %add3A_802, %select_n3A_837 : vector<16xi32>
      %sub3A_839 = vector.broadcast %reduce_max3A_15 : f32 to vector<16xf32>
      %sub3A_840 = arith.subf %bitcast_convert_type3A_822, %sub3A_839 : vector<16xf32>
      %exp3A_841 = math.exp %sub3A_840 : vector<16xf32>
      %jit3A_842 = arith.constant 0.000000e+00 : f32
      %broadcast_in_dim3A_843 = vector.broadcast %jit3A_842 : f32 to vector<16xf32>
      %select_n3A_844 = arith.select %gt3A_824, %exp3A_841, %broadcast_in_dim3A_843 : vector<16xi1>, vector<16xf32>
      %add3A_845 = arith.addf %add3A_809, %select_n3A_844 : vector<16xf32>
      %add3A_846 = arith.constant 64 : i32
      %add3A_847 = arith.addi %mul3A_702, %add3A_846 : i32
      %get3A_848 = arith.index_cast %add3A_847 : i32 to index
      %get3A_849 = tpu.vector_load %arg4[%get3A_848] {strides = array<i32>} : memref<32768xf32, #tpu.memory_space<vmem>>, vector<16xf32>,
      %bitcast_convert_type3A_850 = tpu.bitcast %get3A_849 : vector<16xf32> -> vector<16xi32>
      %ge3A_851 = arith.constant 0 : i32
      %ge3A_852 = vector.broadcast %ge3A_851 : i32 to vector<16xi32>
      %ge3A_853 = arith.cmpi sge, %bitcast_convert_type3A_850, %ge3A_852 : vector<16xi32>
      %xor3A_854 = arith.constant 2147483647 : i32
      %xor3A_855 = vector.broadcast %xor3A_854 : i32 to vector<16xi32>
      %xor3A_856 = arith.xori %bitcast_convert_type3A_850, %xor3A_855 : vector<16xi32>
      %select_n3A_857 = arith.select %ge3A_853, %bitcast_convert_type3A_850, %xor3A_856 : vector<16xi1>, vector<16xi32>
      %bitcast_convert_type3A_858 = tpu.bitcast %select_n3A_857 : vector<16xi32> -> vector<16xf32>
      %gt3A_859 = vector.broadcast %select_n3A_270 : i32 to vector<16xi32>
      %gt3A_860 = arith.cmpi sgt, %bitcast_convert_type3A_850, %gt3A_859 : vector<16xi32>
      %jit3A_861 = arith.constant 1 : i32
      %jit3A_862 = arith.constant 0 : i32
      %broadcast_in_dim3A_863 = vector.broadcast %jit3A_861 : i32 to vector<16xi32>
      %broadcast_in_dim3A_864 = vector.broadcast %jit3A_862 : i32 to vector<16xi32>
      %select_n3A_865 = arith.select %gt3A_860, %broadcast_in_dim3A_863, %broadcast_in_dim3A_864 : vector<16xi1>, vector<16xi32>
      %add3A_866 = arith.addi %add3A_830, %select_n3A_865 : vector<16xi32>
      %eq3A_867 = vector.broadcast %select_n3A_270 : i32 to vector<16xi32>
      %eq3A_868 = arith.cmpi eq, %bitcast_convert_type3A_850, %eq3A_867 : vector<16xi32>
      %jit3A_869 = arith.constant 1 : i32
      %jit3A_870 = arith.constant 0 : i32
      %broadcast_in_dim3A_871 = vector.broadcast %jit3A_869 : i32 to vector<16xi32>
      %broadcast_in_dim3A_872 = vector.broadcast %jit3A_870 : i32 to vector<16xi32>
      %select_n3A_873 = arith.select %eq3A_868, %broadcast_in_dim3A_871, %broadcast_in_dim3A_872 : vector<16xi1>, vector<16xi32>
      %add3A_874 = arith.addi %add3A_838, %select_n3A_873 : vector<16xi32>
      %sub3A_875 = vector.broadcast %reduce_max3A_15 : f32 to vector<16xf32>
      %sub3A_876 = arith.subf %bitcast_convert_type3A_858, %sub3A_875 : vector<16xf32>
      %exp3A_877 = math.exp %sub3A_876 : vector<16xf32>
      %jit3A_878 = arith.constant 0.000000e+00 : f32
      %broadcast_in_dim3A_879 = vector.broadcast %jit3A_878 : f32 to vector<16xf32>
      %select_n3A_880 = arith.select %gt3A_860, %exp3A_877, %broadcast_in_dim3A_879 : vector<16xi1>, vector<16xf32>
      %add3A_881 = arith.addf %add3A_845, %select_n3A_880 : vector<16xf32>
      %add3A_882 = arith.constant 80 : i32
      %add3A_883 = arith.addi %mul3A_702, %add3A_882 : i32
      %get3A_884 = arith.index_cast %add3A_883 : i32 to index
      %get3A_885 = tpu.vector_load %arg4[%get3A_884] {strides = array<i32>} : memref<32768xf32, #tpu.memory_space<vmem>>, vector<16xf32>,
      %bitcast_convert_type3A_886 = tpu.bitcast %get3A_885 : vector<16xf32> -> vector<16xi32>
      %ge3A_887 = arith.constant 0 : i32
      %ge3A_888 = vector.broadcast %ge3A_887 : i32 to vector<16xi32>
      %ge3A_889 = arith.cmpi sge, %bitcast_convert_type3A_886, %ge3A_888 : vector<16xi32>
      %xor3A_890 = arith.constant 2147483647 : i32
      %xor3A_891 = vector.broadcast %xor3A_890 : i32 to vector<16xi32>
      %xor3A_892 = arith.xori %bitcast_convert_type3A_886, %xor3A_891 : vector<16xi32>
      %select_n3A_893 = arith.select %ge3A_889, %bitcast_convert_type3A_886, %xor3A_892 : vector<16xi1>, vector<16xi32>
      %bitcast_convert_type3A_894 = tpu.bitcast %select_n3A_893 : vector<16xi32> -> vector<16xf32>
      %gt3A_895 = vector.broadcast %select_n3A_270 : i32 to vector<16xi32>
      %gt3A_896 = arith.cmpi sgt, %bitcast_convert_type3A_886, %gt3A_895 : vector<16xi32>
      %jit3A_897 = arith.constant 1 : i32
      %jit3A_898 = arith.constant 0 : i32
      %broadcast_in_dim3A_899 = vector.broadcast %jit3A_897 : i32 to vector<16xi32>
      %broadcast_in_dim3A_900 = vector.broadcast %jit3A_898 : i32 to vector<16xi32>
      %select_n3A_901 = arith.select %gt3A_896, %broadcast_in_dim3A_899, %broadcast_in_dim3A_900 : vector<16xi1>, vector<16xi32>
      %add3A_902 = arith.addi %add3A_866, %select_n3A_901 : vector<16xi32>
      %eq3A_903 = vector.broadcast %select_n3A_270 : i32 to vector<16xi32>
      %eq3A_904 = arith.cmpi eq, %bitcast_convert_type3A_886, %eq3A_903 : vector<16xi32>
      %jit3A_905 = arith.constant 1 : i32
      %jit3A_906 = arith.constant 0 : i32
      %broadcast_in_dim3A_907 = vector.broadcast %jit3A_905 : i32 to vector<16xi32>
      %broadcast_in_dim3A_908 = vector.broadcast %jit3A_906 : i32 to vector<16xi32>
      %select_n3A_909 = arith.select %eq3A_904, %broadcast_in_dim3A_907, %broadcast_in_dim3A_908 : vector<16xi1>, vector<16xi32>
      %add3A_910 = arith.addi %add3A_874, %select_n3A_909 : vector<16xi32>
      %sub3A_911 = vector.broadcast %reduce_max3A_15 : f32 to vector<16xf32>
      %sub3A_912 = arith.subf %bitcast_convert_type3A_894, %sub3A_911 : vector<16xf32>
      %exp3A_913 = math.exp %sub3A_912 : vector<16xf32>
      %jit3A_914 = arith.constant 0.000000e+00 : f32
      %broadcast_in_dim3A_915 = vector.broadcast %jit3A_914 : f32 to vector<16xf32>
      %select_n3A_916 = arith.select %gt3A_896, %exp3A_913, %broadcast_in_dim3A_915 : vector<16xi1>, vector<16xf32>
      %add3A_917 = arith.addf %add3A_881, %select_n3A_916 : vector<16xf32>
      %add3A_918 = arith.constant 96 : i32
      %add3A_919 = arith.addi %mul3A_702, %add3A_918 : i32
      %get3A_920 = arith.index_cast %add3A_919 : i32 to index
      %get3A_921 = tpu.vector_load %arg4[%get3A_920] {strides = array<i32>} : memref<32768xf32, #tpu.memory_space<vmem>>, vector<16xf32>,
      %bitcast_convert_type3A_922 = tpu.bitcast %get3A_921 : vector<16xf32> -> vector<16xi32>
      %ge3A_923 = arith.constant 0 : i32
      %ge3A_924 = vector.broadcast %ge3A_923 : i32 to vector<16xi32>
      %ge3A_925 = arith.cmpi sge, %bitcast_convert_type3A_922, %ge3A_924 : vector<16xi32>
      %xor3A_926 = arith.constant 2147483647 : i32
      %xor3A_927 = vector.broadcast %xor3A_926 : i32 to vector<16xi32>
      %xor3A_928 = arith.xori %bitcast_convert_type3A_922, %xor3A_927 : vector<16xi32>
      %select_n3A_929 = arith.select %ge3A_925, %bitcast_convert_type3A_922, %xor3A_928 : vector<16xi1>, vector<16xi32>
      %bitcast_convert_type3A_930 = tpu.bitcast %select_n3A_929 : vector<16xi32> -> vector<16xf32>
      %gt3A_931 = vector.broadcast %select_n3A_270 : i32 to vector<16xi32>
      %gt3A_932 = arith.cmpi sgt, %bitcast_convert_type3A_922, %gt3A_931 : vector<16xi32>
      %jit3A_933 = arith.constant 1 : i32
      %jit3A_934 = arith.constant 0 : i32
      %broadcast_in_dim3A_935 = vector.broadcast %jit3A_933 : i32 to vector<16xi32>
      %broadcast_in_dim3A_936 = vector.broadcast %jit3A_934 : i32 to vector<16xi32>
      %select_n3A_937 = arith.select %gt3A_932, %broadcast_in_dim3A_935, %broadcast_in_dim3A_936 : vector<16xi1>, vector<16xi32>
      %add3A_938 = arith.addi %add3A_902, %select_n3A_937 : vector<16xi32>
      %eq3A_939 = vector.broadcast %select_n3A_270 : i32 to vector<16xi32>
      %eq3A_940 = arith.cmpi eq, %bitcast_convert_type3A_922, %eq3A_939 : vector<16xi32>
      %jit3A_941 = arith.constant 1 : i32
      %jit3A_942 = arith.constant 0 : i32
      %broadcast_in_dim3A_943 = vector.broadcast %jit3A_941 : i32 to vector<16xi32>
      %broadcast_in_dim3A_944 = vector.broadcast %jit3A_942 : i32 to vector<16xi32>
      %select_n3A_945 = arith.select %eq3A_940, %broadcast_in_dim3A_943, %broadcast_in_dim3A_944 : vector<16xi1>, vector<16xi32>
      %add3A_946 = arith.addi %add3A_910, %select_n3A_945 : vector<16xi32>
      %sub3A_947 = vector.broadcast %reduce_max3A_15 : f32 to vector<16xf32>
      %sub3A_948 = arith.subf %bitcast_convert_type3A_930, %sub3A_947 : vector<16xf32>
      %exp3A_949 = math.exp %sub3A_948 : vector<16xf32>
      %jit3A_950 = arith.constant 0.000000e+00 : f32
      %broadcast_in_dim3A_951 = vector.broadcast %jit3A_950 : f32 to vector<16xf32>
      %select_n3A_952 = arith.select %gt3A_932, %exp3A_949, %broadcast_in_dim3A_951 : vector<16xi1>, vector<16xf32>
      %add3A_953 = arith.addf %add3A_917, %select_n3A_952 : vector<16xf32>
      %add3A_954 = arith.constant 112 : i32
      %add3A_955 = arith.addi %mul3A_702, %add3A_954 : i32
      %get3A_956 = arith.index_cast %add3A_955 : i32 to index
      %get3A_957 = tpu.vector_load %arg4[%get3A_956] {strides = array<i32>} : memref<32768xf32, #tpu.memory_space<vmem>>, vector<16xf32>,
      %bitcast_convert_type3A_958 = tpu.bitcast %get3A_957 : vector<16xf32> -> vector<16xi32>
      %ge3A_959 = arith.constant 0 : i32
      %ge3A_960 = vector.broadcast %ge3A_959 : i32 to vector<16xi32>
      %ge3A_961 = arith.cmpi sge, %bitcast_convert_type3A_958, %ge3A_960 : vector<16xi32>
      %xor3A_962 = arith.constant 2147483647 : i32
      %xor3A_963 = vector.broadcast %xor3A_962 : i32 to vector<16xi32>
      %xor3A_964 = arith.xori %bitcast_convert_type3A_958, %xor3A_963 : vector<16xi32>
      %select_n3A_965 = arith.select %ge3A_961, %bitcast_convert_type3A_958, %xor3A_964 : vector<16xi1>, vector<16xi32>
      %bitcast_convert_type3A_966 = tpu.bitcast %select_n3A_965 : vector<16xi32> -> vector<16xf32>
      %gt3A_967 = vector.broadcast %select_n3A_270 : i32 to vector<16xi32>
      %gt3A_968 = arith.cmpi sgt, %bitcast_convert_type3A_958, %gt3A_967 : vector<16xi32>
      %jit3A_969 = arith.constant 1 : i32
      %jit3A_970 = arith.constant 0 : i32
      %broadcast_in_dim3A_971 = vector.broadcast %jit3A_969 : i32 to vector<16xi32>
      %broadcast_in_dim3A_972 = vector.broadcast %jit3A_970 : i32 to vector<16xi32>
      %select_n3A_973 = arith.select %gt3A_968, %broadcast_in_dim3A_971, %broadcast_in_dim3A_972 : vector<16xi1>, vector<16xi32>
      %add3A_974 = arith.addi %add3A_938, %select_n3A_973 : vector<16xi32>
      %eq3A_975 = vector.broadcast %select_n3A_270 : i32 to vector<16xi32>
      %eq3A_976 = arith.cmpi eq, %bitcast_convert_type3A_958, %eq3A_975 : vector<16xi32>
      %jit3A_977 = arith.constant 1 : i32
      %jit3A_978 = arith.constant 0 : i32
      %broadcast_in_dim3A_979 = vector.broadcast %jit3A_977 : i32 to vector<16xi32>
      %broadcast_in_dim3A_980 = vector.broadcast %jit3A_978 : i32 to vector<16xi32>
      %select_n3A_981 = arith.select %eq3A_976, %broadcast_in_dim3A_979, %broadcast_in_dim3A_980 : vector<16xi1>, vector<16xi32>
      %add3A_982 = arith.addi %add3A_946, %select_n3A_981 : vector<16xi32>
      %sub3A_983 = vector.broadcast %reduce_max3A_15 : f32 to vector<16xf32>
      %sub3A_984 = arith.subf %bitcast_convert_type3A_966, %sub3A_983 : vector<16xf32>
      %exp3A_985 = math.exp %sub3A_984 : vector<16xf32>
      %jit3A_986 = arith.constant 0.000000e+00 : f32
      %broadcast_in_dim3A_987 = vector.broadcast %jit3A_986 : f32 to vector<16xf32>
      %select_n3A_988 = arith.select %gt3A_968, %exp3A_985, %broadcast_in_dim3A_987 : vector<16xi1>, vector<16xf32>
      %add3A_989 = arith.addf %add3A_953, %select_n3A_988 : vector<16xf32>
      scf.yield %add3A_974, %add3A_982, %add3A_989 : vector<16xi32>, vector<16xi32>, vector<16xf32>
    }
    %scan3A_282 = arith.constant 256 : i32
    %reduce_sum3A_283 = arith.constant true
    %reduce_sum3A_284 = vector.broadcast %reduce_sum3A_283 : i1 to vector<16xi1>
    %reduce_sum3A_285 = tpu.scan <sum>, %scan3A_281#0 masked %reduce_sum3A_284 : vector<16xi32>, vector<16xi1> -> vector<16xi32>
    %reduce_sum3A_286 = vector.extract %reduce_sum3A_285[15] : i32 from vector<16xi32>
    %reduce_sum3A_287 = arith.constant true
    %reduce_sum3A_288 = vector.broadcast %reduce_sum3A_287 : i1 to vector<16xi1>
    %reduce_sum3A_289 = tpu.scan <sum>, %scan3A_281#1 masked %reduce_sum3A_288 : vector<16xi32>, vector<16xi1> -> vector<16xi32>
    %reduce_sum3A_290 = vector.extract %reduce_sum3A_289[15] : i32 from vector<16xi32>
    %sub3A_291 = arith.constant 512 : i32
    %sub3A_292 = arith.subi %sub3A_291, %reduce_sum3A_286 : i32
    %broadcast_in_dim3A_293 = arith.constant 0 : i32
    %broadcast_in_dim3A_294 = vector.broadcast %broadcast_in_dim3A_293 : i32 to vector<16xi32>
    %add3A_295 = vector.broadcast %select_n3A_270 : i32 to vector<16xi32>
    %add3A_296 = arith.addi %broadcast_in_dim3A_294, %add3A_295 : vector<16xi32>
    %ge3A_297 = arith.constant 0 : i32
    %ge3A_298 = vector.broadcast %ge3A_297 : i32 to vector<16xi32>
    %ge3A_299 = arith.cmpi sge, %add3A_296, %ge3A_298 : vector<16xi32>
    %xor3A = arith.constant 2147483647 : i32
    %xor3A_300 = vector.broadcast %xor3A : i32 to vector<16xi32>
    %xor3A_301 = arith.xori %add3A_296, %xor3A_300 : vector<16xi32>
    %select_n3A_302 = arith.select %ge3A_299, %add3A_296, %xor3A_301 : vector<16xi1>, vector<16xi32>
    %bitcast_convert_type3A = tpu.bitcast %select_n3A_302 : vector<16xi32> -> vector<16xf32>
    %sub3A_303 = vector.broadcast %reduce_max3A_15 : f32 to vector<16xf32>
    %sub3A_304 = arith.subf %bitcast_convert_type3A, %sub3A_303 : vector<16xf32>
    %exp3A = math.exp %sub3A_304 : vector<16xf32>
    %reduce_max3A_305 = arith.constant true
    %reduce_max3A_306 = vector.broadcast %reduce_max3A_305 : i1 to vector<16xi1>
    %reduce_max3A_307 = tpu.scan <max>, %exp3A masked %reduce_max3A_306 : vector<16xf32>, vector<16xi1> -> vector<16xf32>
    %reduce_max3A_308 = vector.extract %reduce_max3A_307[15] : f32 from vector<16xf32>
    %reduce_sum3A_309 = arith.constant true
    %reduce_sum3A_310 = vector.broadcast %reduce_sum3A_309 : i1 to vector<16xi1>
    %reduce_sum3A_311 = tpu.scan <sum>, %scan3A_281#2 masked %reduce_sum3A_310 : vector<16xf32>, vector<16xi1> -> vector<16xf32>
    %reduce_sum3A_312 = vector.extract %reduce_sum3A_311[15] : f32 from vector<16xf32>
    %convert_element_type3A = arith.sitofp %sub3A_292 : i32 to f32
    %mul3A_313 = arith.mulf %convert_element_type3A, %reduce_max3A_308 : f32
    %add3A_314 = arith.addf %reduce_sum3A_312, %mul3A_313 : f32
    %eq3A_315 = arith.cmpi eq, %reduce_sum3A_290, %sub3A_292 : i32
    %convert_element_type3A_316 = arith.extui %eq3A_315 : i1 to i32
    %cond3A = arith.constant 0 : i32
    %cond3A_317 = arith.constant 0 : i32
    %cond3A_318 = arith.cmpi ne, %convert_element_type3A_316, %cond3A_317 : i32
    %cond3A_319 = scf.if %cond3A_318 -> (i32) {
      %cond3A_697 = arith.constant 32768 : i32
      scf.yield %cond3A_697 : i32
    } else {
      %scan3A_697 = arith.constant 0 : i32
      %scan3A_698 = arith.constant 0 : i32
      %scan3A_699 = arith.constant 16 : i32
      %scan3A_700 = arith.addi %scan3A_698, %scan3A_699 : i32
      %scan3A_701 = arith.constant 1 : i32
      %scan3A_702 = scf.for %scan3A_704 = %scan3A_698 to %scan3A_700 step %scan3A_701 iter_args(%scan3A_705 = %scan3A_697) -> (i32)  : i32 {
        %sub3A_706 = arith.constant 15 : i32
        %sub3A_707 = arith.subi %sub3A_706, %scan3A_704 : i32
        %shift_left3A_708 = arith.constant 1 : i32
        %shift_left3A_709 = arith.shli %shift_left3A_708, %sub3A_707 : i32
        %add3A_710 = arith.addi %scan3A_705, %shift_left3A_709 : i32
        %broadcast_in_dim3A_711 = arith.constant 0 : i32
        %broadcast_in_dim3A_712 = vector.broadcast %broadcast_in_dim3A_711 : i32 to vector<16xi32>
        %scan3A_713 = arith.constant 0 : i32
        %scan3A_714 = arith.constant 256 : i32
        %scan3A_715 = arith.addi %scan3A_713, %scan3A_714 : i32
        %scan3A_716 = arith.constant 1 : i32
        %scan3A_717 = scf.for %scan3A_724 = %scan3A_713 to %scan3A_715 step %scan3A_716 iter_args(%scan3A_725 = %broadcast_in_dim3A_712) -> (vector<16xi32>)  : i32 {
          %mul3A_726 = arith.constant 128 : i32
          %mul3A_727 = arith.muli %scan3A_724, %mul3A_726 : i32
          %add3A_728 = arith.constant 0 : i32
          %add3A_729 = arith.addi %mul3A_727, %add3A_728 : i32
          %get3A_730 = arith.index_cast %add3A_729 : i32 to index
          %get3A_731 = tpu.vector_load %arg4[%get3A_730] {strides = array<i32>} : memref<32768xf32, #tpu.memory_space<vmem>>, vector<16xf32>,
          %bitcast_convert_type3A_732 = tpu.bitcast %get3A_731 : vector<16xf32> -> vector<16xi32>
          %add3A_733 = arith.constant 0 : i32
          %add3A_734 = arith.addi %mul3A_727, %add3A_733 : i32
          %iota3A_735 = tpu.iota {dimensions = array<i32: 0>} : vector<16xi32>
          %add3A_736 = vector.broadcast %add3A_734 : i32 to vector<16xi32>
          %add3A_737 = arith.addi %add3A_736, %iota3A_735 : vector<16xi32>
          %eq3A_738 = vector.broadcast %select_n3A_270 : i32 to vector<16xi32>
          %eq3A_739 = arith.cmpi eq, %bitcast_convert_type3A_732, %eq3A_738 : vector<16xi32>
          %lt3A_740 = vector.broadcast %add3A_710 : i32 to vector<16xi32>
          %lt3A_741 = arith.cmpi slt, %add3A_737, %lt3A_740 : vector<16xi32>
          %and3A = arith.andi %eq3A_739, %lt3A_741 : vector<16xi1>
          %jit3A_742 = arith.constant 1 : i32
          %jit3A_743 = arith.constant 0 : i32
          %broadcast_in_dim3A_744 = vector.broadcast %jit3A_742 : i32 to vector<16xi32>
          %broadcast_in_dim3A_745 = vector.broadcast %jit3A_743 : i32 to vector<16xi32>
          %select_n3A_746 = arith.select %and3A, %broadcast_in_dim3A_744, %broadcast_in_dim3A_745 : vector<16xi1>, vector<16xi32>
          %add3A_747 = arith.addi %scan3A_725, %select_n3A_746 : vector<16xi32>
          %add3A_748 = arith.constant 16 : i32
          %add3A_749 = arith.addi %mul3A_727, %add3A_748 : i32
          %get3A_750 = arith.index_cast %add3A_749 : i32 to index
          %get3A_751 = tpu.vector_load %arg4[%get3A_750] {strides = array<i32>} : memref<32768xf32, #tpu.memory_space<vmem>>, vector<16xf32>,
          %bitcast_convert_type3A_752 = tpu.bitcast %get3A_751 : vector<16xf32> -> vector<16xi32>
          %add3A_753 = arith.constant 16 : i32
          %add3A_754 = arith.addi %mul3A_727, %add3A_753 : i32
          %iota3A_755 = tpu.iota {dimensions = array<i32: 0>} : vector<16xi32>
          %add3A_756 = vector.broadcast %add3A_754 : i32 to vector<16xi32>
          %add3A_757 = arith.addi %add3A_756, %iota3A_755 : vector<16xi32>
          %eq3A_758 = vector.broadcast %select_n3A_270 : i32 to vector<16xi32>
          %eq3A_759 = arith.cmpi eq, %bitcast_convert_type3A_752, %eq3A_758 : vector<16xi32>
          %lt3A_760 = vector.broadcast %add3A_710 : i32 to vector<16xi32>
          %lt3A_761 = arith.cmpi slt, %add3A_757, %lt3A_760 : vector<16xi32>
          %and3A_762 = arith.andi %eq3A_759, %lt3A_761 : vector<16xi1>
          %jit3A_763 = arith.constant 1 : i32
          %jit3A_764 = arith.constant 0 : i32
          %broadcast_in_dim3A_765 = vector.broadcast %jit3A_763 : i32 to vector<16xi32>
          %broadcast_in_dim3A_766 = vector.broadcast %jit3A_764 : i32 to vector<16xi32>
          %select_n3A_767 = arith.select %and3A_762, %broadcast_in_dim3A_765, %broadcast_in_dim3A_766 : vector<16xi1>, vector<16xi32>
          %add3A_768 = arith.addi %add3A_747, %select_n3A_767 : vector<16xi32>
          %add3A_769 = arith.constant 32 : i32
          %add3A_770 = arith.addi %mul3A_727, %add3A_769 : i32
          %get3A_771 = arith.index_cast %add3A_770 : i32 to index
          %get3A_772 = tpu.vector_load %arg4[%get3A_771] {strides = array<i32>} : memref<32768xf32, #tpu.memory_space<vmem>>, vector<16xf32>,
          %bitcast_convert_type3A_773 = tpu.bitcast %get3A_772 : vector<16xf32> -> vector<16xi32>
          %add3A_774 = arith.constant 32 : i32
          %add3A_775 = arith.addi %mul3A_727, %add3A_774 : i32
          %iota3A_776 = tpu.iota {dimensions = array<i32: 0>} : vector<16xi32>
          %add3A_777 = vector.broadcast %add3A_775 : i32 to vector<16xi32>
          %add3A_778 = arith.addi %add3A_777, %iota3A_776 : vector<16xi32>
          %eq3A_779 = vector.broadcast %select_n3A_270 : i32 to vector<16xi32>
          %eq3A_780 = arith.cmpi eq, %bitcast_convert_type3A_773, %eq3A_779 : vector<16xi32>
          %lt3A_781 = vector.broadcast %add3A_710 : i32 to vector<16xi32>
          %lt3A_782 = arith.cmpi slt, %add3A_778, %lt3A_781 : vector<16xi32>
          %and3A_783 = arith.andi %eq3A_780, %lt3A_782 : vector<16xi1>
          %jit3A_784 = arith.constant 1 : i32
          %jit3A_785 = arith.constant 0 : i32
          %broadcast_in_dim3A_786 = vector.broadcast %jit3A_784 : i32 to vector<16xi32>
          %broadcast_in_dim3A_787 = vector.broadcast %jit3A_785 : i32 to vector<16xi32>
          %select_n3A_788 = arith.select %and3A_783, %broadcast_in_dim3A_786, %broadcast_in_dim3A_787 : vector<16xi1>, vector<16xi32>
          %add3A_789 = arith.addi %add3A_768, %select_n3A_788 : vector<16xi32>
          %add3A_790 = arith.constant 48 : i32
          %add3A_791 = arith.addi %mul3A_727, %add3A_790 : i32
          %get3A_792 = arith.index_cast %add3A_791 : i32 to index
          %get3A_793 = tpu.vector_load %arg4[%get3A_792] {strides = array<i32>} : memref<32768xf32, #tpu.memory_space<vmem>>, vector<16xf32>,
          %bitcast_convert_type3A_794 = tpu.bitcast %get3A_793 : vector<16xf32> -> vector<16xi32>
          %add3A_795 = arith.constant 48 : i32
          %add3A_796 = arith.addi %mul3A_727, %add3A_795 : i32
          %iota3A_797 = tpu.iota {dimensions = array<i32: 0>} : vector<16xi32>
          %add3A_798 = vector.broadcast %add3A_796 : i32 to vector<16xi32>
          %add3A_799 = arith.addi %add3A_798, %iota3A_797 : vector<16xi32>
          %eq3A_800 = vector.broadcast %select_n3A_270 : i32 to vector<16xi32>
          %eq3A_801 = arith.cmpi eq, %bitcast_convert_type3A_794, %eq3A_800 : vector<16xi32>
          %lt3A_802 = vector.broadcast %add3A_710 : i32 to vector<16xi32>
          %lt3A_803 = arith.cmpi slt, %add3A_799, %lt3A_802 : vector<16xi32>
          %and3A_804 = arith.andi %eq3A_801, %lt3A_803 : vector<16xi1>
          %jit3A_805 = arith.constant 1 : i32
          %jit3A_806 = arith.constant 0 : i32
          %broadcast_in_dim3A_807 = vector.broadcast %jit3A_805 : i32 to vector<16xi32>
          %broadcast_in_dim3A_808 = vector.broadcast %jit3A_806 : i32 to vector<16xi32>
          %select_n3A_809 = arith.select %and3A_804, %broadcast_in_dim3A_807, %broadcast_in_dim3A_808 : vector<16xi1>, vector<16xi32>
          %add3A_810 = arith.addi %add3A_789, %select_n3A_809 : vector<16xi32>
          %add3A_811 = arith.constant 64 : i32
          %add3A_812 = arith.addi %mul3A_727, %add3A_811 : i32
          %get3A_813 = arith.index_cast %add3A_812 : i32 to index
          %get3A_814 = tpu.vector_load %arg4[%get3A_813] {strides = array<i32>} : memref<32768xf32, #tpu.memory_space<vmem>>, vector<16xf32>,
          %bitcast_convert_type3A_815 = tpu.bitcast %get3A_814 : vector<16xf32> -> vector<16xi32>
          %add3A_816 = arith.constant 64 : i32
          %add3A_817 = arith.addi %mul3A_727, %add3A_816 : i32
          %iota3A_818 = tpu.iota {dimensions = array<i32: 0>} : vector<16xi32>
          %add3A_819 = vector.broadcast %add3A_817 : i32 to vector<16xi32>
          %add3A_820 = arith.addi %add3A_819, %iota3A_818 : vector<16xi32>
          %eq3A_821 = vector.broadcast %select_n3A_270 : i32 to vector<16xi32>
          %eq3A_822 = arith.cmpi eq, %bitcast_convert_type3A_815, %eq3A_821 : vector<16xi32>
          %lt3A_823 = vector.broadcast %add3A_710 : i32 to vector<16xi32>
          %lt3A_824 = arith.cmpi slt, %add3A_820, %lt3A_823 : vector<16xi32>
          %and3A_825 = arith.andi %eq3A_822, %lt3A_824 : vector<16xi1>
          %jit3A_826 = arith.constant 1 : i32
          %jit3A_827 = arith.constant 0 : i32
          %broadcast_in_dim3A_828 = vector.broadcast %jit3A_826 : i32 to vector<16xi32>
          %broadcast_in_dim3A_829 = vector.broadcast %jit3A_827 : i32 to vector<16xi32>
          %select_n3A_830 = arith.select %and3A_825, %broadcast_in_dim3A_828, %broadcast_in_dim3A_829 : vector<16xi1>, vector<16xi32>
          %add3A_831 = arith.addi %add3A_810, %select_n3A_830 : vector<16xi32>
          %add3A_832 = arith.constant 80 : i32
          %add3A_833 = arith.addi %mul3A_727, %add3A_832 : i32
          %get3A_834 = arith.index_cast %add3A_833 : i32 to index
          %get3A_835 = tpu.vector_load %arg4[%get3A_834] {strides = array<i32>} : memref<32768xf32, #tpu.memory_space<vmem>>, vector<16xf32>,
          %bitcast_convert_type3A_836 = tpu.bitcast %get3A_835 : vector<16xf32> -> vector<16xi32>
          %add3A_837 = arith.constant 80 : i32
          %add3A_838 = arith.addi %mul3A_727, %add3A_837 : i32
          %iota3A_839 = tpu.iota {dimensions = array<i32: 0>} : vector<16xi32>
          %add3A_840 = vector.broadcast %add3A_838 : i32 to vector<16xi32>
          %add3A_841 = arith.addi %add3A_840, %iota3A_839 : vector<16xi32>
          %eq3A_842 = vector.broadcast %select_n3A_270 : i32 to vector<16xi32>
          %eq3A_843 = arith.cmpi eq, %bitcast_convert_type3A_836, %eq3A_842 : vector<16xi32>
          %lt3A_844 = vector.broadcast %add3A_710 : i32 to vector<16xi32>
          %lt3A_845 = arith.cmpi slt, %add3A_841, %lt3A_844 : vector<16xi32>
          %and3A_846 = arith.andi %eq3A_843, %lt3A_845 : vector<16xi1>
          %jit3A_847 = arith.constant 1 : i32
          %jit3A_848 = arith.constant 0 : i32
          %broadcast_in_dim3A_849 = vector.broadcast %jit3A_847 : i32 to vector<16xi32>
          %broadcast_in_dim3A_850 = vector.broadcast %jit3A_848 : i32 to vector<16xi32>
          %select_n3A_851 = arith.select %and3A_846, %broadcast_in_dim3A_849, %broadcast_in_dim3A_850 : vector<16xi1>, vector<16xi32>
          %add3A_852 = arith.addi %add3A_831, %select_n3A_851 : vector<16xi32>
          %add3A_853 = arith.constant 96 : i32
          %add3A_854 = arith.addi %mul3A_727, %add3A_853 : i32
          %get3A_855 = arith.index_cast %add3A_854 : i32 to index
          %get3A_856 = tpu.vector_load %arg4[%get3A_855] {strides = array<i32>} : memref<32768xf32, #tpu.memory_space<vmem>>, vector<16xf32>,
          %bitcast_convert_type3A_857 = tpu.bitcast %get3A_856 : vector<16xf32> -> vector<16xi32>
          %add3A_858 = arith.constant 96 : i32
          %add3A_859 = arith.addi %mul3A_727, %add3A_858 : i32
          %iota3A_860 = tpu.iota {dimensions = array<i32: 0>} : vector<16xi32>
          %add3A_861 = vector.broadcast %add3A_859 : i32 to vector<16xi32>
          %add3A_862 = arith.addi %add3A_861, %iota3A_860 : vector<16xi32>
          %eq3A_863 = vector.broadcast %select_n3A_270 : i32 to vector<16xi32>
          %eq3A_864 = arith.cmpi eq, %bitcast_convert_type3A_857, %eq3A_863 : vector<16xi32>
          %lt3A_865 = vector.broadcast %add3A_710 : i32 to vector<16xi32>
          %lt3A_866 = arith.cmpi slt, %add3A_862, %lt3A_865 : vector<16xi32>
          %and3A_867 = arith.andi %eq3A_864, %lt3A_866 : vector<16xi1>
          %jit3A_868 = arith.constant 1 : i32
          %jit3A_869 = arith.constant 0 : i32
          %broadcast_in_dim3A_870 = vector.broadcast %jit3A_868 : i32 to vector<16xi32>
          %broadcast_in_dim3A_871 = vector.broadcast %jit3A_869 : i32 to vector<16xi32>
          %select_n3A_872 = arith.select %and3A_867, %broadcast_in_dim3A_870, %broadcast_in_dim3A_871 : vector<16xi1>, vector<16xi32>
          %add3A_873 = arith.addi %add3A_852, %select_n3A_872 : vector<16xi32>
          %add3A_874 = arith.constant 112 : i32
          %add3A_875 = arith.addi %mul3A_727, %add3A_874 : i32
          %get3A_876 = arith.index_cast %add3A_875 : i32 to index
          %get3A_877 = tpu.vector_load %arg4[%get3A_876] {strides = array<i32>} : memref<32768xf32, #tpu.memory_space<vmem>>, vector<16xf32>,
          %bitcast_convert_type3A_878 = tpu.bitcast %get3A_877 : vector<16xf32> -> vector<16xi32>
          %add3A_879 = arith.constant 112 : i32
          %add3A_880 = arith.addi %mul3A_727, %add3A_879 : i32
          %iota3A_881 = tpu.iota {dimensions = array<i32: 0>} : vector<16xi32>
          %add3A_882 = vector.broadcast %add3A_880 : i32 to vector<16xi32>
          %add3A_883 = arith.addi %add3A_882, %iota3A_881 : vector<16xi32>
          %eq3A_884 = vector.broadcast %select_n3A_270 : i32 to vector<16xi32>
          %eq3A_885 = arith.cmpi eq, %bitcast_convert_type3A_878, %eq3A_884 : vector<16xi32>
          %lt3A_886 = vector.broadcast %add3A_710 : i32 to vector<16xi32>
          %lt3A_887 = arith.cmpi slt, %add3A_883, %lt3A_886 : vector<16xi32>
          %and3A_888 = arith.andi %eq3A_885, %lt3A_887 : vector<16xi1>
          %jit3A_889 = arith.constant 1 : i32
          %jit3A_890 = arith.constant 0 : i32
          %broadcast_in_dim3A_891 = vector.broadcast %jit3A_889 : i32 to vector<16xi32>
          %broadcast_in_dim3A_892 = vector.broadcast %jit3A_890 : i32 to vector<16xi32>
          %select_n3A_893 = arith.select %and3A_888, %broadcast_in_dim3A_891, %broadcast_in_dim3A_892 : vector<16xi1>, vector<16xi32>
          %add3A_894 = arith.addi %add3A_873, %select_n3A_893 : vector<16xi32>
          scf.yield %add3A_894 : vector<16xi32>
        }
        %scan3A_718 = arith.constant 256 : i32
        %reduce_sum3A_719 = arith.constant true
        %reduce_sum3A_720 = vector.broadcast %reduce_sum3A_719 : i1 to vector<16xi1>
        %reduce_sum3A_721 = tpu.scan <sum>, %scan3A_717 masked %reduce_sum3A_720 : vector<16xi32>, vector<16xi1> -> vector<16xi32>
        %reduce_sum3A_722 = vector.extract %reduce_sum3A_721[15] : i32 from vector<16xi32>
        %le3A = arith.cmpi sle, %reduce_sum3A_722, %sub3A_292 : i32
        %select_n3A_723 = arith.select %le3A, %add3A_710, %scan3A_705 : i32
        scf.yield %select_n3A_723 : i32
      }
      %scan3A_703 = arith.constant 16 : i32
      scf.yield %scan3A_702 : i32
    }
    %mul3A_320 = arith.constant 2 : i32
    %mul3A_321 = arith.muli %mul3A_320, %add3A : i32
    %add3A_322 = arith.constant 1 : i32
    %add3A_323 = arith.addi %mul3A_321, %add3A_322 : i32
    "tpu.region"() ({
      %run_scoped3A = tpu.sem_alloc : memref<!tpu.dma_semaphore, #tpu.memory_space<semaphore_mem>>
      %dma_start3A = arith.constant 0 : i32
      %dma_start3A_697 = tpu.memref_slice %arg2[%add3A_323, %dma_start3A] : memref<64x32768xf32, #tpu.memory_space<hbm>> -> memref<1x32768xf32, #tpu.memory_space<hbm>>
      %dma_start3A_698 = tpu.memref_squeeze %dma_start3A_697 : memref<1x32768xf32, #tpu.memory_space<hbm>> -> memref<32768xf32, #tpu.memory_space<hbm>>
      %dma_start3A_699 = arith.constant 0 : i32
      %dma_start3A_700 = tpu.memref_slice %arg2[%add3A_323, %dma_start3A_699] : memref<64x32768xf32, #tpu.memory_space<hbm>> -> memref<1x32768xf32, #tpu.memory_space<hbm>>
      %dma_start3A_701 = tpu.memref_squeeze %dma_start3A_700 : memref<1x32768xf32, #tpu.memory_space<hbm>> -> memref<32768xf32, #tpu.memory_space<hbm>>
      tpu.enqueue_dma source(%dma_start3A_701 : memref<32768xf32, #tpu.memory_space<hbm>>) target(%arg4 : memref<32768xf32, #tpu.memory_space<vmem>>) target_semaphore(%run_scoped3A : memref<!tpu.dma_semaphore, #tpu.memory_space<semaphore_mem>>)
      %dma_wait3A = arith.constant 0 : i32
      %dma_wait3A_702 = tpu.memref_slice %arg2[%add3A_323, %dma_wait3A] : memref<64x32768xf32, #tpu.memory_space<hbm>> -> memref<1x32768xf32, #tpu.memory_space<hbm>>
      %dma_wait3A_703 = tpu.memref_squeeze %dma_wait3A_702 : memref<1x32768xf32, #tpu.memory_space<hbm>> -> memref<32768xf32, #tpu.memory_space<hbm>>
      %dma_wait3A_704 = arith.constant 0 : i32
      %dma_wait3A_705 = tpu.memref_slice %arg2[%add3A_323, %dma_wait3A_704] : memref<64x32768xf32, #tpu.memory_space<hbm>> -> memref<1x32768xf32, #tpu.memory_space<hbm>>
      %dma_wait3A_706 = tpu.memref_squeeze %dma_wait3A_705 : memref<1x32768xf32, #tpu.memory_space<hbm>> -> memref<32768xf32, #tpu.memory_space<hbm>>
      tpu.wait_dma2 semaphore(%run_scoped3A : memref<!tpu.dma_semaphore, #tpu.memory_space<semaphore_mem>>) src(%dma_wait3A_706 : memref<32768xf32, #tpu.memory_space<hbm>>) dst(%arg4 : memref<32768xf32, #tpu.memory_space<vmem>>)
      tpu.yield
    }) : () -> ()
    %broadcast_in_dim3A_324 = arith.constant -3.000000e+38 : f32
    %broadcast_in_dim3A_325 = vector.broadcast %broadcast_in_dim3A_324 : f32 to vector<16xf32>
    %broadcast_in_dim3A_326 = arith.constant 0 : i32
    %broadcast_in_dim3A_327 = vector.broadcast %broadcast_in_dim3A_326 : i32 to vector<16xi32>
    %scan3A_328 = arith.constant 0 : i32
    %scan3A_329 = arith.constant 256 : i32
    %scan3A_330 = arith.addi %scan3A_328, %scan3A_329 : i32
    %scan3A_331 = arith.constant 1 : i32
    %scan3A_332:2 = scf.for %scan3A_697 = %scan3A_328 to %scan3A_330 step %scan3A_331 iter_args(%scan3A_698 = %broadcast_in_dim3A_325, %scan3A_699 = %broadcast_in_dim3A_327) -> (vector<16xf32>, vector<16xi32>)  : i32 {
      %mul3A_700 = arith.constant 128 : i32
      %mul3A_701 = arith.muli %scan3A_697, %mul3A_700 : i32
      %add3A_702 = arith.constant 0 : i32
      %add3A_703 = arith.addi %mul3A_701, %add3A_702 : i32
      %get3A_704 = arith.index_cast %add3A_703 : i32 to index
      %get3A_705 = tpu.vector_load %arg4[%get3A_704] {strides = array<i32>} : memref<32768xf32, #tpu.memory_space<vmem>>, vector<16xf32>,
      %bitcast_convert_type3A_706 = tpu.bitcast %get3A_705 : vector<16xf32> -> vector<16xi32>
      %ge3A_707 = arith.constant 0 : i32
      %ge3A_708 = vector.broadcast %ge3A_707 : i32 to vector<16xi32>
      %ge3A_709 = arith.cmpi sge, %bitcast_convert_type3A_706, %ge3A_708 : vector<16xi32>
      %xor3A_710 = arith.constant 2147483647 : i32
      %xor3A_711 = vector.broadcast %xor3A_710 : i32 to vector<16xi32>
      %xor3A_712 = arith.xori %bitcast_convert_type3A_706, %xor3A_711 : vector<16xi32>
      %select_n3A_713 = arith.select %ge3A_709, %bitcast_convert_type3A_706, %xor3A_712 : vector<16xi1>, vector<16xi32>
      %bitcast_convert_type3A_714 = tpu.bitcast %select_n3A_713 : vector<16xi32> -> vector<16xf32>
      %add3A_715 = arith.constant 0 : i32
      %add3A_716 = arith.addi %mul3A_701, %add3A_715 : i32
      %swap3A_717 = arith.index_cast %add3A_716 : i32 to index
      %swap3A_718 = tpu.vector_load %arg4[%swap3A_717] {strides = array<i32>} : memref<32768xf32, #tpu.memory_space<vmem>>, vector<16xf32>,
      tpu.vector_store %arg4[%swap3A_717], %bitcast_convert_type3A_714 {strides = array<i32>} : memref<32768xf32, #tpu.memory_space<vmem>>, vector<16xf32>,
      %max3A = arith.maximumf %scan3A_698, %get3A_705 : vector<16xf32>
      %ge3A_719 = arith.constant 0 : i32
      %ge3A_720 = vector.broadcast %ge3A_719 : i32 to vector<16xi32>
      %ge3A_721 = arith.cmpi sge, %select_n3A_713, %ge3A_720 : vector<16xi32>
      %jit3A_722 = arith.constant 1 : i32
      %jit3A_723 = arith.constant 0 : i32
      %broadcast_in_dim3A_724 = vector.broadcast %jit3A_722 : i32 to vector<16xi32>
      %broadcast_in_dim3A_725 = vector.broadcast %jit3A_723 : i32 to vector<16xi32>
      %select_n3A_726 = arith.select %ge3A_721, %broadcast_in_dim3A_724, %broadcast_in_dim3A_725 : vector<16xi1>, vector<16xi32>
      %add3A_727 = arith.addi %scan3A_699, %select_n3A_726 : vector<16xi32>
      %add3A_728 = arith.constant 16 : i32
      %add3A_729 = arith.addi %mul3A_701, %add3A_728 : i32
      %get3A_730 = arith.index_cast %add3A_729 : i32 to index
      %get3A_731 = tpu.vector_load %arg4[%get3A_730] {strides = array<i32>} : memref<32768xf32, #tpu.memory_space<vmem>>, vector<16xf32>,
      %bitcast_convert_type3A_732 = tpu.bitcast %get3A_731 : vector<16xf32> -> vector<16xi32>
      %ge3A_733 = arith.constant 0 : i32
      %ge3A_734 = vector.broadcast %ge3A_733 : i32 to vector<16xi32>
      %ge3A_735 = arith.cmpi sge, %bitcast_convert_type3A_732, %ge3A_734 : vector<16xi32>
      %xor3A_736 = arith.constant 2147483647 : i32
      %xor3A_737 = vector.broadcast %xor3A_736 : i32 to vector<16xi32>
      %xor3A_738 = arith.xori %bitcast_convert_type3A_732, %xor3A_737 : vector<16xi32>
      %select_n3A_739 = arith.select %ge3A_735, %bitcast_convert_type3A_732, %xor3A_738 : vector<16xi1>, vector<16xi32>
      %bitcast_convert_type3A_740 = tpu.bitcast %select_n3A_739 : vector<16xi32> -> vector<16xf32>
      %add3A_741 = arith.constant 16 : i32
      %add3A_742 = arith.addi %mul3A_701, %add3A_741 : i32
      %swap3A_743 = arith.index_cast %add3A_742 : i32 to index
      %swap3A_744 = tpu.vector_load %arg4[%swap3A_743] {strides = array<i32>} : memref<32768xf32, #tpu.memory_space<vmem>>, vector<16xf32>,
      tpu.vector_store %arg4[%swap3A_743], %bitcast_convert_type3A_740 {strides = array<i32>} : memref<32768xf32, #tpu.memory_space<vmem>>, vector<16xf32>,
      %max3A_745 = arith.maximumf %max3A, %get3A_731 : vector<16xf32>
      %ge3A_746 = arith.constant 0 : i32
      %ge3A_747 = vector.broadcast %ge3A_746 : i32 to vector<16xi32>
      %ge3A_748 = arith.cmpi sge, %select_n3A_739, %ge3A_747 : vector<16xi32>
      %jit3A_749 = arith.constant 1 : i32
      %jit3A_750 = arith.constant 0 : i32
      %broadcast_in_dim3A_751 = vector.broadcast %jit3A_749 : i32 to vector<16xi32>
      %broadcast_in_dim3A_752 = vector.broadcast %jit3A_750 : i32 to vector<16xi32>
      %select_n3A_753 = arith.select %ge3A_748, %broadcast_in_dim3A_751, %broadcast_in_dim3A_752 : vector<16xi1>, vector<16xi32>
      %add3A_754 = arith.addi %add3A_727, %select_n3A_753 : vector<16xi32>
      %add3A_755 = arith.constant 32 : i32
      %add3A_756 = arith.addi %mul3A_701, %add3A_755 : i32
      %get3A_757 = arith.index_cast %add3A_756 : i32 to index
      %get3A_758 = tpu.vector_load %arg4[%get3A_757] {strides = array<i32>} : memref<32768xf32, #tpu.memory_space<vmem>>, vector<16xf32>,
      %bitcast_convert_type3A_759 = tpu.bitcast %get3A_758 : vector<16xf32> -> vector<16xi32>
      %ge3A_760 = arith.constant 0 : i32
      %ge3A_761 = vector.broadcast %ge3A_760 : i32 to vector<16xi32>
      %ge3A_762 = arith.cmpi sge, %bitcast_convert_type3A_759, %ge3A_761 : vector<16xi32>
      %xor3A_763 = arith.constant 2147483647 : i32
      %xor3A_764 = vector.broadcast %xor3A_763 : i32 to vector<16xi32>
      %xor3A_765 = arith.xori %bitcast_convert_type3A_759, %xor3A_764 : vector<16xi32>
      %select_n3A_766 = arith.select %ge3A_762, %bitcast_convert_type3A_759, %xor3A_765 : vector<16xi1>, vector<16xi32>
      %bitcast_convert_type3A_767 = tpu.bitcast %select_n3A_766 : vector<16xi32> -> vector<16xf32>
      %add3A_768 = arith.constant 32 : i32
      %add3A_769 = arith.addi %mul3A_701, %add3A_768 : i32
      %swap3A_770 = arith.index_cast %add3A_769 : i32 to index
      %swap3A_771 = tpu.vector_load %arg4[%swap3A_770] {strides = array<i32>} : memref<32768xf32, #tpu.memory_space<vmem>>, vector<16xf32>,
      tpu.vector_store %arg4[%swap3A_770], %bitcast_convert_type3A_767 {strides = array<i32>} : memref<32768xf32, #tpu.memory_space<vmem>>, vector<16xf32>,
      %max3A_772 = arith.maximumf %max3A_745, %get3A_758 : vector<16xf32>
      %ge3A_773 = arith.constant 0 : i32
      %ge3A_774 = vector.broadcast %ge3A_773 : i32 to vector<16xi32>
      %ge3A_775 = arith.cmpi sge, %select_n3A_766, %ge3A_774 : vector<16xi32>
      %jit3A_776 = arith.constant 1 : i32
      %jit3A_777 = arith.constant 0 : i32
      %broadcast_in_dim3A_778 = vector.broadcast %jit3A_776 : i32 to vector<16xi32>
      %broadcast_in_dim3A_779 = vector.broadcast %jit3A_777 : i32 to vector<16xi32>
      %select_n3A_780 = arith.select %ge3A_775, %broadcast_in_dim3A_778, %broadcast_in_dim3A_779 : vector<16xi1>, vector<16xi32>
      %add3A_781 = arith.addi %add3A_754, %select_n3A_780 : vector<16xi32>
      %add3A_782 = arith.constant 48 : i32
      %add3A_783 = arith.addi %mul3A_701, %add3A_782 : i32
      %get3A_784 = arith.index_cast %add3A_783 : i32 to index
      %get3A_785 = tpu.vector_load %arg4[%get3A_784] {strides = array<i32>} : memref<32768xf32, #tpu.memory_space<vmem>>, vector<16xf32>,
      %bitcast_convert_type3A_786 = tpu.bitcast %get3A_785 : vector<16xf32> -> vector<16xi32>
      %ge3A_787 = arith.constant 0 : i32
      %ge3A_788 = vector.broadcast %ge3A_787 : i32 to vector<16xi32>
      %ge3A_789 = arith.cmpi sge, %bitcast_convert_type3A_786, %ge3A_788 : vector<16xi32>
      %xor3A_790 = arith.constant 2147483647 : i32
      %xor3A_791 = vector.broadcast %xor3A_790 : i32 to vector<16xi32>
      %xor3A_792 = arith.xori %bitcast_convert_type3A_786, %xor3A_791 : vector<16xi32>
      %select_n3A_793 = arith.select %ge3A_789, %bitcast_convert_type3A_786, %xor3A_792 : vector<16xi1>, vector<16xi32>
      %bitcast_convert_type3A_794 = tpu.bitcast %select_n3A_793 : vector<16xi32> -> vector<16xf32>
      %add3A_795 = arith.constant 48 : i32
      %add3A_796 = arith.addi %mul3A_701, %add3A_795 : i32
      %swap3A_797 = arith.index_cast %add3A_796 : i32 to index
      %swap3A_798 = tpu.vector_load %arg4[%swap3A_797] {strides = array<i32>} : memref<32768xf32, #tpu.memory_space<vmem>>, vector<16xf32>,
      tpu.vector_store %arg4[%swap3A_797], %bitcast_convert_type3A_794 {strides = array<i32>} : memref<32768xf32, #tpu.memory_space<vmem>>, vector<16xf32>,
      %max3A_799 = arith.maximumf %max3A_772, %get3A_785 : vector<16xf32>
      %ge3A_800 = arith.constant 0 : i32
      %ge3A_801 = vector.broadcast %ge3A_800 : i32 to vector<16xi32>
      %ge3A_802 = arith.cmpi sge, %select_n3A_793, %ge3A_801 : vector<16xi32>
      %jit3A_803 = arith.constant 1 : i32
      %jit3A_804 = arith.constant 0 : i32
      %broadcast_in_dim3A_805 = vector.broadcast %jit3A_803 : i32 to vector<16xi32>
      %broadcast_in_dim3A_806 = vector.broadcast %jit3A_804 : i32 to vector<16xi32>
      %select_n3A_807 = arith.select %ge3A_802, %broadcast_in_dim3A_805, %broadcast_in_dim3A_806 : vector<16xi1>, vector<16xi32>
      %add3A_808 = arith.addi %add3A_781, %select_n3A_807 : vector<16xi32>
      %add3A_809 = arith.constant 64 : i32
      %add3A_810 = arith.addi %mul3A_701, %add3A_809 : i32
      %get3A_811 = arith.index_cast %add3A_810 : i32 to index
      %get3A_812 = tpu.vector_load %arg4[%get3A_811] {strides = array<i32>} : memref<32768xf32, #tpu.memory_space<vmem>>, vector<16xf32>,
      %bitcast_convert_type3A_813 = tpu.bitcast %get3A_812 : vector<16xf32> -> vector<16xi32>
      %ge3A_814 = arith.constant 0 : i32
      %ge3A_815 = vector.broadcast %ge3A_814 : i32 to vector<16xi32>
      %ge3A_816 = arith.cmpi sge, %bitcast_convert_type3A_813, %ge3A_815 : vector<16xi32>
      %xor3A_817 = arith.constant 2147483647 : i32
      %xor3A_818 = vector.broadcast %xor3A_817 : i32 to vector<16xi32>
      %xor3A_819 = arith.xori %bitcast_convert_type3A_813, %xor3A_818 : vector<16xi32>
      %select_n3A_820 = arith.select %ge3A_816, %bitcast_convert_type3A_813, %xor3A_819 : vector<16xi1>, vector<16xi32>
      %bitcast_convert_type3A_821 = tpu.bitcast %select_n3A_820 : vector<16xi32> -> vector<16xf32>
      %add3A_822 = arith.constant 64 : i32
      %add3A_823 = arith.addi %mul3A_701, %add3A_822 : i32
      %swap3A_824 = arith.index_cast %add3A_823 : i32 to index
      %swap3A_825 = tpu.vector_load %arg4[%swap3A_824] {strides = array<i32>} : memref<32768xf32, #tpu.memory_space<vmem>>, vector<16xf32>,
      tpu.vector_store %arg4[%swap3A_824], %bitcast_convert_type3A_821 {strides = array<i32>} : memref<32768xf32, #tpu.memory_space<vmem>>, vector<16xf32>,
      %max3A_826 = arith.maximumf %max3A_799, %get3A_812 : vector<16xf32>
      %ge3A_827 = arith.constant 0 : i32
      %ge3A_828 = vector.broadcast %ge3A_827 : i32 to vector<16xi32>
      %ge3A_829 = arith.cmpi sge, %select_n3A_820, %ge3A_828 : vector<16xi32>
      %jit3A_830 = arith.constant 1 : i32
      %jit3A_831 = arith.constant 0 : i32
      %broadcast_in_dim3A_832 = vector.broadcast %jit3A_830 : i32 to vector<16xi32>
      %broadcast_in_dim3A_833 = vector.broadcast %jit3A_831 : i32 to vector<16xi32>
      %select_n3A_834 = arith.select %ge3A_829, %broadcast_in_dim3A_832, %broadcast_in_dim3A_833 : vector<16xi1>, vector<16xi32>
      %add3A_835 = arith.addi %add3A_808, %select_n3A_834 : vector<16xi32>
      %add3A_836 = arith.constant 80 : i32
      %add3A_837 = arith.addi %mul3A_701, %add3A_836 : i32
      %get3A_838 = arith.index_cast %add3A_837 : i32 to index
      %get3A_839 = tpu.vector_load %arg4[%get3A_838] {strides = array<i32>} : memref<32768xf32, #tpu.memory_space<vmem>>, vector<16xf32>,
      %bitcast_convert_type3A_840 = tpu.bitcast %get3A_839 : vector<16xf32> -> vector<16xi32>
      %ge3A_841 = arith.constant 0 : i32
      %ge3A_842 = vector.broadcast %ge3A_841 : i32 to vector<16xi32>
      %ge3A_843 = arith.cmpi sge, %bitcast_convert_type3A_840, %ge3A_842 : vector<16xi32>
      %xor3A_844 = arith.constant 2147483647 : i32
      %xor3A_845 = vector.broadcast %xor3A_844 : i32 to vector<16xi32>
      %xor3A_846 = arith.xori %bitcast_convert_type3A_840, %xor3A_845 : vector<16xi32>
      %select_n3A_847 = arith.select %ge3A_843, %bitcast_convert_type3A_840, %xor3A_846 : vector<16xi1>, vector<16xi32>
      %bitcast_convert_type3A_848 = tpu.bitcast %select_n3A_847 : vector<16xi32> -> vector<16xf32>
      %add3A_849 = arith.constant 80 : i32
      %add3A_850 = arith.addi %mul3A_701, %add3A_849 : i32
      %swap3A_851 = arith.index_cast %add3A_850 : i32 to index
      %swap3A_852 = tpu.vector_load %arg4[%swap3A_851] {strides = array<i32>} : memref<32768xf32, #tpu.memory_space<vmem>>, vector<16xf32>,
      tpu.vector_store %arg4[%swap3A_851], %bitcast_convert_type3A_848 {strides = array<i32>} : memref<32768xf32, #tpu.memory_space<vmem>>, vector<16xf32>,
      %max3A_853 = arith.maximumf %max3A_826, %get3A_839 : vector<16xf32>
      %ge3A_854 = arith.constant 0 : i32
      %ge3A_855 = vector.broadcast %ge3A_854 : i32 to vector<16xi32>
      %ge3A_856 = arith.cmpi sge, %select_n3A_847, %ge3A_855 : vector<16xi32>
      %jit3A_857 = arith.constant 1 : i32
      %jit3A_858 = arith.constant 0 : i32
      %broadcast_in_dim3A_859 = vector.broadcast %jit3A_857 : i32 to vector<16xi32>
      %broadcast_in_dim3A_860 = vector.broadcast %jit3A_858 : i32 to vector<16xi32>
      %select_n3A_861 = arith.select %ge3A_856, %broadcast_in_dim3A_859, %broadcast_in_dim3A_860 : vector<16xi1>, vector<16xi32>
      %add3A_862 = arith.addi %add3A_835, %select_n3A_861 : vector<16xi32>
      %add3A_863 = arith.constant 96 : i32
      %add3A_864 = arith.addi %mul3A_701, %add3A_863 : i32
      %get3A_865 = arith.index_cast %add3A_864 : i32 to index
      %get3A_866 = tpu.vector_load %arg4[%get3A_865] {strides = array<i32>} : memref<32768xf32, #tpu.memory_space<vmem>>, vector<16xf32>,
      %bitcast_convert_type3A_867 = tpu.bitcast %get3A_866 : vector<16xf32> -> vector<16xi32>
      %ge3A_868 = arith.constant 0 : i32
      %ge3A_869 = vector.broadcast %ge3A_868 : i32 to vector<16xi32>
      %ge3A_870 = arith.cmpi sge, %bitcast_convert_type3A_867, %ge3A_869 : vector<16xi32>
      %xor3A_871 = arith.constant 2147483647 : i32
      %xor3A_872 = vector.broadcast %xor3A_871 : i32 to vector<16xi32>
      %xor3A_873 = arith.xori %bitcast_convert_type3A_867, %xor3A_872 : vector<16xi32>
      %select_n3A_874 = arith.select %ge3A_870, %bitcast_convert_type3A_867, %xor3A_873 : vector<16xi1>, vector<16xi32>
      %bitcast_convert_type3A_875 = tpu.bitcast %select_n3A_874 : vector<16xi32> -> vector<16xf32>
      %add3A_876 = arith.constant 96 : i32
      %add3A_877 = arith.addi %mul3A_701, %add3A_876 : i32
      %swap3A_878 = arith.index_cast %add3A_877 : i32 to index
      %swap3A_879 = tpu.vector_load %arg4[%swap3A_878] {strides = array<i32>} : memref<32768xf32, #tpu.memory_space<vmem>>, vector<16xf32>,
      tpu.vector_store %arg4[%swap3A_878], %bitcast_convert_type3A_875 {strides = array<i32>} : memref<32768xf32, #tpu.memory_space<vmem>>, vector<16xf32>,
      %max3A_880 = arith.maximumf %max3A_853, %get3A_866 : vector<16xf32>
      %ge3A_881 = arith.constant 0 : i32
      %ge3A_882 = vector.broadcast %ge3A_881 : i32 to vector<16xi32>
      %ge3A_883 = arith.cmpi sge, %select_n3A_874, %ge3A_882 : vector<16xi32>
      %jit3A_884 = arith.constant 1 : i32
      %jit3A_885 = arith.constant 0 : i32
      %broadcast_in_dim3A_886 = vector.broadcast %jit3A_884 : i32 to vector<16xi32>
      %broadcast_in_dim3A_887 = vector.broadcast %jit3A_885 : i32 to vector<16xi32>
      %select_n3A_888 = arith.select %ge3A_883, %broadcast_in_dim3A_886, %broadcast_in_dim3A_887 : vector<16xi1>, vector<16xi32>
      %add3A_889 = arith.addi %add3A_862, %select_n3A_888 : vector<16xi32>
      %add3A_890 = arith.constant 112 : i32
      %add3A_891 = arith.addi %mul3A_701, %add3A_890 : i32
      %get3A_892 = arith.index_cast %add3A_891 : i32 to index
      %get3A_893 = tpu.vector_load %arg4[%get3A_892] {strides = array<i32>} : memref<32768xf32, #tpu.memory_space<vmem>>, vector<16xf32>,
      %bitcast_convert_type3A_894 = tpu.bitcast %get3A_893 : vector<16xf32> -> vector<16xi32>
      %ge3A_895 = arith.constant 0 : i32
      %ge3A_896 = vector.broadcast %ge3A_895 : i32 to vector<16xi32>
      %ge3A_897 = arith.cmpi sge, %bitcast_convert_type3A_894, %ge3A_896 : vector<16xi32>
      %xor3A_898 = arith.constant 2147483647 : i32
      %xor3A_899 = vector.broadcast %xor3A_898 : i32 to vector<16xi32>
      %xor3A_900 = arith.xori %bitcast_convert_type3A_894, %xor3A_899 : vector<16xi32>
      %select_n3A_901 = arith.select %ge3A_897, %bitcast_convert_type3A_894, %xor3A_900 : vector<16xi1>, vector<16xi32>
      %bitcast_convert_type3A_902 = tpu.bitcast %select_n3A_901 : vector<16xi32> -> vector<16xf32>
      %add3A_903 = arith.constant 112 : i32
      %add3A_904 = arith.addi %mul3A_701, %add3A_903 : i32
      %swap3A_905 = arith.index_cast %add3A_904 : i32 to index
      %swap3A_906 = tpu.vector_load %arg4[%swap3A_905] {strides = array<i32>} : memref<32768xf32, #tpu.memory_space<vmem>>, vector<16xf32>,
      tpu.vector_store %arg4[%swap3A_905], %bitcast_convert_type3A_902 {strides = array<i32>} : memref<32768xf32, #tpu.memory_space<vmem>>, vector<16xf32>,
      %max3A_907 = arith.maximumf %max3A_880, %get3A_893 : vector<16xf32>
      %ge3A_908 = arith.constant 0 : i32
      %ge3A_909 = vector.broadcast %ge3A_908 : i32 to vector<16xi32>
      %ge3A_910 = arith.cmpi sge, %select_n3A_901, %ge3A_909 : vector<16xi32>
      %jit3A_911 = arith.constant 1 : i32
      %jit3A_912 = arith.constant 0 : i32
      %broadcast_in_dim3A_913 = vector.broadcast %jit3A_911 : i32 to vector<16xi32>
      %broadcast_in_dim3A_914 = vector.broadcast %jit3A_912 : i32 to vector<16xi32>
      %select_n3A_915 = arith.select %ge3A_910, %broadcast_in_dim3A_913, %broadcast_in_dim3A_914 : vector<16xi1>, vector<16xi32>
      %add3A_916 = arith.addi %add3A_889, %select_n3A_915 : vector<16xi32>
      scf.yield %max3A_907, %add3A_916 : vector<16xf32>, vector<16xi32>
    }
    %scan3A_333 = arith.constant 256 : i32
    %reduce_max3A_334 = arith.constant true
    %reduce_max3A_335 = vector.broadcast %reduce_max3A_334 : i1 to vector<16xi1>
    %reduce_max3A_336 = tpu.scan <max>, %scan3A_332#0 masked %reduce_max3A_335 : vector<16xf32>, vector<16xi1> -> vector<16xf32>
    %reduce_max3A_337 = vector.extract %reduce_max3A_336[15] : f32 from vector<16xf32>
    %scan3A_338 = arith.constant 0 : i32
    %scan3A_339 = arith.constant 0 : i32
    %scan3A_340 = arith.constant 64 : i32
    %scan3A_341 = arith.addi %scan3A_339, %scan3A_340 : i32
    %scan3A_342 = arith.constant 1 : i32
    %scan3A_343 = scf.for %scan3A_697 = %scan3A_339 to %scan3A_341 step %scan3A_342 iter_args(%scan3A_698 = %scan3A_338) -> (i32)  : i32 {
      %broadcast_in_dim3A_699 = arith.constant 0 : i32
      %broadcast_in_dim3A_700 = vector.broadcast %broadcast_in_dim3A_699 : i32 to vector<16xi32>
      %mul3A_701 = arith.constant 16 : i32
      %mul3A_702 = arith.muli %scan3A_697, %mul3A_701 : i32
      %swap3A_703 = arith.index_cast %mul3A_702 : i32 to index
      %swap3A_704 = tpu.vector_load %arg5[%swap3A_703] {strides = array<i32>} : memref<1024xi32, #tpu.memory_space<vmem>>, vector<16xi32>,
      tpu.vector_store %arg5[%swap3A_703], %broadcast_in_dim3A_700 {strides = array<i32>} : memref<1024xi32, #tpu.memory_space<vmem>>, vector<16xi32>,
      %scan3A_705 = arith.constant 0 : i32
      scf.yield %scan3A_705 : i32
    }
    %scan3A_344 = arith.constant 64 : i32
    %broadcast_in_dim3A_345 = arith.constant 1 : i32
    %broadcast_in_dim3A_346 = vector.broadcast %broadcast_in_dim3A_345 : i32 to vector<16xi32>
    %scan3A_347 = arith.constant 0 : i32
    %scan3A_348 = arith.constant 0 : i32
    %scan3A_349 = arith.constant 256 : i32
    %scan3A_350 = arith.addi %scan3A_348, %scan3A_349 : i32
    %scan3A_351 = arith.constant 1 : i32
    %scan3A_352 = scf.for %scan3A_697 = %scan3A_348 to %scan3A_350 step %scan3A_351 iter_args(%scan3A_698 = %scan3A_347) -> (i32)  : i32 {
      %mul3A_699 = arith.constant 128 : i32
      %mul3A_700 = arith.muli %scan3A_697, %mul3A_699 : i32
      %add3A_701 = arith.constant 0 : i32
      %add3A_702 = arith.addi %mul3A_700, %add3A_701 : i32
      %get3A_703 = arith.index_cast %add3A_702 : i32 to index
      %get3A_704 = tpu.vector_load %arg4[%get3A_703] {strides = array<i32>} : memref<32768xf32, #tpu.memory_space<vmem>>, vector<16xf32>,
      %bitcast_convert_type3A_705 = tpu.bitcast %get3A_704 : vector<16xf32> -> vector<16xi32>
      %shift_right_arithmetic3A = arith.constant 22 : i32
      %shift_right_arithmetic3A_706 = vector.broadcast %shift_right_arithmetic3A : i32 to vector<16xi32>
      %shift_right_arithmetic3A_707 = arith.shrsi %bitcast_convert_type3A_705, %shift_right_arithmetic3A_706 : vector<16xi32>
      %add3A_708 = arith.constant 512 : i32
      %add3A_709 = vector.broadcast %add3A_708 : i32 to vector<16xi32>
      %add3A_710 = arith.addi %shift_right_arithmetic3A_707, %add3A_709 : vector<16xi32>
      tpu.vector_store_idx %arg5[%add3A_710], %broadcast_in_dim3A_346 {add = true} : memref<1024xi32, #tpu.memory_space<vmem>>[vector<16xi32>], vector<16xi32>,
      %add3A_711 = arith.constant 16 : i32
      %add3A_712 = arith.addi %mul3A_700, %add3A_711 : i32
      %get3A_713 = arith.index_cast %add3A_712 : i32 to index
      %get3A_714 = tpu.vector_load %arg4[%get3A_713] {strides = array<i32>} : memref<32768xf32, #tpu.memory_space<vmem>>, vector<16xf32>,
      %bitcast_convert_type3A_715 = tpu.bitcast %get3A_714 : vector<16xf32> -> vector<16xi32>
      %shift_right_arithmetic3A_716 = arith.constant 22 : i32
      %shift_right_arithmetic3A_717 = vector.broadcast %shift_right_arithmetic3A_716 : i32 to vector<16xi32>
      %shift_right_arithmetic3A_718 = arith.shrsi %bitcast_convert_type3A_715, %shift_right_arithmetic3A_717 : vector<16xi32>
      %add3A_719 = arith.constant 512 : i32
      %add3A_720 = vector.broadcast %add3A_719 : i32 to vector<16xi32>
      %add3A_721 = arith.addi %shift_right_arithmetic3A_718, %add3A_720 : vector<16xi32>
      tpu.vector_store_idx %arg5[%add3A_721], %broadcast_in_dim3A_346 {add = true} : memref<1024xi32, #tpu.memory_space<vmem>>[vector<16xi32>], vector<16xi32>,
      %add3A_722 = arith.constant 32 : i32
      %add3A_723 = arith.addi %mul3A_700, %add3A_722 : i32
      %get3A_724 = arith.index_cast %add3A_723 : i32 to index
      %get3A_725 = tpu.vector_load %arg4[%get3A_724] {strides = array<i32>} : memref<32768xf32, #tpu.memory_space<vmem>>, vector<16xf32>,
      %bitcast_convert_type3A_726 = tpu.bitcast %get3A_725 : vector<16xf32> -> vector<16xi32>
      %shift_right_arithmetic3A_727 = arith.constant 22 : i32
      %shift_right_arithmetic3A_728 = vector.broadcast %shift_right_arithmetic3A_727 : i32 to vector<16xi32>
      %shift_right_arithmetic3A_729 = arith.shrsi %bitcast_convert_type3A_726, %shift_right_arithmetic3A_728 : vector<16xi32>
      %add3A_730 = arith.constant 512 : i32
      %add3A_731 = vector.broadcast %add3A_730 : i32 to vector<16xi32>
      %add3A_732 = arith.addi %shift_right_arithmetic3A_729, %add3A_731 : vector<16xi32>
      tpu.vector_store_idx %arg5[%add3A_732], %broadcast_in_dim3A_346 {add = true} : memref<1024xi32, #tpu.memory_space<vmem>>[vector<16xi32>], vector<16xi32>,
      %add3A_733 = arith.constant 48 : i32
      %add3A_734 = arith.addi %mul3A_700, %add3A_733 : i32
      %get3A_735 = arith.index_cast %add3A_734 : i32 to index
      %get3A_736 = tpu.vector_load %arg4[%get3A_735] {strides = array<i32>} : memref<32768xf32, #tpu.memory_space<vmem>>, vector<16xf32>,
      %bitcast_convert_type3A_737 = tpu.bitcast %get3A_736 : vector<16xf32> -> vector<16xi32>
      %shift_right_arithmetic3A_738 = arith.constant 22 : i32
      %shift_right_arithmetic3A_739 = vector.broadcast %shift_right_arithmetic3A_738 : i32 to vector<16xi32>
      %shift_right_arithmetic3A_740 = arith.shrsi %bitcast_convert_type3A_737, %shift_right_arithmetic3A_739 : vector<16xi32>
      %add3A_741 = arith.constant 512 : i32
      %add3A_742 = vector.broadcast %add3A_741 : i32 to vector<16xi32>
      %add3A_743 = arith.addi %shift_right_arithmetic3A_740, %add3A_742 : vector<16xi32>
      tpu.vector_store_idx %arg5[%add3A_743], %broadcast_in_dim3A_346 {add = true} : memref<1024xi32, #tpu.memory_space<vmem>>[vector<16xi32>], vector<16xi32>,
      %add3A_744 = arith.constant 64 : i32
      %add3A_745 = arith.addi %mul3A_700, %add3A_744 : i32
      %get3A_746 = arith.index_cast %add3A_745 : i32 to index
      %get3A_747 = tpu.vector_load %arg4[%get3A_746] {strides = array<i32>} : memref<32768xf32, #tpu.memory_space<vmem>>, vector<16xf32>,
      %bitcast_convert_type3A_748 = tpu.bitcast %get3A_747 : vector<16xf32> -> vector<16xi32>
      %shift_right_arithmetic3A_749 = arith.constant 22 : i32
      %shift_right_arithmetic3A_750 = vector.broadcast %shift_right_arithmetic3A_749 : i32 to vector<16xi32>
      %shift_right_arithmetic3A_751 = arith.shrsi %bitcast_convert_type3A_748, %shift_right_arithmetic3A_750 : vector<16xi32>
      %add3A_752 = arith.constant 512 : i32
      %add3A_753 = vector.broadcast %add3A_752 : i32 to vector<16xi32>
      %add3A_754 = arith.addi %shift_right_arithmetic3A_751, %add3A_753 : vector<16xi32>
      tpu.vector_store_idx %arg5[%add3A_754], %broadcast_in_dim3A_346 {add = true} : memref<1024xi32, #tpu.memory_space<vmem>>[vector<16xi32>], vector<16xi32>,
      %add3A_755 = arith.constant 80 : i32
      %add3A_756 = arith.addi %mul3A_700, %add3A_755 : i32
      %get3A_757 = arith.index_cast %add3A_756 : i32 to index
      %get3A_758 = tpu.vector_load %arg4[%get3A_757] {strides = array<i32>} : memref<32768xf32, #tpu.memory_space<vmem>>, vector<16xf32>,
      %bitcast_convert_type3A_759 = tpu.bitcast %get3A_758 : vector<16xf32> -> vector<16xi32>
      %shift_right_arithmetic3A_760 = arith.constant 22 : i32
      %shift_right_arithmetic3A_761 = vector.broadcast %shift_right_arithmetic3A_760 : i32 to vector<16xi32>
      %shift_right_arithmetic3A_762 = arith.shrsi %bitcast_convert_type3A_759, %shift_right_arithmetic3A_761 : vector<16xi32>
      %add3A_763 = arith.constant 512 : i32
      %add3A_764 = vector.broadcast %add3A_763 : i32 to vector<16xi32>
      %add3A_765 = arith.addi %shift_right_arithmetic3A_762, %add3A_764 : vector<16xi32>
      tpu.vector_store_idx %arg5[%add3A_765], %broadcast_in_dim3A_346 {add = true} : memref<1024xi32, #tpu.memory_space<vmem>>[vector<16xi32>], vector<16xi32>,
      %add3A_766 = arith.constant 96 : i32
      %add3A_767 = arith.addi %mul3A_700, %add3A_766 : i32
      %get3A_768 = arith.index_cast %add3A_767 : i32 to index
      %get3A_769 = tpu.vector_load %arg4[%get3A_768] {strides = array<i32>} : memref<32768xf32, #tpu.memory_space<vmem>>, vector<16xf32>,
      %bitcast_convert_type3A_770 = tpu.bitcast %get3A_769 : vector<16xf32> -> vector<16xi32>
      %shift_right_arithmetic3A_771 = arith.constant 22 : i32
      %shift_right_arithmetic3A_772 = vector.broadcast %shift_right_arithmetic3A_771 : i32 to vector<16xi32>
      %shift_right_arithmetic3A_773 = arith.shrsi %bitcast_convert_type3A_770, %shift_right_arithmetic3A_772 : vector<16xi32>
      %add3A_774 = arith.constant 512 : i32
      %add3A_775 = vector.broadcast %add3A_774 : i32 to vector<16xi32>
      %add3A_776 = arith.addi %shift_right_arithmetic3A_773, %add3A_775 : vector<16xi32>
      tpu.vector_store_idx %arg5[%add3A_776], %broadcast_in_dim3A_346 {add = true} : memref<1024xi32, #tpu.memory_space<vmem>>[vector<16xi32>], vector<16xi32>,
      %add3A_777 = arith.constant 112 : i32
      %add3A_778 = arith.addi %mul3A_700, %add3A_777 : i32
      %get3A_779 = arith.index_cast %add3A_778 : i32 to index
      %get3A_780 = tpu.vector_load %arg4[%get3A_779] {strides = array<i32>} : memref<32768xf32, #tpu.memory_space<vmem>>, vector<16xf32>,
      %bitcast_convert_type3A_781 = tpu.bitcast %get3A_780 : vector<16xf32> -> vector<16xi32>
      %shift_right_arithmetic3A_782 = arith.constant 22 : i32
      %shift_right_arithmetic3A_783 = vector.broadcast %shift_right_arithmetic3A_782 : i32 to vector<16xi32>
      %shift_right_arithmetic3A_784 = arith.shrsi %bitcast_convert_type3A_781, %shift_right_arithmetic3A_783 : vector<16xi32>
      %add3A_785 = arith.constant 512 : i32
      %add3A_786 = vector.broadcast %add3A_785 : i32 to vector<16xi32>
      %add3A_787 = arith.addi %shift_right_arithmetic3A_784, %add3A_786 : vector<16xi32>
      tpu.vector_store_idx %arg5[%add3A_787], %broadcast_in_dim3A_346 {add = true} : memref<1024xi32, #tpu.memory_space<vmem>>[vector<16xi32>], vector<16xi32>,
      %scan3A_788 = arith.constant 0 : i32
      scf.yield %scan3A_788 : i32
    }
    %scan3A_353 = arith.constant 256 : i32
    %scan3A_354 = arith.constant 512 : i32
    %scan3A_355 = arith.constant 0 : i32
    %scan3A_356 = arith.constant 0 : i32
    %scan3A_357 = arith.constant 0 : i32
    %scan3A_358 = arith.constant 0 : i32
    %scan3A_359 = arith.constant 64 : i32
    %scan3A_360 = arith.addi %scan3A_358, %scan3A_359 : i32
    %scan3A_361 = arith.constant 1 : i32
    %scan3A_362:3 = scf.for %scan3A_697 = %scan3A_358 to %scan3A_360 step %scan3A_361 iter_args(%scan3A_698 = %scan3A_355, %scan3A_699 = %scan3A_356, %scan3A_700 = %scan3A_357) -> (i32, i32, i32)  : i32 {
      %sub3A_701 = arith.constant 63 : i32
      %sub3A_702 = arith.subi %sub3A_701, %scan3A_697 : i32
      %mul3A_703 = arith.constant 16 : i32
      %mul3A_704 = arith.muli %sub3A_702, %mul3A_703 : i32
      %get3A_705 = arith.index_cast %mul3A_704 : i32 to index
      %get3A_706 = tpu.vector_load %arg5[%get3A_705] {strides = array<i32>} : memref<1024xi32, #tpu.memory_space<vmem>>, vector<16xi32>,
      %reduce_sum3A_707 = arith.constant true
      %reduce_sum3A_708 = vector.broadcast %reduce_sum3A_707 : i1 to vector<16xi1>
      %reduce_sum3A_709 = tpu.scan <sum>, %get3A_706 masked %reduce_sum3A_708 : vector<16xi32>, vector<16xi1> -> vector<16xi32>
      %reduce_sum3A_710 = vector.extract %reduce_sum3A_709[15] : i32 from vector<16xi32>
      %add3A_711 = arith.addi %scan3A_698, %reduce_sum3A_710 : i32
      %lt3A_712 = arith.cmpi slt, %scan3A_698, %scan3A_354 : i32
      %ge3A_713 = arith.cmpi sge, %add3A_711, %scan3A_354 : i32
      %and3A = arith.andi %lt3A_712, %ge3A_713 : i1
      %select_n3A_714 = arith.select %and3A, %sub3A_702, %scan3A_699 : i32
      %select_n3A_715 = arith.select %and3A, %scan3A_698, %scan3A_700 : i32
      scf.yield %add3A_711, %select_n3A_714, %select_n3A_715 : i32, i32, i32
    }
    %scan3A_363 = arith.constant 64 : i32
    %mul3A_364 = arith.constant 16 : i32
    %mul3A_365 = arith.muli %scan3A_362#1, %mul3A_364 : i32
    %get3A_366 = arith.index_cast %mul3A_365 : i32 to index
    %get3A_367 = tpu.vector_load %arg5[%get3A_366] {strides = array<i32>} : memref<1024xi32, #tpu.memory_space<vmem>>, vector<16xi32>,
    %broadcast_in_dim3A_368 = arith.constant true
    %broadcast_in_dim3A_369 = vector.broadcast %broadcast_in_dim3A_368 : i1 to vector<16xi1>
    %masked_cumsum3A_370 = tpu.scan <sum>, %get3A_367 masked %broadcast_in_dim3A_369 : vector<16xi32>, vector<16xi1> -> vector<16xi32>
    %reduce_max3A_371 = arith.constant true
    %reduce_max3A_372 = vector.broadcast %reduce_max3A_371 : i1 to vector<16xi1>
    %reduce_max3A_373 = arith.constant -2147483648 : i32
    %reduce_max3A_374 = vector.broadcast %reduce_max3A_373 : i32 to vector<16xi32>
    %reduce_max3A_375 = arith.xori %masked_cumsum3A_370, %reduce_max3A_374 : vector<16xi32>
    %reduce_max3A_376 = tpu.scan <max>, %reduce_max3A_375 masked %reduce_max3A_372 : vector<16xi32>, vector<16xi1> -> vector<16xi32>
    %reduce_max3A_377 = arith.xori %reduce_max3A_376, %reduce_max3A_374 : vector<16xi32>
    %reduce_max3A_378 = vector.extract %reduce_max3A_377[15] : i32 from vector<16xi32>
    %add3A_379 = arith.addi %scan3A_362#2, %reduce_max3A_378 : i32
    %sub3A_380 = vector.broadcast %add3A_379 : i32 to vector<16xi32>
    %sub3A_381 = arith.subi %sub3A_380, %masked_cumsum3A_370 : vector<16xi32>
    %add3A_382 = arith.addi %sub3A_381, %get3A_367 : vector<16xi32>
    %ge3A_383 = arith.constant 512 : i32
    %ge3A_384 = vector.broadcast %ge3A_383 : i32 to vector<16xi32>
    %ge3A_385 = arith.cmpi sge, %add3A_382, %ge3A_384 : vector<16xi32>
    %all_reduce_population_count3A_386 = tpu.all_reduce %ge3A_385 {dim = 0 : i64, kind = #tpu.reduction_kind<sum>} : vector<16xi1> -> vector<16xi32>
    %reduce_max3A_387 = arith.constant true
    %reduce_max3A_388 = vector.broadcast %reduce_max3A_387 : i1 to vector<16xi1>
    %reduce_max3A_389 = arith.constant -2147483648 : i32
    %reduce_max3A_390 = vector.broadcast %reduce_max3A_389 : i32 to vector<16xi32>
    %reduce_max3A_391 = arith.xori %all_reduce_population_count3A_386, %reduce_max3A_390 : vector<16xi32>
    %reduce_max3A_392 = tpu.scan <max>, %reduce_max3A_391 masked %reduce_max3A_388 : vector<16xi32>, vector<16xi1> -> vector<16xi32>
    %reduce_max3A_393 = arith.xori %reduce_max3A_392, %reduce_max3A_390 : vector<16xi32>
    %reduce_max3A_394 = vector.extract %reduce_max3A_393[15] : i32 from vector<16xi32>
    %sub3A_395 = arith.constant 1 : i32
    %sub3A_396 = arith.subi %reduce_max3A_394, %sub3A_395 : i32
    %iota3A_397 = tpu.iota {dimensions = array<i32: 0>} : vector<16xi32>
    %eq3A_398 = vector.broadcast %sub3A_396 : i32 to vector<16xi32>
    %eq3A_399 = arith.cmpi eq, %iota3A_397, %eq3A_398 : vector<16xi32>
    %jit3A_400 = arith.constant 0 : i32
    %broadcast_in_dim3A_401 = vector.broadcast %jit3A_400 : i32 to vector<16xi32>
    %select_n3A_402 = arith.select %eq3A_399, %masked_cumsum3A_370, %broadcast_in_dim3A_401 : vector<16xi1>, vector<16xi32>
    %reduce_sum3A_403 = arith.constant true
    %reduce_sum3A_404 = vector.broadcast %reduce_sum3A_403 : i1 to vector<16xi1>
    %reduce_sum3A_405 = tpu.scan <sum>, %select_n3A_402 masked %reduce_sum3A_404 : vector<16xi32>, vector<16xi1> -> vector<16xi32>
    %reduce_sum3A_406 = vector.extract %reduce_sum3A_405[15] : i32 from vector<16xi32>
    %mul3A_407 = arith.constant 16 : i32
    %mul3A_408 = arith.muli %scan3A_362#1, %mul3A_407 : i32
    %add3A_409 = arith.addi %mul3A_408, %sub3A_396 : i32
    %add3A_410 = arith.addi %scan3A_362#2, %reduce_max3A_378 : i32
    %sub3A_411 = arith.subi %add3A_410, %reduce_sum3A_406 : i32
    %sub3A_412 = arith.constant 512 : i32
    %sub3A_413 = arith.subi %add3A_409, %sub3A_412 : i32
    %shift_left3A_414 = arith.constant 22 : i32
    %shift_left3A_415 = arith.shli %sub3A_413, %shift_left3A_414 : i32
    %scan3A_416 = arith.constant 0 : i32
    %scan3A_417 = arith.constant 0 : i32
    %scan3A_418 = arith.constant 64 : i32
    %scan3A_419 = arith.addi %scan3A_417, %scan3A_418 : i32
    %scan3A_420 = arith.constant 1 : i32
    %scan3A_421 = scf.for %scan3A_697 = %scan3A_417 to %scan3A_419 step %scan3A_420 iter_args(%scan3A_698 = %scan3A_416) -> (i32)  : i32 {
      %broadcast_in_dim3A_699 = arith.constant 0 : i32
      %broadcast_in_dim3A_700 = vector.broadcast %broadcast_in_dim3A_699 : i32 to vector<16xi32>
      %mul3A_701 = arith.constant 16 : i32
      %mul3A_702 = arith.muli %scan3A_697, %mul3A_701 : i32
      %swap3A_703 = arith.index_cast %mul3A_702 : i32 to index
      %swap3A_704 = tpu.vector_load %arg5[%swap3A_703] {strides = array<i32>} : memref<1024xi32, #tpu.memory_space<vmem>>, vector<16xi32>,
      tpu.vector_store %arg5[%swap3A_703], %broadcast_in_dim3A_700 {strides = array<i32>} : memref<1024xi32, #tpu.memory_space<vmem>>, vector<16xi32>,
      %scan3A_705 = arith.constant 0 : i32
      scf.yield %scan3A_705 : i32
    }
    %scan3A_422 = arith.constant 64 : i32
    %broadcast_in_dim3A_423 = arith.constant 1 : i32
    %broadcast_in_dim3A_424 = vector.broadcast %broadcast_in_dim3A_423 : i32 to vector<16xi32>
    %scan3A_425 = arith.constant 0 : i32
    %scan3A_426 = arith.constant 0 : i32
    %scan3A_427 = arith.constant 256 : i32
    %scan3A_428 = arith.addi %scan3A_426, %scan3A_427 : i32
    %scan3A_429 = arith.constant 1 : i32
    %scan3A_430 = scf.for %scan3A_697 = %scan3A_426 to %scan3A_428 step %scan3A_429 iter_args(%scan3A_698 = %scan3A_425) -> (i32)  : i32 {
      %mul3A_699 = arith.constant 128 : i32
      %mul3A_700 = arith.muli %scan3A_697, %mul3A_699 : i32
      %add3A_701 = arith.constant 0 : i32
      %add3A_702 = arith.addi %mul3A_700, %add3A_701 : i32
      %get3A_703 = arith.index_cast %add3A_702 : i32 to index
      %get3A_704 = tpu.vector_load %arg4[%get3A_703] {strides = array<i32>} : memref<32768xf32, #tpu.memory_space<vmem>>, vector<16xf32>,
      %bitcast_convert_type3A_705 = tpu.bitcast %get3A_704 : vector<16xf32> -> vector<16xi32>
      %shift_right_arithmetic3A = arith.constant 22 : i32
      %shift_right_arithmetic3A_706 = vector.broadcast %shift_right_arithmetic3A : i32 to vector<16xi32>
      %shift_right_arithmetic3A_707 = arith.shrsi %bitcast_convert_type3A_705, %shift_right_arithmetic3A_706 : vector<16xi32>
      %shift_right_arithmetic3A_708 = arith.constant 22 : i32
      %shift_right_arithmetic3A_709 = arith.shrsi %shift_left3A_415, %shift_right_arithmetic3A_708 : i32
      %eq3A_710 = vector.broadcast %shift_right_arithmetic3A_709 : i32 to vector<16xi32>
      %eq3A_711 = arith.cmpi eq, %shift_right_arithmetic3A_707, %eq3A_710 : vector<16xi32>
      %shift_right_arithmetic3A_712 = arith.constant 12 : i32
      %shift_right_arithmetic3A_713 = vector.broadcast %shift_right_arithmetic3A_712 : i32 to vector<16xi32>
      %shift_right_arithmetic3A_714 = arith.shrsi %bitcast_convert_type3A_705, %shift_right_arithmetic3A_713 : vector<16xi32>
      %and3A = arith.constant 1023 : i32
      %and3A_715 = vector.broadcast %and3A : i32 to vector<16xi32>
      %and3A_716 = arith.andi %shift_right_arithmetic3A_714, %and3A_715 : vector<16xi32>
      tpu.vector_store_idx %arg5[%and3A_716], %broadcast_in_dim3A_424 masked %eq3A_711 {add = true} : memref<1024xi32, #tpu.memory_space<vmem>>[vector<16xi32>], vector<16xi32>, vector<16xi1>
      %add3A_717 = arith.constant 16 : i32
      %add3A_718 = arith.addi %mul3A_700, %add3A_717 : i32
      %get3A_719 = arith.index_cast %add3A_718 : i32 to index
      %get3A_720 = tpu.vector_load %arg4[%get3A_719] {strides = array<i32>} : memref<32768xf32, #tpu.memory_space<vmem>>, vector<16xf32>,
      %bitcast_convert_type3A_721 = tpu.bitcast %get3A_720 : vector<16xf32> -> vector<16xi32>
      %shift_right_arithmetic3A_722 = arith.constant 22 : i32
      %shift_right_arithmetic3A_723 = vector.broadcast %shift_right_arithmetic3A_722 : i32 to vector<16xi32>
      %shift_right_arithmetic3A_724 = arith.shrsi %bitcast_convert_type3A_721, %shift_right_arithmetic3A_723 : vector<16xi32>
      %shift_right_arithmetic3A_725 = arith.constant 22 : i32
      %shift_right_arithmetic3A_726 = arith.shrsi %shift_left3A_415, %shift_right_arithmetic3A_725 : i32
      %eq3A_727 = vector.broadcast %shift_right_arithmetic3A_726 : i32 to vector<16xi32>
      %eq3A_728 = arith.cmpi eq, %shift_right_arithmetic3A_724, %eq3A_727 : vector<16xi32>
      %shift_right_arithmetic3A_729 = arith.constant 12 : i32
      %shift_right_arithmetic3A_730 = vector.broadcast %shift_right_arithmetic3A_729 : i32 to vector<16xi32>
      %shift_right_arithmetic3A_731 = arith.shrsi %bitcast_convert_type3A_721, %shift_right_arithmetic3A_730 : vector<16xi32>
      %and3A_732 = arith.constant 1023 : i32
      %and3A_733 = vector.broadcast %and3A_732 : i32 to vector<16xi32>
      %and3A_734 = arith.andi %shift_right_arithmetic3A_731, %and3A_733 : vector<16xi32>
      tpu.vector_store_idx %arg5[%and3A_734], %broadcast_in_dim3A_424 masked %eq3A_728 {add = true} : memref<1024xi32, #tpu.memory_space<vmem>>[vector<16xi32>], vector<16xi32>, vector<16xi1>
      %add3A_735 = arith.constant 32 : i32
      %add3A_736 = arith.addi %mul3A_700, %add3A_735 : i32
      %get3A_737 = arith.index_cast %add3A_736 : i32 to index
      %get3A_738 = tpu.vector_load %arg4[%get3A_737] {strides = array<i32>} : memref<32768xf32, #tpu.memory_space<vmem>>, vector<16xf32>,
      %bitcast_convert_type3A_739 = tpu.bitcast %get3A_738 : vector<16xf32> -> vector<16xi32>
      %shift_right_arithmetic3A_740 = arith.constant 22 : i32
      %shift_right_arithmetic3A_741 = vector.broadcast %shift_right_arithmetic3A_740 : i32 to vector<16xi32>
      %shift_right_arithmetic3A_742 = arith.shrsi %bitcast_convert_type3A_739, %shift_right_arithmetic3A_741 : vector<16xi32>
      %shift_right_arithmetic3A_743 = arith.constant 22 : i32
      %shift_right_arithmetic3A_744 = arith.shrsi %shift_left3A_415, %shift_right_arithmetic3A_743 : i32
      %eq3A_745 = vector.broadcast %shift_right_arithmetic3A_744 : i32 to vector<16xi32>
      %eq3A_746 = arith.cmpi eq, %shift_right_arithmetic3A_742, %eq3A_745 : vector<16xi32>
      %shift_right_arithmetic3A_747 = arith.constant 12 : i32
      %shift_right_arithmetic3A_748 = vector.broadcast %shift_right_arithmetic3A_747 : i32 to vector<16xi32>
      %shift_right_arithmetic3A_749 = arith.shrsi %bitcast_convert_type3A_739, %shift_right_arithmetic3A_748 : vector<16xi32>
      %and3A_750 = arith.constant 1023 : i32
      %and3A_751 = vector.broadcast %and3A_750 : i32 to vector<16xi32>
      %and3A_752 = arith.andi %shift_right_arithmetic3A_749, %and3A_751 : vector<16xi32>
      tpu.vector_store_idx %arg5[%and3A_752], %broadcast_in_dim3A_424 masked %eq3A_746 {add = true} : memref<1024xi32, #tpu.memory_space<vmem>>[vector<16xi32>], vector<16xi32>, vector<16xi1>
      %add3A_753 = arith.constant 48 : i32
      %add3A_754 = arith.addi %mul3A_700, %add3A_753 : i32
      %get3A_755 = arith.index_cast %add3A_754 : i32 to index
      %get3A_756 = tpu.vector_load %arg4[%get3A_755] {strides = array<i32>} : memref<32768xf32, #tpu.memory_space<vmem>>, vector<16xf32>,
      %bitcast_convert_type3A_757 = tpu.bitcast %get3A_756 : vector<16xf32> -> vector<16xi32>
      %shift_right_arithmetic3A_758 = arith.constant 22 : i32
      %shift_right_arithmetic3A_759 = vector.broadcast %shift_right_arithmetic3A_758 : i32 to vector<16xi32>
      %shift_right_arithmetic3A_760 = arith.shrsi %bitcast_convert_type3A_757, %shift_right_arithmetic3A_759 : vector<16xi32>
      %shift_right_arithmetic3A_761 = arith.constant 22 : i32
      %shift_right_arithmetic3A_762 = arith.shrsi %shift_left3A_415, %shift_right_arithmetic3A_761 : i32
      %eq3A_763 = vector.broadcast %shift_right_arithmetic3A_762 : i32 to vector<16xi32>
      %eq3A_764 = arith.cmpi eq, %shift_right_arithmetic3A_760, %eq3A_763 : vector<16xi32>
      %shift_right_arithmetic3A_765 = arith.constant 12 : i32
      %shift_right_arithmetic3A_766 = vector.broadcast %shift_right_arithmetic3A_765 : i32 to vector<16xi32>
      %shift_right_arithmetic3A_767 = arith.shrsi %bitcast_convert_type3A_757, %shift_right_arithmetic3A_766 : vector<16xi32>
      %and3A_768 = arith.constant 1023 : i32
      %and3A_769 = vector.broadcast %and3A_768 : i32 to vector<16xi32>
      %and3A_770 = arith.andi %shift_right_arithmetic3A_767, %and3A_769 : vector<16xi32>
      tpu.vector_store_idx %arg5[%and3A_770], %broadcast_in_dim3A_424 masked %eq3A_764 {add = true} : memref<1024xi32, #tpu.memory_space<vmem>>[vector<16xi32>], vector<16xi32>, vector<16xi1>
      %add3A_771 = arith.constant 64 : i32
      %add3A_772 = arith.addi %mul3A_700, %add3A_771 : i32
      %get3A_773 = arith.index_cast %add3A_772 : i32 to index
      %get3A_774 = tpu.vector_load %arg4[%get3A_773] {strides = array<i32>} : memref<32768xf32, #tpu.memory_space<vmem>>, vector<16xf32>,
      %bitcast_convert_type3A_775 = tpu.bitcast %get3A_774 : vector<16xf32> -> vector<16xi32>
      %shift_right_arithmetic3A_776 = arith.constant 22 : i32
      %shift_right_arithmetic3A_777 = vector.broadcast %shift_right_arithmetic3A_776 : i32 to vector<16xi32>
      %shift_right_arithmetic3A_778 = arith.shrsi %bitcast_convert_type3A_775, %shift_right_arithmetic3A_777 : vector<16xi32>
      %shift_right_arithmetic3A_779 = arith.constant 22 : i32
      %shift_right_arithmetic3A_780 = arith.shrsi %shift_left3A_415, %shift_right_arithmetic3A_779 : i32
      %eq3A_781 = vector.broadcast %shift_right_arithmetic3A_780 : i32 to vector<16xi32>
      %eq3A_782 = arith.cmpi eq, %shift_right_arithmetic3A_778, %eq3A_781 : vector<16xi32>
      %shift_right_arithmetic3A_783 = arith.constant 12 : i32
      %shift_right_arithmetic3A_784 = vector.broadcast %shift_right_arithmetic3A_783 : i32 to vector<16xi32>
      %shift_right_arithmetic3A_785 = arith.shrsi %bitcast_convert_type3A_775, %shift_right_arithmetic3A_784 : vector<16xi32>
      %and3A_786 = arith.constant 1023 : i32
      %and3A_787 = vector.broadcast %and3A_786 : i32 to vector<16xi32>
      %and3A_788 = arith.andi %shift_right_arithmetic3A_785, %and3A_787 : vector<16xi32>
      tpu.vector_store_idx %arg5[%and3A_788], %broadcast_in_dim3A_424 masked %eq3A_782 {add = true} : memref<1024xi32, #tpu.memory_space<vmem>>[vector<16xi32>], vector<16xi32>, vector<16xi1>
      %add3A_789 = arith.constant 80 : i32
      %add3A_790 = arith.addi %mul3A_700, %add3A_789 : i32
      %get3A_791 = arith.index_cast %add3A_790 : i32 to index
      %get3A_792 = tpu.vector_load %arg4[%get3A_791] {strides = array<i32>} : memref<32768xf32, #tpu.memory_space<vmem>>, vector<16xf32>,
      %bitcast_convert_type3A_793 = tpu.bitcast %get3A_792 : vector<16xf32> -> vector<16xi32>
      %shift_right_arithmetic3A_794 = arith.constant 22 : i32
      %shift_right_arithmetic3A_795 = vector.broadcast %shift_right_arithmetic3A_794 : i32 to vector<16xi32>
      %shift_right_arithmetic3A_796 = arith.shrsi %bitcast_convert_type3A_793, %shift_right_arithmetic3A_795 : vector<16xi32>
      %shift_right_arithmetic3A_797 = arith.constant 22 : i32
      %shift_right_arithmetic3A_798 = arith.shrsi %shift_left3A_415, %shift_right_arithmetic3A_797 : i32
      %eq3A_799 = vector.broadcast %shift_right_arithmetic3A_798 : i32 to vector<16xi32>
      %eq3A_800 = arith.cmpi eq, %shift_right_arithmetic3A_796, %eq3A_799 : vector<16xi32>
      %shift_right_arithmetic3A_801 = arith.constant 12 : i32
      %shift_right_arithmetic3A_802 = vector.broadcast %shift_right_arithmetic3A_801 : i32 to vector<16xi32>
      %shift_right_arithmetic3A_803 = arith.shrsi %bitcast_convert_type3A_793, %shift_right_arithmetic3A_802 : vector<16xi32>
      %and3A_804 = arith.constant 1023 : i32
      %and3A_805 = vector.broadcast %and3A_804 : i32 to vector<16xi32>
      %and3A_806 = arith.andi %shift_right_arithmetic3A_803, %and3A_805 : vector<16xi32>
      tpu.vector_store_idx %arg5[%and3A_806], %broadcast_in_dim3A_424 masked %eq3A_800 {add = true} : memref<1024xi32, #tpu.memory_space<vmem>>[vector<16xi32>], vector<16xi32>, vector<16xi1>
      %add3A_807 = arith.constant 96 : i32
      %add3A_808 = arith.addi %mul3A_700, %add3A_807 : i32
      %get3A_809 = arith.index_cast %add3A_808 : i32 to index
      %get3A_810 = tpu.vector_load %arg4[%get3A_809] {strides = array<i32>} : memref<32768xf32, #tpu.memory_space<vmem>>, vector<16xf32>,
      %bitcast_convert_type3A_811 = tpu.bitcast %get3A_810 : vector<16xf32> -> vector<16xi32>
      %shift_right_arithmetic3A_812 = arith.constant 22 : i32
      %shift_right_arithmetic3A_813 = vector.broadcast %shift_right_arithmetic3A_812 : i32 to vector<16xi32>
      %shift_right_arithmetic3A_814 = arith.shrsi %bitcast_convert_type3A_811, %shift_right_arithmetic3A_813 : vector<16xi32>
      %shift_right_arithmetic3A_815 = arith.constant 22 : i32
      %shift_right_arithmetic3A_816 = arith.shrsi %shift_left3A_415, %shift_right_arithmetic3A_815 : i32
      %eq3A_817 = vector.broadcast %shift_right_arithmetic3A_816 : i32 to vector<16xi32>
      %eq3A_818 = arith.cmpi eq, %shift_right_arithmetic3A_814, %eq3A_817 : vector<16xi32>
      %shift_right_arithmetic3A_819 = arith.constant 12 : i32
      %shift_right_arithmetic3A_820 = vector.broadcast %shift_right_arithmetic3A_819 : i32 to vector<16xi32>
      %shift_right_arithmetic3A_821 = arith.shrsi %bitcast_convert_type3A_811, %shift_right_arithmetic3A_820 : vector<16xi32>
      %and3A_822 = arith.constant 1023 : i32
      %and3A_823 = vector.broadcast %and3A_822 : i32 to vector<16xi32>
      %and3A_824 = arith.andi %shift_right_arithmetic3A_821, %and3A_823 : vector<16xi32>
      tpu.vector_store_idx %arg5[%and3A_824], %broadcast_in_dim3A_424 masked %eq3A_818 {add = true} : memref<1024xi32, #tpu.memory_space<vmem>>[vector<16xi32>], vector<16xi32>, vector<16xi1>
      %add3A_825 = arith.constant 112 : i32
      %add3A_826 = arith.addi %mul3A_700, %add3A_825 : i32
      %get3A_827 = arith.index_cast %add3A_826 : i32 to index
      %get3A_828 = tpu.vector_load %arg4[%get3A_827] {strides = array<i32>} : memref<32768xf32, #tpu.memory_space<vmem>>, vector<16xf32>,
      %bitcast_convert_type3A_829 = tpu.bitcast %get3A_828 : vector<16xf32> -> vector<16xi32>
      %shift_right_arithmetic3A_830 = arith.constant 22 : i32
      %shift_right_arithmetic3A_831 = vector.broadcast %shift_right_arithmetic3A_830 : i32 to vector<16xi32>
      %shift_right_arithmetic3A_832 = arith.shrsi %bitcast_convert_type3A_829, %shift_right_arithmetic3A_831 : vector<16xi32>
      %shift_right_arithmetic3A_833 = arith.constant 22 : i32
      %shift_right_arithmetic3A_834 = arith.shrsi %shift_left3A_415, %shift_right_arithmetic3A_833 : i32
      %eq3A_835 = vector.broadcast %shift_right_arithmetic3A_834 : i32 to vector<16xi32>
      %eq3A_836 = arith.cmpi eq, %shift_right_arithmetic3A_832, %eq3A_835 : vector<16xi32>
      %shift_right_arithmetic3A_837 = arith.constant 12 : i32
      %shift_right_arithmetic3A_838 = vector.broadcast %shift_right_arithmetic3A_837 : i32 to vector<16xi32>
      %shift_right_arithmetic3A_839 = arith.shrsi %bitcast_convert_type3A_829, %shift_right_arithmetic3A_838 : vector<16xi32>
      %and3A_840 = arith.constant 1023 : i32
      %and3A_841 = vector.broadcast %and3A_840 : i32 to vector<16xi32>
      %and3A_842 = arith.andi %shift_right_arithmetic3A_839, %and3A_841 : vector<16xi32>
      tpu.vector_store_idx %arg5[%and3A_842], %broadcast_in_dim3A_424 masked %eq3A_836 {add = true} : memref<1024xi32, #tpu.memory_space<vmem>>[vector<16xi32>], vector<16xi32>, vector<16xi1>
      %scan3A_843 = arith.constant 0 : i32
      scf.yield %scan3A_843 : i32
    }
    %scan3A_431 = arith.constant 256 : i32
    %sub3A_432 = arith.constant 512 : i32
    %sub3A_433 = arith.subi %sub3A_432, %sub3A_411 : i32
    %scan3A_434 = arith.constant 0 : i32
    %scan3A_435 = arith.constant 0 : i32
    %scan3A_436 = arith.constant 0 : i32
    %scan3A_437 = arith.constant 0 : i32
    %scan3A_438 = arith.constant 64 : i32
    %scan3A_439 = arith.addi %scan3A_437, %scan3A_438 : i32
    %scan3A_440 = arith.constant 1 : i32
    %scan3A_441:3 = scf.for %scan3A_697 = %scan3A_437 to %scan3A_439 step %scan3A_440 iter_args(%scan3A_698 = %scan3A_434, %scan3A_699 = %scan3A_435, %scan3A_700 = %scan3A_436) -> (i32, i32, i32)  : i32 {
      %sub3A_701 = arith.constant 63 : i32
      %sub3A_702 = arith.subi %sub3A_701, %scan3A_697 : i32
      %mul3A_703 = arith.constant 16 : i32
      %mul3A_704 = arith.muli %sub3A_702, %mul3A_703 : i32
      %get3A_705 = arith.index_cast %mul3A_704 : i32 to index
      %get3A_706 = tpu.vector_load %arg5[%get3A_705] {strides = array<i32>} : memref<1024xi32, #tpu.memory_space<vmem>>, vector<16xi32>,
      %reduce_sum3A_707 = arith.constant true
      %reduce_sum3A_708 = vector.broadcast %reduce_sum3A_707 : i1 to vector<16xi1>
      %reduce_sum3A_709 = tpu.scan <sum>, %get3A_706 masked %reduce_sum3A_708 : vector<16xi32>, vector<16xi1> -> vector<16xi32>
      %reduce_sum3A_710 = vector.extract %reduce_sum3A_709[15] : i32 from vector<16xi32>
      %add3A_711 = arith.addi %scan3A_698, %reduce_sum3A_710 : i32
      %lt3A_712 = arith.cmpi slt, %scan3A_698, %sub3A_433 : i32
      %ge3A_713 = arith.cmpi sge, %add3A_711, %sub3A_433 : i32
      %and3A = arith.andi %lt3A_712, %ge3A_713 : i1
      %select_n3A_714 = arith.select %and3A, %sub3A_702, %scan3A_699 : i32
      %select_n3A_715 = arith.select %and3A, %scan3A_698, %scan3A_700 : i32
      scf.yield %add3A_711, %select_n3A_714, %select_n3A_715 : i32, i32, i32
    }
    %scan3A_442 = arith.constant 64 : i32
    %mul3A_443 = arith.constant 16 : i32
    %mul3A_444 = arith.muli %scan3A_441#1, %mul3A_443 : i32
    %get3A_445 = arith.index_cast %mul3A_444 : i32 to index
    %get3A_446 = tpu.vector_load %arg5[%get3A_445] {strides = array<i32>} : memref<1024xi32, #tpu.memory_space<vmem>>, vector<16xi32>,
    %broadcast_in_dim3A_447 = arith.constant true
    %broadcast_in_dim3A_448 = vector.broadcast %broadcast_in_dim3A_447 : i1 to vector<16xi1>
    %masked_cumsum3A_449 = tpu.scan <sum>, %get3A_446 masked %broadcast_in_dim3A_448 : vector<16xi32>, vector<16xi1> -> vector<16xi32>
    %reduce_max3A_450 = arith.constant true
    %reduce_max3A_451 = vector.broadcast %reduce_max3A_450 : i1 to vector<16xi1>
    %reduce_max3A_452 = arith.constant -2147483648 : i32
    %reduce_max3A_453 = vector.broadcast %reduce_max3A_452 : i32 to vector<16xi32>
    %reduce_max3A_454 = arith.xori %masked_cumsum3A_449, %reduce_max3A_453 : vector<16xi32>
    %reduce_max3A_455 = tpu.scan <max>, %reduce_max3A_454 masked %reduce_max3A_451 : vector<16xi32>, vector<16xi1> -> vector<16xi32>
    %reduce_max3A_456 = arith.xori %reduce_max3A_455, %reduce_max3A_453 : vector<16xi32>
    %reduce_max3A_457 = vector.extract %reduce_max3A_456[15] : i32 from vector<16xi32>
    %add3A_458 = arith.addi %scan3A_441#2, %reduce_max3A_457 : i32
    %sub3A_459 = vector.broadcast %add3A_458 : i32 to vector<16xi32>
    %sub3A_460 = arith.subi %sub3A_459, %masked_cumsum3A_449 : vector<16xi32>
    %add3A_461 = arith.addi %sub3A_460, %get3A_446 : vector<16xi32>
    %ge3A_462 = vector.broadcast %sub3A_433 : i32 to vector<16xi32>
    %ge3A_463 = arith.cmpi sge, %add3A_461, %ge3A_462 : vector<16xi32>
    %all_reduce_population_count3A_464 = tpu.all_reduce %ge3A_463 {dim = 0 : i64, kind = #tpu.reduction_kind<sum>} : vector<16xi1> -> vector<16xi32>
    %reduce_max3A_465 = arith.constant true
    %reduce_max3A_466 = vector.broadcast %reduce_max3A_465 : i1 to vector<16xi1>
    %reduce_max3A_467 = arith.constant -2147483648 : i32
    %reduce_max3A_468 = vector.broadcast %reduce_max3A_467 : i32 to vector<16xi32>
    %reduce_max3A_469 = arith.xori %all_reduce_population_count3A_464, %reduce_max3A_468 : vector<16xi32>
    %reduce_max3A_470 = tpu.scan <max>, %reduce_max3A_469 masked %reduce_max3A_466 : vector<16xi32>, vector<16xi1> -> vector<16xi32>
    %reduce_max3A_471 = arith.xori %reduce_max3A_470, %reduce_max3A_468 : vector<16xi32>
    %reduce_max3A_472 = vector.extract %reduce_max3A_471[15] : i32 from vector<16xi32>
    %sub3A_473 = arith.constant 1 : i32
    %sub3A_474 = arith.subi %reduce_max3A_472, %sub3A_473 : i32
    %iota3A_475 = tpu.iota {dimensions = array<i32: 0>} : vector<16xi32>
    %eq3A_476 = vector.broadcast %sub3A_474 : i32 to vector<16xi32>
    %eq3A_477 = arith.cmpi eq, %iota3A_475, %eq3A_476 : vector<16xi32>
    %jit3A_478 = arith.constant 0 : i32
    %broadcast_in_dim3A_479 = vector.broadcast %jit3A_478 : i32 to vector<16xi32>
    %select_n3A_480 = arith.select %eq3A_477, %masked_cumsum3A_449, %broadcast_in_dim3A_479 : vector<16xi1>, vector<16xi32>
    %reduce_sum3A_481 = arith.constant true
    %reduce_sum3A_482 = vector.broadcast %reduce_sum3A_481 : i1 to vector<16xi1>
    %reduce_sum3A_483 = tpu.scan <sum>, %select_n3A_480 masked %reduce_sum3A_482 : vector<16xi32>, vector<16xi1> -> vector<16xi32>
    %reduce_sum3A_484 = vector.extract %reduce_sum3A_483[15] : i32 from vector<16xi32>
    %mul3A_485 = arith.constant 16 : i32
    %mul3A_486 = arith.muli %scan3A_441#1, %mul3A_485 : i32
    %add3A_487 = arith.addi %mul3A_486, %sub3A_474 : i32
    %add3A_488 = arith.addi %scan3A_441#2, %reduce_max3A_457 : i32
    %sub3A_489 = arith.subi %add3A_488, %reduce_sum3A_484 : i32
    %add3A_490 = arith.addi %sub3A_411, %sub3A_489 : i32
    %shift_left3A_491 = arith.constant 12 : i32
    %shift_left3A_492 = arith.shli %add3A_487, %shift_left3A_491 : i32
    %or3A_493 = arith.ori %shift_left3A_415, %shift_left3A_492 : i32
    %scan3A_494 = arith.constant 0 : i32
    %scan3A_495 = arith.constant 0 : i32
    %scan3A_496 = arith.constant 64 : i32
    %scan3A_497 = arith.addi %scan3A_495, %scan3A_496 : i32
    %scan3A_498 = arith.constant 1 : i32
    %scan3A_499 = scf.for %scan3A_697 = %scan3A_495 to %scan3A_497 step %scan3A_498 iter_args(%scan3A_698 = %scan3A_494) -> (i32)  : i32 {
      %broadcast_in_dim3A_699 = arith.constant 0 : i32
      %broadcast_in_dim3A_700 = vector.broadcast %broadcast_in_dim3A_699 : i32 to vector<16xi32>
      %mul3A_701 = arith.constant 16 : i32
      %mul3A_702 = arith.muli %scan3A_697, %mul3A_701 : i32
      %swap3A_703 = arith.index_cast %mul3A_702 : i32 to index
      %swap3A_704 = tpu.vector_load %arg5[%swap3A_703] {strides = array<i32>} : memref<1024xi32, #tpu.memory_space<vmem>>, vector<16xi32>,
      tpu.vector_store %arg5[%swap3A_703], %broadcast_in_dim3A_700 {strides = array<i32>} : memref<1024xi32, #tpu.memory_space<vmem>>, vector<16xi32>,
      %scan3A_705 = arith.constant 0 : i32
      scf.yield %scan3A_705 : i32
    }
    %scan3A_500 = arith.constant 64 : i32
    %broadcast_in_dim3A_501 = arith.constant 1 : i32
    %broadcast_in_dim3A_502 = vector.broadcast %broadcast_in_dim3A_501 : i32 to vector<16xi32>
    %scan3A_503 = arith.constant 0 : i32
    %scan3A_504 = arith.constant 0 : i32
    %scan3A_505 = arith.constant 256 : i32
    %scan3A_506 = arith.addi %scan3A_504, %scan3A_505 : i32
    %scan3A_507 = arith.constant 1 : i32
    %scan3A_508 = scf.for %scan3A_697 = %scan3A_504 to %scan3A_506 step %scan3A_507 iter_args(%scan3A_698 = %scan3A_503) -> (i32)  : i32 {
      %mul3A_699 = arith.constant 128 : i32
      %mul3A_700 = arith.muli %scan3A_697, %mul3A_699 : i32
      %add3A_701 = arith.constant 0 : i32
      %add3A_702 = arith.addi %mul3A_700, %add3A_701 : i32
      %get3A_703 = arith.index_cast %add3A_702 : i32 to index
      %get3A_704 = tpu.vector_load %arg4[%get3A_703] {strides = array<i32>} : memref<32768xf32, #tpu.memory_space<vmem>>, vector<16xf32>,
      %bitcast_convert_type3A_705 = tpu.bitcast %get3A_704 : vector<16xf32> -> vector<16xi32>
      %shift_right_arithmetic3A = arith.constant 12 : i32
      %shift_right_arithmetic3A_706 = vector.broadcast %shift_right_arithmetic3A : i32 to vector<16xi32>
      %shift_right_arithmetic3A_707 = arith.shrsi %bitcast_convert_type3A_705, %shift_right_arithmetic3A_706 : vector<16xi32>
      %shift_right_arithmetic3A_708 = arith.constant 12 : i32
      %shift_right_arithmetic3A_709 = arith.shrsi %or3A_493, %shift_right_arithmetic3A_708 : i32
      %eq3A_710 = vector.broadcast %shift_right_arithmetic3A_709 : i32 to vector<16xi32>
      %eq3A_711 = arith.cmpi eq, %shift_right_arithmetic3A_707, %eq3A_710 : vector<16xi32>
      %shift_right_arithmetic3A_712 = arith.constant 2 : i32
      %shift_right_arithmetic3A_713 = vector.broadcast %shift_right_arithmetic3A_712 : i32 to vector<16xi32>
      %shift_right_arithmetic3A_714 = arith.shrsi %bitcast_convert_type3A_705, %shift_right_arithmetic3A_713 : vector<16xi32>
      %and3A = arith.constant 1023 : i32
      %and3A_715 = vector.broadcast %and3A : i32 to vector<16xi32>
      %and3A_716 = arith.andi %shift_right_arithmetic3A_714, %and3A_715 : vector<16xi32>
      tpu.vector_store_idx %arg5[%and3A_716], %broadcast_in_dim3A_502 masked %eq3A_711 {add = true} : memref<1024xi32, #tpu.memory_space<vmem>>[vector<16xi32>], vector<16xi32>, vector<16xi1>
      %add3A_717 = arith.constant 16 : i32
      %add3A_718 = arith.addi %mul3A_700, %add3A_717 : i32
      %get3A_719 = arith.index_cast %add3A_718 : i32 to index
      %get3A_720 = tpu.vector_load %arg4[%get3A_719] {strides = array<i32>} : memref<32768xf32, #tpu.memory_space<vmem>>, vector<16xf32>,
      %bitcast_convert_type3A_721 = tpu.bitcast %get3A_720 : vector<16xf32> -> vector<16xi32>
      %shift_right_arithmetic3A_722 = arith.constant 12 : i32
      %shift_right_arithmetic3A_723 = vector.broadcast %shift_right_arithmetic3A_722 : i32 to vector<16xi32>
      %shift_right_arithmetic3A_724 = arith.shrsi %bitcast_convert_type3A_721, %shift_right_arithmetic3A_723 : vector<16xi32>
      %shift_right_arithmetic3A_725 = arith.constant 12 : i32
      %shift_right_arithmetic3A_726 = arith.shrsi %or3A_493, %shift_right_arithmetic3A_725 : i32
      %eq3A_727 = vector.broadcast %shift_right_arithmetic3A_726 : i32 to vector<16xi32>
      %eq3A_728 = arith.cmpi eq, %shift_right_arithmetic3A_724, %eq3A_727 : vector<16xi32>
      %shift_right_arithmetic3A_729 = arith.constant 2 : i32
      %shift_right_arithmetic3A_730 = vector.broadcast %shift_right_arithmetic3A_729 : i32 to vector<16xi32>
      %shift_right_arithmetic3A_731 = arith.shrsi %bitcast_convert_type3A_721, %shift_right_arithmetic3A_730 : vector<16xi32>
      %and3A_732 = arith.constant 1023 : i32
      %and3A_733 = vector.broadcast %and3A_732 : i32 to vector<16xi32>
      %and3A_734 = arith.andi %shift_right_arithmetic3A_731, %and3A_733 : vector<16xi32>
      tpu.vector_store_idx %arg5[%and3A_734], %broadcast_in_dim3A_502 masked %eq3A_728 {add = true} : memref<1024xi32, #tpu.memory_space<vmem>>[vector<16xi32>], vector<16xi32>, vector<16xi1>
      %add3A_735 = arith.constant 32 : i32
      %add3A_736 = arith.addi %mul3A_700, %add3A_735 : i32
      %get3A_737 = arith.index_cast %add3A_736 : i32 to index
      %get3A_738 = tpu.vector_load %arg4[%get3A_737] {strides = array<i32>} : memref<32768xf32, #tpu.memory_space<vmem>>, vector<16xf32>,
      %bitcast_convert_type3A_739 = tpu.bitcast %get3A_738 : vector<16xf32> -> vector<16xi32>
      %shift_right_arithmetic3A_740 = arith.constant 12 : i32
      %shift_right_arithmetic3A_741 = vector.broadcast %shift_right_arithmetic3A_740 : i32 to vector<16xi32>
      %shift_right_arithmetic3A_742 = arith.shrsi %bitcast_convert_type3A_739, %shift_right_arithmetic3A_741 : vector<16xi32>
      %shift_right_arithmetic3A_743 = arith.constant 12 : i32
      %shift_right_arithmetic3A_744 = arith.shrsi %or3A_493, %shift_right_arithmetic3A_743 : i32
      %eq3A_745 = vector.broadcast %shift_right_arithmetic3A_744 : i32 to vector<16xi32>
      %eq3A_746 = arith.cmpi eq, %shift_right_arithmetic3A_742, %eq3A_745 : vector<16xi32>
      %shift_right_arithmetic3A_747 = arith.constant 2 : i32
      %shift_right_arithmetic3A_748 = vector.broadcast %shift_right_arithmetic3A_747 : i32 to vector<16xi32>
      %shift_right_arithmetic3A_749 = arith.shrsi %bitcast_convert_type3A_739, %shift_right_arithmetic3A_748 : vector<16xi32>
      %and3A_750 = arith.constant 1023 : i32
      %and3A_751 = vector.broadcast %and3A_750 : i32 to vector<16xi32>
      %and3A_752 = arith.andi %shift_right_arithmetic3A_749, %and3A_751 : vector<16xi32>
      tpu.vector_store_idx %arg5[%and3A_752], %broadcast_in_dim3A_502 masked %eq3A_746 {add = true} : memref<1024xi32, #tpu.memory_space<vmem>>[vector<16xi32>], vector<16xi32>, vector<16xi1>
      %add3A_753 = arith.constant 48 : i32
      %add3A_754 = arith.addi %mul3A_700, %add3A_753 : i32
      %get3A_755 = arith.index_cast %add3A_754 : i32 to index
      %get3A_756 = tpu.vector_load %arg4[%get3A_755] {strides = array<i32>} : memref<32768xf32, #tpu.memory_space<vmem>>, vector<16xf32>,
      %bitcast_convert_type3A_757 = tpu.bitcast %get3A_756 : vector<16xf32> -> vector<16xi32>
      %shift_right_arithmetic3A_758 = arith.constant 12 : i32
      %shift_right_arithmetic3A_759 = vector.broadcast %shift_right_arithmetic3A_758 : i32 to vector<16xi32>
      %shift_right_arithmetic3A_760 = arith.shrsi %bitcast_convert_type3A_757, %shift_right_arithmetic3A_759 : vector<16xi32>
      %shift_right_arithmetic3A_761 = arith.constant 12 : i32
      %shift_right_arithmetic3A_762 = arith.shrsi %or3A_493, %shift_right_arithmetic3A_761 : i32
      %eq3A_763 = vector.broadcast %shift_right_arithmetic3A_762 : i32 to vector<16xi32>
      %eq3A_764 = arith.cmpi eq, %shift_right_arithmetic3A_760, %eq3A_763 : vector<16xi32>
      %shift_right_arithmetic3A_765 = arith.constant 2 : i32
      %shift_right_arithmetic3A_766 = vector.broadcast %shift_right_arithmetic3A_765 : i32 to vector<16xi32>
      %shift_right_arithmetic3A_767 = arith.shrsi %bitcast_convert_type3A_757, %shift_right_arithmetic3A_766 : vector<16xi32>
      %and3A_768 = arith.constant 1023 : i32
      %and3A_769 = vector.broadcast %and3A_768 : i32 to vector<16xi32>
      %and3A_770 = arith.andi %shift_right_arithmetic3A_767, %and3A_769 : vector<16xi32>
      tpu.vector_store_idx %arg5[%and3A_770], %broadcast_in_dim3A_502 masked %eq3A_764 {add = true} : memref<1024xi32, #tpu.memory_space<vmem>>[vector<16xi32>], vector<16xi32>, vector<16xi1>
      %add3A_771 = arith.constant 64 : i32
      %add3A_772 = arith.addi %mul3A_700, %add3A_771 : i32
      %get3A_773 = arith.index_cast %add3A_772 : i32 to index
      %get3A_774 = tpu.vector_load %arg4[%get3A_773] {strides = array<i32>} : memref<32768xf32, #tpu.memory_space<vmem>>, vector<16xf32>,
      %bitcast_convert_type3A_775 = tpu.bitcast %get3A_774 : vector<16xf32> -> vector<16xi32>
      %shift_right_arithmetic3A_776 = arith.constant 12 : i32
      %shift_right_arithmetic3A_777 = vector.broadcast %shift_right_arithmetic3A_776 : i32 to vector<16xi32>
      %shift_right_arithmetic3A_778 = arith.shrsi %bitcast_convert_type3A_775, %shift_right_arithmetic3A_777 : vector<16xi32>
      %shift_right_arithmetic3A_779 = arith.constant 12 : i32
      %shift_right_arithmetic3A_780 = arith.shrsi %or3A_493, %shift_right_arithmetic3A_779 : i32
      %eq3A_781 = vector.broadcast %shift_right_arithmetic3A_780 : i32 to vector<16xi32>
      %eq3A_782 = arith.cmpi eq, %shift_right_arithmetic3A_778, %eq3A_781 : vector<16xi32>
      %shift_right_arithmetic3A_783 = arith.constant 2 : i32
      %shift_right_arithmetic3A_784 = vector.broadcast %shift_right_arithmetic3A_783 : i32 to vector<16xi32>
      %shift_right_arithmetic3A_785 = arith.shrsi %bitcast_convert_type3A_775, %shift_right_arithmetic3A_784 : vector<16xi32>
      %and3A_786 = arith.constant 1023 : i32
      %and3A_787 = vector.broadcast %and3A_786 : i32 to vector<16xi32>
      %and3A_788 = arith.andi %shift_right_arithmetic3A_785, %and3A_787 : vector<16xi32>
      tpu.vector_store_idx %arg5[%and3A_788], %broadcast_in_dim3A_502 masked %eq3A_782 {add = true} : memref<1024xi32, #tpu.memory_space<vmem>>[vector<16xi32>], vector<16xi32>, vector<16xi1>
      %add3A_789 = arith.constant 80 : i32
      %add3A_790 = arith.addi %mul3A_700, %add3A_789 : i32
      %get3A_791 = arith.index_cast %add3A_790 : i32 to index
      %get3A_792 = tpu.vector_load %arg4[%get3A_791] {strides = array<i32>} : memref<32768xf32, #tpu.memory_space<vmem>>, vector<16xf32>,
      %bitcast_convert_type3A_793 = tpu.bitcast %get3A_792 : vector<16xf32> -> vector<16xi32>
      %shift_right_arithmetic3A_794 = arith.constant 12 : i32
      %shift_right_arithmetic3A_795 = vector.broadcast %shift_right_arithmetic3A_794 : i32 to vector<16xi32>
      %shift_right_arithmetic3A_796 = arith.shrsi %bitcast_convert_type3A_793, %shift_right_arithmetic3A_795 : vector<16xi32>
      %shift_right_arithmetic3A_797 = arith.constant 12 : i32
      %shift_right_arithmetic3A_798 = arith.shrsi %or3A_493, %shift_right_arithmetic3A_797 : i32
      %eq3A_799 = vector.broadcast %shift_right_arithmetic3A_798 : i32 to vector<16xi32>
      %eq3A_800 = arith.cmpi eq, %shift_right_arithmetic3A_796, %eq3A_799 : vector<16xi32>
      %shift_right_arithmetic3A_801 = arith.constant 2 : i32
      %shift_right_arithmetic3A_802 = vector.broadcast %shift_right_arithmetic3A_801 : i32 to vector<16xi32>
      %shift_right_arithmetic3A_803 = arith.shrsi %bitcast_convert_type3A_793, %shift_right_arithmetic3A_802 : vector<16xi32>
      %and3A_804 = arith.constant 1023 : i32
      %and3A_805 = vector.broadcast %and3A_804 : i32 to vector<16xi32>
      %and3A_806 = arith.andi %shift_right_arithmetic3A_803, %and3A_805 : vector<16xi32>
      tpu.vector_store_idx %arg5[%and3A_806], %broadcast_in_dim3A_502 masked %eq3A_800 {add = true} : memref<1024xi32, #tpu.memory_space<vmem>>[vector<16xi32>], vector<16xi32>, vector<16xi1>
      %add3A_807 = arith.constant 96 : i32
      %add3A_808 = arith.addi %mul3A_700, %add3A_807 : i32
      %get3A_809 = arith.index_cast %add3A_808 : i32 to index
      %get3A_810 = tpu.vector_load %arg4[%get3A_809] {strides = array<i32>} : memref<32768xf32, #tpu.memory_space<vmem>>, vector<16xf32>,
      %bitcast_convert_type3A_811 = tpu.bitcast %get3A_810 : vector<16xf32> -> vector<16xi32>
      %shift_right_arithmetic3A_812 = arith.constant 12 : i32
      %shift_right_arithmetic3A_813 = vector.broadcast %shift_right_arithmetic3A_812 : i32 to vector<16xi32>
      %shift_right_arithmetic3A_814 = arith.shrsi %bitcast_convert_type3A_811, %shift_right_arithmetic3A_813 : vector<16xi32>
      %shift_right_arithmetic3A_815 = arith.constant 12 : i32
      %shift_right_arithmetic3A_816 = arith.shrsi %or3A_493, %shift_right_arithmetic3A_815 : i32
      %eq3A_817 = vector.broadcast %shift_right_arithmetic3A_816 : i32 to vector<16xi32>
      %eq3A_818 = arith.cmpi eq, %shift_right_arithmetic3A_814, %eq3A_817 : vector<16xi32>
      %shift_right_arithmetic3A_819 = arith.constant 2 : i32
      %shift_right_arithmetic3A_820 = vector.broadcast %shift_right_arithmetic3A_819 : i32 to vector<16xi32>
      %shift_right_arithmetic3A_821 = arith.shrsi %bitcast_convert_type3A_811, %shift_right_arithmetic3A_820 : vector<16xi32>
      %and3A_822 = arith.constant 1023 : i32
      %and3A_823 = vector.broadcast %and3A_822 : i32 to vector<16xi32>
      %and3A_824 = arith.andi %shift_right_arithmetic3A_821, %and3A_823 : vector<16xi32>
      tpu.vector_store_idx %arg5[%and3A_824], %broadcast_in_dim3A_502 masked %eq3A_818 {add = true} : memref<1024xi32, #tpu.memory_space<vmem>>[vector<16xi32>], vector<16xi32>, vector<16xi1>
      %add3A_825 = arith.constant 112 : i32
      %add3A_826 = arith.addi %mul3A_700, %add3A_825 : i32
      %get3A_827 = arith.index_cast %add3A_826 : i32 to index
      %get3A_828 = tpu.vector_load %arg4[%get3A_827] {strides = array<i32>} : memref<32768xf32, #tpu.memory_space<vmem>>, vector<16xf32>,
      %bitcast_convert_type3A_829 = tpu.bitcast %get3A_828 : vector<16xf32> -> vector<16xi32>
      %shift_right_arithmetic3A_830 = arith.constant 12 : i32
      %shift_right_arithmetic3A_831 = vector.broadcast %shift_right_arithmetic3A_830 : i32 to vector<16xi32>
      %shift_right_arithmetic3A_832 = arith.shrsi %bitcast_convert_type3A_829, %shift_right_arithmetic3A_831 : vector<16xi32>
      %shift_right_arithmetic3A_833 = arith.constant 12 : i32
      %shift_right_arithmetic3A_834 = arith.shrsi %or3A_493, %shift_right_arithmetic3A_833 : i32
      %eq3A_835 = vector.broadcast %shift_right_arithmetic3A_834 : i32 to vector<16xi32>
      %eq3A_836 = arith.cmpi eq, %shift_right_arithmetic3A_832, %eq3A_835 : vector<16xi32>
      %shift_right_arithmetic3A_837 = arith.constant 2 : i32
      %shift_right_arithmetic3A_838 = vector.broadcast %shift_right_arithmetic3A_837 : i32 to vector<16xi32>
      %shift_right_arithmetic3A_839 = arith.shrsi %bitcast_convert_type3A_829, %shift_right_arithmetic3A_838 : vector<16xi32>
      %and3A_840 = arith.constant 1023 : i32
      %and3A_841 = vector.broadcast %and3A_840 : i32 to vector<16xi32>
      %and3A_842 = arith.andi %shift_right_arithmetic3A_839, %and3A_841 : vector<16xi32>
      tpu.vector_store_idx %arg5[%and3A_842], %broadcast_in_dim3A_502 masked %eq3A_836 {add = true} : memref<1024xi32, #tpu.memory_space<vmem>>[vector<16xi32>], vector<16xi32>, vector<16xi1>
      %scan3A_843 = arith.constant 0 : i32
      scf.yield %scan3A_843 : i32
    }
    %scan3A_509 = arith.constant 256 : i32
    %sub3A_510 = arith.constant 512 : i32
    %sub3A_511 = arith.subi %sub3A_510, %add3A_490 : i32
    %scan3A_512 = arith.constant 0 : i32
    %scan3A_513 = arith.constant 0 : i32
    %scan3A_514 = arith.constant 0 : i32
    %scan3A_515 = arith.constant 0 : i32
    %scan3A_516 = arith.constant 64 : i32
    %scan3A_517 = arith.addi %scan3A_515, %scan3A_516 : i32
    %scan3A_518 = arith.constant 1 : i32
    %scan3A_519:3 = scf.for %scan3A_697 = %scan3A_515 to %scan3A_517 step %scan3A_518 iter_args(%scan3A_698 = %scan3A_512, %scan3A_699 = %scan3A_513, %scan3A_700 = %scan3A_514) -> (i32, i32, i32)  : i32 {
      %sub3A_701 = arith.constant 63 : i32
      %sub3A_702 = arith.subi %sub3A_701, %scan3A_697 : i32
      %mul3A_703 = arith.constant 16 : i32
      %mul3A_704 = arith.muli %sub3A_702, %mul3A_703 : i32
      %get3A_705 = arith.index_cast %mul3A_704 : i32 to index
      %get3A_706 = tpu.vector_load %arg5[%get3A_705] {strides = array<i32>} : memref<1024xi32, #tpu.memory_space<vmem>>, vector<16xi32>,
      %reduce_sum3A_707 = arith.constant true
      %reduce_sum3A_708 = vector.broadcast %reduce_sum3A_707 : i1 to vector<16xi1>
      %reduce_sum3A_709 = tpu.scan <sum>, %get3A_706 masked %reduce_sum3A_708 : vector<16xi32>, vector<16xi1> -> vector<16xi32>
      %reduce_sum3A_710 = vector.extract %reduce_sum3A_709[15] : i32 from vector<16xi32>
      %add3A_711 = arith.addi %scan3A_698, %reduce_sum3A_710 : i32
      %lt3A_712 = arith.cmpi slt, %scan3A_698, %sub3A_511 : i32
      %ge3A_713 = arith.cmpi sge, %add3A_711, %sub3A_511 : i32
      %and3A = arith.andi %lt3A_712, %ge3A_713 : i1
      %select_n3A_714 = arith.select %and3A, %sub3A_702, %scan3A_699 : i32
      %select_n3A_715 = arith.select %and3A, %scan3A_698, %scan3A_700 : i32
      scf.yield %add3A_711, %select_n3A_714, %select_n3A_715 : i32, i32, i32
    }
    %scan3A_520 = arith.constant 64 : i32
    %mul3A_521 = arith.constant 16 : i32
    %mul3A_522 = arith.muli %scan3A_519#1, %mul3A_521 : i32
    %get3A_523 = arith.index_cast %mul3A_522 : i32 to index
    %get3A_524 = tpu.vector_load %arg5[%get3A_523] {strides = array<i32>} : memref<1024xi32, #tpu.memory_space<vmem>>, vector<16xi32>,
    %broadcast_in_dim3A_525 = arith.constant true
    %broadcast_in_dim3A_526 = vector.broadcast %broadcast_in_dim3A_525 : i1 to vector<16xi1>
    %masked_cumsum3A_527 = tpu.scan <sum>, %get3A_524 masked %broadcast_in_dim3A_526 : vector<16xi32>, vector<16xi1> -> vector<16xi32>
    %reduce_max3A_528 = arith.constant true
    %reduce_max3A_529 = vector.broadcast %reduce_max3A_528 : i1 to vector<16xi1>
    %reduce_max3A_530 = arith.constant -2147483648 : i32
    %reduce_max3A_531 = vector.broadcast %reduce_max3A_530 : i32 to vector<16xi32>
    %reduce_max3A_532 = arith.xori %masked_cumsum3A_527, %reduce_max3A_531 : vector<16xi32>
    %reduce_max3A_533 = tpu.scan <max>, %reduce_max3A_532 masked %reduce_max3A_529 : vector<16xi32>, vector<16xi1> -> vector<16xi32>
    %reduce_max3A_534 = arith.xori %reduce_max3A_533, %reduce_max3A_531 : vector<16xi32>
    %reduce_max3A_535 = vector.extract %reduce_max3A_534[15] : i32 from vector<16xi32>
    %add3A_536 = arith.addi %scan3A_519#2, %reduce_max3A_535 : i32
    %sub3A_537 = vector.broadcast %add3A_536 : i32 to vector<16xi32>
    %sub3A_538 = arith.subi %sub3A_537, %masked_cumsum3A_527 : vector<16xi32>
    %add3A_539 = arith.addi %sub3A_538, %get3A_524 : vector<16xi32>
    %ge3A_540 = vector.broadcast %sub3A_511 : i32 to vector<16xi32>
    %ge3A_541 = arith.cmpi sge, %add3A_539, %ge3A_540 : vector<16xi32>
    %all_reduce_population_count3A_542 = tpu.all_reduce %ge3A_541 {dim = 0 : i64, kind = #tpu.reduction_kind<sum>} : vector<16xi1> -> vector<16xi32>
    %reduce_max3A_543 = arith.constant true
    %reduce_max3A_544 = vector.broadcast %reduce_max3A_543 : i1 to vector<16xi1>
    %reduce_max3A_545 = arith.constant -2147483648 : i32
    %reduce_max3A_546 = vector.broadcast %reduce_max3A_545 : i32 to vector<16xi32>
    %reduce_max3A_547 = arith.xori %all_reduce_population_count3A_542, %reduce_max3A_546 : vector<16xi32>
    %reduce_max3A_548 = tpu.scan <max>, %reduce_max3A_547 masked %reduce_max3A_544 : vector<16xi32>, vector<16xi1> -> vector<16xi32>
    %reduce_max3A_549 = arith.xori %reduce_max3A_548, %reduce_max3A_546 : vector<16xi32>
    %reduce_max3A_550 = vector.extract %reduce_max3A_549[15] : i32 from vector<16xi32>
    %sub3A_551 = arith.constant 1 : i32
    %sub3A_552 = arith.subi %reduce_max3A_550, %sub3A_551 : i32
    %iota3A_553 = tpu.iota {dimensions = array<i32: 0>} : vector<16xi32>
    %eq3A_554 = vector.broadcast %sub3A_552 : i32 to vector<16xi32>
    %eq3A_555 = arith.cmpi eq, %iota3A_553, %eq3A_554 : vector<16xi32>
    %jit3A_556 = arith.constant 0 : i32
    %broadcast_in_dim3A_557 = vector.broadcast %jit3A_556 : i32 to vector<16xi32>
    %select_n3A_558 = arith.select %eq3A_555, %masked_cumsum3A_527, %broadcast_in_dim3A_557 : vector<16xi1>, vector<16xi32>
    %reduce_sum3A_559 = arith.constant true
    %reduce_sum3A_560 = vector.broadcast %reduce_sum3A_559 : i1 to vector<16xi1>
    %reduce_sum3A_561 = tpu.scan <sum>, %select_n3A_558 masked %reduce_sum3A_560 : vector<16xi32>, vector<16xi1> -> vector<16xi32>
    %reduce_sum3A_562 = vector.extract %reduce_sum3A_561[15] : i32 from vector<16xi32>
    %mul3A_563 = arith.constant 16 : i32
    %mul3A_564 = arith.muli %scan3A_519#1, %mul3A_563 : i32
    %add3A_565 = arith.addi %mul3A_564, %sub3A_552 : i32
    %add3A_566 = arith.addi %scan3A_519#2, %reduce_max3A_535 : i32
    %sub3A_567 = arith.subi %add3A_566, %reduce_sum3A_562 : i32
    %shift_left3A_568 = arith.constant 2 : i32
    %shift_left3A_569 = arith.shli %add3A_565, %shift_left3A_568 : i32
    %or3A_570 = arith.ori %or3A_493, %shift_left3A_569 : i32
    %add3A_571 = arith.constant 2 : i32
    %add3A_572 = arith.addi %or3A_570, %add3A_571 : i32
    %broadcast_in_dim3A_573 = arith.constant 0 : i32
    %broadcast_in_dim3A_574 = vector.broadcast %broadcast_in_dim3A_573 : i32 to vector<16xi32>
    %scan3A_575 = arith.constant 0 : i32
    %scan3A_576 = arith.constant 256 : i32
    %scan3A_577 = arith.addi %scan3A_575, %scan3A_576 : i32
    %scan3A_578 = arith.constant 1 : i32
    %scan3A_579 = scf.for %scan3A_697 = %scan3A_575 to %scan3A_577 step %scan3A_578 iter_args(%scan3A_698 = %broadcast_in_dim3A_574) -> (vector<16xi32>)  : i32 {
      %mul3A_699 = arith.constant 128 : i32
      %mul3A_700 = arith.muli %scan3A_697, %mul3A_699 : i32
      %add3A_701 = arith.constant 0 : i32
      %add3A_702 = arith.addi %mul3A_700, %add3A_701 : i32
      %get3A_703 = arith.index_cast %add3A_702 : i32 to index
      %get3A_704 = tpu.vector_load %arg4[%get3A_703] {strides = array<i32>} : memref<32768xf32, #tpu.memory_space<vmem>>, vector<16xf32>,
      %bitcast_convert_type3A_705 = tpu.bitcast %get3A_704 : vector<16xf32> -> vector<16xi32>
      %ge3A_706 = vector.broadcast %add3A_572 : i32 to vector<16xi32>
      %ge3A_707 = arith.cmpi sge, %bitcast_convert_type3A_705, %ge3A_706 : vector<16xi32>
      %jit3A_708 = arith.constant 1 : i32
      %jit3A_709 = arith.constant 0 : i32
      %broadcast_in_dim3A_710 = vector.broadcast %jit3A_708 : i32 to vector<16xi32>
      %broadcast_in_dim3A_711 = vector.broadcast %jit3A_709 : i32 to vector<16xi32>
      %select_n3A_712 = arith.select %ge3A_707, %broadcast_in_dim3A_710, %broadcast_in_dim3A_711 : vector<16xi1>, vector<16xi32>
      %add3A_713 = arith.addi %scan3A_698, %select_n3A_712 : vector<16xi32>
      %add3A_714 = arith.constant 16 : i32
      %add3A_715 = arith.addi %mul3A_700, %add3A_714 : i32
      %get3A_716 = arith.index_cast %add3A_715 : i32 to index
      %get3A_717 = tpu.vector_load %arg4[%get3A_716] {strides = array<i32>} : memref<32768xf32, #tpu.memory_space<vmem>>, vector<16xf32>,
      %bitcast_convert_type3A_718 = tpu.bitcast %get3A_717 : vector<16xf32> -> vector<16xi32>
      %ge3A_719 = vector.broadcast %add3A_572 : i32 to vector<16xi32>
      %ge3A_720 = arith.cmpi sge, %bitcast_convert_type3A_718, %ge3A_719 : vector<16xi32>
      %jit3A_721 = arith.constant 1 : i32
      %jit3A_722 = arith.constant 0 : i32
      %broadcast_in_dim3A_723 = vector.broadcast %jit3A_721 : i32 to vector<16xi32>
      %broadcast_in_dim3A_724 = vector.broadcast %jit3A_722 : i32 to vector<16xi32>
      %select_n3A_725 = arith.select %ge3A_720, %broadcast_in_dim3A_723, %broadcast_in_dim3A_724 : vector<16xi1>, vector<16xi32>
      %add3A_726 = arith.addi %add3A_713, %select_n3A_725 : vector<16xi32>
      %add3A_727 = arith.constant 32 : i32
      %add3A_728 = arith.addi %mul3A_700, %add3A_727 : i32
      %get3A_729 = arith.index_cast %add3A_728 : i32 to index
      %get3A_730 = tpu.vector_load %arg4[%get3A_729] {strides = array<i32>} : memref<32768xf32, #tpu.memory_space<vmem>>, vector<16xf32>,
      %bitcast_convert_type3A_731 = tpu.bitcast %get3A_730 : vector<16xf32> -> vector<16xi32>
      %ge3A_732 = vector.broadcast %add3A_572 : i32 to vector<16xi32>
      %ge3A_733 = arith.cmpi sge, %bitcast_convert_type3A_731, %ge3A_732 : vector<16xi32>
      %jit3A_734 = arith.constant 1 : i32
      %jit3A_735 = arith.constant 0 : i32
      %broadcast_in_dim3A_736 = vector.broadcast %jit3A_734 : i32 to vector<16xi32>
      %broadcast_in_dim3A_737 = vector.broadcast %jit3A_735 : i32 to vector<16xi32>
      %select_n3A_738 = arith.select %ge3A_733, %broadcast_in_dim3A_736, %broadcast_in_dim3A_737 : vector<16xi1>, vector<16xi32>
      %add3A_739 = arith.addi %add3A_726, %select_n3A_738 : vector<16xi32>
      %add3A_740 = arith.constant 48 : i32
      %add3A_741 = arith.addi %mul3A_700, %add3A_740 : i32
      %get3A_742 = arith.index_cast %add3A_741 : i32 to index
      %get3A_743 = tpu.vector_load %arg4[%get3A_742] {strides = array<i32>} : memref<32768xf32, #tpu.memory_space<vmem>>, vector<16xf32>,
      %bitcast_convert_type3A_744 = tpu.bitcast %get3A_743 : vector<16xf32> -> vector<16xi32>
      %ge3A_745 = vector.broadcast %add3A_572 : i32 to vector<16xi32>
      %ge3A_746 = arith.cmpi sge, %bitcast_convert_type3A_744, %ge3A_745 : vector<16xi32>
      %jit3A_747 = arith.constant 1 : i32
      %jit3A_748 = arith.constant 0 : i32
      %broadcast_in_dim3A_749 = vector.broadcast %jit3A_747 : i32 to vector<16xi32>
      %broadcast_in_dim3A_750 = vector.broadcast %jit3A_748 : i32 to vector<16xi32>
      %select_n3A_751 = arith.select %ge3A_746, %broadcast_in_dim3A_749, %broadcast_in_dim3A_750 : vector<16xi1>, vector<16xi32>
      %add3A_752 = arith.addi %add3A_739, %select_n3A_751 : vector<16xi32>
      %add3A_753 = arith.constant 64 : i32
      %add3A_754 = arith.addi %mul3A_700, %add3A_753 : i32
      %get3A_755 = arith.index_cast %add3A_754 : i32 to index
      %get3A_756 = tpu.vector_load %arg4[%get3A_755] {strides = array<i32>} : memref<32768xf32, #tpu.memory_space<vmem>>, vector<16xf32>,
      %bitcast_convert_type3A_757 = tpu.bitcast %get3A_756 : vector<16xf32> -> vector<16xi32>
      %ge3A_758 = vector.broadcast %add3A_572 : i32 to vector<16xi32>
      %ge3A_759 = arith.cmpi sge, %bitcast_convert_type3A_757, %ge3A_758 : vector<16xi32>
      %jit3A_760 = arith.constant 1 : i32
      %jit3A_761 = arith.constant 0 : i32
      %broadcast_in_dim3A_762 = vector.broadcast %jit3A_760 : i32 to vector<16xi32>
      %broadcast_in_dim3A_763 = vector.broadcast %jit3A_761 : i32 to vector<16xi32>
      %select_n3A_764 = arith.select %ge3A_759, %broadcast_in_dim3A_762, %broadcast_in_dim3A_763 : vector<16xi1>, vector<16xi32>
      %add3A_765 = arith.addi %add3A_752, %select_n3A_764 : vector<16xi32>
      %add3A_766 = arith.constant 80 : i32
      %add3A_767 = arith.addi %mul3A_700, %add3A_766 : i32
      %get3A_768 = arith.index_cast %add3A_767 : i32 to index
      %get3A_769 = tpu.vector_load %arg4[%get3A_768] {strides = array<i32>} : memref<32768xf32, #tpu.memory_space<vmem>>, vector<16xf32>,
      %bitcast_convert_type3A_770 = tpu.bitcast %get3A_769 : vector<16xf32> -> vector<16xi32>
      %ge3A_771 = vector.broadcast %add3A_572 : i32 to vector<16xi32>
      %ge3A_772 = arith.cmpi sge, %bitcast_convert_type3A_770, %ge3A_771 : vector<16xi32>
      %jit3A_773 = arith.constant 1 : i32
      %jit3A_774 = arith.constant 0 : i32
      %broadcast_in_dim3A_775 = vector.broadcast %jit3A_773 : i32 to vector<16xi32>
      %broadcast_in_dim3A_776 = vector.broadcast %jit3A_774 : i32 to vector<16xi32>
      %select_n3A_777 = arith.select %ge3A_772, %broadcast_in_dim3A_775, %broadcast_in_dim3A_776 : vector<16xi1>, vector<16xi32>
      %add3A_778 = arith.addi %add3A_765, %select_n3A_777 : vector<16xi32>
      %add3A_779 = arith.constant 96 : i32
      %add3A_780 = arith.addi %mul3A_700, %add3A_779 : i32
      %get3A_781 = arith.index_cast %add3A_780 : i32 to index
      %get3A_782 = tpu.vector_load %arg4[%get3A_781] {strides = array<i32>} : memref<32768xf32, #tpu.memory_space<vmem>>, vector<16xf32>,
      %bitcast_convert_type3A_783 = tpu.bitcast %get3A_782 : vector<16xf32> -> vector<16xi32>
      %ge3A_784 = vector.broadcast %add3A_572 : i32 to vector<16xi32>
      %ge3A_785 = arith.cmpi sge, %bitcast_convert_type3A_783, %ge3A_784 : vector<16xi32>
      %jit3A_786 = arith.constant 1 : i32
      %jit3A_787 = arith.constant 0 : i32
      %broadcast_in_dim3A_788 = vector.broadcast %jit3A_786 : i32 to vector<16xi32>
      %broadcast_in_dim3A_789 = vector.broadcast %jit3A_787 : i32 to vector<16xi32>
      %select_n3A_790 = arith.select %ge3A_785, %broadcast_in_dim3A_788, %broadcast_in_dim3A_789 : vector<16xi1>, vector<16xi32>
      %add3A_791 = arith.addi %add3A_778, %select_n3A_790 : vector<16xi32>
      %add3A_792 = arith.constant 112 : i32
      %add3A_793 = arith.addi %mul3A_700, %add3A_792 : i32
      %get3A_794 = arith.index_cast %add3A_793 : i32 to index
      %get3A_795 = tpu.vector_load %arg4[%get3A_794] {strides = array<i32>} : memref<32768xf32, #tpu.memory_space<vmem>>, vector<16xf32>,
      %bitcast_convert_type3A_796 = tpu.bitcast %get3A_795 : vector<16xf32> -> vector<16xi32>
      %ge3A_797 = vector.broadcast %add3A_572 : i32 to vector<16xi32>
      %ge3A_798 = arith.cmpi sge, %bitcast_convert_type3A_796, %ge3A_797 : vector<16xi32>
      %jit3A_799 = arith.constant 1 : i32
      %jit3A_800 = arith.constant 0 : i32
      %broadcast_in_dim3A_801 = vector.broadcast %jit3A_799 : i32 to vector<16xi32>
      %broadcast_in_dim3A_802 = vector.broadcast %jit3A_800 : i32 to vector<16xi32>
      %select_n3A_803 = arith.select %ge3A_798, %broadcast_in_dim3A_801, %broadcast_in_dim3A_802 : vector<16xi1>, vector<16xi32>
      %add3A_804 = arith.addi %add3A_791, %select_n3A_803 : vector<16xi32>
      scf.yield %add3A_804 : vector<16xi32>
    }
    %scan3A_580 = arith.constant 256 : i32
    %reduce_sum3A_581 = arith.constant true
    %reduce_sum3A_582 = vector.broadcast %reduce_sum3A_581 : i1 to vector<16xi1>
    %reduce_sum3A_583 = tpu.scan <sum>, %scan3A_579 masked %reduce_sum3A_582 : vector<16xi32>, vector<16xi1> -> vector<16xi32>
    %reduce_sum3A_584 = vector.extract %reduce_sum3A_583[15] : i32 from vector<16xi32>
    %ge3A_585 = arith.constant 512 : i32
    %ge3A_586 = arith.cmpi sge, %reduce_sum3A_584, %ge3A_585 : i32
    %select_n3A_587 = arith.select %ge3A_586, %add3A_572, %or3A_570 : i32
    %add3A_588 = arith.constant 1 : i32
    %add3A_589 = arith.addi %select_n3A_587, %add3A_588 : i32
    %broadcast_in_dim3A_590 = arith.constant 0 : i32
    %broadcast_in_dim3A_591 = vector.broadcast %broadcast_in_dim3A_590 : i32 to vector<16xi32>
    %scan3A_592 = arith.constant 0 : i32
    %scan3A_593 = arith.constant 256 : i32
    %scan3A_594 = arith.addi %scan3A_592, %scan3A_593 : i32
    %scan3A_595 = arith.constant 1 : i32
    %scan3A_596 = scf.for %scan3A_697 = %scan3A_592 to %scan3A_594 step %scan3A_595 iter_args(%scan3A_698 = %broadcast_in_dim3A_591) -> (vector<16xi32>)  : i32 {
      %mul3A_699 = arith.constant 128 : i32
      %mul3A_700 = arith.muli %scan3A_697, %mul3A_699 : i32
      %add3A_701 = arith.constant 0 : i32
      %add3A_702 = arith.addi %mul3A_700, %add3A_701 : i32
      %get3A_703 = arith.index_cast %add3A_702 : i32 to index
      %get3A_704 = tpu.vector_load %arg4[%get3A_703] {strides = array<i32>} : memref<32768xf32, #tpu.memory_space<vmem>>, vector<16xf32>,
      %bitcast_convert_type3A_705 = tpu.bitcast %get3A_704 : vector<16xf32> -> vector<16xi32>
      %ge3A_706 = vector.broadcast %add3A_589 : i32 to vector<16xi32>
      %ge3A_707 = arith.cmpi sge, %bitcast_convert_type3A_705, %ge3A_706 : vector<16xi32>
      %jit3A_708 = arith.constant 1 : i32
      %jit3A_709 = arith.constant 0 : i32
      %broadcast_in_dim3A_710 = vector.broadcast %jit3A_708 : i32 to vector<16xi32>
      %broadcast_in_dim3A_711 = vector.broadcast %jit3A_709 : i32 to vector<16xi32>
      %select_n3A_712 = arith.select %ge3A_707, %broadcast_in_dim3A_710, %broadcast_in_dim3A_711 : vector<16xi1>, vector<16xi32>
      %add3A_713 = arith.addi %scan3A_698, %select_n3A_712 : vector<16xi32>
      %add3A_714 = arith.constant 16 : i32
      %add3A_715 = arith.addi %mul3A_700, %add3A_714 : i32
      %get3A_716 = arith.index_cast %add3A_715 : i32 to index
      %get3A_717 = tpu.vector_load %arg4[%get3A_716] {strides = array<i32>} : memref<32768xf32, #tpu.memory_space<vmem>>, vector<16xf32>,
      %bitcast_convert_type3A_718 = tpu.bitcast %get3A_717 : vector<16xf32> -> vector<16xi32>
      %ge3A_719 = vector.broadcast %add3A_589 : i32 to vector<16xi32>
      %ge3A_720 = arith.cmpi sge, %bitcast_convert_type3A_718, %ge3A_719 : vector<16xi32>
      %jit3A_721 = arith.constant 1 : i32
      %jit3A_722 = arith.constant 0 : i32
      %broadcast_in_dim3A_723 = vector.broadcast %jit3A_721 : i32 to vector<16xi32>
      %broadcast_in_dim3A_724 = vector.broadcast %jit3A_722 : i32 to vector<16xi32>
      %select_n3A_725 = arith.select %ge3A_720, %broadcast_in_dim3A_723, %broadcast_in_dim3A_724 : vector<16xi1>, vector<16xi32>
      %add3A_726 = arith.addi %add3A_713, %select_n3A_725 : vector<16xi32>
      %add3A_727 = arith.constant 32 : i32
      %add3A_728 = arith.addi %mul3A_700, %add3A_727 : i32
      %get3A_729 = arith.index_cast %add3A_728 : i32 to index
      %get3A_730 = tpu.vector_load %arg4[%get3A_729] {strides = array<i32>} : memref<32768xf32, #tpu.memory_space<vmem>>, vector<16xf32>,
      %bitcast_convert_type3A_731 = tpu.bitcast %get3A_730 : vector<16xf32> -> vector<16xi32>
      %ge3A_732 = vector.broadcast %add3A_589 : i32 to vector<16xi32>
      %ge3A_733 = arith.cmpi sge, %bitcast_convert_type3A_731, %ge3A_732 : vector<16xi32>
      %jit3A_734 = arith.constant 1 : i32
      %jit3A_735 = arith.constant 0 : i32
      %broadcast_in_dim3A_736 = vector.broadcast %jit3A_734 : i32 to vector<16xi32>
      %broadcast_in_dim3A_737 = vector.broadcast %jit3A_735 : i32 to vector<16xi32>
      %select_n3A_738 = arith.select %ge3A_733, %broadcast_in_dim3A_736, %broadcast_in_dim3A_737 : vector<16xi1>, vector<16xi32>
      %add3A_739 = arith.addi %add3A_726, %select_n3A_738 : vector<16xi32>
      %add3A_740 = arith.constant 48 : i32
      %add3A_741 = arith.addi %mul3A_700, %add3A_740 : i32
      %get3A_742 = arith.index_cast %add3A_741 : i32 to index
      %get3A_743 = tpu.vector_load %arg4[%get3A_742] {strides = array<i32>} : memref<32768xf32, #tpu.memory_space<vmem>>, vector<16xf32>,
      %bitcast_convert_type3A_744 = tpu.bitcast %get3A_743 : vector<16xf32> -> vector<16xi32>
      %ge3A_745 = vector.broadcast %add3A_589 : i32 to vector<16xi32>
      %ge3A_746 = arith.cmpi sge, %bitcast_convert_type3A_744, %ge3A_745 : vector<16xi32>
      %jit3A_747 = arith.constant 1 : i32
      %jit3A_748 = arith.constant 0 : i32
      %broadcast_in_dim3A_749 = vector.broadcast %jit3A_747 : i32 to vector<16xi32>
      %broadcast_in_dim3A_750 = vector.broadcast %jit3A_748 : i32 to vector<16xi32>
      %select_n3A_751 = arith.select %ge3A_746, %broadcast_in_dim3A_749, %broadcast_in_dim3A_750 : vector<16xi1>, vector<16xi32>
      %add3A_752 = arith.addi %add3A_739, %select_n3A_751 : vector<16xi32>
      %add3A_753 = arith.constant 64 : i32
      %add3A_754 = arith.addi %mul3A_700, %add3A_753 : i32
      %get3A_755 = arith.index_cast %add3A_754 : i32 to index
      %get3A_756 = tpu.vector_load %arg4[%get3A_755] {strides = array<i32>} : memref<32768xf32, #tpu.memory_space<vmem>>, vector<16xf32>,
      %bitcast_convert_type3A_757 = tpu.bitcast %get3A_756 : vector<16xf32> -> vector<16xi32>
      %ge3A_758 = vector.broadcast %add3A_589 : i32 to vector<16xi32>
      %ge3A_759 = arith.cmpi sge, %bitcast_convert_type3A_757, %ge3A_758 : vector<16xi32>
      %jit3A_760 = arith.constant 1 : i32
      %jit3A_761 = arith.constant 0 : i32
      %broadcast_in_dim3A_762 = vector.broadcast %jit3A_760 : i32 to vector<16xi32>
      %broadcast_in_dim3A_763 = vector.broadcast %jit3A_761 : i32 to vector<16xi32>
      %select_n3A_764 = arith.select %ge3A_759, %broadcast_in_dim3A_762, %broadcast_in_dim3A_763 : vector<16xi1>, vector<16xi32>
      %add3A_765 = arith.addi %add3A_752, %select_n3A_764 : vector<16xi32>
      %add3A_766 = arith.constant 80 : i32
      %add3A_767 = arith.addi %mul3A_700, %add3A_766 : i32
      %get3A_768 = arith.index_cast %add3A_767 : i32 to index
      %get3A_769 = tpu.vector_load %arg4[%get3A_768] {strides = array<i32>} : memref<32768xf32, #tpu.memory_space<vmem>>, vector<16xf32>,
      %bitcast_convert_type3A_770 = tpu.bitcast %get3A_769 : vector<16xf32> -> vector<16xi32>
      %ge3A_771 = vector.broadcast %add3A_589 : i32 to vector<16xi32>
      %ge3A_772 = arith.cmpi sge, %bitcast_convert_type3A_770, %ge3A_771 : vector<16xi32>
      %jit3A_773 = arith.constant 1 : i32
      %jit3A_774 = arith.constant 0 : i32
      %broadcast_in_dim3A_775 = vector.broadcast %jit3A_773 : i32 to vector<16xi32>
      %broadcast_in_dim3A_776 = vector.broadcast %jit3A_774 : i32 to vector<16xi32>
      %select_n3A_777 = arith.select %ge3A_772, %broadcast_in_dim3A_775, %broadcast_in_dim3A_776 : vector<16xi1>, vector<16xi32>
      %add3A_778 = arith.addi %add3A_765, %select_n3A_777 : vector<16xi32>
      %add3A_779 = arith.constant 96 : i32
      %add3A_780 = arith.addi %mul3A_700, %add3A_779 : i32
      %get3A_781 = arith.index_cast %add3A_780 : i32 to index
      %get3A_782 = tpu.vector_load %arg4[%get3A_781] {strides = array<i32>} : memref<32768xf32, #tpu.memory_space<vmem>>, vector<16xf32>,
      %bitcast_convert_type3A_783 = tpu.bitcast %get3A_782 : vector<16xf32> -> vector<16xi32>
      %ge3A_784 = vector.broadcast %add3A_589 : i32 to vector<16xi32>
      %ge3A_785 = arith.cmpi sge, %bitcast_convert_type3A_783, %ge3A_784 : vector<16xi32>
      %jit3A_786 = arith.constant 1 : i32
      %jit3A_787 = arith.constant 0 : i32
      %broadcast_in_dim3A_788 = vector.broadcast %jit3A_786 : i32 to vector<16xi32>
      %broadcast_in_dim3A_789 = vector.broadcast %jit3A_787 : i32 to vector<16xi32>
      %select_n3A_790 = arith.select %ge3A_785, %broadcast_in_dim3A_788, %broadcast_in_dim3A_789 : vector<16xi1>, vector<16xi32>
      %add3A_791 = arith.addi %add3A_778, %select_n3A_790 : vector<16xi32>
      %add3A_792 = arith.constant 112 : i32
      %add3A_793 = arith.addi %mul3A_700, %add3A_792 : i32
      %get3A_794 = arith.index_cast %add3A_793 : i32 to index
      %get3A_795 = tpu.vector_load %arg4[%get3A_794] {strides = array<i32>} : memref<32768xf32, #tpu.memory_space<vmem>>, vector<16xf32>,
      %bitcast_convert_type3A_796 = tpu.bitcast %get3A_795 : vector<16xf32> -> vector<16xi32>
      %ge3A_797 = vector.broadcast %add3A_589 : i32 to vector<16xi32>
      %ge3A_798 = arith.cmpi sge, %bitcast_convert_type3A_796, %ge3A_797 : vector<16xi32>
      %jit3A_799 = arith.constant 1 : i32
      %jit3A_800 = arith.constant 0 : i32
      %broadcast_in_dim3A_801 = vector.broadcast %jit3A_799 : i32 to vector<16xi32>
      %broadcast_in_dim3A_802 = vector.broadcast %jit3A_800 : i32 to vector<16xi32>
      %select_n3A_803 = arith.select %ge3A_798, %broadcast_in_dim3A_801, %broadcast_in_dim3A_802 : vector<16xi1>, vector<16xi32>
      %add3A_804 = arith.addi %add3A_791, %select_n3A_803 : vector<16xi32>
      scf.yield %add3A_804 : vector<16xi32>
    }
    %scan3A_597 = arith.constant 256 : i32
    %reduce_sum3A_598 = arith.constant true
    %reduce_sum3A_599 = vector.broadcast %reduce_sum3A_598 : i1 to vector<16xi1>
    %reduce_sum3A_600 = tpu.scan <sum>, %scan3A_596 masked %reduce_sum3A_599 : vector<16xi32>, vector<16xi1> -> vector<16xi32>
    %reduce_sum3A_601 = vector.extract %reduce_sum3A_600[15] : i32 from vector<16xi32>
    %ge3A_602 = arith.constant 512 : i32
    %ge3A_603 = arith.cmpi sge, %reduce_sum3A_601, %ge3A_602 : i32
    %select_n3A_604 = arith.select %ge3A_603, %add3A_589, %select_n3A_587 : i32
    %broadcast_in_dim3A_605 = arith.constant 0 : i32
    %broadcast_in_dim3A_606 = vector.broadcast %broadcast_in_dim3A_605 : i32 to vector<16xi32>
    %broadcast_in_dim3A_607 = arith.constant 0 : i32
    %broadcast_in_dim3A_608 = vector.broadcast %broadcast_in_dim3A_607 : i32 to vector<16xi32>
    %broadcast_in_dim3A_609 = arith.constant 0.000000e+00 : f32
    %broadcast_in_dim3A_610 = vector.broadcast %broadcast_in_dim3A_609 : f32 to vector<16xf32>
    %scan3A_611 = arith.constant 0 : i32
    %scan3A_612 = arith.constant 256 : i32
    %scan3A_613 = arith.addi %scan3A_611, %scan3A_612 : i32
    %scan3A_614 = arith.constant 1 : i32
    %scan3A_615:3 = scf.for %scan3A_697 = %scan3A_611 to %scan3A_613 step %scan3A_614 iter_args(%scan3A_698 = %broadcast_in_dim3A_606, %scan3A_699 = %broadcast_in_dim3A_608, %scan3A_700 = %broadcast_in_dim3A_610) -> (vector<16xi32>, vector<16xi32>, vector<16xf32>)  : i32 {
      %mul3A_701 = arith.constant 128 : i32
      %mul3A_702 = arith.muli %scan3A_697, %mul3A_701 : i32
      %add3A_703 = arith.constant 0 : i32
      %add3A_704 = arith.addi %mul3A_702, %add3A_703 : i32
      %get3A_705 = arith.index_cast %add3A_704 : i32 to index
      %get3A_706 = tpu.vector_load %arg4[%get3A_705] {strides = array<i32>} : memref<32768xf32, #tpu.memory_space<vmem>>, vector<16xf32>,
      %bitcast_convert_type3A_707 = tpu.bitcast %get3A_706 : vector<16xf32> -> vector<16xi32>
      %ge3A_708 = arith.constant 0 : i32
      %ge3A_709 = vector.broadcast %ge3A_708 : i32 to vector<16xi32>
      %ge3A_710 = arith.cmpi sge, %bitcast_convert_type3A_707, %ge3A_709 : vector<16xi32>
      %xor3A_711 = arith.constant 2147483647 : i32
      %xor3A_712 = vector.broadcast %xor3A_711 : i32 to vector<16xi32>
      %xor3A_713 = arith.xori %bitcast_convert_type3A_707, %xor3A_712 : vector<16xi32>
      %select_n3A_714 = arith.select %ge3A_710, %bitcast_convert_type3A_707, %xor3A_713 : vector<16xi1>, vector<16xi32>
      %bitcast_convert_type3A_715 = tpu.bitcast %select_n3A_714 : vector<16xi32> -> vector<16xf32>
      %gt3A = vector.broadcast %select_n3A_604 : i32 to vector<16xi32>
      %gt3A_716 = arith.cmpi sgt, %bitcast_convert_type3A_707, %gt3A : vector<16xi32>
      %jit3A_717 = arith.constant 1 : i32
      %jit3A_718 = arith.constant 0 : i32
      %broadcast_in_dim3A_719 = vector.broadcast %jit3A_717 : i32 to vector<16xi32>
      %broadcast_in_dim3A_720 = vector.broadcast %jit3A_718 : i32 to vector<16xi32>
      %select_n3A_721 = arith.select %gt3A_716, %broadcast_in_dim3A_719, %broadcast_in_dim3A_720 : vector<16xi1>, vector<16xi32>
      %add3A_722 = arith.addi %scan3A_698, %select_n3A_721 : vector<16xi32>
      %eq3A_723 = vector.broadcast %select_n3A_604 : i32 to vector<16xi32>
      %eq3A_724 = arith.cmpi eq, %bitcast_convert_type3A_707, %eq3A_723 : vector<16xi32>
      %jit3A_725 = arith.constant 1 : i32
      %jit3A_726 = arith.constant 0 : i32
      %broadcast_in_dim3A_727 = vector.broadcast %jit3A_725 : i32 to vector<16xi32>
      %broadcast_in_dim3A_728 = vector.broadcast %jit3A_726 : i32 to vector<16xi32>
      %select_n3A_729 = arith.select %eq3A_724, %broadcast_in_dim3A_727, %broadcast_in_dim3A_728 : vector<16xi1>, vector<16xi32>
      %add3A_730 = arith.addi %scan3A_699, %select_n3A_729 : vector<16xi32>
      %sub3A_731 = vector.broadcast %reduce_max3A_337 : f32 to vector<16xf32>
      %sub3A_732 = arith.subf %bitcast_convert_type3A_715, %sub3A_731 : vector<16xf32>
      %exp3A_733 = math.exp %sub3A_732 : vector<16xf32>
      %jit3A_734 = arith.constant 0.000000e+00 : f32
      %broadcast_in_dim3A_735 = vector.broadcast %jit3A_734 : f32 to vector<16xf32>
      %select_n3A_736 = arith.select %gt3A_716, %exp3A_733, %broadcast_in_dim3A_735 : vector<16xi1>, vector<16xf32>
      %add3A_737 = arith.addf %scan3A_700, %select_n3A_736 : vector<16xf32>
      %add3A_738 = arith.constant 16 : i32
      %add3A_739 = arith.addi %mul3A_702, %add3A_738 : i32
      %get3A_740 = arith.index_cast %add3A_739 : i32 to index
      %get3A_741 = tpu.vector_load %arg4[%get3A_740] {strides = array<i32>} : memref<32768xf32, #tpu.memory_space<vmem>>, vector<16xf32>,
      %bitcast_convert_type3A_742 = tpu.bitcast %get3A_741 : vector<16xf32> -> vector<16xi32>
      %ge3A_743 = arith.constant 0 : i32
      %ge3A_744 = vector.broadcast %ge3A_743 : i32 to vector<16xi32>
      %ge3A_745 = arith.cmpi sge, %bitcast_convert_type3A_742, %ge3A_744 : vector<16xi32>
      %xor3A_746 = arith.constant 2147483647 : i32
      %xor3A_747 = vector.broadcast %xor3A_746 : i32 to vector<16xi32>
      %xor3A_748 = arith.xori %bitcast_convert_type3A_742, %xor3A_747 : vector<16xi32>
      %select_n3A_749 = arith.select %ge3A_745, %bitcast_convert_type3A_742, %xor3A_748 : vector<16xi1>, vector<16xi32>
      %bitcast_convert_type3A_750 = tpu.bitcast %select_n3A_749 : vector<16xi32> -> vector<16xf32>
      %gt3A_751 = vector.broadcast %select_n3A_604 : i32 to vector<16xi32>
      %gt3A_752 = arith.cmpi sgt, %bitcast_convert_type3A_742, %gt3A_751 : vector<16xi32>
      %jit3A_753 = arith.constant 1 : i32
      %jit3A_754 = arith.constant 0 : i32
      %broadcast_in_dim3A_755 = vector.broadcast %jit3A_753 : i32 to vector<16xi32>
      %broadcast_in_dim3A_756 = vector.broadcast %jit3A_754 : i32 to vector<16xi32>
      %select_n3A_757 = arith.select %gt3A_752, %broadcast_in_dim3A_755, %broadcast_in_dim3A_756 : vector<16xi1>, vector<16xi32>
      %add3A_758 = arith.addi %add3A_722, %select_n3A_757 : vector<16xi32>
      %eq3A_759 = vector.broadcast %select_n3A_604 : i32 to vector<16xi32>
      %eq3A_760 = arith.cmpi eq, %bitcast_convert_type3A_742, %eq3A_759 : vector<16xi32>
      %jit3A_761 = arith.constant 1 : i32
      %jit3A_762 = arith.constant 0 : i32
      %broadcast_in_dim3A_763 = vector.broadcast %jit3A_761 : i32 to vector<16xi32>
      %broadcast_in_dim3A_764 = vector.broadcast %jit3A_762 : i32 to vector<16xi32>
      %select_n3A_765 = arith.select %eq3A_760, %broadcast_in_dim3A_763, %broadcast_in_dim3A_764 : vector<16xi1>, vector<16xi32>
      %add3A_766 = arith.addi %add3A_730, %select_n3A_765 : vector<16xi32>
      %sub3A_767 = vector.broadcast %reduce_max3A_337 : f32 to vector<16xf32>
      %sub3A_768 = arith.subf %bitcast_convert_type3A_750, %sub3A_767 : vector<16xf32>
      %exp3A_769 = math.exp %sub3A_768 : vector<16xf32>
      %jit3A_770 = arith.constant 0.000000e+00 : f32
      %broadcast_in_dim3A_771 = vector.broadcast %jit3A_770 : f32 to vector<16xf32>
      %select_n3A_772 = arith.select %gt3A_752, %exp3A_769, %broadcast_in_dim3A_771 : vector<16xi1>, vector<16xf32>
      %add3A_773 = arith.addf %add3A_737, %select_n3A_772 : vector<16xf32>
      %add3A_774 = arith.constant 32 : i32
      %add3A_775 = arith.addi %mul3A_702, %add3A_774 : i32
      %get3A_776 = arith.index_cast %add3A_775 : i32 to index
      %get3A_777 = tpu.vector_load %arg4[%get3A_776] {strides = array<i32>} : memref<32768xf32, #tpu.memory_space<vmem>>, vector<16xf32>,
      %bitcast_convert_type3A_778 = tpu.bitcast %get3A_777 : vector<16xf32> -> vector<16xi32>
      %ge3A_779 = arith.constant 0 : i32
      %ge3A_780 = vector.broadcast %ge3A_779 : i32 to vector<16xi32>
      %ge3A_781 = arith.cmpi sge, %bitcast_convert_type3A_778, %ge3A_780 : vector<16xi32>
      %xor3A_782 = arith.constant 2147483647 : i32
      %xor3A_783 = vector.broadcast %xor3A_782 : i32 to vector<16xi32>
      %xor3A_784 = arith.xori %bitcast_convert_type3A_778, %xor3A_783 : vector<16xi32>
      %select_n3A_785 = arith.select %ge3A_781, %bitcast_convert_type3A_778, %xor3A_784 : vector<16xi1>, vector<16xi32>
      %bitcast_convert_type3A_786 = tpu.bitcast %select_n3A_785 : vector<16xi32> -> vector<16xf32>
      %gt3A_787 = vector.broadcast %select_n3A_604 : i32 to vector<16xi32>
      %gt3A_788 = arith.cmpi sgt, %bitcast_convert_type3A_778, %gt3A_787 : vector<16xi32>
      %jit3A_789 = arith.constant 1 : i32
      %jit3A_790 = arith.constant 0 : i32
      %broadcast_in_dim3A_791 = vector.broadcast %jit3A_789 : i32 to vector<16xi32>
      %broadcast_in_dim3A_792 = vector.broadcast %jit3A_790 : i32 to vector<16xi32>
      %select_n3A_793 = arith.select %gt3A_788, %broadcast_in_dim3A_791, %broadcast_in_dim3A_792 : vector<16xi1>, vector<16xi32>
      %add3A_794 = arith.addi %add3A_758, %select_n3A_793 : vector<16xi32>
      %eq3A_795 = vector.broadcast %select_n3A_604 : i32 to vector<16xi32>
      %eq3A_796 = arith.cmpi eq, %bitcast_convert_type3A_778, %eq3A_795 : vector<16xi32>
      %jit3A_797 = arith.constant 1 : i32
      %jit3A_798 = arith.constant 0 : i32
      %broadcast_in_dim3A_799 = vector.broadcast %jit3A_797 : i32 to vector<16xi32>
      %broadcast_in_dim3A_800 = vector.broadcast %jit3A_798 : i32 to vector<16xi32>
      %select_n3A_801 = arith.select %eq3A_796, %broadcast_in_dim3A_799, %broadcast_in_dim3A_800 : vector<16xi1>, vector<16xi32>
      %add3A_802 = arith.addi %add3A_766, %select_n3A_801 : vector<16xi32>
      %sub3A_803 = vector.broadcast %reduce_max3A_337 : f32 to vector<16xf32>
      %sub3A_804 = arith.subf %bitcast_convert_type3A_786, %sub3A_803 : vector<16xf32>
      %exp3A_805 = math.exp %sub3A_804 : vector<16xf32>
      %jit3A_806 = arith.constant 0.000000e+00 : f32
      %broadcast_in_dim3A_807 = vector.broadcast %jit3A_806 : f32 to vector<16xf32>
      %select_n3A_808 = arith.select %gt3A_788, %exp3A_805, %broadcast_in_dim3A_807 : vector<16xi1>, vector<16xf32>
      %add3A_809 = arith.addf %add3A_773, %select_n3A_808 : vector<16xf32>
      %add3A_810 = arith.constant 48 : i32
      %add3A_811 = arith.addi %mul3A_702, %add3A_810 : i32
      %get3A_812 = arith.index_cast %add3A_811 : i32 to index
      %get3A_813 = tpu.vector_load %arg4[%get3A_812] {strides = array<i32>} : memref<32768xf32, #tpu.memory_space<vmem>>, vector<16xf32>,
      %bitcast_convert_type3A_814 = tpu.bitcast %get3A_813 : vector<16xf32> -> vector<16xi32>
      %ge3A_815 = arith.constant 0 : i32
      %ge3A_816 = vector.broadcast %ge3A_815 : i32 to vector<16xi32>
      %ge3A_817 = arith.cmpi sge, %bitcast_convert_type3A_814, %ge3A_816 : vector<16xi32>
      %xor3A_818 = arith.constant 2147483647 : i32
      %xor3A_819 = vector.broadcast %xor3A_818 : i32 to vector<16xi32>
      %xor3A_820 = arith.xori %bitcast_convert_type3A_814, %xor3A_819 : vector<16xi32>
      %select_n3A_821 = arith.select %ge3A_817, %bitcast_convert_type3A_814, %xor3A_820 : vector<16xi1>, vector<16xi32>
      %bitcast_convert_type3A_822 = tpu.bitcast %select_n3A_821 : vector<16xi32> -> vector<16xf32>
      %gt3A_823 = vector.broadcast %select_n3A_604 : i32 to vector<16xi32>
      %gt3A_824 = arith.cmpi sgt, %bitcast_convert_type3A_814, %gt3A_823 : vector<16xi32>
      %jit3A_825 = arith.constant 1 : i32
      %jit3A_826 = arith.constant 0 : i32
      %broadcast_in_dim3A_827 = vector.broadcast %jit3A_825 : i32 to vector<16xi32>
      %broadcast_in_dim3A_828 = vector.broadcast %jit3A_826 : i32 to vector<16xi32>
      %select_n3A_829 = arith.select %gt3A_824, %broadcast_in_dim3A_827, %broadcast_in_dim3A_828 : vector<16xi1>, vector<16xi32>
      %add3A_830 = arith.addi %add3A_794, %select_n3A_829 : vector<16xi32>
      %eq3A_831 = vector.broadcast %select_n3A_604 : i32 to vector<16xi32>
      %eq3A_832 = arith.cmpi eq, %bitcast_convert_type3A_814, %eq3A_831 : vector<16xi32>
      %jit3A_833 = arith.constant 1 : i32
      %jit3A_834 = arith.constant 0 : i32
      %broadcast_in_dim3A_835 = vector.broadcast %jit3A_833 : i32 to vector<16xi32>
      %broadcast_in_dim3A_836 = vector.broadcast %jit3A_834 : i32 to vector<16xi32>
      %select_n3A_837 = arith.select %eq3A_832, %broadcast_in_dim3A_835, %broadcast_in_dim3A_836 : vector<16xi1>, vector<16xi32>
      %add3A_838 = arith.addi %add3A_802, %select_n3A_837 : vector<16xi32>
      %sub3A_839 = vector.broadcast %reduce_max3A_337 : f32 to vector<16xf32>
      %sub3A_840 = arith.subf %bitcast_convert_type3A_822, %sub3A_839 : vector<16xf32>
      %exp3A_841 = math.exp %sub3A_840 : vector<16xf32>
      %jit3A_842 = arith.constant 0.000000e+00 : f32
      %broadcast_in_dim3A_843 = vector.broadcast %jit3A_842 : f32 to vector<16xf32>
      %select_n3A_844 = arith.select %gt3A_824, %exp3A_841, %broadcast_in_dim3A_843 : vector<16xi1>, vector<16xf32>
      %add3A_845 = arith.addf %add3A_809, %select_n3A_844 : vector<16xf32>
      %add3A_846 = arith.constant 64 : i32
      %add3A_847 = arith.addi %mul3A_702, %add3A_846 : i32
      %get3A_848 = arith.index_cast %add3A_847 : i32 to index
      %get3A_849 = tpu.vector_load %arg4[%get3A_848] {strides = array<i32>} : memref<32768xf32, #tpu.memory_space<vmem>>, vector<16xf32>,
      %bitcast_convert_type3A_850 = tpu.bitcast %get3A_849 : vector<16xf32> -> vector<16xi32>
      %ge3A_851 = arith.constant 0 : i32
      %ge3A_852 = vector.broadcast %ge3A_851 : i32 to vector<16xi32>
      %ge3A_853 = arith.cmpi sge, %bitcast_convert_type3A_850, %ge3A_852 : vector<16xi32>
      %xor3A_854 = arith.constant 2147483647 : i32
      %xor3A_855 = vector.broadcast %xor3A_854 : i32 to vector<16xi32>
      %xor3A_856 = arith.xori %bitcast_convert_type3A_850, %xor3A_855 : vector<16xi32>
      %select_n3A_857 = arith.select %ge3A_853, %bitcast_convert_type3A_850, %xor3A_856 : vector<16xi1>, vector<16xi32>
      %bitcast_convert_type3A_858 = tpu.bitcast %select_n3A_857 : vector<16xi32> -> vector<16xf32>
      %gt3A_859 = vector.broadcast %select_n3A_604 : i32 to vector<16xi32>
      %gt3A_860 = arith.cmpi sgt, %bitcast_convert_type3A_850, %gt3A_859 : vector<16xi32>
      %jit3A_861 = arith.constant 1 : i32
      %jit3A_862 = arith.constant 0 : i32
      %broadcast_in_dim3A_863 = vector.broadcast %jit3A_861 : i32 to vector<16xi32>
      %broadcast_in_dim3A_864 = vector.broadcast %jit3A_862 : i32 to vector<16xi32>
      %select_n3A_865 = arith.select %gt3A_860, %broadcast_in_dim3A_863, %broadcast_in_dim3A_864 : vector<16xi1>, vector<16xi32>
      %add3A_866 = arith.addi %add3A_830, %select_n3A_865 : vector<16xi32>
      %eq3A_867 = vector.broadcast %select_n3A_604 : i32 to vector<16xi32>
      %eq3A_868 = arith.cmpi eq, %bitcast_convert_type3A_850, %eq3A_867 : vector<16xi32>
      %jit3A_869 = arith.constant 1 : i32
      %jit3A_870 = arith.constant 0 : i32
      %broadcast_in_dim3A_871 = vector.broadcast %jit3A_869 : i32 to vector<16xi32>
      %broadcast_in_dim3A_872 = vector.broadcast %jit3A_870 : i32 to vector<16xi32>
      %select_n3A_873 = arith.select %eq3A_868, %broadcast_in_dim3A_871, %broadcast_in_dim3A_872 : vector<16xi1>, vector<16xi32>
      %add3A_874 = arith.addi %add3A_838, %select_n3A_873 : vector<16xi32>
      %sub3A_875 = vector.broadcast %reduce_max3A_337 : f32 to vector<16xf32>
      %sub3A_876 = arith.subf %bitcast_convert_type3A_858, %sub3A_875 : vector<16xf32>
      %exp3A_877 = math.exp %sub3A_876 : vector<16xf32>
      %jit3A_878 = arith.constant 0.000000e+00 : f32
      %broadcast_in_dim3A_879 = vector.broadcast %jit3A_878 : f32 to vector<16xf32>
      %select_n3A_880 = arith.select %gt3A_860, %exp3A_877, %broadcast_in_dim3A_879 : vector<16xi1>, vector<16xf32>
      %add3A_881 = arith.addf %add3A_845, %select_n3A_880 : vector<16xf32>
      %add3A_882 = arith.constant 80 : i32
      %add3A_883 = arith.addi %mul3A_702, %add3A_882 : i32
      %get3A_884 = arith.index_cast %add3A_883 : i32 to index
      %get3A_885 = tpu.vector_load %arg4[%get3A_884] {strides = array<i32>} : memref<32768xf32, #tpu.memory_space<vmem>>, vector<16xf32>,
      %bitcast_convert_type3A_886 = tpu.bitcast %get3A_885 : vector<16xf32> -> vector<16xi32>
      %ge3A_887 = arith.constant 0 : i32
      %ge3A_888 = vector.broadcast %ge3A_887 : i32 to vector<16xi32>
      %ge3A_889 = arith.cmpi sge, %bitcast_convert_type3A_886, %ge3A_888 : vector<16xi32>
      %xor3A_890 = arith.constant 2147483647 : i32
      %xor3A_891 = vector.broadcast %xor3A_890 : i32 to vector<16xi32>
      %xor3A_892 = arith.xori %bitcast_convert_type3A_886, %xor3A_891 : vector<16xi32>
      %select_n3A_893 = arith.select %ge3A_889, %bitcast_convert_type3A_886, %xor3A_892 : vector<16xi1>, vector<16xi32>
      %bitcast_convert_type3A_894 = tpu.bitcast %select_n3A_893 : vector<16xi32> -> vector<16xf32>
      %gt3A_895 = vector.broadcast %select_n3A_604 : i32 to vector<16xi32>
      %gt3A_896 = arith.cmpi sgt, %bitcast_convert_type3A_886, %gt3A_895 : vector<16xi32>
      %jit3A_897 = arith.constant 1 : i32
      %jit3A_898 = arith.constant 0 : i32
      %broadcast_in_dim3A_899 = vector.broadcast %jit3A_897 : i32 to vector<16xi32>
      %broadcast_in_dim3A_900 = vector.broadcast %jit3A_898 : i32 to vector<16xi32>
      %select_n3A_901 = arith.select %gt3A_896, %broadcast_in_dim3A_899, %broadcast_in_dim3A_900 : vector<16xi1>, vector<16xi32>
      %add3A_902 = arith.addi %add3A_866, %select_n3A_901 : vector<16xi32>
      %eq3A_903 = vector.broadcast %select_n3A_604 : i32 to vector<16xi32>
      %eq3A_904 = arith.cmpi eq, %bitcast_convert_type3A_886, %eq3A_903 : vector<16xi32>
      %jit3A_905 = arith.constant 1 : i32
      %jit3A_906 = arith.constant 0 : i32
      %broadcast_in_dim3A_907 = vector.broadcast %jit3A_905 : i32 to vector<16xi32>
      %broadcast_in_dim3A_908 = vector.broadcast %jit3A_906 : i32 to vector<16xi32>
      %select_n3A_909 = arith.select %eq3A_904, %broadcast_in_dim3A_907, %broadcast_in_dim3A_908 : vector<16xi1>, vector<16xi32>
      %add3A_910 = arith.addi %add3A_874, %select_n3A_909 : vector<16xi32>
      %sub3A_911 = vector.broadcast %reduce_max3A_337 : f32 to vector<16xf32>
      %sub3A_912 = arith.subf %bitcast_convert_type3A_894, %sub3A_911 : vector<16xf32>
      %exp3A_913 = math.exp %sub3A_912 : vector<16xf32>
      %jit3A_914 = arith.constant 0.000000e+00 : f32
      %broadcast_in_dim3A_915 = vector.broadcast %jit3A_914 : f32 to vector<16xf32>
      %select_n3A_916 = arith.select %gt3A_896, %exp3A_913, %broadcast_in_dim3A_915 : vector<16xi1>, vector<16xf32>
      %add3A_917 = arith.addf %add3A_881, %select_n3A_916 : vector<16xf32>
      %add3A_918 = arith.constant 96 : i32
      %add3A_919 = arith.addi %mul3A_702, %add3A_918 : i32
      %get3A_920 = arith.index_cast %add3A_919 : i32 to index
      %get3A_921 = tpu.vector_load %arg4[%get3A_920] {strides = array<i32>} : memref<32768xf32, #tpu.memory_space<vmem>>, vector<16xf32>,
      %bitcast_convert_type3A_922 = tpu.bitcast %get3A_921 : vector<16xf32> -> vector<16xi32>
      %ge3A_923 = arith.constant 0 : i32
      %ge3A_924 = vector.broadcast %ge3A_923 : i32 to vector<16xi32>
      %ge3A_925 = arith.cmpi sge, %bitcast_convert_type3A_922, %ge3A_924 : vector<16xi32>
      %xor3A_926 = arith.constant 2147483647 : i32
      %xor3A_927 = vector.broadcast %xor3A_926 : i32 to vector<16xi32>
      %xor3A_928 = arith.xori %bitcast_convert_type3A_922, %xor3A_927 : vector<16xi32>
      %select_n3A_929 = arith.select %ge3A_925, %bitcast_convert_type3A_922, %xor3A_928 : vector<16xi1>, vector<16xi32>
      %bitcast_convert_type3A_930 = tpu.bitcast %select_n3A_929 : vector<16xi32> -> vector<16xf32>
      %gt3A_931 = vector.broadcast %select_n3A_604 : i32 to vector<16xi32>
      %gt3A_932 = arith.cmpi sgt, %bitcast_convert_type3A_922, %gt3A_931 : vector<16xi32>
      %jit3A_933 = arith.constant 1 : i32
      %jit3A_934 = arith.constant 0 : i32
      %broadcast_in_dim3A_935 = vector.broadcast %jit3A_933 : i32 to vector<16xi32>
      %broadcast_in_dim3A_936 = vector.broadcast %jit3A_934 : i32 to vector<16xi32>
      %select_n3A_937 = arith.select %gt3A_932, %broadcast_in_dim3A_935, %broadcast_in_dim3A_936 : vector<16xi1>, vector<16xi32>
      %add3A_938 = arith.addi %add3A_902, %select_n3A_937 : vector<16xi32>
      %eq3A_939 = vector.broadcast %select_n3A_604 : i32 to vector<16xi32>
      %eq3A_940 = arith.cmpi eq, %bitcast_convert_type3A_922, %eq3A_939 : vector<16xi32>
      %jit3A_941 = arith.constant 1 : i32
      %jit3A_942 = arith.constant 0 : i32
      %broadcast_in_dim3A_943 = vector.broadcast %jit3A_941 : i32 to vector<16xi32>
      %broadcast_in_dim3A_944 = vector.broadcast %jit3A_942 : i32 to vector<16xi32>
      %select_n3A_945 = arith.select %eq3A_940, %broadcast_in_dim3A_943, %broadcast_in_dim3A_944 : vector<16xi1>, vector<16xi32>
      %add3A_946 = arith.addi %add3A_910, %select_n3A_945 : vector<16xi32>
      %sub3A_947 = vector.broadcast %reduce_max3A_337 : f32 to vector<16xf32>
      %sub3A_948 = arith.subf %bitcast_convert_type3A_930, %sub3A_947 : vector<16xf32>
      %exp3A_949 = math.exp %sub3A_948 : vector<16xf32>
      %jit3A_950 = arith.constant 0.000000e+00 : f32
      %broadcast_in_dim3A_951 = vector.broadcast %jit3A_950 : f32 to vector<16xf32>
      %select_n3A_952 = arith.select %gt3A_932, %exp3A_949, %broadcast_in_dim3A_951 : vector<16xi1>, vector<16xf32>
      %add3A_953 = arith.addf %add3A_917, %select_n3A_952 : vector<16xf32>
      %add3A_954 = arith.constant 112 : i32
      %add3A_955 = arith.addi %mul3A_702, %add3A_954 : i32
      %get3A_956 = arith.index_cast %add3A_955 : i32 to index
      %get3A_957 = tpu.vector_load %arg4[%get3A_956] {strides = array<i32>} : memref<32768xf32, #tpu.memory_space<vmem>>, vector<16xf32>,
      %bitcast_convert_type3A_958 = tpu.bitcast %get3A_957 : vector<16xf32> -> vector<16xi32>
      %ge3A_959 = arith.constant 0 : i32
      %ge3A_960 = vector.broadcast %ge3A_959 : i32 to vector<16xi32>
      %ge3A_961 = arith.cmpi sge, %bitcast_convert_type3A_958, %ge3A_960 : vector<16xi32>
      %xor3A_962 = arith.constant 2147483647 : i32
      %xor3A_963 = vector.broadcast %xor3A_962 : i32 to vector<16xi32>
      %xor3A_964 = arith.xori %bitcast_convert_type3A_958, %xor3A_963 : vector<16xi32>
      %select_n3A_965 = arith.select %ge3A_961, %bitcast_convert_type3A_958, %xor3A_964 : vector<16xi1>, vector<16xi32>
      %bitcast_convert_type3A_966 = tpu.bitcast %select_n3A_965 : vector<16xi32> -> vector<16xf32>
      %gt3A_967 = vector.broadcast %select_n3A_604 : i32 to vector<16xi32>
      %gt3A_968 = arith.cmpi sgt, %bitcast_convert_type3A_958, %gt3A_967 : vector<16xi32>
      %jit3A_969 = arith.constant 1 : i32
      %jit3A_970 = arith.constant 0 : i32
      %broadcast_in_dim3A_971 = vector.broadcast %jit3A_969 : i32 to vector<16xi32>
      %broadcast_in_dim3A_972 = vector.broadcast %jit3A_970 : i32 to vector<16xi32>
      %select_n3A_973 = arith.select %gt3A_968, %broadcast_in_dim3A_971, %broadcast_in_dim3A_972 : vector<16xi1>, vector<16xi32>
      %add3A_974 = arith.addi %add3A_938, %select_n3A_973 : vector<16xi32>
      %eq3A_975 = vector.broadcast %select_n3A_604 : i32 to vector<16xi32>
      %eq3A_976 = arith.cmpi eq, %bitcast_convert_type3A_958, %eq3A_975 : vector<16xi32>
      %jit3A_977 = arith.constant 1 : i32
      %jit3A_978 = arith.constant 0 : i32
      %broadcast_in_dim3A_979 = vector.broadcast %jit3A_977 : i32 to vector<16xi32>
      %broadcast_in_dim3A_980 = vector.broadcast %jit3A_978 : i32 to vector<16xi32>
      %select_n3A_981 = arith.select %eq3A_976, %broadcast_in_dim3A_979, %broadcast_in_dim3A_980 : vector<16xi1>, vector<16xi32>
      %add3A_982 = arith.addi %add3A_946, %select_n3A_981 : vector<16xi32>
      %sub3A_983 = vector.broadcast %reduce_max3A_337 : f32 to vector<16xf32>
      %sub3A_984 = arith.subf %bitcast_convert_type3A_966, %sub3A_983 : vector<16xf32>
      %exp3A_985 = math.exp %sub3A_984 : vector<16xf32>
      %jit3A_986 = arith.constant 0.000000e+00 : f32
      %broadcast_in_dim3A_987 = vector.broadcast %jit3A_986 : f32 to vector<16xf32>
      %select_n3A_988 = arith.select %gt3A_968, %exp3A_985, %broadcast_in_dim3A_987 : vector<16xi1>, vector<16xf32>
      %add3A_989 = arith.addf %add3A_953, %select_n3A_988 : vector<16xf32>
      scf.yield %add3A_974, %add3A_982, %add3A_989 : vector<16xi32>, vector<16xi32>, vector<16xf32>
    }
    %scan3A_616 = arith.constant 256 : i32
    %reduce_sum3A_617 = arith.constant true
    %reduce_sum3A_618 = vector.broadcast %reduce_sum3A_617 : i1 to vector<16xi1>
    %reduce_sum3A_619 = tpu.scan <sum>, %scan3A_615#0 masked %reduce_sum3A_618 : vector<16xi32>, vector<16xi1> -> vector<16xi32>
    %reduce_sum3A_620 = vector.extract %reduce_sum3A_619[15] : i32 from vector<16xi32>
    %reduce_sum3A_621 = arith.constant true
    %reduce_sum3A_622 = vector.broadcast %reduce_sum3A_621 : i1 to vector<16xi1>
    %reduce_sum3A_623 = tpu.scan <sum>, %scan3A_615#1 masked %reduce_sum3A_622 : vector<16xi32>, vector<16xi1> -> vector<16xi32>
    %reduce_sum3A_624 = vector.extract %reduce_sum3A_623[15] : i32 from vector<16xi32>
    %sub3A_625 = arith.constant 512 : i32
    %sub3A_626 = arith.subi %sub3A_625, %reduce_sum3A_620 : i32
    %broadcast_in_dim3A_627 = arith.constant 0 : i32
    %broadcast_in_dim3A_628 = vector.broadcast %broadcast_in_dim3A_627 : i32 to vector<16xi32>
    %add3A_629 = vector.broadcast %select_n3A_604 : i32 to vector<16xi32>
    %add3A_630 = arith.addi %broadcast_in_dim3A_628, %add3A_629 : vector<16xi32>
    %ge3A_631 = arith.constant 0 : i32
    %ge3A_632 = vector.broadcast %ge3A_631 : i32 to vector<16xi32>
    %ge3A_633 = arith.cmpi sge, %add3A_630, %ge3A_632 : vector<16xi32>
    %xor3A_634 = arith.constant 2147483647 : i32
    %xor3A_635 = vector.broadcast %xor3A_634 : i32 to vector<16xi32>
    %xor3A_636 = arith.xori %add3A_630, %xor3A_635 : vector<16xi32>
    %select_n3A_637 = arith.select %ge3A_633, %add3A_630, %xor3A_636 : vector<16xi1>, vector<16xi32>
    %bitcast_convert_type3A_638 = tpu.bitcast %select_n3A_637 : vector<16xi32> -> vector<16xf32>
    %sub3A_639 = vector.broadcast %reduce_max3A_337 : f32 to vector<16xf32>
    %sub3A_640 = arith.subf %bitcast_convert_type3A_638, %sub3A_639 : vector<16xf32>
    %exp3A_641 = math.exp %sub3A_640 : vector<16xf32>
    %reduce_max3A_642 = arith.constant true
    %reduce_max3A_643 = vector.broadcast %reduce_max3A_642 : i1 to vector<16xi1>
    %reduce_max3A_644 = tpu.scan <max>, %exp3A_641 masked %reduce_max3A_643 : vector<16xf32>, vector<16xi1> -> vector<16xf32>
    %reduce_max3A_645 = vector.extract %reduce_max3A_644[15] : f32 from vector<16xf32>
    %reduce_sum3A_646 = arith.constant true
    %reduce_sum3A_647 = vector.broadcast %reduce_sum3A_646 : i1 to vector<16xi1>
    %reduce_sum3A_648 = tpu.scan <sum>, %scan3A_615#2 masked %reduce_sum3A_647 : vector<16xf32>, vector<16xi1> -> vector<16xf32>
    %reduce_sum3A_649 = vector.extract %reduce_sum3A_648[15] : f32 from vector<16xf32>
    %convert_element_type3A_650 = arith.sitofp %sub3A_626 : i32 to f32
    %mul3A_651 = arith.mulf %convert_element_type3A_650, %reduce_max3A_645 : f32
    %add3A_652 = arith.addf %reduce_sum3A_649, %mul3A_651 : f32
    %eq3A_653 = arith.cmpi eq, %reduce_sum3A_624, %sub3A_626 : i32
    %convert_element_type3A_654 = arith.extui %eq3A_653 : i1 to i32
    %cond3A_655 = arith.constant 0 : i32
    %cond3A_656 = arith.constant 0 : i32
    %cond3A_657 = arith.cmpi ne, %convert_element_type3A_654, %cond3A_656 : i32
    %cond3A_658 = scf.if %cond3A_657 -> (i32) {
      %cond3A_697 = arith.constant 32768 : i32
      scf.yield %cond3A_697 : i32
    } else {
      %scan3A_697 = arith.constant 0 : i32
      %scan3A_698 = arith.constant 0 : i32
      %scan3A_699 = arith.constant 16 : i32
      %scan3A_700 = arith.addi %scan3A_698, %scan3A_699 : i32
      %scan3A_701 = arith.constant 1 : i32
      %scan3A_702 = scf.for %scan3A_704 = %scan3A_698 to %scan3A_700 step %scan3A_701 iter_args(%scan3A_705 = %scan3A_697) -> (i32)  : i32 {
        %sub3A_706 = arith.constant 15 : i32
        %sub3A_707 = arith.subi %sub3A_706, %scan3A_704 : i32
        %shift_left3A_708 = arith.constant 1 : i32
        %shift_left3A_709 = arith.shli %shift_left3A_708, %sub3A_707 : i32
        %add3A_710 = arith.addi %scan3A_705, %shift_left3A_709 : i32
        %broadcast_in_dim3A_711 = arith.constant 0 : i32
        %broadcast_in_dim3A_712 = vector.broadcast %broadcast_in_dim3A_711 : i32 to vector<16xi32>
        %scan3A_713 = arith.constant 0 : i32
        %scan3A_714 = arith.constant 256 : i32
        %scan3A_715 = arith.addi %scan3A_713, %scan3A_714 : i32
        %scan3A_716 = arith.constant 1 : i32
        %scan3A_717 = scf.for %scan3A_724 = %scan3A_713 to %scan3A_715 step %scan3A_716 iter_args(%scan3A_725 = %broadcast_in_dim3A_712) -> (vector<16xi32>)  : i32 {
          %mul3A_726 = arith.constant 128 : i32
          %mul3A_727 = arith.muli %scan3A_724, %mul3A_726 : i32
          %add3A_728 = arith.constant 0 : i32
          %add3A_729 = arith.addi %mul3A_727, %add3A_728 : i32
          %get3A_730 = arith.index_cast %add3A_729 : i32 to index
          %get3A_731 = tpu.vector_load %arg4[%get3A_730] {strides = array<i32>} : memref<32768xf32, #tpu.memory_space<vmem>>, vector<16xf32>,
          %bitcast_convert_type3A_732 = tpu.bitcast %get3A_731 : vector<16xf32> -> vector<16xi32>
          %add3A_733 = arith.constant 0 : i32
          %add3A_734 = arith.addi %mul3A_727, %add3A_733 : i32
          %iota3A_735 = tpu.iota {dimensions = array<i32: 0>} : vector<16xi32>
          %add3A_736 = vector.broadcast %add3A_734 : i32 to vector<16xi32>
          %add3A_737 = arith.addi %add3A_736, %iota3A_735 : vector<16xi32>
          %eq3A_738 = vector.broadcast %select_n3A_604 : i32 to vector<16xi32>
          %eq3A_739 = arith.cmpi eq, %bitcast_convert_type3A_732, %eq3A_738 : vector<16xi32>
          %lt3A_740 = vector.broadcast %add3A_710 : i32 to vector<16xi32>
          %lt3A_741 = arith.cmpi slt, %add3A_737, %lt3A_740 : vector<16xi32>
          %and3A = arith.andi %eq3A_739, %lt3A_741 : vector<16xi1>
          %jit3A_742 = arith.constant 1 : i32
          %jit3A_743 = arith.constant 0 : i32
          %broadcast_in_dim3A_744 = vector.broadcast %jit3A_742 : i32 to vector<16xi32>
          %broadcast_in_dim3A_745 = vector.broadcast %jit3A_743 : i32 to vector<16xi32>
          %select_n3A_746 = arith.select %and3A, %broadcast_in_dim3A_744, %broadcast_in_dim3A_745 : vector<16xi1>, vector<16xi32>
          %add3A_747 = arith.addi %scan3A_725, %select_n3A_746 : vector<16xi32>
          %add3A_748 = arith.constant 16 : i32
          %add3A_749 = arith.addi %mul3A_727, %add3A_748 : i32
          %get3A_750 = arith.index_cast %add3A_749 : i32 to index
          %get3A_751 = tpu.vector_load %arg4[%get3A_750] {strides = array<i32>} : memref<32768xf32, #tpu.memory_space<vmem>>, vector<16xf32>,
          %bitcast_convert_type3A_752 = tpu.bitcast %get3A_751 : vector<16xf32> -> vector<16xi32>
          %add3A_753 = arith.constant 16 : i32
          %add3A_754 = arith.addi %mul3A_727, %add3A_753 : i32
          %iota3A_755 = tpu.iota {dimensions = array<i32: 0>} : vector<16xi32>
          %add3A_756 = vector.broadcast %add3A_754 : i32 to vector<16xi32>
          %add3A_757 = arith.addi %add3A_756, %iota3A_755 : vector<16xi32>
          %eq3A_758 = vector.broadcast %select_n3A_604 : i32 to vector<16xi32>
          %eq3A_759 = arith.cmpi eq, %bitcast_convert_type3A_752, %eq3A_758 : vector<16xi32>
          %lt3A_760 = vector.broadcast %add3A_710 : i32 to vector<16xi32>
          %lt3A_761 = arith.cmpi slt, %add3A_757, %lt3A_760 : vector<16xi32>
          %and3A_762 = arith.andi %eq3A_759, %lt3A_761 : vector<16xi1>
          %jit3A_763 = arith.constant 1 : i32
          %jit3A_764 = arith.constant 0 : i32
          %broadcast_in_dim3A_765 = vector.broadcast %jit3A_763 : i32 to vector<16xi32>
          %broadcast_in_dim3A_766 = vector.broadcast %jit3A_764 : i32 to vector<16xi32>
          %select_n3A_767 = arith.select %and3A_762, %broadcast_in_dim3A_765, %broadcast_in_dim3A_766 : vector<16xi1>, vector<16xi32>
          %add3A_768 = arith.addi %add3A_747, %select_n3A_767 : vector<16xi32>
          %add3A_769 = arith.constant 32 : i32
          %add3A_770 = arith.addi %mul3A_727, %add3A_769 : i32
          %get3A_771 = arith.index_cast %add3A_770 : i32 to index
          %get3A_772 = tpu.vector_load %arg4[%get3A_771] {strides = array<i32>} : memref<32768xf32, #tpu.memory_space<vmem>>, vector<16xf32>,
          %bitcast_convert_type3A_773 = tpu.bitcast %get3A_772 : vector<16xf32> -> vector<16xi32>
          %add3A_774 = arith.constant 32 : i32
          %add3A_775 = arith.addi %mul3A_727, %add3A_774 : i32
          %iota3A_776 = tpu.iota {dimensions = array<i32: 0>} : vector<16xi32>
          %add3A_777 = vector.broadcast %add3A_775 : i32 to vector<16xi32>
          %add3A_778 = arith.addi %add3A_777, %iota3A_776 : vector<16xi32>
          %eq3A_779 = vector.broadcast %select_n3A_604 : i32 to vector<16xi32>
          %eq3A_780 = arith.cmpi eq, %bitcast_convert_type3A_773, %eq3A_779 : vector<16xi32>
          %lt3A_781 = vector.broadcast %add3A_710 : i32 to vector<16xi32>
          %lt3A_782 = arith.cmpi slt, %add3A_778, %lt3A_781 : vector<16xi32>
          %and3A_783 = arith.andi %eq3A_780, %lt3A_782 : vector<16xi1>
          %jit3A_784 = arith.constant 1 : i32
          %jit3A_785 = arith.constant 0 : i32
          %broadcast_in_dim3A_786 = vector.broadcast %jit3A_784 : i32 to vector<16xi32>
          %broadcast_in_dim3A_787 = vector.broadcast %jit3A_785 : i32 to vector<16xi32>
          %select_n3A_788 = arith.select %and3A_783, %broadcast_in_dim3A_786, %broadcast_in_dim3A_787 : vector<16xi1>, vector<16xi32>
          %add3A_789 = arith.addi %add3A_768, %select_n3A_788 : vector<16xi32>
          %add3A_790 = arith.constant 48 : i32
          %add3A_791 = arith.addi %mul3A_727, %add3A_790 : i32
          %get3A_792 = arith.index_cast %add3A_791 : i32 to index
          %get3A_793 = tpu.vector_load %arg4[%get3A_792] {strides = array<i32>} : memref<32768xf32, #tpu.memory_space<vmem>>, vector<16xf32>,
          %bitcast_convert_type3A_794 = tpu.bitcast %get3A_793 : vector<16xf32> -> vector<16xi32>
          %add3A_795 = arith.constant 48 : i32
          %add3A_796 = arith.addi %mul3A_727, %add3A_795 : i32
          %iota3A_797 = tpu.iota {dimensions = array<i32: 0>} : vector<16xi32>
          %add3A_798 = vector.broadcast %add3A_796 : i32 to vector<16xi32>
          %add3A_799 = arith.addi %add3A_798, %iota3A_797 : vector<16xi32>
          %eq3A_800 = vector.broadcast %select_n3A_604 : i32 to vector<16xi32>
          %eq3A_801 = arith.cmpi eq, %bitcast_convert_type3A_794, %eq3A_800 : vector<16xi32>
          %lt3A_802 = vector.broadcast %add3A_710 : i32 to vector<16xi32>
          %lt3A_803 = arith.cmpi slt, %add3A_799, %lt3A_802 : vector<16xi32>
          %and3A_804 = arith.andi %eq3A_801, %lt3A_803 : vector<16xi1>
          %jit3A_805 = arith.constant 1 : i32
          %jit3A_806 = arith.constant 0 : i32
          %broadcast_in_dim3A_807 = vector.broadcast %jit3A_805 : i32 to vector<16xi32>
          %broadcast_in_dim3A_808 = vector.broadcast %jit3A_806 : i32 to vector<16xi32>
          %select_n3A_809 = arith.select %and3A_804, %broadcast_in_dim3A_807, %broadcast_in_dim3A_808 : vector<16xi1>, vector<16xi32>
          %add3A_810 = arith.addi %add3A_789, %select_n3A_809 : vector<16xi32>
          %add3A_811 = arith.constant 64 : i32
          %add3A_812 = arith.addi %mul3A_727, %add3A_811 : i32
          %get3A_813 = arith.index_cast %add3A_812 : i32 to index
          %get3A_814 = tpu.vector_load %arg4[%get3A_813] {strides = array<i32>} : memref<32768xf32, #tpu.memory_space<vmem>>, vector<16xf32>,
          %bitcast_convert_type3A_815 = tpu.bitcast %get3A_814 : vector<16xf32> -> vector<16xi32>
          %add3A_816 = arith.constant 64 : i32
          %add3A_817 = arith.addi %mul3A_727, %add3A_816 : i32
          %iota3A_818 = tpu.iota {dimensions = array<i32: 0>} : vector<16xi32>
          %add3A_819 = vector.broadcast %add3A_817 : i32 to vector<16xi32>
          %add3A_820 = arith.addi %add3A_819, %iota3A_818 : vector<16xi32>
          %eq3A_821 = vector.broadcast %select_n3A_604 : i32 to vector<16xi32>
          %eq3A_822 = arith.cmpi eq, %bitcast_convert_type3A_815, %eq3A_821 : vector<16xi32>
          %lt3A_823 = vector.broadcast %add3A_710 : i32 to vector<16xi32>
          %lt3A_824 = arith.cmpi slt, %add3A_820, %lt3A_823 : vector<16xi32>
          %and3A_825 = arith.andi %eq3A_822, %lt3A_824 : vector<16xi1>
          %jit3A_826 = arith.constant 1 : i32
          %jit3A_827 = arith.constant 0 : i32
          %broadcast_in_dim3A_828 = vector.broadcast %jit3A_826 : i32 to vector<16xi32>
          %broadcast_in_dim3A_829 = vector.broadcast %jit3A_827 : i32 to vector<16xi32>
          %select_n3A_830 = arith.select %and3A_825, %broadcast_in_dim3A_828, %broadcast_in_dim3A_829 : vector<16xi1>, vector<16xi32>
          %add3A_831 = arith.addi %add3A_810, %select_n3A_830 : vector<16xi32>
          %add3A_832 = arith.constant 80 : i32
          %add3A_833 = arith.addi %mul3A_727, %add3A_832 : i32
          %get3A_834 = arith.index_cast %add3A_833 : i32 to index
          %get3A_835 = tpu.vector_load %arg4[%get3A_834] {strides = array<i32>} : memref<32768xf32, #tpu.memory_space<vmem>>, vector<16xf32>,
          %bitcast_convert_type3A_836 = tpu.bitcast %get3A_835 : vector<16xf32> -> vector<16xi32>
          %add3A_837 = arith.constant 80 : i32
          %add3A_838 = arith.addi %mul3A_727, %add3A_837 : i32
          %iota3A_839 = tpu.iota {dimensions = array<i32: 0>} : vector<16xi32>
          %add3A_840 = vector.broadcast %add3A_838 : i32 to vector<16xi32>
          %add3A_841 = arith.addi %add3A_840, %iota3A_839 : vector<16xi32>
          %eq3A_842 = vector.broadcast %select_n3A_604 : i32 to vector<16xi32>
          %eq3A_843 = arith.cmpi eq, %bitcast_convert_type3A_836, %eq3A_842 : vector<16xi32>
          %lt3A_844 = vector.broadcast %add3A_710 : i32 to vector<16xi32>
          %lt3A_845 = arith.cmpi slt, %add3A_841, %lt3A_844 : vector<16xi32>
          %and3A_846 = arith.andi %eq3A_843, %lt3A_845 : vector<16xi1>
          %jit3A_847 = arith.constant 1 : i32
          %jit3A_848 = arith.constant 0 : i32
          %broadcast_in_dim3A_849 = vector.broadcast %jit3A_847 : i32 to vector<16xi32>
          %broadcast_in_dim3A_850 = vector.broadcast %jit3A_848 : i32 to vector<16xi32>
          %select_n3A_851 = arith.select %and3A_846, %broadcast_in_dim3A_849, %broadcast_in_dim3A_850 : vector<16xi1>, vector<16xi32>
          %add3A_852 = arith.addi %add3A_831, %select_n3A_851 : vector<16xi32>
          %add3A_853 = arith.constant 96 : i32
          %add3A_854 = arith.addi %mul3A_727, %add3A_853 : i32
          %get3A_855 = arith.index_cast %add3A_854 : i32 to index
          %get3A_856 = tpu.vector_load %arg4[%get3A_855] {strides = array<i32>} : memref<32768xf32, #tpu.memory_space<vmem>>, vector<16xf32>,
          %bitcast_convert_type3A_857 = tpu.bitcast %get3A_856 : vector<16xf32> -> vector<16xi32>
          %add3A_858 = arith.constant 96 : i32
          %add3A_859 = arith.addi %mul3A_727, %add3A_858 : i32
          %iota3A_860 = tpu.iota {dimensions = array<i32: 0>} : vector<16xi32>
          %add3A_861 = vector.broadcast %add3A_859 : i32 to vector<16xi32>
          %add3A_862 = arith.addi %add3A_861, %iota3A_860 : vector<16xi32>
          %eq3A_863 = vector.broadcast %select_n3A_604 : i32 to vector<16xi32>
          %eq3A_864 = arith.cmpi eq, %bitcast_convert_type3A_857, %eq3A_863 : vector<16xi32>
          %lt3A_865 = vector.broadcast %add3A_710 : i32 to vector<16xi32>
          %lt3A_866 = arith.cmpi slt, %add3A_862, %lt3A_865 : vector<16xi32>
          %and3A_867 = arith.andi %eq3A_864, %lt3A_866 : vector<16xi1>
          %jit3A_868 = arith.constant 1 : i32
          %jit3A_869 = arith.constant 0 : i32
          %broadcast_in_dim3A_870 = vector.broadcast %jit3A_868 : i32 to vector<16xi32>
          %broadcast_in_dim3A_871 = vector.broadcast %jit3A_869 : i32 to vector<16xi32>
          %select_n3A_872 = arith.select %and3A_867, %broadcast_in_dim3A_870, %broadcast_in_dim3A_871 : vector<16xi1>, vector<16xi32>
          %add3A_873 = arith.addi %add3A_852, %select_n3A_872 : vector<16xi32>
          %add3A_874 = arith.constant 112 : i32
          %add3A_875 = arith.addi %mul3A_727, %add3A_874 : i32
          %get3A_876 = arith.index_cast %add3A_875 : i32 to index
          %get3A_877 = tpu.vector_load %arg4[%get3A_876] {strides = array<i32>} : memref<32768xf32, #tpu.memory_space<vmem>>, vector<16xf32>,
          %bitcast_convert_type3A_878 = tpu.bitcast %get3A_877 : vector<16xf32> -> vector<16xi32>
          %add3A_879 = arith.constant 112 : i32
          %add3A_880 = arith.addi %mul3A_727, %add3A_879 : i32
          %iota3A_881 = tpu.iota {dimensions = array<i32: 0>} : vector<16xi32>
          %add3A_882 = vector.broadcast %add3A_880 : i32 to vector<16xi32>
          %add3A_883 = arith.addi %add3A_882, %iota3A_881 : vector<16xi32>
          %eq3A_884 = vector.broadcast %select_n3A_604 : i32 to vector<16xi32>
          %eq3A_885 = arith.cmpi eq, %bitcast_convert_type3A_878, %eq3A_884 : vector<16xi32>
          %lt3A_886 = vector.broadcast %add3A_710 : i32 to vector<16xi32>
          %lt3A_887 = arith.cmpi slt, %add3A_883, %lt3A_886 : vector<16xi32>
          %and3A_888 = arith.andi %eq3A_885, %lt3A_887 : vector<16xi1>
          %jit3A_889 = arith.constant 1 : i32
          %jit3A_890 = arith.constant 0 : i32
          %broadcast_in_dim3A_891 = vector.broadcast %jit3A_889 : i32 to vector<16xi32>
          %broadcast_in_dim3A_892 = vector.broadcast %jit3A_890 : i32 to vector<16xi32>
          %select_n3A_893 = arith.select %and3A_888, %broadcast_in_dim3A_891, %broadcast_in_dim3A_892 : vector<16xi1>, vector<16xi32>
          %add3A_894 = arith.addi %add3A_873, %select_n3A_893 : vector<16xi32>
          scf.yield %add3A_894 : vector<16xi32>
        }
        %scan3A_718 = arith.constant 256 : i32
        %reduce_sum3A_719 = arith.constant true
        %reduce_sum3A_720 = vector.broadcast %reduce_sum3A_719 : i1 to vector<16xi1>
        %reduce_sum3A_721 = tpu.scan <sum>, %scan3A_717 masked %reduce_sum3A_720 : vector<16xi32>, vector<16xi1> -> vector<16xi32>
        %reduce_sum3A_722 = vector.extract %reduce_sum3A_721[15] : i32 from vector<16xi32>
        %le3A = arith.cmpi sle, %reduce_sum3A_722, %sub3A_626 : i32
        %select_n3A_723 = arith.select %le3A, %add3A_710, %scan3A_705 : i32
        scf.yield %select_n3A_723 : i32
      }
      %scan3A_703 = arith.constant 16 : i32
      scf.yield %scan3A_702 : i32
    }
    %iota3A_659 = tpu.iota {dimensions = array<i32: 0>} : vector<16xi32>
    %eq3A_660 = arith.constant 0 : i32
    %eq3A_661 = vector.broadcast %eq3A_660 : i32 to vector<16xi32>
    %eq3A_662 = arith.cmpi eq, %iota3A_659, %eq3A_661 : vector<16xi32>
    %eq3A_663 = arith.constant 1 : i32
    %eq3A_664 = vector.broadcast %eq3A_663 : i32 to vector<16xi32>
    %eq3A_665 = arith.cmpi eq, %iota3A_659, %eq3A_664 : vector<16xi32>
    %eq3A_666 = arith.constant 2 : i32
    %eq3A_667 = vector.broadcast %eq3A_666 : i32 to vector<16xi32>
    %eq3A_668 = arith.cmpi eq, %iota3A_659, %eq3A_667 : vector<16xi32>
    %broadcast_in_dim3A_669 = vector.broadcast %cond3A_319 : i32 to vector<16xi32>
    %broadcast_in_dim3A_670 = vector.broadcast %cond3A_658 : i32 to vector<16xi32>
    %select_n3A_671 = arith.select %eq3A_668, %broadcast_in_dim3A_669, %broadcast_in_dim3A_670 : vector<16xi1>, vector<16xi32>
    %broadcast_in_dim3A_672 = vector.broadcast %select_n3A_604 : i32 to vector<16xi32>
    %select_n3A_673 = arith.select %eq3A_665, %broadcast_in_dim3A_672, %select_n3A_671 : vector<16xi1>, vector<16xi32>
    %broadcast_in_dim3A_674 = vector.broadcast %select_n3A_270 : i32 to vector<16xi32>
    %select_n3A_675 = arith.select %eq3A_662, %broadcast_in_dim3A_674, %select_n3A_673 : vector<16xi1>, vector<16xi32>
    %eq3A_676 = arith.constant 4 : i32
    %eq3A_677 = vector.broadcast %eq3A_676 : i32 to vector<16xi32>
    %eq3A_678 = arith.cmpi eq, %iota3A_659, %eq3A_677 : vector<16xi32>
    %eq3A_679 = arith.constant 5 : i32
    %eq3A_680 = vector.broadcast %eq3A_679 : i32 to vector<16xi32>
    %eq3A_681 = arith.cmpi eq, %iota3A_659, %eq3A_680 : vector<16xi32>
    %eq3A_682 = arith.constant 6 : i32
    %eq3A_683 = vector.broadcast %eq3A_682 : i32 to vector<16xi32>
    %eq3A_684 = arith.cmpi eq, %iota3A_659, %eq3A_683 : vector<16xi32>
    %broadcast_in_dim3A_685 = vector.broadcast %add3A_314 : f32 to vector<16xf32>
    %broadcast_in_dim3A_686 = vector.broadcast %add3A_652 : f32 to vector<16xf32>
    %select_n3A_687 = arith.select %eq3A_684, %broadcast_in_dim3A_685, %broadcast_in_dim3A_686 : vector<16xi1>, vector<16xf32>
    %broadcast_in_dim3A_688 = vector.broadcast %reduce_max3A_337 : f32 to vector<16xf32>
    %select_n3A_689 = arith.select %eq3A_681, %broadcast_in_dim3A_688, %select_n3A_687 : vector<16xi1>, vector<16xf32>
    %broadcast_in_dim3A_690 = vector.broadcast %reduce_max3A_15 : f32 to vector<16xf32>
    %select_n3A_691 = arith.select %eq3A_678, %broadcast_in_dim3A_690, %select_n3A_689 : vector<16xi1>, vector<16xf32>
    %lt3A = arith.constant 4 : i32
    %lt3A_692 = vector.broadcast %lt3A : i32 to vector<16xi32>
    %lt3A_693 = arith.cmpi slt, %iota3A_659, %lt3A_692 : vector<16xi32>
    %bitcast_convert_type3A_694 = tpu.bitcast %select_n3A_675 : vector<16xi32> -> vector<16xf32>
    %select_n3A_695 = arith.select %lt3A_693, %bitcast_convert_type3A_694, %select_n3A_691 : vector<16xi1>, vector<16xf32>
    %swap3A = arith.constant 0 : index
    %swap3A_696 = tpu.vector_load %arg6[%swap3A] {strides = array<i32>} : memref<16xf32, #tpu.memory_space<vmem>>, vector<16xf32>,
    tpu.vector_store %arg6[%swap3A], %select_n3A_695 {strides = array<i32>} : memref<16xf32, #tpu.memory_space<vmem>>, vector<16xf32>,
    "tpu.region"() ({
      %run_scoped3A = tpu.sem_alloc : memref<!tpu.dma_semaphore, #tpu.memory_space<semaphore_mem>>
      %dma_start3A = arith.constant 0 : i32
      %dma_start3A_697 = tpu.memref_slice %arg3[%add3A, %dma_start3A] : memref<32x16xf32, #tpu.memory_space<hbm>> -> memref<1x16xf32, #tpu.memory_space<hbm>>
      %dma_start3A_698 = tpu.memref_squeeze %dma_start3A_697 : memref<1x16xf32, #tpu.memory_space<hbm>> -> memref<16xf32, #tpu.memory_space<hbm>>
      %dma_start3A_699 = arith.constant 0 : i32
      %dma_start3A_700 = tpu.memref_slice %arg3[%add3A, %dma_start3A_699] : memref<32x16xf32, #tpu.memory_space<hbm>> -> memref<1x16xf32, #tpu.memory_space<hbm>>
      %dma_start3A_701 = tpu.memref_squeeze %dma_start3A_700 : memref<1x16xf32, #tpu.memory_space<hbm>> -> memref<16xf32, #tpu.memory_space<hbm>>
      tpu.enqueue_dma source(%arg6 : memref<16xf32, #tpu.memory_space<vmem>>) target(%dma_start3A_701 : memref<16xf32, #tpu.memory_space<hbm>>) target_semaphore(%run_scoped3A : memref<!tpu.dma_semaphore, #tpu.memory_space<semaphore_mem>>)
      %dma_wait3A = arith.constant 0 : i32
      %dma_wait3A_702 = tpu.memref_slice %arg3[%add3A, %dma_wait3A] : memref<32x16xf32, #tpu.memory_space<hbm>> -> memref<1x16xf32, #tpu.memory_space<hbm>>
      %dma_wait3A_703 = tpu.memref_squeeze %dma_wait3A_702 : memref<1x16xf32, #tpu.memory_space<hbm>> -> memref<16xf32, #tpu.memory_space<hbm>>
      %dma_wait3A_704 = arith.constant 0 : i32
      %dma_wait3A_705 = tpu.memref_slice %arg3[%add3A, %dma_wait3A_704] : memref<32x16xf32, #tpu.memory_space<hbm>> -> memref<1x16xf32, #tpu.memory_space<hbm>>
      %dma_wait3A_706 = tpu.memref_squeeze %dma_wait3A_705 : memref<1x16xf32, #tpu.memory_space<hbm>> -> memref<16xf32, #tpu.memory_space<hbm>>
      tpu.wait_dma2 semaphore(%run_scoped3A : memref<!tpu.dma_semaphore, #tpu.memory_space<semaphore_mem>>) src(%arg6 : memref<16xf32, #tpu.memory_space<vmem>>) dst(%dma_wait3A_706 : memref<16xf32, #tpu.memory_space<hbm>>)
      tpu.yield
    }) : () -> ()
    return
  }
}

module attributes {stable_mosaic.version = 14 : i64} {
  func.func @_affinity_body(%arg0: i32, %arg1: memref<64x768xf32, #tpu.memory_space<vmem>>, %arg2: memref<4096x768xf32, #tpu.memory_space<vmem>>, %arg3: memref<64x4096xf32, #tpu.memory_space<vmem>>) attributes {dimension_semantics = [#tpu.dimension_semantics<arbitrary>], iteration_bounds = array<i64: 8>, scalar_prefetch = 0 : i64, scratch_operands = 0 : i64, tpu.core_type = #tpu.core_type<tc>, window_params = [{pipeline_mode = #tpu.pipeline_mode<synchronous>, transform_indices = @transform_0, window_bounds = array<i64: 64, 768>}, {transform_indices = @transform_1, window_bounds = array<i64: 4096, 768>}, {transform_indices = @transform_2, window_bounds = array<i64: 64, 4096>}]} {
    %get3A = arith.constant 0 : index
    %get3A_0 = arith.constant 0 : index
    %get3A_1 = vector.load %arg1[%get3A, %get3A_0] : memref<64x768xf32, #tpu.memory_space<vmem>>, vector<64x768xf32>
    %get3A_2 = arith.constant 0 : index
    %get3A_3 = arith.constant 0 : index
    %get3A_4 = vector.load %arg2[%get3A_2, %get3A_3] : memref<4096x768xf32, #tpu.memory_space<vmem>>, vector<4096x768xf32>
    %dot_general3A = arith.constant dense<0.000000e+00> : vector<64x4096xf32>
    %dot_general3A_5 = tpu.matmul %get3A_1, %get3A_4, %dot_general3A {dimension_numbers = #tpu.dot_dimension_numbers<[1], [1], [0], [0], [0, 0, 1, 0], [], []>, transpose_lhs_hint = false} : vector<64x768xf32>, vector<4096x768xf32>, vector<64x4096xf32> -> vector<64x4096xf32>
    %swap3A = arith.constant 0 : index
    %swap3A_6 = arith.constant 0 : index
    %swap3A_7 = vector.load %arg3[%swap3A, %swap3A_6] : memref<64x4096xf32, #tpu.memory_space<vmem>>, vector<64x4096xf32>
    tpu.vector_store %arg3[%swap3A, %swap3A_6], %dot_general3A_5 {strides = array<i32>} : memref<64x4096xf32, #tpu.memory_space<vmem>>, vector<64x4096xf32>,
    return
  }
  func.func @transform_0(%arg0: i32) -> (i32, i32) {
    %c0_i32 = arith.constant 0 : i32
    %c0_i32_0 = arith.constant 0 : i32
    %c0_i32_1 = arith.constant 0 : i32
    return %c0_i32, %c0_i32_0 : i32, i32
  }
  func.func @transform_1(%arg0: i32) -> (i32, i32) {
    %c0_i32 = arith.constant 0 : i32
    %c0_i32_0 = arith.constant 0 : i32
    return %arg0, %c0_i32 : i32, i32
  }
  func.func @transform_2(%arg0: i32) -> (i32, i32) {
    %c0_i32 = arith.constant 0 : i32
    %c0_i32_0 = arith.constant 0 : i32
    return %c0_i32, %arg0 : i32, i32
  }
}

module attributes {stable_mosaic.version = 14 : i64} {
  func.func @_emit_body(%arg0: i32, %arg1: memref<64x4096xf32, #tpu.memory_space<vmem>>, %arg2: memref<64x1xi32, #tpu.memory_space<vmem>>, %arg3: memref<64x1xi32, #tpu.memory_space<vmem>>, %arg4: memref<64x1xf32, #tpu.memory_space<vmem>>, %arg5: memref<64x1xf32, #tpu.memory_space<vmem>>, %arg6: memref<4096x64xf32, #tpu.memory_space<vmem>>, %arg7: memref<4096x64xf32, #tpu.memory_space<vmem>>) attributes {dimension_semantics = [#tpu.dimension_semantics<arbitrary>], iteration_bounds = array<i64: 8>, scalar_prefetch = 0 : i64, scratch_operands = 0 : i64, tpu.core_type = #tpu.core_type<tc>, window_params = [{transform_indices = @transform_0, window_bounds = array<i64: 64, 4096>}, {pipeline_mode = #tpu.pipeline_mode<synchronous>, transform_indices = @transform_1, window_bounds = array<i64: 64, 1>}, {pipeline_mode = #tpu.pipeline_mode<synchronous>, transform_indices = @transform_2, window_bounds = array<i64: 64, 1>}, {pipeline_mode = #tpu.pipeline_mode<synchronous>, transform_indices = @transform_3, window_bounds = array<i64: 64, 1>}, {pipeline_mode = #tpu.pipeline_mode<synchronous>, transform_indices = @transform_4, window_bounds = array<i64: 64, 1>}, {transform_indices = @transform_5, window_bounds = array<i64: 4096, 64>}, {transform_indices = @transform_6, window_bounds = array<i64: 4096, 64>}]} {
    %get3A = arith.constant 0 : index
    %get3A_0 = arith.constant 0 : index
    %get3A_1 = vector.load %arg1[%get3A, %get3A_0] : memref<64x4096xf32, #tpu.memory_space<vmem>>, vector<64x4096xf32>
    %bitcast_convert_type3A = tpu.bitcast %get3A_1 : vector<64x4096xf32> -> vector<64x4096xi32>
    %ge3A = arith.constant 0 : i32
    %ge3A_2 = vector.broadcast %ge3A : i32 to vector<64x4096xi32>
    %ge3A_3 = arith.cmpi sge, %bitcast_convert_type3A, %ge3A_2 : vector<64x4096xi32>
    %xor3A = arith.constant 2147483647 : i32
    %xor3A_4 = vector.broadcast %xor3A : i32 to vector<64x4096xi32>
    %xor3A_5 = arith.xori %bitcast_convert_type3A, %xor3A_4 : vector<64x4096xi32>
    %select_n3A = arith.select %ge3A_3, %bitcast_convert_type3A, %xor3A_5 : vector<64x4096xi1>, vector<64x4096xi32>
    %get3A_6 = arith.constant 0 : index
    %get3A_7 = arith.constant 0 : index
    %get3A_8 = vector.load %arg2[%get3A_6, %get3A_7] : memref<64x1xi32, #tpu.memory_space<vmem>>, vector<64x1xi32>
    %mul3A = arith.constant 4096 : i32
    %mul3A_9 = arith.muli %arg0, %mul3A : i32
    %iota3A = tpu.iota {dimensions = array<i32: 1>} : vector<64x4096xi32>
    %add3A = vector.broadcast %mul3A_9 : i32 to vector<64x4096xi32>
    %add3A_10 = arith.addi %add3A, %iota3A : vector<64x4096xi32>
    %gt3A = vector.broadcast %get3A_8 : vector<64x1xi32> to vector<64x4096xi32>
    %gt3A_11 = arith.cmpi sgt, %select_n3A, %gt3A : vector<64x4096xi32>
    %eq3A = vector.broadcast %get3A_8 : vector<64x1xi32> to vector<64x4096xi32>
    %eq3A_12 = arith.cmpi eq, %select_n3A, %eq3A : vector<64x4096xi32>
    %get3A_13 = arith.constant 0 : index
    %get3A_14 = arith.constant 0 : index
    %get3A_15 = vector.load %arg3[%get3A_13, %get3A_14] : memref<64x1xi32, #tpu.memory_space<vmem>>, vector<64x1xi32>
    %lt3A = vector.broadcast %get3A_15 : vector<64x1xi32> to vector<64x4096xi32>
    %lt3A_16 = arith.cmpi slt, %add3A_10, %lt3A : vector<64x4096xi32>
    %and3A = arith.andi %eq3A_12, %lt3A_16 : vector<64x4096xi1>
    %or3A = arith.ori %gt3A_11, %and3A : vector<64x4096xi1>
    %get3A_17 = arith.constant 0 : index
    %get3A_18 = arith.constant 0 : index
    %get3A_19 = vector.load %arg4[%get3A_17, %get3A_18] : memref<64x1xf32, #tpu.memory_space<vmem>>, vector<64x1xf32>
    %sub3A = vector.broadcast %get3A_19 : vector<64x1xf32> to vector<64x4096xf32>
    %sub3A_20 = arith.subf %get3A_1, %sub3A : vector<64x4096xf32>
    %exp3A = math.exp %sub3A_20 : vector<64x4096xf32>
    %get3A_21 = arith.constant 0 : index
    %get3A_22 = arith.constant 0 : index
    %get3A_23 = vector.load %arg5[%get3A_21, %get3A_22] : memref<64x1xf32, #tpu.memory_space<vmem>>, vector<64x1xf32>
    %div3A = vector.broadcast %get3A_23 : vector<64x1xf32> to vector<64x4096xf32>
    %div3A_24 = arith.divf %exp3A, %div3A : vector<64x4096xf32>
    %jit3A = arith.constant 0.000000e+00 : f32
    %broadcast_in_dim3A = vector.broadcast %jit3A : f32 to vector<64x4096xf32>
    %select_n3A_25 = arith.select %or3A, %div3A_24, %broadcast_in_dim3A : vector<64x4096xi1>, vector<64x4096xf32>
    %convert_element_type3A = arith.extui %or3A : vector<64x4096xi1> to vector<64x4096xi32>
    %convert_element_type3A_26 = arith.sitofp %convert_element_type3A : vector<64x4096xi32> to vector<64x4096xf32>
    %reduce_sum3A = arith.constant dense<0.000000e+00> : vector<4096xf32>
    %reduce_sum3A_27 = vector.multi_reduction <add>, %convert_element_type3A_26, %reduce_sum3A [0] : vector<64x4096xf32> to vector<4096xf32>
    %broadcast_in_dim3A_28 = vector.shape_cast %reduce_sum3A_27 : vector<4096xf32> to vector<1x4096xf32>
    %max3A = arith.constant 1.000000e+00 : f32
    %max3A_29 = vector.broadcast %max3A : f32 to vector<1x4096xf32>
    %max3A_30 = arith.maximumf %broadcast_in_dim3A_28, %max3A_29 : vector<1x4096xf32>
    %div3A_31 = vector.broadcast %max3A_30 : vector<1x4096xf32> to vector<64x4096xf32>
    %div3A_32 = arith.divf %select_n3A_25, %div3A_31 : vector<64x4096xf32>
    %transpose3A = tpu.transpose %div3A_32, [1, 0] : vector<64x4096xf32> -> vector<4096x64xf32>
    %swap3A = arith.constant 0 : index
    %swap3A_33 = arith.constant 0 : index
    %swap3A_34 = vector.load %arg6[%swap3A, %swap3A_33] : memref<4096x64xf32, #tpu.memory_space<vmem>>, vector<4096x64xf32>
    tpu.vector_store %arg6[%swap3A, %swap3A_33], %transpose3A {strides = array<i32>} : memref<4096x64xf32, #tpu.memory_space<vmem>>, vector<4096x64xf32>,
    %convert_element_type3A_35 = arith.extui %or3A : vector<64x4096xi1> to vector<64x4096xi32>
    %convert_element_type3A_36 = arith.sitofp %convert_element_type3A_35 : vector<64x4096xi32> to vector<64x4096xf32>
    %transpose3A_37 = tpu.transpose %convert_element_type3A_36, [1, 0] : vector<64x4096xf32> -> vector<4096x64xf32>
    %swap3A_38 = arith.constant 0 : index
    %swap3A_39 = arith.constant 0 : index
    %swap3A_40 = vector.load %arg7[%swap3A_38, %swap3A_39] : memref<4096x64xf32, #tpu.memory_space<vmem>>, vector<4096x64xf32>
    tpu.vector_store %arg7[%swap3A_38, %swap3A_39], %transpose3A_37 {strides = array<i32>} : memref<4096x64xf32, #tpu.memory_space<vmem>>, vector<4096x64xf32>,
    return
  }
  func.func @transform_0(%arg0: i32) -> (i32, i32) {
    %c0_i32 = arith.constant 0 : i32
    %c0_i32_0 = arith.constant 0 : i32
    return %c0_i32, %arg0 : i32, i32
  }
  func.func @transform_1(%arg0: i32) -> (i32, i32) {
    %c0_i32 = arith.constant 0 : i32
    %c0_i32_0 = arith.constant 0 : i32
    %c0_i32_1 = arith.constant 0 : i32
    return %c0_i32, %c0_i32_0 : i32, i32
  }
  func.func @transform_2(%arg0: i32) -> (i32, i32) {
    %c0_i32 = arith.constant 0 : i32
    %c0_i32_0 = arith.constant 0 : i32
    %c0_i32_1 = arith.constant 0 : i32
    return %c0_i32, %c0_i32_0 : i32, i32
  }
  func.func @transform_3(%arg0: i32) -> (i32, i32) {
    %c0_i32 = arith.constant 0 : i32
    %c0_i32_0 = arith.constant 0 : i32
    %c0_i32_1 = arith.constant 0 : i32
    return %c0_i32, %c0_i32_0 : i32, i32
  }
  func.func @transform_4(%arg0: i32) -> (i32, i32) {
    %c0_i32 = arith.constant 0 : i32
    %c0_i32_0 = arith.constant 0 : i32
    %c0_i32_1 = arith.constant 0 : i32
    return %c0_i32, %c0_i32_0 : i32, i32
  }
  func.func @transform_5(%arg0: i32) -> (i32, i32) {
    %c0_i32 = arith.constant 0 : i32
    %c0_i32_0 = arith.constant 0 : i32
    return %arg0, %c0_i32 : i32, i32
  }
  func.func @transform_6(%arg0: i32) -> (i32, i32) {
    %c0_i32 = arith.constant 0 : i32
    %c0_i32_0 = arith.constant 0 : i32
    return %arg0, %c0_i32 : i32, i32
  }
}

</mosaic_0001>

<sc_bundles>
// kernel: kernel.5.cloned.1.call-start
scs
__scs_entry_jumppad:
0x0: {  	(pc) =	sbr.rel $0x88, $3  }
0x1: {  	(tag) =	ssettag $0x0;
	lr =	simm.s32 $0x1  }
0x2: {  	[smem:$0x3F9F] =	sst lr;
	_ =	strace $0xD0000000  }
0x3: {  	_ = 	snop  }
0x4: {  	_ = 	snop  }
0x5: {  	_ = 	snop  }
0x6: {  	_ = 	snop  }
0x7: {  	_ = 	snop  }
__scs_overlays_trampoline_lowered:
0x8: {  	[smem:$0x3FAE] =	sst s0  }
0x9: {  	[smem:$0x3FAF] =	sst s1  }
0xa: {  	[smem:$0x3FB0] =	sst s2  }
0xb: {  	[smem:$0x3FB1] =	sst s3  }
0xc: {  	[smem:$0x3FB2] =	sst s4  }
0xd: {  	[smem:$0x3FB3] =	sst s5  }
0xe: {  	[smem:$0x3FB4] =	sst s6  }
0xf: {  	[smem:$0x3FB5] =	sst s7  }
0x10: {  	[smem:$0x3FB6] =	sst s8  }
0x11: {  	[smem:$0x3FB7] =	sst s9;
	s0 =	simm.s32 @!p0 $0x0  }
0x12: {  	s1 =	sld [smem:$0x3F9D];
	s0 =	simm.s32 @p0 $0x1  }
0x13: {  	[smem:$0x3FB8] =	sst s0;
	s0 =	simm.s32 @!p1 $0x0  }
0x14: {  	s2 =	sld [smem:$0x3F9C];
	s0 =	simm.s32 @p1 $0x1  }
0x15: {  	[smem:$0x3FB9] =	sst s0;
	s0 =	simm.s32 @!p2 $0x0  }
0x16: {  	s3 =	sld [smem:$0x3FDB];
	s0 =	simm.s32 @p2 $0x1  }
0x17: {  	s4 =	simm.s32 $0x1BF5;
	[smem:$0x3FBB] =	sst s0  }
0x18: {  	s0 =	sld [smem:$0x3F9E];
	_ =	swait.ge [sflag:s4], $0x0  }
0x19: {  	s7 =	sld [smem:$0x3F9F]  }
0x1a: {  	s8 =	sadd.s32 $0xFFFFE003, lr  }
0x1b: {  	s9 =	sadd.s32 $0xFFFFFEF7, lr;
	s5 =	simm.s32 $0xFFFFFFFF;
	p2 =	slt.u32 s8, $0xFFFFF086  }
0x1c: {  	p1 =	slt.u32 s9, $0xF7A;
	s5 =	simm.s32 @!p2 $0x0  }
0x1d: {  	s5 =	simm.s32 @p1 $0x1;
	p0 =	seq.s32 s7, s2  }
0x1e: {  	s7 =	smul.u32 @!p0 $0xF7A, s2;
	p2 =	seq.s32 @!p0 s5, $0x0  }
0x1f: {  	s9 =	smul.u32 $0xF7A, s1;
	s8 =	simm.s32 @!p0 $0x1BF5;
	p2 =	por !p2, p0  }
0x20: {  	[sflag:s8] =	ssyncset.s32 @!p0 $0xFFFFF086;
	s6 =	sadd.s32 @!p0 s3, s7;
	s7 =	simm.s32 @!p0 $0x108  }
0x21: {  	s3 =	sadd.s32 s3, s9;
	s6 =	sadd.s32 @!p0 $0x88, s6;
	s7 =	simm.s32 @p2 $0x1082  }
0x22: {  	[simem:s7], [sflag:s8] =	dma.local @!p0 [hbm:s6], $0xF7A  }
0x23: {  	s9 =	sor.u32 $0xD0000000, s2;
	s6 =	simm.s32 $0x108;
	_ =	swait.ge @!p0 [sflag:s8], $0x0  }
0x24: {  	s3 =	sadd.s32 $0x88, s3;
	s6 =	simm.s32 @!p1 $0x1082;
	[sflag:s4] =	ssyncset.s32 $0xFFFFF086  }
0x25: {  	[simem:s6], [sflag:s4] =	dma.local [hbm:s3], $0xF7A  }
0x26: {  	[smem:$0x3F9F] =	sst s1;
	(tag) =	ssettag s2;
	_ =	strace s9  }
0x27: {  	s1 =	sld [smem:$0x3FAF]  }
0x28: {  	s2 =	sld [smem:$0x3FB0]  }
0x29: {  	s4 =	sld [smem:$0x3FB2]  }
0x2a: {  	p0 =	seq.s32 s5, $0x0;
	s5 =	sld [smem:$0x3FB3]  }
0x2b: {  	s6 =	sld [smem:$0x3FB4]  }
0x2c: {  	s7 =	sld [smem:$0x3FB5]  }
0x2d: {  	s3 =	simm.s32 $0x108;
	s8 =	sld [smem:$0x3FB6]  }
0x2e: {  	s3 =	simm.s32 @!p0 $0x1082;
	s9 =	sld [smem:$0x3FB7]  }
0x2f: {  	lr =	sadd.s32 s0, s3;
	s0 =	sld [smem:$0x3FAE]  }
0x30: {  	s3 =	sld [smem:$0x3FB1]  }
0x31: {  	[smem:$0x3FBA] =	sst s10  }
0x32: {  	s10 =	sld [smem:$0x3FB8];
	_ =	sdelay $0x3  }
0x33: {  	p0 =	seq.s32 s10, $0x1;
	s10 =	sld [smem:$0x3FBA];
	_ =	sdelay $0x3  }
0x34: {  	[smem:$0x3FBA] =	sst s10  }
0x35: {  	s10 =	sld [smem:$0x3FB9];
	_ =	sdelay $0x3  }
0x36: {  	p1 =	seq.s32 s10, $0x1;
	s10 =	sld [smem:$0x3FBA];
	_ =	sdelay $0x3  }
0x37: {  	[smem:$0x3FBA] =	sst s10  }
0x38: {  	s10 =	sld [smem:$0x3FBB]  }
0x39: {  	_ = 	snop;
	(pc) =	sbr.ind lr, $3  }
0x3a: {  	_ = 	snop  }
0x3b: {  	_ = 	snop  }
0x3c: {  	p2 =	seq.s32 s10, $0x1;
	s10 =	sld [smem:$0x3FBA]  }
0x3d: {  	_ =	shalt  }
0x3e: {  	_ =	shalt  }
0x3f: {  	_ =	shalt  }
0x40: {  	_ =	shalt  }
0x41: {  	_ =	shalt  }
0x42: {  	_ =	shalt  }
0x43: {  	_ =	shalt  }
0x44: {  	_ =	shalt  }
0x45: {  	_ =	shalt  }
0x46: {  	_ =	shalt  }
0x47: {  	_ =	shalt  }
0x48: {  	_ =	shalt  }
0x49: {  	_ =	shalt  }
0x4a: {  	_ =	shalt  }
0x4b: {  	_ =	shalt  }
0x4c: {  	_ =	shalt  }
0x4d: {  	_ =	shalt  }
0x4e: {  	_ =	shalt  }
0x4f: {  	_ =	shalt  }
0x50: {  	_ =	shalt  }
0x51: {  	_ =	shalt  }
0x52: {  	_ =	shalt  }
0x53: {  	_ =	shalt  }
0x54: {  	_ =	shalt  }
0x55: {  	_ =	shalt  }
0x56: {  	_ =	shalt  }
0x57: {  	_ =	shalt  }
0x58: {  	_ =	shalt  }
0x59: {  	_ =	shalt  }
0x5a: {  	_ =	shalt  }
0x5b: {  	_ =	shalt  }
0x5c: {  	_ =	shalt  }
0x5d: {  	_ =	shalt  }
0x5e: {  	_ =	shalt  }
0x5f: {  	_ =	shalt  }
0x60: {  	_ =	shalt  }
0x61: {  	_ =	shalt  }
0x62: {  	_ =	shalt  }
0x63: {  	_ =	shalt  }
0x64: {  	_ =	shalt  }
0x65: {  	_ =	shalt  }
0x66: {  	_ =	shalt  }
0x67: {  	_ =	shalt  }
0x68: {  	_ =	shalt  }
0x69: {  	_ =	shalt  }
0x6a: {  	_ =	shalt  }
0x6b: {  	_ =	shalt  }
0x6c: {  	_ =	shalt  }
0x6d: {  	_ =	shalt  }
0x6e: {  	_ =	shalt  }
0x6f: {  	_ =	shalt  }
0x70: {  	_ =	shalt  }
0x71: {  	_ =	shalt  }
0x72: {  	_ =	shalt  }
0x73: {  	_ =	shalt  }
0x74: {  	_ =	shalt  }
0x75: {  	_ =	shalt  }
0x76: {  	_ =	shalt  }
0x77: {  	_ =	shalt  }
0x78: {  	_ =	shalt  }
0x79: {  	_ =	shalt  }
0x7a: {  	_ =	shalt  }
0x7b: {  	_ =	shalt  }
0x7c: {  	_ =	shalt  }
0x7d: {  	_ =	shalt  }
0x7e: {  	_ =	shalt  }
0x7f: {  	_ =	shalt  }
0x80: {  	_ =	shalt  }
0x81: {  	_ =	shalt  }
0x82: {  	_ =	shalt  }
0x83: {  	_ =	shalt  }
0x84: {  	_ =	shalt  }
0x85: {  	_ =	shalt  }
0x86: {  	_ =	shalt  }
0x87: {  	_ =	shalt  }
.Lfunc_end0:
.L_simem_size_0:
called_computation_lowered:
.L_overlay_start_0:
0x88: {  	s2 =	sld [smem:$0x3FD9]  }
0x89: {  	s3 =	sld [smem:$0x3FFE];
	_ =	sdelay $0x1  }
0x8a: {  	s1 =	srdreg.scid  }
0x8b: {  	s0 =	sand.u32 $0x1, s1  }
0x8c: {  	s15 =	sshll.u32 s0, $0xA;
	s2 =	sadd.s32 s3, s2  }
0x8d: {  	s2 =	sadd.s32 s2, s15  }
0x8e: {  	[smem:$0x3FC6] =	sst s2  }
0x8f: {  	_ = 	snop  }
0x90: {  	s2 =	sld [smem:$0x3FD0];
	_ =	sdelay $0x2  }
0x91: {  	s16 =	simm.s32 $0xA;
	s4 =	simm.s32 $0x10  }
0x92: {  	[smem:s4], [sflag:s16] =	dma.local [hbm:s2], $0x1  }
0x93: {  	_ =	swait.eq [sflag:s16], $0x1  }
0x94: {  	[sflag:s16] =	ssyncset.done $0x0  }
0x95: {  	s17 =	sld [smem:$0x10];
	[sflag:s16] =	ssyncadd.s32 $0xFFFFFFFF  }
0x96: {  	s18 =	sld [smem:$0x11];
	(tm) =	ssettm $0x1  }
0x97: {  	s19 =	sld [smem:$0x3FFB];
	_ =	sdelay $0x3  }
0x98: {  	_ =	strace s19  }
0x99: {  	s4 =	sld [smem:$0x3FFC];
	_ =	sdelay $0x3  }
0x9a: {  	_ =	strace s4  }
0x9b: {  	s4 =	sld [smem:$0x3FFD];
	_ =	sdelay $0x3  }
0x9c: {  	_ =	strace s4  }
0x9d: {  	_ =	strace $0x8FFFFFFF  }
0x9e: {  	s20 =	sld [smem:$0x3FDB];
	_ =	sdelay $0x1  }
0x9f: {  	s5 =	simm.s32 $_scs_section_size  }
0xa0: {  	s6 =	simm.s32 $_size__tile_overlayer_lowered;
	s7 =	simm.s32 $_tile_overlayer_lowered  }
0xa1: {  	s23 =	simm.s32 $0x1BFF;
	s22 =	sshll.u32 s7, $0x1;
	s4 =	sadd.s32 s5, s20  }
0xa2: {  	s8 =	simm.s32 $0x0;
	s21 =	sshll.u32 s6, $0x1;
	s6 =	sadd.s32 s22, s4  }
0xa3: {  	[timem:s8], [sflag:s23] =	dma.local [hbm:s6], s21  }
0xa4: {  	_ =	swait.ge [sflag:s23], s21  }
0xa5: {  	s5 =	ssub.s32 $0x0, s21;
	[sflag:s23] =	ssyncset.done $0x0  }
0xa6: {  	[sflag:s23] =	ssyncadd.s32 s5;
	_ =	sdelay $0x1  }
0xa7: {  	s24 =	simm.s32 $0x1B8B  }
0xa8: {  	_ =	swait.ge [sflag:s24], $0x1  }
0xa9: {  	[sflag:s24] =	ssyncset.done $0x0  }
0xaa: {  	s25 =	simm.s32 $0x1B8E;
	[sflag:s24] =	ssyncadd.s32 $0xFFFFFFFF  }
0xab: {  	s26 =	simm.s32 $execute0_lowered;
	[smem:$0x3FD2] =	sst s25  }
0xac: {  	s5 =	sshll.u32 s26, $0x1;
	_ =	strace $0x80000046;
	[dreg:$0x1] =	wrdreg $0xFFFFFFFF  }
0xad: {  	s28 =	simm.s32 $_size_execute0_lowered;
	s4 =	sadd.s32 s4, s5;
	[dreg:$0x0] =	wrdreg $0x0  }
0xae: {  	s5 =	sshll.u32 s28, $0x1;
	[dreg:$0x2] =	wrdreg s4  }
0xaf: {  	[dreg:$0x3] =	wrdreg s5  }
0xb0: {  	[dreg:$0x4] =	wrdreg $0xC0  }
0xb1: {  	_ =	task [dreg:s8], $0x5FFFF  }
0xb2: {  	[dreg:$0x1] =	wrdreg $0xFFFFFFFF  }
0xb3: {  	[dreg:$0x0] =	wrdreg $0x60  }
0xb4: {  	[dreg:$0x2] =	wrdreg s18  }
0xb5: {  	[dreg:$0x3] =	wrdreg s17  }
0xb6: {  	[dreg:$0x4] =	wrdreg $0x9  }
0xb7: {  	_ =	task.clear_ibuf [dreg:s8], $0x5FFFF;
	_ =	strace $0x90000046  }
0xb8: {  	s29 =	simm.s32 $0x9;
	_ =	strace $0x80000048  }
0xb9: {  	_ =	swait.ge [sflag:s29], $0x1  }
0xba: {  	[sflag:s29] =	ssyncadd.s32 $0xFFFFFFFF  }
0xbb: {  	_ =	strace $0x90000048  }
0xbc: {  	_ =	sfence  }
0xbd: {  	s30 =	sld [smem:$0x0];
	_ =	sdelay $0x2  }
0xbe: {  	s31 =	sshll.u32 s1, $0xD;
	s1 =	sshrl.u32 s1, $0x2  }
0xbf: {  	s3 =	sand.u32 $0x4000, s31;
	s1 =	sadd.s32 s1, s30  }
0xc0: {  	s0 =	sor.u32 s3, s0;
	s1 =	sshll.u32 s1, $0x11  }
0xc1: {  	s0 =	sor.u32 s1, s0  }
0xc2: {  	s0 =	sadd.s32 $0x8F2B, s0  }
0xc3: {  	[sflag:s0] =	ssyncadd.remote.s32 $0x1  }
0xc4: {  	_ =	sfence.sel $0xFFFF  }
0xc5: {  	[dreg:$0x0] =	wrdreg $0xFFFFFFFF;
	(pc) =	sbr.abs _section_cstart, $3  }
0xc6: {  	[dreg:$0x1] =	wrdreg $0xFFFFFFFF  }
0xc7: {  	_ =	task.clear_ibuf [dreg:s8], $0x2FFFF;
	_ =	strace $0x9FFFFFFF  }
0xc8: {  	(tm) =	ssettm $0x7FFFFFFF  }
0xc9: {  	_ =	shalt  }
tec
execute0_lowered:
.L_overlay_start_1:
0x0: {  	(tag) =	ssettag $0x1  }
0x1: {  	s3 =	rddreg [dreg:$0x0];
	s1 =	srdreg.scid  }
0x2: {  	s0 =	stileid.u32;
	s5 =	rddreg [dreg:$0x1];
	s9 =	simm.s32 $0x1  }
0x3: {  	s10 =	simm.s32 $0x8000;
	s11 =	simm.s32 $0x8400;
	s12 =	simm.s32 $0x0  }
0x4: {  	s4 =	sand.u32 $0x1, s1;
	s2 =	sshll.u32 s0, $0x1;
	s8 =	sshll.u32 s0, $0xE  }
0x5: {  	s6 =	sor.u32 s4, s2;
	s2 =	simm.s32 $0x0;
	s4 =	ssub.s32 $0x2, s4  }
.Ltmp0:
0x6: {  	s7 =	sshll.u32 s6, $0x5;
	[smem:$0x7FF] =	sst s2;
	(pc) =	sbr.rel .LBB2_1-.Ltmp0, $4  }
0x7: {  	s31 =	sshrl.u32 s4, $0x1;
	s6 =	sshll.u32 s6, $0x4;
	s7 =	sor.u32 s8, s7  }
0x8: {  	_ =	strace $0x80000047;
	s8 =	ssub.s32 s4, s31;
	s7 =	sand.u32 $0x38060, s7  }
0x9: {  	s5 =	sadd.s32 s5, s6;
	s6 =	smax.u32 s8, $0x1;
	s3 =	sadd.s32 s3, s7  }
0xa: {  	v0 =	vimm.s32 $0x0;
	v1 =	vimm.s32 $0x1;
	v2 =	vlaneseq.u32;
	s8 =	simm.s32 $0x400;
	s7 =	simm.s32 $0x80;
	s4 =	sadd.s32 $0x10, s3  }
.LBB2_61:
0xb: {  	s1 =	scvt.s32.f32 s18;
	_ =	sdelay $0x1  }
0xc: {  	s1 =	smul.f32 s1, s16;
	_ =	sdelay $0x1  }
0xd: {  	s1 =	sadd.f32 s1, s17  }
0xe: {  	v6 =	vmov s14;
	vm0 =	veq.s32 v2, $0x6;
	vm11 =	vcmask $0xF0C  }
0xf: {  	vm12 =	vcmask $0xF08;
	vm13 =	veq.s32 v2, $0x0;
	v7 =	vmov s1  }
0x10: {  	vm1 =	vcmask $0x3F18;
	v6 =	vsel vm11, s19, v6;
	v7 =	vsel vm0, s15, v7  }
0x11: {  	vm14 =	vcmask $0x3F14;
	v5 =	vsel vm12, v6, v5;
	v4 =	vsel vm1, v7, v4  }
0x12: {  	vm15 =	vmmov $0xf;
	s12 =	sadd.s32 $0x1, s12;
	v5 =	vsel vm13, s13, v5;
	v3 =	vsel vm14, v4, v3  }
0x13: {  	p0 =	sne.s32 s12, s6;
	v3 =	vsel vm15, v5, v3  }
.Ltmp1:
0x14: {  	[tilespmem:$0x8400] =	vst v3;
	(pc) =	sbr.rel @!p0 .LBB2_62-.Ltmp1, $4  }
0x15: {  	[hbm4b:s5+s2] =	stream.linear.scatter [tilespmem:s11], [sflag:$0x1], $0x80, $0x38;
	[tilespmem:$0x8480] =	vst v63  }
0x16: {  	_ =	swait.ge [sflag:s9], $0x80  }
0x17: {  	[sflag:s9] =	ssyncset.done $0x0  }
0x18: {  	[sflag:s9] =	ssyncadd.s32 $0xFFFFFF80  }
.LBB2_1:
0x19: {  	[tilespmem:s2], [sflag:$0x1] =	stream.strided.gather [hbm4b:s3+s7], $0x8000, s8, s7, $0x38;
	[tilespmem:$0x8480] =	vst v63  }
0x1a: {  	_ =	swait.ge [sflag:s9], $0x8000  }
0x1b: {  	[sflag:s9] =	ssyncset.done $0x0  }
0x1c: {  	s14 =	simm.s32 $0x0;
	[sflag:s9] =	ssyncadd.s32 $0xFFFF8000  }
0x1d: {  	v13 =	vld [tilespmem:s14+$0x0]  }
0x1e: {  	v14 =	vld [tilespmem:s14+$0x10];
	_ =	sdelay $0x2  }
0x1f: {  	v3 =	vld [tilespmem:s14+$0x70]  }
0x20: {  	v4 =	vld [tilespmem:s14+$0x50];
	v5 =	vxor.u32 $0x7FFFFFFF, v13;
	vm0 =	vlt.s32 v13, $0x0  }
0x21: {  	v16 =	vld [tilespmem:s14+$0x20];
	v6 =	vxor.u32 $0x7FFFFFFF, v14;
	v5 =	vsel vm0, v5, v13;
	vm0 =	vlt.s32 v14, $0x0  }
0x22: {  	[tilespmem:s14+$0x0] =	vst v5;
	v5 =	vsel vm0, v6, v14;
	v6 =	vld [tilespmem:s14+$0x60]  }
0x23: {  	v10 =	vld [tilespmem:s14+$0x40]  }
0x24: {  	s13 =	simm.s32 $0x80;
	v19 =	vimm.f32 $-3.000000010e+38;
	v17 =	vld [tilespmem:s14+$0x30];
	vm0 =	vlt.s32 v3, $0x0;
	[tilespmem:s14+$0x10] =	vst v5;
	v5 =	vxor.u32 $0x7FFFFFFF, v3  }
0x25: {  	v9 =	vxor.u32 $0x7FFFFFFF, v4;
	v7 =	vld [tilespmem:s13+$0x0];
	v8 =	vsel vm0, v5, v3;
	vm0 =	vlt.s32 v4, $0x0  }
0x26: {  	v11 =	vxor.u32 $0x7FFFFFFF, v16;
	vm1 =	vlt.s32 v16, $0x0;
	v5 =	vld [tilespmem:s13+$0x10];
	[tilespmem:s14+$0x70] =	vst v8;
	v9 =	vsel vm0, v9, v4  }
0x27: {  	v11 =	vsel vm1, v11, v16;
	v8 =	vld [tilespmem:s13+$0x70];
	[tilespmem:s14+$0x50] =	vst v9;
	vm0 =	vlt.s32 v6, $0x0;
	v9 =	vxor.u32 $0x7FFFFFFF, v6  }
0x28: {  	v12 =	vxor.u32 $0x7FFFFFFF, v10;
	[tilespmem:s14+$0x20] =	vst v11;
	v11 =	vsel vm0, v9, v6;
	vm0 =	vlt.s32 v10, $0x0  }
0x29: {  	v15 =	vxor.u32 $0x7FFFFFFF, v17;
	v9 =	vld [tilespmem:s13+$0x20];
	[tilespmem:s14+$0x60] =	vst v11;
	v12 =	vsel vm0, v12, v10;
	vm0 =	vlt.s32 v17, $0x0  }
0x2a: {  	v18 =	vxor.u32 $0x7FFFFFFF, v7;
	vm1 =	vlt.s32 v7, $0x0;
	v11 =	vld [tilespmem:s13+$0x50];
	[tilespmem:s14+$0x40] =	vst v12;
	v15 =	vsel vm0, v15, v17  }
0x2b: {  	v19 =	vmax.f32 v19, v13;
	v18 =	vsel vm1, v18, v7;
	vm1 =	vlt.s32 v5, $0x0;
	v12 =	vld [tilespmem:s13+$0x40];
	[tilespmem:s14+$0x30] =	vst v15  }
0x2c: {  	v15 =	vxor.u32 $0x7FFFFFFF, v5;
	vm0 =	vlt.s32 v8, $0x0;
	[tilespmem:s13+$0x0] =	vst v18;
	v13 =	vld [tilespmem:s13+$0x60];
	v18 =	vmax.f32 v19, v14  }
0x2d: {  	v19 =	vsel vm1, v15, v5;
	v14 =	vld [tilespmem:s13+$0x30];
	v15 =	vxor.u32 $0x7FFFFFFF, v8;
	v18 =	vmax.f32 v18, v16  }
0x2e: {  	s14 =	simm.s32 $0x400;
	[tilespmem:s13+$0x10] =	vst v19;
	v16 =	vxor.u32 $0x7FFFFFFF, v9;
	vm1 =	vlt.s32 v9, $0x0;
	v17 =	vmax.f32 v18, v17  }
.LBB2_2:
0x2f: {  	s15 =	sshra.s32 s14, $0x2;
	p0 =	sne.s32 s14, $0x1FE00;
	s14 =	sadd.s32 $0x200, s14;
	v18 =	vxor.u32 $0x7FFFFFFF, v11;
	vm2 =	vlt.s32 v11, $0x0;
	v21 =	vmax.f32 v17, v10  }
0x30: {  	v15 =	vsel vm0, v15, v8;
	v17 =	vld [tilespmem:s15+$0x0];
	v18 =	vsel vm2, v18, v11;
	v21 =	vmax.f32 v21, v4;
	v4 =	vmovc v11  }
0x31: {  	v11 =	vsel vm1, v16, v9;
	v16 =	vxor.u32 $0x7FFFFFFF, v12;
	v10 =	vmovc v12;
	v20 =	vld [tilespmem:s15+$0x10];
	vm0 =	vlt.s32 v13, $0x0;
	[tilespmem:s13+$0x70] =	vst v15  }
0x32: {  	vm1 =	vlt.s32 v10, $0x0;
	v12 =	vxor.u32 $0x7FFFFFFF, v13;
	v15 =	vld [tilespmem:s15+$0x70];
	[tilespmem:s13+$0x50] =	vst v18;
	v18 =	vmax.f32 v21, v6;
	v6 =	vmovc v13;
	v19 =	vmovc v14  }
0x33: {  	v14 =	vsel vm1, v16, v10;
	[tilespmem:s13+$0x20] =	vst v11;
	v13 =	vxor.u32 $0x7FFFFFFF, v19;
	v11 =	vsel vm0, v12, v6  }
0x34: {  	vm0 =	vlt.s32 v19, $0x0;
	v16 =	vmax.f32 v18, v3;
	v3 =	vmov v8;
	v21 =	vld [tilespmem:s15+$0x20];
	[tilespmem:s13+$0x60] =	vst v11  }
.Ltmp2:
0x35: {  	v13 =	vsel vm0, v13, v19;
	v22 =	vxor.u32 $0x7FFFFFFF, v17;
	vm1 =	vlt.s32 v17, $0x0;
	v11 =	vld [tilespmem:s15+$0x50];
	[tilespmem:s13+$0x40] =	vst v14;
	(pc) =	sbr.rel @p0 .LBB2_2-.Ltmp2, $4  }
0x36: {  	v16 =	vmax.f32 v16, v7;
	v7 =	vmovc v17;
	v18 =	vsel vm1, v22, v17;
	v14 =	vxor.u32 $0x7FFFFFFF, v20;
	v12 =	vld [tilespmem:s15+$0x40];
	[tilespmem:s13+$0x30] =	vst v13;
	s13 =	smov.u32 s15  }
0x37: {  	v16 =	vmax.f32 v16, v5;
	vm1 =	vlt.s32 v20, $0x0;
	v5 =	vmovc v20;
	[tilespmem:s13+$0x0] =	vst v18;
	v13 =	vld [tilespmem:s13+$0x60];
	vm0 =	vlt.s32 v15, $0x0;
	v8 =	vmovc v15  }
0x38: {  	v17 =	vsel vm1, v14, v5;
	v18 =	vmax.f32 v16, v9;
	v14 =	vld [tilespmem:s13+$0x30];
	v15 =	vxor.u32 $0x7FFFFFFF, v8  }
0x39: {  	[tilespmem:s13+$0x10] =	vst v17;
	v16 =	vxor.u32 $0x7FFFFFFF, v21;
	vm1 =	vlt.s32 v21, $0x0;
	v17 =	vmax.f32 v18, v19;
	v9 =	vmovc v21  }
0x3a: {  	v10 =	vmax.f32 v17, v10  }
0x3b: {  	v4 =	vmax.f32 v10, v4  }
0x3c: {  	v4 =	vmax.f32 v4, v6  }
0x3d: {  	v60 =	vxor.u32 $0x7FFFFFFF, v11;
	v3 =	vmax.f32 v4, v3  }
0x3e: {  	vm2 =	vlt.s32 v11, $0x0;
	v61 =	vsel vm0, v15, v8;
	v3 =	vmax.f32 v3, v7  }
0x3f: {  	v62 =	vsel vm1, v16, v9;
	vm14 =	vlt.s32 v12, $0x0;
	v3 =	vmax.f32 v3, v5  }
0x40: {  	p0 =	por $0x1, $0x1;
	[tilespmem:s13+$0x70] =	vst v61;
	vm13 =	vlt.s32 v13, $0x0;
	v4 =	vsel vm2, v60, v11;
	v3 =	vmax.f32 v3, v9  }
.Ltmp3:
0x41: {  	v63 =	vxor.u32 $0x7FFFFFFF, v14;
	[tilespmem:s13+$0x50] =	vst v4;
	v4 =	vxor.u32 $0x7FFFFFFF, v13;
	v3 =	vmax.f32 v3, v14;
	(pc) =	sbr.rel @!p0 .LBB2_5-.Ltmp3, $4  }
0x42: {  	[tilespmem:s13+$0x20] =	vst v62;
	v5 =	vxor.u32 $0x7FFFFFFF, v12;
	v4 =	vsel vm13, v4, v13;
	v3 =	vmax.f32 v3, v12  }
0x43: {  	vm15 =	vlt.s32 v14, $0x0;
	v5 =	vsel vm14, v5, v12;
	[tilespmem:s13+$0x60] =	vst v4;
	v3 =	vmax.f32 v3, v11  }
0x44: {  	v4 =	vsel vm15, v63, v14;
	[tilespmem:s13+$0x40] =	vst v5;
	v3 =	vmax.f32 v3, v13  }
0x45: {  	s14 =	simm.s32 $0x40;
	s15 =	simm.s32 $0x0;
	[tilespmem:s13+$0x30] =	vst v4;
	s13 =	simm.s32 $0x0;
	v3 =	vmax.f32 v3, v8  }
.LBB2_4:
0x46: {  	p0 =	sne.s32 s14, $0xFC0;
	[tilespmem:s15+$0x8000] =	vst v0;
	s15 =	smov.u32 s14;
	s14 =	sadd.s32 $0x40, s14  }
.Ltmp4:
0x47: {  	(pc) =	sbr.rel @p0 .LBB2_4-.Ltmp4, $2  }
0x48: {  	_ =	sdelay $0x2  }
0x49: {  	s15 =	sshra.s32 s15, $0x2  }
.LBB2_5:
0x4a: {  	[tilespmem:s15+$0x8000] =	vst v0  }
.LBB2_6:
0x4b: {  	s14 =	sshra.s32 s13, $0x2  }
0x4c: {  	v4 =	vld [tilespmem:s14+$0x0];
	_ =	sdelay $0x4  }
0x4d: {  	v4 =	vshra.s32 v4, $0x16  }
0x4e: {  	v4 =	vadd.s32 $0x200, v4;
	_ =	sdelay $0x4  }
0x4f: {  	[tilespmem:v4+s10+$0x0] =	vst.idx.add.s32.msk $0xffff, v1  }
0x50: {  	v4 =	vld [tilespmem:s14+$0x10];
	_ =	sdelay $0x4  }
0x51: {  	v4 =	vshra.s32 v4, $0x16  }
0x52: {  	v4 =	vadd.s32 $0x200, v4;
	_ =	sdelay $0x4  }
0x53: {  	[tilespmem:v4+s10+$0x0] =	vst.idx.add.s32.msk $0xffff, v1  }
0x54: {  	v4 =	vld [tilespmem:s14+$0x20];
	_ =	sdelay $0x4  }
0x55: {  	v4 =	vshra.s32 v4, $0x16  }
0x56: {  	v4 =	vadd.s32 $0x200, v4;
	_ =	sdelay $0x4  }
0x57: {  	[tilespmem:v4+s10+$0x0] =	vst.idx.add.s32.msk $0xffff, v1  }
0x58: {  	v4 =	vld [tilespmem:s14+$0x30];
	_ =	sdelay $0x4  }
0x59: {  	v4 =	vshra.s32 v4, $0x16  }
0x5a: {  	v4 =	vadd.s32 $0x200, v4;
	_ =	sdelay $0x4  }
0x5b: {  	[tilespmem:v4+s10+$0x0] =	vst.idx.add.s32.msk $0xffff, v1  }
0x5c: {  	v4 =	vld [tilespmem:s14+$0x40];
	_ =	sdelay $0x4  }
0x5d: {  	v4 =	vshra.s32 v4, $0x16  }
0x5e: {  	v4 =	vadd.s32 $0x200, v4;
	_ =	sdelay $0x4  }
0x5f: {  	[tilespmem:v4+s10+$0x0] =	vst.idx.add.s32.msk $0xffff, v1  }
0x60: {  	v4 =	vld [tilespmem:s14+$0x50];
	_ =	sdelay $0x4  }
0x61: {  	v4 =	vshra.s32 v4, $0x16  }
0x62: {  	v4 =	vadd.s32 $0x200, v4;
	_ =	sdelay $0x4  }
0x63: {  	[tilespmem:v4+s10+$0x0] =	vst.idx.add.s32.msk $0xffff, v1  }
0x64: {  	v4 =	vld [tilespmem:s14+$0x60];
	_ =	sdelay $0x4  }
0x65: {  	v4 =	vshra.s32 v4, $0x16  }
0x66: {  	v4 =	vadd.s32 $0x200, v4;
	_ =	sdelay $0x4  }
0x67: {  	[tilespmem:v4+s10+$0x0] =	vst.idx.add.s32.msk $0xffff, v1  }
0x68: {  	v4 =	vld [tilespmem:s14+$0x70];
	_ =	sdelay $0x4  }
0x69: {  	v4 =	vshra.s32 v4, $0x16  }
0x6a: {  	p0 =	sne.s32 s13, $0x1FE00;
	v4 =	vadd.s32 $0x200, v4  }
.Ltmp5:
0x6b: {  	_ = 	snop;
	(pc) =	sbr.rel @p0 .LBB2_6-.Ltmp5, $2  }
0x6c: {  	_ =	sdelay $0x2  }
0x6d: {  	s13 =	sadd.s32 $0x200, s13;
	[tilespmem:v4+s10+$0x0] =	vst.idx.add.s32.msk $0xffff, v1  }
0x6e: {  	s13 =	simm.s32 $0x83F0  }
0x6f: {  	v4 =	vld [tilespmem:s13+$0x0];
	_ =	sdelay $0x4  }
0x70: {  	(xrf0) =	vadd.scan.msk.s32 $0xffff, v4;
	_ =	sdelay $0x5  }
0x71: {  	v4, _, _ =	vpop (xrf0)  }
0x72: {  	(v2sf) =	vpush v4, $0xF;
	_ =	sdelay $0x1  }
0x73: {  	s28 =	simm.s32 $0x83E0  }
0x74: {  	v4 =	vld [tilespmem:s28+$0x0]  }
0x75: {  	s29 =	simm.s32 $0x83D0  }
0x76: {  	v5 =	vld [tilespmem:s29+$0x0];
	_ =	sdelay $0x2  }
0x77: {  	(xrf0) =	vadd.scan.msk.s32 $0xffff, v4;
	_ =	sdelay $0x1  }
0x78: {  	(xrf0) =	vadd.scan.msk.s32 $0xffff, v5;
	_ =	sdelay $0x2  }
0x79: {  	s30 =	simm.s32 $0x83C0  }
0x7a: {  	v6 =	vld [tilespmem:s30+$0x0];
	v5, _, _ =	vpop (xrf0)  }
0x7b: {  	s14 =	spop (v2sf);
	(v2sf) =	vpush v5, $0xF  }
0x7c: {  	v5, _, _ =	vpop (xrf0)  }
0x7d: {  	(v2sf) =	vpush v5, $0xF;
	_ =	sdelay $0x1  }
0x7e: {  	s31 =	simm.s32 $0x83B0;
	(xrf0) =	vadd.scan.msk.s32 $0xffff, v6  }
0x7f: {  	v4 =	vld [tilespmem:s31+$0x0]  }
0x80: {  	s21 =	simm.s32 $0x3F  }
0x81: {  	s20 =	simm.s32 $0x3E;
	s17 =	simm.s32 $0x3D;
	s18 =	simm.s32 $0x3C  }
0x82: {  	s16 =	simm.s32 $0x3B;
	s22 =	simm.s32 $0x3A;
	s23 =	simm.s32 $0x83A0  }
0x83: {  	p1 =	por $0x1, $0x1;
	s19 =	simm.s32 $0x0;
	s14 =	sadd.s32 $0x0, s14  }
0x84: {  	s15 =	simm.s32 $0x0;
	s13 =	simm.s32 $0x0;
	(xrf0) =	vadd.scan.msk.s32 $0xffff, v4;
	v4, _, _ =	vpop (xrf0);
	p2 =	sgt.s32 s14, $0x1FF  }
.LBB2_8:
0x85: {  	p0 =	sne.s32 s22, $0x0;
	p1 =	por !p1, !p2;
	s24 =	smov.u32 s22  }
0x86: {  	v5 =	vld [tilespmem:s23+$0x0];
	(v2sf) =	vpush v4, $0xF;
	s22 =	sadd.s32 $0xFFFFFFFF, s22;
	s25 =	smov.u32 s19;
	s19 =	smov.u32 s14  }
.Ltmp6:
0x87: {  	p1 =	por !p1, !p1;
	(pc) =	sbr.rel @p0 .LBB2_8-.Ltmp6, $4  }
0x88: {  	s13 =	smov.u32 @p1 s21;
	s15 =	smov.u32 @p1 s25;
	s21 =	smov.u32 s20  }
0x89: {  	s20 =	smov.u32 s17;
	s17 =	smov.u32 s18;
	s25 =	spop (v2sf)  }
0x8a: {  	s18 =	smov.u32 s16;
	s16 =	smov.u32 s24;
	s14 =	sadd.s32 s14, s25  }
0x8b: {  	s23 =	sadd.s32 $0xFFFFFFF0, s23;
	p1 =	slt.s32 s19, $0x200;
	(xrf0) =	vadd.scan.msk.s32 $0xffff, v5;
	v4, _, _ =	vpop (xrf0);
	p2 =	sgt.s32 s14, $0x1FF  }
0x8c: {  	_ =	sdelay $0x4  }
0x8d: {  	(v2sf) =	vpush v4, $0xF;
	v4, _, _ =	vpop (xrf0)  }
0x8e: {  	(v2sf) =	vpush v4, $0xF;
	_ =	sdelay $0x6  }
0x8f: {  	p0 =	por !p1, !p2  }
0x90: {  	s22 =	spop (v2sf);
	p0 =	por !p0, !p0  }
0x91: {  	s13 =	smov.u32 @p0 s21;
	s21 =	sadd.s32 s14, s22  }
0x92: {  	p3 =	slt.s32 s14, $0x200;
	p4 =	sgt.s32 s21, $0x1FF  }
0x93: {  	p1 =	por !p3, !p4  }
0x94: {  	p1 =	por !p1, !p1;
	s29 =	spop (v2sf)  }
0x95: {  	p5 =	slt.s32 s21, $0x200;
	s13 =	smov.u32 @p1 s20;
	s22 =	sadd.s32 s21, s29  }
0x96: {  	p4 =	sgt.s32 s22, $0x1FF;
	p6 =	slt.s32 s22, $0x200;
	s23 =	spop (v2sf)  }
0x97: {  	p2 =	por !p5, !p4;
	s23 =	sadd.s32 s22, s23;
	s24 =	spop (v2sf)  }
0x98: {  	p2 =	por !p2, !p2;
	p5 =	sgt.s32 s23, $0x1FF;
	s30 =	sadd.s32 s23, s24  }
0x99: {  	p4 =	por !p6, !p5;
	p6 =	slt.s32 s23, $0x200;
	p3 =	sgt.s32 s30, $0x1FF  }
0x9a: {  	s13 =	smov.u32 @p2 s17;
	p5 =	por !p6, !p3;
	p3 =	por !p4, !p4  }
0x9b: {  	s13 =	smov.u32 @p3 s18;
	p4 =	por !p5, !p5  }
0x9c: {  	s13 =	smov.u32 @p4 s16  }
0x9d: {  	s13 =	sshll.u32 s13, $0x4  }
0x9e: {  	v5 =	vld [tilespmem:s13+$0x8000];
	_ =	sdelay $0x4  }
0x9f: {  	(xrf0) =	vadd.scan.msk.s32 $0xffff, v5;
	_ =	sdelay $0x5  }
0xa0: {  	v4, _, _ =	vpop (xrf0)  }
0xa1: {  	v6 =	vxor.u32 $0x80000000, v4  }
0xa2: {  	(xrf0) =	vmax.scan.msk.u32 $0xffff, v6;
	_ =	sdelay $0x5  }
0xa3: {  	v6, _, _ =	vpop (xrf0)  }
0xa4: {  	(v2sf) =	vpush v6, $0xF;
	_ =	sdelay $0xa  }
0xa5: {  	s15 =	smov.u32 @p0 s19  }
0xa6: {  	s15 =	smov.u32 @p1 s14  }
0xa7: {  	s15 =	smov.u32 @p2 s21  }
0xa8: {  	s15 =	smov.u32 @p3 s22  }
0xa9: {  	s15 =	smov.u32 @p4 s23;
	s31 =	spop (v2sf)  }
0xaa: {  	s14 =	sadd.s32 s31, s15  }
0xab: {  	v5 =	vsub.s32 v5, v4;
	s14 =	sadd.s32 $0x80000000, s14  }
0xac: {  	v5 =	vadd.s32 s14, v5  }
0xad: {  	vm0 =	vgt.s32 v5, $0x1FF  }
0xae: {  	s16 =	simm.s32 $0x0;
	s15 =	simm.s32 $0x40;
	v5 =	vmpcnt.ones.xlane vm0  }
.LBB2_10:
0xaf: {  	p0 =	seq.s32 s15, $0xFC0;
	[tilespmem:s16+$0x8000] =	vst v0;
	s16 =	smov.u32 s15;
	s15 =	sadd.s32 $0x40, s15  }
.Ltmp7:
0xb0: {  	(pc) =	sbr.rel @!p0 .LBB2_10-.Ltmp7, $2  }
0xb1: {  	_ =	sdelay $0x2  }
0xb2: {  	s16 =	sshra.s32 s16, $0x2  }
0xb3: {  	v5 =	vxor.u32 $0x80000000, v5  }
0xb4: {  	(xrf0) =	vmax.scan.msk.u32 $0xffff, v5;
	_ =	sdelay $0x5  }
0xb5: {  	v5, _, _ =	vpop (xrf0)  }
0xb6: {  	(v2sf) =	vpush v5, $0xF;
	_ =	sdelay $0xe  }
0xb7: {  	s15 =	spop (v2sf)  }
0xb8: {  	s15 =	sadd.s32 $0x7FFFFFFF, s15  }
0xb9: {  	s13 =	sadd.s32 s13, s15  }
0xba: {  	s13 =	sshll.u32 s13, $0x16  }
0xbb: {  	s13 =	sxor.u32 $0x80000000, s13  }
0xbc: {  	s31 =	sshra.s32 s13, $0x16  }
0xbd: {  	[tilespmem:s16+$0x8000] =	vst v0;
	s16 =	simm.s32 $0x0;
	v5 =	vmov s31  }
.LBB2_12:
0xbe: {  	s17 =	sshra.s32 s16, $0x2  }
0xbf: {  	v6 =	vld [tilespmem:s17+$0x0];
	_ =	sdelay $0x4  }
0xc0: {  	v7 =	vshra.s32 v6, $0x16  }
0xc1: {  	v6 =	vshrl.u32 v6, $0xC;
	vm0 =	veq.s32 v7, v5  }
0xc2: {  	v6 =	vand.u32 $0x3FF, v6;
	_ =	sdelay $0x4  }
0xc3: {  	[tilespmem:v6+s10+$0x0] =	vst.idx.add.s32.msk vm0, v1  }
0xc4: {  	v6 =	vld [tilespmem:s17+$0x10];
	_ =	sdelay $0x4  }
0xc5: {  	v7 =	vshra.s32 v6, $0x16  }
0xc6: {  	v6 =	vshrl.u32 v6, $0xC;
	vm9 =	veq.s32 v7, v5  }
0xc7: {  	v6 =	vand.u32 $0x3FF, v6;
	_ =	sdelay $0x4  }
0xc8: {  	[tilespmem:v6+s10+$0x0] =	vst.idx.add.s32.msk vm9, v1  }
0xc9: {  	v6 =	vld [tilespmem:s17+$0x20];
	_ =	sdelay $0x4  }
0xca: {  	v7 =	vshra.s32 v6, $0x16  }
0xcb: {  	v6 =	vshrl.u32 v6, $0xC;
	vm10 =	veq.s32 v7, v5  }
0xcc: {  	v6 =	vand.u32 $0x3FF, v6;
	_ =	sdelay $0x4  }
0xcd: {  	[tilespmem:v6+s10+$0x0] =	vst.idx.add.s32.msk vm10, v1  }
0xce: {  	v6 =	vld [tilespmem:s17+$0x30];
	_ =	sdelay $0x4  }
0xcf: {  	v7 =	vshra.s32 v6, $0x16  }
0xd0: {  	v6 =	vshrl.u32 v6, $0xC;
	vm11 =	veq.s32 v7, v5  }
0xd1: {  	v6 =	vand.u32 $0x3FF, v6;
	_ =	sdelay $0x4  }
0xd2: {  	[tilespmem:v6+s10+$0x0] =	vst.idx.add.s32.msk vm11, v1  }
0xd3: {  	v6 =	vld [tilespmem:s17+$0x40];
	_ =	sdelay $0x4  }
0xd4: {  	v7 =	vshra.s32 v6, $0x16  }
0xd5: {  	v6 =	vshrl.u32 v6, $0xC;
	vm12 =	veq.s32 v7, v5  }
0xd6: {  	v6 =	vand.u32 $0x3FF, v6;
	_ =	sdelay $0x4  }
0xd7: {  	[tilespmem:v6+s10+$0x0] =	vst.idx.add.s32.msk vm12, v1  }
0xd8: {  	v6 =	vld [tilespmem:s17+$0x50];
	_ =	sdelay $0x4  }
0xd9: {  	v7 =	vshra.s32 v6, $0x16  }
0xda: {  	v6 =	vshrl.u32 v6, $0xC;
	vm13 =	veq.s32 v7, v5  }
0xdb: {  	v6 =	vand.u32 $0x3FF, v6;
	_ =	sdelay $0x4  }
0xdc: {  	[tilespmem:v6+s10+$0x0] =	vst.idx.add.s32.msk vm13, v1  }
0xdd: {  	v6 =	vld [tilespmem:s17+$0x60];
	_ =	sdelay $0x4  }
0xde: {  	v7 =	vshra.s32 v6, $0x16  }
0xdf: {  	v6 =	vshrl.u32 v6, $0xC;
	vm14 =	veq.s32 v7, v5  }
0xe0: {  	v6 =	vand.u32 $0x3FF, v6;
	_ =	sdelay $0x4  }
0xe1: {  	[tilespmem:v6+s10+$0x0] =	vst.idx.add.s32.msk vm14, v1  }
0xe2: {  	v6 =	vld [tilespmem:s17+$0x70];
	_ =	sdelay $0x4  }
0xe3: {  	v7 =	vshra.s32 v6, $0x16  }
0xe4: {  	v6 =	vshrl.u32 v6, $0xC;
	vm15 =	veq.s32 v7, v5  }
0xe5: {  	p0 =	sne.s32 s16, $0x1FE00;
	v6 =	vand.u32 $0x3FF, v6  }
.Ltmp8:
0xe6: {  	_ = 	snop;
	(pc) =	sbr.rel @p0 .LBB2_12-.Ltmp8, $2  }
0xe7: {  	_ =	sdelay $0x2  }
0xe8: {  	s16 =	sadd.s32 $0x200, s16;
	[tilespmem:v6+s10+$0x0] =	vst.idx.add.s32.msk vm15, v1  }
0xe9: {  	v5 =	vmov s15;
	s26 =	simm.s32 $0x83F0  }
0xea: {  	vm0 =	veq.s32 v5, v2;
	v5 =	vld [tilespmem:s26+$0x0];
	_ =	sdelay $0x1  }
0xeb: {  	v4 =	vnsel vm0, $0x0, v4  }
0xec: {  	(xrf0) =	vadd.scan.msk.s32 $0xffff, v4;
	_ =	sdelay $0x1  }
0xed: {  	(xrf0) =	vadd.scan.msk.s32 $0xffff, v5;
	_ =	sdelay $0x3  }
0xee: {  	v4, _, _ =	vpop (xrf0)  }
0xef: {  	(v2sf) =	vpush v4, $0xF  }
0xf0: {  	v4, _, _ =	vpop (xrf0)  }
0xf1: {  	s28 =	simm.s32 $0x83E0;
	(v2sf) =	vpush v4, $0xF  }
0xf2: {  	v4 =	vld [tilespmem:s28+$0x0]  }
0xf3: {  	s29 =	simm.s32 $0x83D0  }
0xf4: {  	v5 =	vld [tilespmem:s29+$0x0];
	_ =	sdelay $0x2  }
0xf5: {  	(xrf0) =	vadd.scan.msk.s32 $0xffff, v4;
	_ =	sdelay $0x1  }
0xf6: {  	(xrf0) =	vadd.scan.msk.s32 $0xffff, v5;
	_ =	sdelay $0x2  }
0xf7: {  	s30 =	simm.s32 $0x83C0  }
0xf8: {  	v6 =	vld [tilespmem:s30+$0x0];
	v5, _, _ =	vpop (xrf0)  }
0xf9: {  	s31 =	spop (v2sf);
	(v2sf) =	vpush v5, $0xF  }
0xfa: {  	v5, _, _ =	vpop (xrf0)  }
0xfb: {  	s17 =	spop (v2sf);
	(v2sf) =	vpush v5, $0xF;
	_ =	sdelay $0x1  }
0xfc: {  	s16 =	simm.s32 $0x83B0;
	(xrf0) =	vadd.scan.msk.s32 $0xffff, v6  }
0xfd: {  	v4 =	vld [tilespmem:s16+$0x0]  }
0xfe: {  	s15 =	simm.s32 $0x0;
	s24 =	simm.s32 $0x3F;
	s23 =	simm.s32 $0x3E  }
0xff: {  	s20 =	simm.s32 $0x3D;
	s21 =	simm.s32 $0x3C;
	s19 =	simm.s32 $0x3B  }
0x100: {  	s25 =	simm.s32 $0x3A;
	s22 =	simm.s32 $0x0;
	s14 =	ssub.s32 s14, s31  }
0x101: {  	s18 =	simm.s32 $0x0;
	s16 =	ssub.s32 $0x200, s14;
	s17 =	sadd.s32 $0x0, s17  }
0x102: {  	s26 =	simm.s32 $0x83A0;
	(xrf0) =	vadd.scan.msk.s32 $0xffff, v4;
	v4, _, _ =	vpop (xrf0);
	p1 =	sgt.s32 s16, $0x0;
	p2 =	sge.s32 s17, s16  }
.LBB2_14:
0x103: {  	p0 =	sne.s32 s25, $0x0;
	p1 =	por !p1, !p2;
	s28 =	smov.u32 s25  }
0x104: {  	v5 =	vld [tilespmem:s26+$0x0];
	(v2sf) =	vpush v4, $0xF;
	s25 =	sadd.s32 $0xFFFFFFFF, s25;
	s29 =	smov.u32 s22;
	s22 =	smov.u32 s17  }
.Ltmp9:
0x105: {  	p1 =	por !p1, !p1;
	(pc) =	sbr.rel @p0 .LBB2_14-.Ltmp9, $4  }
0x106: {  	s15 =	smov.u32 @p1 s24;
	s18 =	smov.u32 @p1 s29;
	s24 =	smov.u32 s23  }
0x107: {  	s23 =	smov.u32 s20;
	s20 =	smov.u32 s21;
	s29 =	spop (v2sf)  }
0x108: {  	s21 =	smov.u32 s19;
	s19 =	smov.u32 s28;
	s17 =	sadd.s32 s17, s29  }
0x109: {  	s26 =	sadd.s32 $0xFFFFFFF0, s26;
	p1 =	slt.s32 s22, s16;
	(xrf0) =	vadd.scan.msk.s32 $0xffff, v5;
	v4, _, _ =	vpop (xrf0);
	p2 =	sge.s32 s17, s16  }
0x10a: {  	_ =	sdelay $0x4  }
0x10b: {  	(v2sf) =	vpush v4, $0xF;
	v4, _, _ =	vpop (xrf0)  }
0x10c: {  	(v2sf) =	vpush v4, $0xF;
	_ =	sdelay $0x6  }
0x10d: {  	p0 =	por !p1, !p2  }
0x10e: {  	s25 =	spop (v2sf);
	p0 =	por !p0, !p0  }
0x10f: {  	s15 =	smov.u32 @p0 s24;
	s24 =	sadd.s32 s17, s25  }
0x110: {  	p3 =	slt.s32 s17, s16;
	p4 =	sge.s32 s24, s16  }
0x111: {  	p1 =	por !p3, !p4  }
0x112: {  	p1 =	por !p1, !p1;
	s29 =	spop (v2sf)  }
0x113: {  	p5 =	slt.s32 s24, s16;
	s15 =	smov.u32 @p1 s23;
	s25 =	sadd.s32 s24, s29  }
0x114: {  	p4 =	sge.s32 s25, s16;
	p6 =	slt.s32 s25, s16;
	s26 =	spop (v2sf)  }
0x115: {  	p2 =	por !p5, !p4;
	s26 =	sadd.s32 s25, s26;
	s28 =	spop (v2sf)  }
0x116: {  	p2 =	por !p2, !p2;
	p5 =	sge.s32 s26, s16;
	s30 =	sadd.s32 s26, s28  }
0x117: {  	p4 =	por !p6, !p5;
	p6 =	slt.s32 s26, s16;
	p3 =	sge.s32 s30, s16  }
0x118: {  	s15 =	smov.u32 @p2 s20;
	p5 =	por !p6, !p3;
	p3 =	por !p4, !p4  }
0x119: {  	s15 =	smov.u32 @p3 s21;
	p4 =	por !p5, !p5  }
0x11a: {  	s15 =	smov.u32 @p4 s19  }
0x11b: {  	s19 =	sshll.u32 s15, $0x4  }
0x11c: {  	v5 =	vld [tilespmem:s19+$0x8000];
	_ =	sdelay $0x4  }
0x11d: {  	(xrf0) =	vadd.scan.msk.s32 $0xffff, v5;
	_ =	sdelay $0x5  }
0x11e: {  	v4, _, _ =	vpop (xrf0)  }
0x11f: {  	v6 =	vxor.u32 $0x80000000, v4  }
0x120: {  	(xrf0) =	vmax.scan.msk.u32 $0xffff, v6;
	_ =	sdelay $0x5  }
0x121: {  	v6, _, _ =	vpop (xrf0)  }
0x122: {  	(v2sf) =	vpush v6, $0xF;
	_ =	sdelay $0xa  }
0x123: {  	s18 =	smov.u32 @p0 s22  }
0x124: {  	s18 =	smov.u32 @p1 s17  }
0x125: {  	s18 =	smov.u32 @p2 s24  }
0x126: {  	s18 =	smov.u32 @p3 s25  }
0x127: {  	s18 =	smov.u32 @p4 s26;
	s31 =	spop (v2sf)  }
0x128: {  	s15 =	sadd.s32 s31, s18  }
0x129: {  	v5 =	vsub.s32 v5, v4;
	s15 =	sadd.s32 $0x80000000, s15  }
0x12a: {  	v5 =	vadd.s32 s15, v5  }
0x12b: {  	vm0 =	vge.s32 v5, s16  }
0x12c: {  	s17 =	simm.s32 $0x0;
	s16 =	simm.s32 $0x40;
	v5 =	vmpcnt.ones.xlane vm0  }
.LBB2_16:
0x12d: {  	p0 =	seq.s32 s16, $0xFC0;
	[tilespmem:s17+$0x8000] =	vst v0;
	s17 =	smov.u32 s16;
	s16 =	sadd.s32 $0x40, s16  }
.Ltmp10:
0x12e: {  	(pc) =	sbr.rel @!p0 .LBB2_16-.Ltmp10, $2  }
0x12f: {  	_ =	sdelay $0x2  }
0x130: {  	s17 =	sshra.s32 s17, $0x2  }
0x131: {  	v5 =	vxor.u32 $0x80000000, v5  }
0x132: {  	(xrf0) =	vmax.scan.msk.u32 $0xffff, v5;
	_ =	sdelay $0x5  }
0x133: {  	v5, _, _ =	vpop (xrf0)  }
0x134: {  	(v2sf) =	vpush v5, $0xF;
	_ =	sdelay $0xe  }
0x135: {  	s16 =	spop (v2sf)  }
0x136: {  	s16 =	sadd.s32 $0x7FFFFFFF, s16  }
0x137: {  	s31 =	sadd.s32 s19, s16  }
0x138: {  	[tilespmem:s17+$0x8000] =	vst v0;
	s17 =	sshll.u32 s31, $0xC  }
0x139: {  	s13 =	sor.u32 s13, s17  }
0x13a: {  	s17 =	sshra.s32 s13, $0xC  }
0x13b: {  	v5 =	vmov s17;
	s17 =	simm.s32 $0x0  }
.LBB2_18:
0x13c: {  	s18 =	sshra.s32 s17, $0x2  }
0x13d: {  	v6 =	vld [tilespmem:s18+$0x0];
	_ =	sdelay $0x4  }
0x13e: {  	v7 =	vshra.s32 v6, $0xC  }
0x13f: {  	v6 =	vshrl.u32 v6, $0x2;
	vm0 =	veq.s32 v7, v5  }
0x140: {  	v6 =	vand.u32 $0x3FF, v6;
	_ =	sdelay $0x4  }
0x141: {  	[tilespmem:v6+s10+$0x0] =	vst.idx.add.s32.msk vm0, v1  }
0x142: {  	v6 =	vld [tilespmem:s18+$0x10];
	_ =	sdelay $0x4  }
0x143: {  	v7 =	vshra.s32 v6, $0xC  }
0x144: {  	v6 =	vshrl.u32 v6, $0x2;
	vm9 =	veq.s32 v7, v5  }
0x145: {  	v6 =	vand.u32 $0x3FF, v6;
	_ =	sdelay $0x4  }
0x146: {  	[tilespmem:v6+s10+$0x0] =	vst.idx.add.s32.msk vm9, v1  }
0x147: {  	v6 =	vld [tilespmem:s18+$0x20];
	_ =	sdelay $0x4  }
0x148: {  	v7 =	vshra.s32 v6, $0xC  }
0x149: {  	v6 =	vshrl.u32 v6, $0x2;
	vm10 =	veq.s32 v7, v5  }
0x14a: {  	v6 =	vand.u32 $0x3FF, v6;
	_ =	sdelay $0x4  }
0x14b: {  	[tilespmem:v6+s10+$0x0] =	vst.idx.add.s32.msk vm10, v1  }
0x14c: {  	v6 =	vld [tilespmem:s18+$0x30];
	_ =	sdelay $0x4  }
0x14d: {  	v7 =	vshra.s32 v6, $0xC  }
0x14e: {  	v6 =	vshrl.u32 v6, $0x2;
	vm11 =	veq.s32 v7, v5  }
0x14f: {  	v6 =	vand.u32 $0x3FF, v6;
	_ =	sdelay $0x4  }
0x150: {  	[tilespmem:v6+s10+$0x0] =	vst.idx.add.s32.msk vm11, v1  }
0x151: {  	v6 =	vld [tilespmem:s18+$0x40];
	_ =	sdelay $0x4  }
0x152: {  	v7 =	vshra.s32 v6, $0xC  }
0x153: {  	v6 =	vshrl.u32 v6, $0x2;
	vm12 =	veq.s32 v7, v5  }
0x154: {  	v6 =	vand.u32 $0x3FF, v6;
	_ =	sdelay $0x4  }
0x155: {  	[tilespmem:v6+s10+$0x0] =	vst.idx.add.s32.msk vm12, v1  }
0x156: {  	v6 =	vld [tilespmem:s18+$0x50];
	_ =	sdelay $0x4  }
0x157: {  	v7 =	vshra.s32 v6, $0xC  }
0x158: {  	v6 =	vshrl.u32 v6, $0x2;
	vm13 =	veq.s32 v7, v5  }
0x159: {  	v6 =	vand.u32 $0x3FF, v6;
	_ =	sdelay $0x4  }
0x15a: {  	[tilespmem:v6+s10+$0x0] =	vst.idx.add.s32.msk vm13, v1  }
0x15b: {  	v6 =	vld [tilespmem:s18+$0x60];
	_ =	sdelay $0x4  }
0x15c: {  	v7 =	vshra.s32 v6, $0xC  }
0x15d: {  	v6 =	vshrl.u32 v6, $0x2;
	vm14 =	veq.s32 v7, v5  }
0x15e: {  	v6 =	vand.u32 $0x3FF, v6;
	_ =	sdelay $0x4  }
0x15f: {  	[tilespmem:v6+s10+$0x0] =	vst.idx.add.s32.msk vm14, v1  }
0x160: {  	v6 =	vld [tilespmem:s18+$0x70];
	_ =	sdelay $0x4  }
0x161: {  	v7 =	vshra.s32 v6, $0xC  }
0x162: {  	v6 =	vshrl.u32 v6, $0x2;
	vm15 =	veq.s32 v7, v5  }
0x163: {  	p0 =	sne.s32 s17, $0x1FE00;
	v6 =	vand.u32 $0x3FF, v6  }
.Ltmp11:
0x164: {  	_ = 	snop;
	(pc) =	sbr.rel @p0 .LBB2_18-.Ltmp11, $2  }
0x165: {  	_ =	sdelay $0x2  }
0x166: {  	s17 =	sadd.s32 $0x200, s17;
	[tilespmem:v6+s10+$0x0] =	vst.idx.add.s32.msk vm15, v1  }
0x167: {  	v5 =	vmov s16;
	s24 =	simm.s32 $0x83F0  }
0x168: {  	vm0 =	veq.s32 v5, v2;
	v5 =	vld [tilespmem:s24+$0x0];
	_ =	sdelay $0x1  }
0x169: {  	v4 =	vnsel vm0, $0x0, v4  }
0x16a: {  	(xrf0) =	vadd.scan.msk.s32 $0xffff, v4;
	_ =	sdelay $0x1  }
0x16b: {  	(xrf0) =	vadd.scan.msk.s32 $0xffff, v5;
	_ =	sdelay $0x3  }
0x16c: {  	v4, _, _ =	vpop (xrf0)  }
0x16d: {  	(v2sf) =	vpush v4, $0xF  }
0x16e: {  	v4, _, _ =	vpop (xrf0)  }
0x16f: {  	s25 =	simm.s32 $0x83E0;
	(v2sf) =	vpush v4, $0xF  }
0x170: {  	v4 =	vld [tilespmem:s25+$0x0]  }
0x171: {  	s26 =	simm.s32 $0x83D0  }
0x172: {  	v5 =	vld [tilespmem:s26+$0x0];
	_ =	sdelay $0x2  }
0x173: {  	(xrf0) =	vadd.scan.msk.s32 $0xffff, v4;
	_ =	sdelay $0x1  }
0x174: {  	(xrf0) =	vadd.scan.msk.s32 $0xffff, v5;
	_ =	sdelay $0x2  }
0x175: {  	s28 =	simm.s32 $0x83C0  }
0x176: {  	v6 =	vld [tilespmem:s28+$0x0];
	v5, _, _ =	vpop (xrf0)  }
0x177: {  	s29 =	spop (v2sf);
	(v2sf) =	vpush v5, $0xF  }
0x178: {  	v5, _, _ =	vpop (xrf0)  }
0x179: {  	s31 =	spop (v2sf);
	(v2sf) =	vpush v5, $0xF;
	_ =	sdelay $0x1  }
0x17a: {  	s30 =	simm.s32 $0x83B0;
	(xrf0) =	vadd.scan.msk.s32 $0xffff, v6  }
0x17b: {  	s14 =	sadd.s32 s15, s14;
	v4 =	vld [tilespmem:s30+$0x0]  }
0x17c: {  	s15 =	simm.s32 $0x0;
	s23 =	simm.s32 $0x3F;
	s22 =	simm.s32 $0x3E  }
0x17d: {  	s19 =	simm.s32 $0x3D;
	s20 =	simm.s32 $0x3C;
	s18 =	simm.s32 $0x3B  }
0x17e: {  	s21 =	simm.s32 $0x0;
	s17 =	simm.s32 $0x0;
	s14 =	ssub.s32 s29, s14  }
0x17f: {  	s24 =	simm.s32 $0x3A;
	s14 =	sadd.s32 $0x200, s14;
	s16 =	sadd.s32 $0x0, s31  }
0x180: {  	s25 =	simm.s32 $0x83A0;
	(xrf0) =	vadd.scan.msk.s32 $0xffff, v4;
	v4, _, _ =	vpop (xrf0);
	p1 =	sgt.s32 s14, $0x0;
	p2 =	sge.s32 s16, s14  }
.LBB2_20:
0x181: {  	p0 =	sne.s32 s24, $0x0;
	p1 =	por !p1, !p2;
	s26 =	smov.u32 s24  }
0x182: {  	v5 =	vld [tilespmem:s25+$0x0];
	(v2sf) =	vpush v4, $0xF;
	s24 =	sadd.s32 $0xFFFFFFFF, s24;
	s28 =	smov.u32 s21;
	s21 =	smov.u32 s16  }
.Ltmp12:
0x183: {  	p1 =	por !p1, !p1;
	(pc) =	sbr.rel @p0 .LBB2_20-.Ltmp12, $4  }
0x184: {  	s15 =	smov.u32 @p1 s23;
	s17 =	smov.u32 @p1 s28;
	s23 =	smov.u32 s22  }
0x185: {  	s22 =	smov.u32 s19;
	s19 =	smov.u32 s20;
	s28 =	spop (v2sf)  }
0x186: {  	s20 =	smov.u32 s18;
	s18 =	smov.u32 s26;
	s16 =	sadd.s32 s16, s28  }
0x187: {  	s25 =	sadd.s32 $0xFFFFFFF0, s25;
	p1 =	slt.s32 s21, s14;
	(xrf0) =	vadd.scan.msk.s32 $0xffff, v5;
	v4, _, _ =	vpop (xrf0);
	p2 =	sge.s32 s16, s14  }
0x188: {  	_ =	sdelay $0x4  }
0x189: {  	(v2sf) =	vpush v4, $0xF;
	v4, _, _ =	vpop (xrf0)  }
0x18a: {  	(v2sf) =	vpush v4, $0xF;
	_ =	sdelay $0x6  }
0x18b: {  	p0 =	por !p1, !p2  }
0x18c: {  	s24 =	spop (v2sf);
	p0 =	por !p0, !p0  }
0x18d: {  	s15 =	smov.u32 @p0 s23;
	s23 =	sadd.s32 s16, s24  }
0x18e: {  	p3 =	slt.s32 s16, s14;
	p4 =	sge.s32 s23, s14  }
0x18f: {  	p1 =	por !p3, !p4  }
0x190: {  	p1 =	por !p1, !p1;
	s26 =	spop (v2sf)  }
0x191: {  	p5 =	slt.s32 s23, s14;
	s15 =	smov.u32 @p1 s22;
	s24 =	sadd.s32 s23, s26  }
0x192: {  	p4 =	sge.s32 s24, s14;
	p6 =	slt.s32 s24, s14;
	s25 =	spop (v2sf)  }
0x193: {  	p2 =	por !p5, !p4;
	s25 =	sadd.s32 s24, s25;
	s26 =	spop (v2sf)  }
0x194: {  	p2 =	por !p2, !p2;
	p5 =	sge.s32 s25, s14;
	s28 =	sadd.s32 s25, s26  }
0x195: {  	p4 =	por !p6, !p5;
	p6 =	slt.s32 s25, s14;
	p3 =	sge.s32 s28, s14  }
0x196: {  	s15 =	smov.u32 @p2 s19;
	p5 =	por !p6, !p3;
	p3 =	por !p4, !p4  }
0x197: {  	s15 =	smov.u32 @p3 s20;
	p4 =	por !p5, !p5  }
0x198: {  	s15 =	smov.u32 @p4 s18  }
0x199: {  	s15 =	sshll.u32 s15, $0x4  }
0x19a: {  	v4 =	vld [tilespmem:s15+$0x8000];
	_ =	sdelay $0x4  }
0x19b: {  	(xrf0) =	vadd.scan.msk.s32 $0xffff, v4;
	_ =	sdelay $0x5  }
0x19c: {  	v5, _, _ =	vpop (xrf0)  }
0x19d: {  	v6 =	vxor.u32 $0x80000000, v5  }
0x19e: {  	(xrf0) =	vmax.scan.msk.u32 $0xffff, v6;
	_ =	sdelay $0x5  }
0x19f: {  	v6, _, _ =	vpop (xrf0)  }
0x1a0: {  	(v2sf) =	vpush v6, $0xF;
	_ =	sdelay $0xa  }
0x1a1: {  	s17 =	smov.u32 @p0 s21  }
0x1a2: {  	s17 =	smov.u32 @p1 s16  }
0x1a3: {  	s17 =	smov.u32 @p2 s23  }
0x1a4: {  	s17 =	smov.u32 @p3 s24  }
0x1a5: {  	s17 =	smov.u32 @p4 s25;
	s29 =	spop (v2sf)  }
0x1a6: {  	s16 =	sadd.s32 s29, s17  }
0x1a7: {  	v4 =	vsub.s32 v4, v5;
	s16 =	sadd.s32 $0x80000000, s16  }
0x1a8: {  	v4 =	vadd.s32 s16, v4  }
0x1a9: {  	vm0 =	vge.s32 v4, s14  }
0x1aa: {  	v4 =	vmpcnt.ones.xlane vm0;
	_ =	sdelay $0x1  }
0x1ab: {  	v4 =	vxor.u32 $0x80000000, v4  }
0x1ac: {  	(xrf0) =	vmax.scan.msk.u32 $0xffff, v4;
	_ =	sdelay $0x5  }
0x1ad: {  	v4, _, _ =	vpop (xrf0)  }
0x1ae: {  	(v2sf) =	vpush v4, $0xF;
	_ =	sdelay $0xe  }
0x1af: {  	s30 =	spop (v2sf)  }
0x1b0: {  	s31 =	simm.s32 $0x0;
	s14 =	sadd.s32 s30, s15  }
0x1b1: {  	v5 =	vld [tilespmem:s31+$0x0];
	s14 =	sshll.u32 s14, $0x2  }
0x1b2: {  	v7 =	vld [tilespmem:s31+$0x10];
	s14 =	sadd.s32 $0xFFFFFFFC, s14  }
0x1b3: {  	v9 =	vld [tilespmem:s31+$0x20];
	s13 =	sor.u32 s13, s14  }
0x1b4: {  	v8 =	vld [tilespmem:s31+$0x30];
	s14 =	sor.u32 $0x2, s13  }
0x1b5: {  	v6 =	vld [tilespmem:s31+$0x40];
	v4 =	vmov s14  }
0x1b6: {  	vm0 =	vge.s32 v5, v4;
	v5 =	vld [tilespmem:s31+$0x50]  }
0x1b7: {  	v10 =	vimm.s32 $0x0;
	v11 =	vsel vm0, $0x1, v0;
	vm0 =	vge.s32 v7, v4;
	v7 =	vld [tilespmem:s31+$0x60]  }
0x1b8: {  	s16 =	simm.s32 $0x400;
	s15 =	simm.s32 $0x80;
	v10 =	vadd.s32 v11, v10;
	v11 =	vsel vm0, $0x1, v0;
	vm0 =	vge.s32 v9, v4;
	v9 =	vld [tilespmem:s31+$0x70]  }
.LBB2_22:
0x1b9: {  	p0 =	sne.s32 s16, $0x1FE00;
	v12 =	vld [tilespmem:s15+$0x0];
	v10 =	vadd.s32 v11, v10;
	v11 =	vsel vm0, $0x1, v0;
	vm0 =	vge.s32 v8, v4  }
0x1ba: {  	v13 =	vld [tilespmem:s15+$0x10];
	v8 =	vadd.s32 v11, v10;
	v10 =	vsel vm0, $0x1, v0;
	vm0 =	vge.s32 v6, v4  }
0x1bb: {  	v14 =	vld [tilespmem:s15+$0x20];
	v6 =	vadd.s32 v10, v8;
	v10 =	vsel vm0, $0x1, v0;
	vm0 =	vge.s32 v5, v4  }
.Ltmp13:
0x1bc: {  	v8 =	vld [tilespmem:s15+$0x30];
	v5 =	vadd.s32 v10, v6;
	v10 =	vsel vm0, $0x1, v0;
	vm0 =	vge.s32 v7, v4;
	(pc) =	sbr.rel @p0 .LBB2_22-.Ltmp13, $4  }
0x1bd: {  	v6 =	vld [tilespmem:s15+$0x40];
	v7 =	vadd.s32 v10, v5;
	v10 =	vsel vm0, $0x1, v0;
	vm0 =	vge.s32 v9, v4  }
0x1be: {  	vm1 =	vge.s32 v12, v4;
	v5 =	vld [tilespmem:s15+$0x50];
	v9 =	vadd.s32 v10, v7;
	v10 =	vsel vm0, $0x1, v0  }
0x1bf: {  	v11 =	vsel vm1, $0x1, v0;
	vm0 =	vge.s32 v13, v4;
	v7 =	vld [tilespmem:s15+$0x60];
	v9 =	vadd.s32 v10, v9  }
0x1c0: {  	v10 =	vadd.s32 v11, v9;
	v11 =	vsel vm0, $0x1, v0;
	vm0 =	vge.s32 v14, v4;
	v9 =	vld [tilespmem:s15+$0x70];
	s15 =	sshra.s32 s16, $0x2;
	s16 =	sadd.s32 $0x200, s16  }
0x1c1: {  	v12 =	vld [tilespmem:s15+$0x0];
	v10 =	vadd.s32 v11, v10;
	v11 =	vsel vm0, $0x1, v0;
	vm0 =	vge.s32 v8, v4  }
0x1c2: {  	v8 =	vld [tilespmem:s15+$0x10];
	v10 =	vadd.s32 v11, v10;
	v11 =	vsel vm0, $0x1, v0;
	vm0 =	vge.s32 v6, v4  }
0x1c3: {  	v6 =	vld [tilespmem:s15+$0x20];
	v10 =	vadd.s32 v11, v10;
	v11 =	vsel vm0, $0x1, v0;
	vm0 =	vge.s32 v5, v4  }
0x1c4: {  	v5 =	vld [tilespmem:s15+$0x30];
	v10 =	vadd.s32 v11, v10;
	v11 =	vsel vm0, $0x1, v0;
	vm0 =	vge.s32 v7, v4  }
0x1c5: {  	v7 =	vld [tilespmem:s15+$0x40];
	v10 =	vadd.s32 v11, v10;
	v11 =	vsel vm0, $0x1, v0;
	vm0 =	vge.s32 v9, v4  }
0x1c6: {  	v9 =	vld [tilespmem:s15+$0x50];
	vm1 =	vge.s32 v12, v4;
	v10 =	vadd.s32 v11, v10;
	v11 =	vsel vm0, $0x1, v0  }
0x1c7: {  	vm0 =	vge.s32 v8, v4;
	v8 =	vld [tilespmem:s15+$0x60];
	v12 =	vsel vm1, $0x1, v0;
	v10 =	vadd.s32 v11, v10  }
0x1c8: {  	v11 =	vsel vm0, $0x1, v0;
	vm0 =	vge.s32 v6, v4;
	v6 =	vld [tilespmem:s15+$0x70];
	v10 =	vadd.s32 v12, v10  }
0x1c9: {  	v10 =	vadd.s32 v11, v10;
	v11 =	vsel vm0, $0x1, v0;
	vm0 =	vge.s32 v5, v4  }
0x1ca: {  	v5 =	vadd.s32 v11, v10;
	v10 =	vsel vm0, $0x1, v0;
	vm0 =	vge.s32 v7, v4  }
0x1cb: {  	v5 =	vadd.s32 v10, v5;
	v7 =	vsel vm0, $0x1, v0;
	vm0 =	vge.s32 v9, v4  }
0x1cc: {  	v5 =	vadd.s32 v7, v5;
	v7 =	vsel vm0, $0x1, v0;
	vm0 =	vge.s32 v8, v4  }
0x1cd: {  	v5 =	vadd.s32 v7, v5;
	v7 =	vsel vm0, $0x1, v0;
	vm0 =	vge.s32 v6, v4  }
0x1ce: {  	v4 =	vadd.s32 v7, v5;
	v5 =	vsel vm0, $0x1, v0  }
0x1cf: {  	v4 =	vadd.s32 v5, v4  }
0x1d0: {  	(xrf0) =	vadd.scan.msk.s32 $0xffff, v4;
	_ =	sdelay $0x5  }
0x1d1: {  	v4, _, _ =	vpop (xrf0)  }
0x1d2: {  	(v2sf) =	vpush v4, $0xF;
	_ =	sdelay $0xd  }
0x1d3: {  	s17 =	simm.s32 $0x0  }
0x1d4: {  	v5 =	vld [tilespmem:s17+$0x0];
	s31 =	spop (v2sf)  }
0x1d5: {  	v7 =	vld [tilespmem:s17+$0x10];
	p0 =	sgt.s32 s31, $0x1FF  }
0x1d6: {  	v9 =	vld [tilespmem:s17+$0x20];
	s13 =	smov.u32 @p0 s14  }
0x1d7: {  	v8 =	vld [tilespmem:s17+$0x30];
	s14 =	sor.u32 $0x1, s13  }
0x1d8: {  	v6 =	vld [tilespmem:s17+$0x40];
	v4 =	vmov s14  }
0x1d9: {  	vm0 =	vge.s32 v5, v4;
	v5 =	vld [tilespmem:s17+$0x50]  }
0x1da: {  	v10 =	vimm.s32 $0x0;
	v11 =	vsel vm0, $0x1, v0;
	vm0 =	vge.s32 v7, v4;
	v7 =	vld [tilespmem:s17+$0x60]  }
0x1db: {  	s16 =	simm.s32 $0x400;
	s15 =	simm.s32 $0x80;
	v10 =	vadd.s32 v11, v10;
	v11 =	vsel vm0, $0x1, v0;
	vm0 =	vge.s32 v9, v4;
	v9 =	vld [tilespmem:s17+$0x70]  }
.LBB2_24:
0x1dc: {  	p0 =	sne.s32 s16, $0x1FE00;
	v12 =	vld [tilespmem:s15+$0x0];
	v10 =	vadd.s32 v11, v10;
	v11 =	vsel vm0, $0x1, v0;
	vm0 =	vge.s32 v8, v4  }
0x1dd: {  	v13 =	vld [tilespmem:s15+$0x10];
	v8 =	vadd.s32 v11, v10;
	v10 =	vsel vm0, $0x1, v0;
	vm0 =	vge.s32 v6, v4  }
0x1de: {  	v14 =	vld [tilespmem:s15+$0x20];
	v6 =	vadd.s32 v10, v8;
	v10 =	vsel vm0, $0x1, v0;
	vm0 =	vge.s32 v5, v4  }
.Ltmp14:
0x1df: {  	v8 =	vld [tilespmem:s15+$0x30];
	v5 =	vadd.s32 v10, v6;
	v10 =	vsel vm0, $0x1, v0;
	vm0 =	vge.s32 v7, v4;
	(pc) =	sbr.rel @p0 .LBB2_24-.Ltmp14, $4  }
0x1e0: {  	v6 =	vld [tilespmem:s15+$0x40];
	v7 =	vadd.s32 v10, v5;
	v10 =	vsel vm0, $0x1, v0;
	vm0 =	vge.s32 v9, v4  }
0x1e1: {  	vm1 =	vge.s32 v12, v4;
	v5 =	vld [tilespmem:s15+$0x50];
	v9 =	vadd.s32 v10, v7;
	v10 =	vsel vm0, $0x1, v0  }
0x1e2: {  	v11 =	vsel vm1, $0x1, v0;
	vm0 =	vge.s32 v13, v4;
	v7 =	vld [tilespmem:s15+$0x60];
	v9 =	vadd.s32 v10, v9  }
0x1e3: {  	v10 =	vadd.s32 v11, v9;
	v11 =	vsel vm0, $0x1, v0;
	vm0 =	vge.s32 v14, v4;
	v9 =	vld [tilespmem:s15+$0x70];
	s15 =	sshra.s32 s16, $0x2;
	s16 =	sadd.s32 $0x200, s16  }
0x1e4: {  	v12 =	vld [tilespmem:s15+$0x0];
	v10 =	vadd.s32 v11, v10;
	v11 =	vsel vm0, $0x1, v0;
	vm8 =	vge.s32 v8, v4  }
0x1e5: {  	v8 =	vld [tilespmem:s15+$0x10];
	v10 =	vadd.s32 v11, v10;
	v11 =	vsel vm8, $0x1, v0;
	vm9 =	vge.s32 v6, v4  }
0x1e6: {  	v6 =	vld [tilespmem:s15+$0x20];
	v10 =	vadd.s32 v11, v10;
	v11 =	vsel vm9, $0x1, v0;
	vm10 =	vge.s32 v5, v4  }
0x1e7: {  	v5 =	vld [tilespmem:s15+$0x30];
	v10 =	vadd.s32 v11, v10;
	v11 =	vsel vm10, $0x1, v0;
	vm11 =	vge.s32 v7, v4  }
0x1e8: {  	v7 =	vld [tilespmem:s15+$0x40];
	v10 =	vadd.s32 v11, v10;
	v11 =	vsel vm11, $0x1, v0;
	vm4 =	vge.s32 v9, v4  }
0x1e9: {  	v9 =	vld [tilespmem:s15+$0x50];
	vm1 =	vge.s32 v12, v4;
	v10 =	vadd.s32 v11, v10;
	v11 =	vsel vm4, $0x1, v0  }
0x1ea: {  	vm5 =	vge.s32 v8, v4;
	v8 =	vld [tilespmem:s15+$0x60];
	v12 =	vsel vm1, $0x1, v0;
	v10 =	vadd.s32 v11, v10  }
0x1eb: {  	v11 =	vsel vm5, $0x1, v0;
	vm6 =	vge.s32 v6, v4;
	v6 =	vld [tilespmem:s15+$0x70];
	v10 =	vadd.s32 v12, v10  }
0x1ec: {  	vm7 =	vge.s32 v5, v4;
	v10 =	vadd.s32 v11, v10;
	v11 =	vsel vm6, $0x1, v0  }
0x1ed: {  	vm8 =	vge.s32 v7, v4;
	v5 =	vadd.s32 v11, v10;
	v10 =	vsel vm7, $0x1, v0  }
0x1ee: {  	v7 =	vsel vm8, $0x1, v0;
	vm9 =	vge.s32 v9, v4;
	v5 =	vadd.s32 v10, v5  }
0x1ef: {  	vm10 =	vge.s32 v8, v4;
	v5 =	vadd.s32 v7, v5;
	v7 =	vsel vm9, $0x1, v0  }
0x1f0: {  	vm11 =	vge.s32 v6, v4;
	v5 =	vadd.s32 v7, v5;
	v7 =	vsel vm10, $0x1, v0  }
0x1f1: {  	v4 =	vadd.s32 v7, v5;
	v5 =	vsel vm11, $0x1, v0  }
0x1f2: {  	(xrf0) =	vmax.scan.msk.f32 $0xffff, v3;
	v4 =	vadd.s32 v5, v4  }
0x1f3: {  	(xrf0) =	vadd.scan.msk.s32 $0xffff, v4;
	_ =	sdelay $0x4  }
0x1f4: {  	v3, _, _ =	vpop (xrf0)  }
0x1f5: {  	v4, _, _ =	vpop (xrf0)  }
0x1f6: {  	(v2sf) =	vpush v4, $0xF;
	_ =	sdelay $0xa  }
0x1f7: {  	s31 =	simm.s32 $0x0  }
0x1f8: {  	v13 =	vld [tilespmem:s31+$0x20]  }
0x1f9: {  	v15 =	vld [tilespmem:s31+$0x10]  }
0x1fa: {  	v5 =	vld [tilespmem:s31+$0x70]  }
0x1fb: {  	v12 =	vld [tilespmem:s31+$0x30];
	s16 =	spop (v2sf)  }
0x1fc: {  	v9 =	vld [tilespmem:s31+$0x50];
	p0 =	sgt.s32 s16, $0x1FF  }
0x1fd: {  	v8 =	vld [tilespmem:s31+$0x60];
	s13 =	smov.u32 @p0 s14  }
0x1fe: {  	v3 =	vbroadcast v3, $0xF;
	v11 =	vimm.f32 $0.0e+00;
	v10 =	vld [tilespmem:s31+$0x40];
	v4 =	vmov s13  }
0x1ff: {  	v14 =	vld [tilespmem:s31+$0x0];
	v6 =	vimm.s32 $0x0;
	v7 =	vimm.s32 $0x0;
	s14 =	simm.s32 $0x200;
	vm12 =	vgt.s32 v5, v4  }
.LBB2_26:
0x200: {  	vm3 =	veq.s32 v5, v4  }
0x201: {  	v16 =	vimm.s32 $0x0;
	v17 =	vxor.u32 $0x7FFFFFFF, v5;
	v57 =	vsel vm12, $0x1, v0  }
0x202: {  	v19 =	vsel vm3, $0x1, v0;
	vm0 =	veq.s32 v9, v4;
	vm2 =	veq.s32 v8, v4  }
0x203: {  	vm1 =	veq.s32 v12, v4;
	vm15 =	veq.s32 v10, v4;
	vm5 =	vgt.s32 v8, v4  }
0x204: {  	vm6 =	veq.s32 v15, v4;
	vm13 =	veq.s32 v13, v4;
	v16 =	vsel vm1, $0xFFFFFFFF, v16  }
0x205: {  	vm7 =	veq.s32 v14, v4;
	vm11 =	vgt.s32 v12, v4;
	[tilespmem:$0x1FFD0] =	vst v16;
	v16 =	vimm.s32 $0x0  }
0x206: {  	vm10 =	vgt.s32 v14, v4;
	vm14 =	vgt.s32 v15, v4;
	v16 =	vsel vm6, $0xFFFFFFFF, v16  }
0x207: {  	vm4 =	vlt.s32 v14, $0x0;
	v18 =	vxor.u32 $0x7FFFFFFF, v15;
	[tilespmem:$0x1FFE0] =	vst v16;
	v16 =	vimm.s32 $0x0  }
0x208: {  	vm8 =	vlt.s32 v15, $0x0;
	v55 =	vxor.u32 $0x7FFFFFFF, v13;
	v16 =	vsel vm7, $0xFFFFFFFF, v16  }
0x209: {  	vm9 =	vlt.s32 v13, $0x0;
	v56 =	vxor.u32 $0x7FFFFFFF, v12;
	[tilespmem:$0x1FFF0] =	vst v16;
	v16 =	vxor.u32 $0x7FFFFFFF, v14  }
0x20a: {  	vm1 =	vgt.s32 v13, v4;
	v15 =	vsel vm8, v18, v15;
	v14 =	vsel vm4, v16, v14  }
0x20b: {  	vm8 =	vlt.s32 v8, $0x0;
	v13 =	vsel vm9, v55, v13;
	v14 =	vsub.f32 v14, v3  }
0x20c: {  	vm9 =	vlt.s32 v12, $0x0;
	v21 =	vsel vm13, $0x1, v0;
	v27 =	vsel vm10, $0x1, v0  }
0x20d: {  	v15 =	vsub.f32 v15, v3;
	v13 =	vsub.f32 v13, v3;
	v14 =	vmul.f32 $1.442695020e+00, v14  }
0x20e: {  	v12 =	vsel vm9, v56, v12;
	vm9 =	vlt.s32 v10, $0x0;
	vm6 =	vgt.s32 v9, v4  }
0x20f: {  	v12 =	vsub.f32 v12, v3;
	v15 =	vmul.f32 $1.442695020e+00, v15;
	(erf) = vpow2.f32 v14  }
0x210: {  	v13 =	vmul.f32 $1.442695020e+00, v13;
	vm7 =	vgt.s32 v10, v4;
	v14 =	vxor.u32 $0x7FFFFFFF, v10  }
0x211: {  	v12 =	vmul.f32 $1.442695020e+00, v12;
	(erf) = vpow2.f32 v15;
	v10 =	vsel vm9, v14, v10  }
0x212: {  	v16 =	vxor.u32 $0x7FFFFFFF, v8;
	v10 =	vsub.f32 v10, v3;
	(erf) = vpow2.f32 v13  }
0x213: {  	v14 =	vxor.u32 $0x7FFFFFFF, v9;
	vm9 =	vlt.s32 v9, $0x0;
	(erf) = vpow2.f32 v12  }
0x214: {  	vm4 =	vlt.s32 v5, $0x0;
	v9 =	vsel vm9, v14, v9;
	v13 =	vmul.f32 $1.442695020e+00, v10  }
0x215: {  	v59 =	vld [tilespmem:$0x1FFE0];
	v8 =	vsel vm8, v16, v8;
	v5 =	vsel vm4, v17, v5;
	v9 =	vsub.f32 v9, v3  }
0x216: {  	v8 =	vsub.f32 v8, v3;
	v5 =	vsub.f32 v5, v3;
	(erf) = vpow2.f32 v13  }
0x217: {  	v6 =	vadd.s32 v27, v6;
	v16 =	vsel vm2, $0x1, v0;
	v9 =	vmul.f32 $1.442695020e+00, v9  }
0x218: {  	v24 =	vld [tilespmem:$0x1FFF0];
	v17 =	vsel vm0, $0x1, v0;
	v8 =	vmul.f32 $1.442695020e+00, v8;
	v5 =	vmul.f32 $1.442695020e+00, v5;
	v10 =	vpop (erf)  }
0x219: {  	v15 =	vsel vm6, $0x1, v0;
	(erf) = vpow2.f32 v9;
	v12 =	vnsel vm10, $0x0, v10  }
0x21a: {  	v14 =	vsel vm5, $0x1, v0;
	vm9 =	vnez.u8 v59;
	v10 =	vpop (erf);
	v20 =	vadd.f32 v12, v11  }
0x21b: {  	v13 =	vsel vm15, $0x1, v0;
	(erf) = vpow2.f32 v8;
	v10 =	vnsel vm14, $0x0, v10;
	v9 =	vpop (erf)  }
0x21c: {  	v12 =	vsel vm11, $0x1, v0;
	(erf) = vpow2.f32 v5;
	v8 =	vpop (erf);
	v22 =	vadd.f32 v10, v20;
	v10 =	vld [tilespmem:$0x1FFD0]  }
0x21d: {  	v9 =	vnsel vm1, $0x0, v9;
	v26 =	vnsel vm11, $0x0, v8;
	vm11 =	vnez.u8 v24  }
0x21e: {  	v11 =	vsel vm7, $0x1, v0;
	v24 =	vsel vm11, $0x1, v0;
	v5 =	vadd.f32 v9, v22  }
0x21f: {  	v9 =	vsel vm14, $0x1, v0;
	v22 =	vsel vm9, $0x1, v0;
	v8 =	vpop (erf);
	v7 =	vadd.s32 v24, v7  }
0x220: {  	s15 =	sshra.s32 s14, $0x2;
	v60 =	vnsel vm7, $0x0, v8;
	v6 =	vadd.s32 v9, v6;
	v25 =	vadd.f32 v26, v5  }
0x221: {  	v8 =	vld [tilespmem:s15+$0x60];
	v7 =	vadd.s32 v22, v7;
	vm8 =	vnez.u8 v10;
	v10 =	vsel vm1, $0x1, v0  }
0x222: {  	v5 =	vld [tilespmem:s15+$0x70];
	v7 =	vadd.s32 v21, v7;
	v23 =	vpop (erf);
	v61 =	vadd.f32 v60, v25;
	v6 =	vadd.s32 v10, v6  }
0x223: {  	p0 =	sne.s32 s14, $0x1FE00;
	v9 =	vld [tilespmem:s15+$0x50];
	v58 =	vsel vm8, $0x1, v0;
	v23 =	vnsel vm6, $0x0, v23;
	v6 =	vadd.s32 v12, v6  }
.Ltmp15:
0x224: {  	v10 =	vld [tilespmem:s15+$0x40];
	v63 =	vpop (erf);
	v7 =	vadd.s32 v58, v7;
	v62 =	vadd.f32 v23, v61;
	v6 =	vadd.s32 v11, v6;
	(pc) =	sbr.rel @p0 .LBB2_26-.Ltmp15, $4  }
0x225: {  	v12 =	vld [tilespmem:s15+$0x30];
	v7 =	vadd.s32 v13, v7;
	v11 =	vnsel vm5, $0x0, v63;
	v6 =	vadd.s32 v15, v6  }
0x226: {  	v13 =	vld [tilespmem:s15+$0x20];
	v7 =	vadd.s32 v17, v7;
	v17 =	vpop (erf);
	v11 =	vadd.f32 v11, v62;
	v6 =	vadd.s32 v14, v6  }
0x227: {  	v15 =	vld [tilespmem:s15+$0x10];
	v7 =	vadd.s32 v16, v7;
	v16 =	vnsel vm12, $0x0, v17;
	vm12 =	vgt.s32 v5, v4  }
0x228: {  	s14 =	sadd.s32 $0x200, s14;
	v14 =	vld [tilespmem:s15+$0x0];
	v6 =	vadd.s32 v57, v6;
	v7 =	vadd.s32 v19, v7;
	v11 =	vadd.f32 v16, v11  }
0x229: {  	vm7 =	veq.s32 v9, v4;
	v34 =	vxor.u32 $0x7FFFFFFF, v5;
	v19 =	vxor.u32 $0x7FFFFFFF, v8  }
0x22a: {  	v37 =	vxor.u32 $0x7FFFFFFF, v10;
	vm8 =	vlt.s32 v10, $0x0;
	v20 =	vxor.u32 $0x7FFFFFFF, v9  }
0x22b: {  	vm2 =	vlt.s32 v9, $0x0;
	vm9 =	vlt.s32 v8, $0x0;
	vm10 =	vlt.s32 v5, $0x0  }
0x22c: {  	vm11 =	veq.s32 v8, v4;
	vm14 =	veq.s32 v10, v4;
	v54 =	vxor.u32 $0x7FFFFFFF, v4  }
0x22d: {  	v61 =	vsel vm12, $0x1, v0;
	v35 =	vxor.u32 $0x7FFFFFFF, v12;
	vm1 =	vlt.s32 v12, $0x0  }
0x22e: {  	v20 =	vsel vm2, v20, v9;
	v19 =	vsel vm9, v19, v8;
	vm13 =	veq.s32 v12, v4  }
0x22f: {  	v21 =	vsel vm11, $0x1, v0;
	v38 =	vsel vm7, $0x1, v0;
	v23 =	vsel vm14, $0x1, v0  }
0x230: {  	vm9 =	vgt.s32 v9, v4;
	v16 =	vxor.u32 $0x7FFFFFFF, v14;
	vm0 =	vlt.s32 v14, $0x0  }
0x231: {  	vm14 =	vgt.s32 v8, v4;
	v18 =	vxor.u32 $0x7FFFFFFF, v13;
	v16 =	vsel vm0, v16, v14  }
0x232: {  	v17 =	vxor.u32 $0x7FFFFFFF, v15;
	vm5 =	vlt.s32 v15, $0x0;
	v16 =	vsub.f32 v16, v3  }
0x233: {  	vm6 =	vlt.s32 v13, $0x0;
	v36 =	vsel vm1, v35, v12;
	v17 =	vsel vm5, v17, v15  }
0x234: {  	vm4 =	veq.s32 v13, v4;
	v17 =	vsub.f32 v17, v3;
	v16 =	vmul.f32 $1.442695020e+00, v16  }
0x235: {  	v25 =	vsel vm13, $0x1, v0;
	v40 =	vsub.f32 v20, v3;
	v18 =	vsel vm6, v18, v13  }
0x236: {  	v18 =	vsub.f32 v18, v3;
	v17 =	vmul.f32 $1.442695020e+00, v17;
	(erf) = vpow2.f32 v16  }
0x237: {  	v19 =	vsub.f32 v19, v3;
	vm13 =	vgt.s32 v10, v4;
	v57 =	vsel vm9, $0x1, v0  }
0x238: {  	v33 =	vmul.f32 $1.442695020e+00, v18;
	v16 =	vsub.f32 v36, v3;
	(erf) = vpow2.f32 v17  }
0x239: {  	v59 =	vsel vm14, $0x1, v0;
	vm15 =	veq.s32 v15, v4;
	vm6 =	vgt.s32 v15, v4  }
0x23a: {  	v17 =	vsel vm8, v37, v10;
	(erf) = vpow2.f32 v33;
	v16 =	vmul.f32 $1.442695020e+00, v16  }
0x23b: {  	v43 =	vsel vm4, $0x1, v0;
	v56 =	vsel vm13, $0x1, v0;
	v17 =	vsub.f32 v17, v3  }
0x23c: {  	vm5 =	vgt.s32 v13, v4;
	v42 =	vmul.f32 $1.442695020e+00, v40;
	(erf) = vpow2.f32 v16  }
0x23d: {  	vm7 =	vgt.s32 v14, v4;
	v44 =	vmul.f32 $1.442695020e+00, v19;
	v39 =	vmul.f32 $1.442695020e+00, v17  }
0x23e: {  	v47 =	vsel vm6, $0x1, v0;
	v50 =	vsel vm15, $0x1, v0;
	vm11 =	veq.s32 v14, v4  }
0x23f: {  	vm15 =	veq.s32 v5, v4;
	v26 =	vsel vm5, $0x1, v0;
	v22 =	vpop (erf);
	(erf) = vpow2.f32 v39  }
0x240: {  	v53 =	vsel vm7, $0x1, v0;
	v14 =	vsel vm11, $0x1, v0;
	v18 =	vsel vm10, v34, v5  }
0x241: {  	v18 =	vsub.f32 v18, v3;
	v24 =	vpop (erf);
	v45 =	vnsel vm7, $0x0, v22;
	(erf) = vpow2.f32 v42  }
0x242: {  	vm10 =	vlt.s32 v4, $0x0;
	v6 =	vadd.s32 v53, v6;
	v11 =	vadd.f32 v45, v11  }
0x243: {  	v48 =	vmul.f32 $1.442695020e+00, v18;
	v41 =	vpop (erf);
	v46 =	vnsel vm6, $0x0, v24;
	(erf) = vpow2.f32 v44  }
0x244: {  	v7 =	vadd.s32 v14, v7;
	v6 =	vadd.s32 v47, v6;
	v52 =	vadd.f32 v46, v11  }
0x245: {  	v7 =	vadd.s32 v50, v7;
	v20 =	vnsel vm5, $0x0, v41;
	v49 =	vpop (erf);
	(erf) = vpow2.f32 v48  }
0x246: {  	vm8 =	vgt.s32 v12, v4;
	v12 =	vsel vm10, v54, v4;
	v9 =	vadd.f32 v20, v52  }
0x247: {  	v7 =	vadd.s32 v43, v7;
	v12 =	vsub.f32 v12, v3;
	v18 =	vnsel vm8, $0x0, v49  }
0x248: {  	v6 =	vadd.s32 v26, v6;
	v7 =	vadd.s32 v25, v7;
	v9 =	vadd.f32 v18, v9;
	v55 =	vpop (erf)  }
0x249: {  	v51 =	vsel vm8, $0x1, v0;
	v12 =	vmul.f32 $1.442695020e+00, v12;
	v10 =	vnsel vm13, $0x0, v55  }
0x24a: {  	v7 =	vadd.s32 v23, v7;
	v6 =	vadd.s32 v51, v6;
	v58 =	vpop (erf);
	v9 =	vadd.f32 v10, v9  }
0x24b: {  	v6 =	vadd.s32 v56, v6;
	(erf) = vpow2.f32 v12;
	v18 =	vnsel vm9, $0x0, v58  }
0x24c: {  	v5 =	vadd.s32 v38, v7;
	v6 =	vadd.s32 v57, v6;
	v60 =	vpop (erf);
	v9 =	vadd.f32 v18, v9  }
0x24d: {  	v7 =	vsel vm15, $0x1, v0;
	v6 =	vadd.s32 v59, v6;
	v10 =	vnsel vm14, $0x0, v60  }
0x24e: {  	v5 =	vadd.s32 v21, v5;
	v6 =	vadd.s32 v61, v6;
	v62 =	vpop (erf);
	v9 =	vadd.f32 v10, v9  }
0x24f: {  	v5 =	vadd.s32 v7, v5;
	(xrf0) =	vadd.scan.msk.s32 $0xffff, v6;
	v10 =	vnsel vm12, $0x0, v62  }
0x250: {  	(xrf0) =	vadd.scan.msk.s32 $0xffff, v5;
	v63 =	vadd.f32 v10, v9;
	_ =	sdelay $0x1  }
0x251: {  	(xrf2) =	vadd.scan.msk.f32 $0xffff, v63;
	_ =	sdelay $0x1  }
0x252: {  	v5 =	vpop (erf)  }
0x253: {  	(xrf0) =	vmax.scan.msk.f32 $0xffff, v5;
	v5, _, _ =	vpop (xrf0)  }
0x254: {  	v6, _, _ =	vpop (xrf0);
	(v2sf) =	vpush v5, $0xF  }
0x255: {  	(v2sf) =	vpush v6, $0xF;
	_ =	sdelay $0x3  }
0x256: {  	v5, _, _ =	vpop (xrf0)  }
0x257: {  	(v2sf) =	vpush v5, $0xF;
	v5, _, _ =	vpop (xrf2)  }
0x258: {  	(v2sf) =	vpush v5, $0xF;
	_ =	sdelay $0x7  }
0x259: {  	s14 =	spop (v2sf)  }
0x25a: {  	s18 =	spop (v2sf);
	s17 =	ssub.s32 $0x200, s14  }
0x25b: {  	p0 =	seq.s32 s18, s17  }
.Ltmp16:
0x25c: {  	_ = 	snop;
	(pc) =	sbr.rel @p0 .LBB2_31-.Ltmp16, $3  }
0x25d: {  	_ =	sdelay $0x1  }
0x25e: {  	s19 =	simm.s32 $0x0;
	s16 =	spop (v2sf)  }
0x25f: {  	s14 =	simm.s32 $0x8000;
	s18 =	simm.s32 $0x0;
	s15 =	spop (v2sf)  }
.LBB2_28:
0x260: {  	s20 =	simm.s32 $0x40  }
0x261: {  	v6 =	vld [tilespmem:s20+$0x30]  }
0x262: {  	v8 =	vld [tilespmem:s20+$0x20]  }
0x263: {  	s14 =	sshrl.u32 s10, s19;
	s21 =	simm.s32 $0x70;
	v7 =	vld [tilespmem:s20+$0x10]  }
0x264: {  	s23 =	simm.s32 $0x60;
	v9 =	vimm.s32 $0x0;
	s31 =	simm.s32 $0x30;
	s14 =	sadd.s32 s14, s18;
	v10 =	vld [tilespmem:s20+$0x0];
	v12 =	vor.u32 s21, v2  }
0x265: {  	s25 =	simm.s32 $0x50;
	s22 =	simm.s32 $0x20;
	s26 =	simm.s32 $0x40;
	v11 =	vld [tilespmem:s20+$0xFFFFFFF0];
	v13 =	vor.u32 s23, v2;
	v14 =	vor.u32 s31, v2;
	v5 =	vmov s14  }
0x266: {  	s24 =	simm.s32 $0x10;
	s23 =	simm.s32 $0x0;
	v15 =	vor.u32 s26, v2;
	v16 =	vor.u32 s25, v2;
	s21 =	simm.s32 $0xF0;
	vm4 =	vlt.s32 v12, v5;
	v12 =	vld [tilespmem:s20+$0xFFFFFFC0]  }
.LBB2_29:
0x267: {  	p0 =	sne.s32 s21, $0x7FF0;
	v17 =	vor.u32 s23, v2;
	v18 =	vld [tilespmem:s20+$0xFFFFFFD0];
	v19 =	vor.u32 s24, v2;
	v20 =	vor.u32 s22, v2  }
0x268: {  	vm5 =	vlt.s32 v15, v5;
	vm2 =	vlt.s32 v16, v5;
	vm0 =	vlt.s32 v13, v5;
	v21 =	vld [tilespmem:s20+$0xFFFFFFE0]  }
0x269: {  	vm8 =	vlt.s32 v14, v5;
	vm6 =	vlt.s32 v19, v5;
	vm7 =	vlt.s32 v20, v5  }
0x26a: {  	vm3 =	veq.s32 v8, v4;
	vm1 =	veq.s32 v6, v4;
	vm9 =	vlt.s32 v17, v5  }
0x26b: {  	vm12 =	veq.s32 v7, v4;
	vm11 =	veq.s32 v10, v4;
	vm10 =	veq.s32 v12, v4  }
0x26c: {  	vm13 =	veq.s32 v11, v4;
	vm9 =	vmand vm9, vm10;
	vm10 =	veq.s32 v18, v4  }
0x26d: {  	v6 =	vsel vm9, $0x1, v0;
	vm6 =	vmand vm6, vm10;
	vm9 =	veq.s32 v21, v4  }
0x26e: {  	v6 =	vadd.s32 v6, v9;
	v7 =	vsel vm6, $0x1, v0;
	vm6 =	vmand vm7, vm9  }
0x26f: {  	v6 =	vadd.s32 v7, v6;
	v7 =	vsel vm6, $0x1, v0;
	vm6 =	vmand vm8, vm13  }
0x270: {  	s20 =	sadd.s32 $0x80, s20;
	vm5 =	vmand vm5, vm11;
	v7 =	vadd.s32 v7, v6;
	v8 =	vsel vm6, $0x1, v0  }
0x271: {  	vm2 =	vmand vm2, vm12;
	v9 =	vsel vm5, $0x1, v0;
	v6 =	vld [tilespmem:s20+$0x30];
	v7 =	vadd.s32 v8, v7  }
.Ltmp17:
0x272: {  	vm0 =	vmand vm0, vm3;
	v10 =	vsel vm2, $0x1, v0;
	v8 =	vld [tilespmem:s20+$0x20];
	v9 =	vadd.s32 v9, v7;
	(pc) =	sbr.rel @p0 .LBB2_29-.Ltmp17, $4  }
0x273: {  	v11 =	vsel vm0, $0x1, v0;
	vm0 =	vmand vm4, vm1;
	v7 =	vld [tilespmem:s20+$0x10];
	v9 =	vadd.s32 v10, v9  }
0x274: {  	s25 =	sadd.s32 $0xFFFFFFE0, s21;
	s23 =	sadd.s32 $0xFFFFFFF0, s21;
	v12 =	vor.u32 s21, v2;
	v14 =	vsel vm0, $0x1, v0;
	v10 =	vld [tilespmem:s20+$0x0];
	v9 =	vadd.s32 v11, v9  }
0x275: {  	s22 =	sadd.s32 $0xFFFFFFB0, s21;
	s26 =	sadd.s32 $0xFFFFFFC0, s21;
	s28 =	sadd.s32 $0xFFFFFFD0, s21;
	v13 =	vor.u32 s23, v2;
	vm4 =	vlt.s32 v12, v5;
	v11 =	vld [tilespmem:s20+$0xFFFFFFF0];
	v9 =	vadd.s32 v14, v9  }
0x276: {  	s24 =	sadd.s32 $0xFFFFFFA0, s21;
	s23 =	sadd.s32 $0xFFFFFF90, s21;
	v15 =	vor.u32 s28, v2;
	v16 =	vor.u32 s25, v2;
	s21 =	sadd.s32 $0x80, s21;
	v14 =	vor.u32 s26, v2;
	v12 =	vld [tilespmem:s20+$0xFFFFFFC0]  }
0x277: {  	v17 =	vor.u32 s23, v2;
	v18 =	vld [tilespmem:s20+$0xFFFFFFD0];
	v19 =	vor.u32 s24, v2;
	v20 =	vor.u32 s22, v2  }
0x278: {  	v21 =	vld [tilespmem:s20+$0xFFFFFFE0];
	vm0 =	vlt.s32 v15, v5;
	vm1 =	vlt.s32 v16, v5;
	vm2 =	vlt.s32 v13, v5  }
0x279: {  	vm6 =	vlt.s32 v14, v5;
	vm8 =	veq.s32 v8, v4;
	vm9 =	veq.s32 v6, v4  }
0x27a: {  	vm3 =	vlt.s32 v19, v5;
	vm5 =	vlt.s32 v20, v5;
	vm7 =	vlt.s32 v17, v5  }
0x27b: {  	vm12 =	veq.s32 v7, v4;
	vm11 =	veq.s32 v10, v4;
	vm10 =	veq.s32 v12, v4  }
0x27c: {  	vm13 =	veq.s32 v11, v4;
	vm7 =	vmand vm7, vm10;
	vm10 =	veq.s32 v18, v4  }
0x27d: {  	vm15 =	veq.s32 v21, v4;
	v5 =	vsel vm7, $0x1, v0;
	vm3 =	vmand vm3, vm10  }
0x27e: {  	vm7 =	vmand vm5, vm15;
	v5 =	vadd.s32 v5, v9;
	v6 =	vsel vm3, $0x1, v0  }
0x27f: {  	vm10 =	vmand vm6, vm13;
	v5 =	vadd.s32 v6, v5;
	v6 =	vsel vm7, $0x1, v0  }
0x280: {  	vm0 =	vmand vm0, vm11;
	v5 =	vadd.s32 v6, v5;
	v6 =	vsel vm10, $0x1, v0  }
0x281: {  	vm13 =	vmand vm1, vm12;
	v5 =	vadd.s32 v6, v5;
	v6 =	vsel vm0, $0x1, v0  }
0x282: {  	vm14 =	vmand vm2, vm8;
	v5 =	vadd.s32 v6, v5;
	v6 =	vsel vm13, $0x1, v0  }
0x283: {  	vm15 =	vmand vm4, vm9;
	v5 =	vadd.s32 v6, v5;
	v6 =	vsel vm14, $0x1, v0  }
0x284: {  	v5 =	vadd.s32 v6, v5;
	v6 =	vsel vm15, $0x1, v0  }
0x285: {  	v5 =	vadd.s32 v6, v5  }
0x286: {  	(xrf0) =	vadd.scan.msk.s32 $0xffff, v5;
	_ =	sdelay $0x5  }
0x287: {  	v5, _, _ =	vpop (xrf0)  }
0x288: {  	(v2sf) =	vpush v5, $0xF;
	_ =	sdelay $0xe  }
0x289: {  	s31 =	spop (v2sf)  }
0x28a: {  	s19 =	sadd.s32 $0x1, s19;
	p0 =	sgt.s32 s31, s17  }
0x28b: {  	s14 =	smov.u32 @p0 s18;
	p0 =	sne.s32 s19, $0x10  }
.Ltmp18:
0x28c: {  	_ = 	snop;
	(pc) =	sbr.rel @p0 .LBB2_28-.Ltmp18, $2  }
0x28d: {  	_ =	sdelay $0x2  }
0x28e: {  	s18 =	smov.u32 s14  }
.LBB2_31:
0x28f: {  	s18 =	simm.s32 $0x0  }
0x290: {  	[tilespmem:s18], [sflag:$0x1] =	stream.strided.gather [hbm4b:s4+s7], $0x8000, s8, s7, $0x38;
	[tilespmem:$0x8480] =	vst v63  }
0x291: {  	_ =	swait.ge [sflag:s9], $0x8000  }
0x292: {  	[sflag:s9] =	ssyncset.done $0x0  }
0x293: {  	s18 =	simm.s32 $0x0;
	[sflag:s9] =	ssyncadd.s32 $0xFFFF8000  }
0x294: {  	v5 =	vld [tilespmem:s18+$0x0]  }
0x295: {  	v8 =	vld [tilespmem:s18+$0x10]  }
0x296: {  	v9 =	vld [tilespmem:s18+$0x20]  }
0x297: {  	v4 =	vld [tilespmem:s18+$0x30]  }
0x298: {  	v7 =	vimm.f32 $-3.000000010e+38;
	v6 =	vld [tilespmem:s18+$0x40]  }
0x299: {  	s17 =	scvt.s32.f32 s17;
	v10 =	vxor.u32 $0x7FFFFFFF, v5;
	vm0 =	vlt.s32 v5, $0x0;
	v7 =	vmax.f32 v7, v5  }
0x29a: {  	v11 =	vxor.u32 $0x7FFFFFFF, v8;
	v10 =	vsel vm0, v10, v5;
	v5 =	vld [tilespmem:s18+$0x50];
	v7 =	vmax.f32 v7, v8  }
0x29b: {  	s16 =	smul.f32 s17, s16;
	vm14 =	vlt.s32 v8, $0x0;
	vm15 =	vlt.s32 v9, $0x0;
	[tilespmem:s18+$0x0] =	vst v10;
	v10 =	vmax.f32 v7, v9;
	v7 =	vld [tilespmem:s18+$0x60]  }
0x29c: {  	v8 =	vsel vm14, v11, v8;
	v11 =	vxor.u32 $0x7FFFFFFF, v9;
	v12 =	vmax.f32 v10, v4  }
0x29d: {  	s15 =	sadd.f32 s16, s15;
	s16 =	simm.s32 $0x200;
	[tilespmem:s18+$0x10] =	vst v8;
	v8 =	vld [tilespmem:s18+$0x70];
	v10 =	vsel vm15, v11, v9;
	v11 =	vxor.u32 $0x7FFFFFFF, v4;
	v9 =	vmax.f32 v12, v6  }
.LBB2_32:
0x29e: {  	s17 =	sshra.s32 s16, $0x2;
	p0 =	sne.s32 s16, $0x1FE00;
	s16 =	sadd.s32 $0x200, s16;
	vm0 =	vlt.s32 v4, $0x0;
	v12 =	vxor.u32 $0x7FFFFFFF, v6;
	vm1 =	vlt.s32 v6, $0x0  }
0x29f: {  	v13 =	vld [tilespmem:s17+$0x0];
	v4 =	vsel vm0, v11, v4;
	v6 =	vsel vm1, v12, v6;
	v11 =	vxor.u32 $0x7FFFFFFF, v5  }
0x2a0: {  	vm0 =	vlt.s32 v5, $0x0;
	v12 =	vld [tilespmem:s17+$0x10];
	[tilespmem:s18+$0x20] =	vst v10;
	v10 =	vxor.u32 $0x7FFFFFFF, v7;
	vm1 =	vlt.s32 v7, $0x0  }
0x2a1: {  	v11 =	vsel vm0, v11, v5;
	v5 =	vmax.f32 v9, v5;
	v14 =	vld [tilespmem:s17+$0x20];
	[tilespmem:s18+$0x30] =	vst v4;
	v9 =	vsel vm1, v10, v7  }
0x2a2: {  	v5 =	vmax.f32 v5, v7;
	v4 =	vld [tilespmem:s17+$0x30];
	[tilespmem:s18+$0x40] =	vst v6;
	v7 =	vxor.u32 $0x7FFFFFFF, v8;
	vm0 =	vlt.s32 v8, $0x0  }
0x2a3: {  	v5 =	vmax.f32 v5, v8;
	v6 =	vld [tilespmem:s17+$0x40];
	[tilespmem:s18+$0x50] =	vst v11;
	v7 =	vsel vm0, v7, v8  }
.Ltmp19:
0x2a4: {  	v8 =	vxor.u32 $0x7FFFFFFF, v13;
	vm0 =	vlt.s32 v13, $0x0;
	v5 =	vmax.f32 v5, v13;
	[tilespmem:s18+$0x60] =	vst v9;
	(pc) =	sbr.rel @p0 .LBB2_32-.Ltmp19, $4  }
0x2a5: {  	v8 =	vsel vm0, v8, v13;
	v9 =	vxor.u32 $0x7FFFFFFF, v12;
	v10 =	vmax.f32 v5, v12;
	v5 =	vld [tilespmem:s17+$0x50];
	[tilespmem:s18+$0x70] =	vst v7;
	s18 =	smov.u32 s17  }
0x2a6: {  	vm0 =	vlt.s32 v12, $0x0;
	[tilespmem:s18+$0x0] =	vst v8;
	v8 =	vxor.u32 $0x7FFFFFFF, v14;
	v10 =	vmax.f32 v10, v14;
	v7 =	vld [tilespmem:s18+$0x60]  }
0x2a7: {  	v9 =	vsel vm0, v9, v12;
	vm0 =	vlt.s32 v14, $0x0;
	v12 =	vmax.f32 v10, v4  }
0x2a8: {  	v10 =	vsel vm0, v8, v14;
	v11 =	vxor.u32 $0x7FFFFFFF, v4;
	[tilespmem:s18+$0x10] =	vst v9;
	v9 =	vmax.f32 v12, v6;
	v8 =	vld [tilespmem:s18+$0x70]  }
0x2a9: {  	vm0 =	vlt.s32 v4, $0x0;
	v12 =	vxor.u32 $0x7FFFFFFF, v6;
	vm1 =	vlt.s32 v6, $0x0  }
0x2aa: {  	[tilespmem:s18+$0x20] =	vst v10;
	v4 =	vsel vm0, v11, v4;
	v6 =	vsel vm1, v12, v6  }
0x2ab: {  	v61 =	vxor.u32 $0x7FFFFFFF, v5;
	vm13 =	vlt.s32 v5, $0x0;
	v62 =	vxor.u32 $0x7FFFFFFF, v7;
	[tilespmem:s18+$0x30] =	vst v4  }
0x2ac: {  	vm14 =	vlt.s32 v7, $0x0;
	v4 =	vsel vm13, v61, v5;
	v5 =	vmax.f32 v9, v5;
	[tilespmem:s18+$0x40] =	vst v6  }
0x2ad: {  	v6 =	vsel vm14, v62, v7;
	[tilespmem:s18+$0x50] =	vst v4;
	v63 =	vxor.u32 $0x7FFFFFFF, v8;
	vm15 =	vlt.s32 v8, $0x0  }
0x2ae: {  	v4 =	vmax.f32 v5, v7;
	[tilespmem:s18+$0x60] =	vst v6;
	v5 =	vsel vm15, v63, v8  }
0x2af: {  	s16 =	simm.s32 $0x40;
	s17 =	simm.s32 $0x0;
	v4 =	vmax.f32 v4, v8;
	[tilespmem:s18+$0x70] =	vst v5  }
.LBB2_34:
0x2b0: {  	p0 =	sne.s32 s16, $0xFC0;
	[tilespmem:s17+$0x8000] =	vst v0;
	s17 =	smov.u32 s16;
	s16 =	sadd.s32 $0x40, s16  }
.Ltmp20:
0x2b1: {  	(pc) =	sbr.rel @p0 .LBB2_34-.Ltmp20, $2  }
0x2b2: {  	_ =	sdelay $0x2  }
0x2b3: {  	s17 =	sshra.s32 s17, $0x2  }
0x2b4: {  	[tilespmem:s17+$0x8000] =	vst v0;
	s16 =	simm.s32 $0x0;
	s17 =	simm.s32 $0x0  }
.LBB2_36:
0x2b5: {  	s18 =	sshra.s32 s17, $0x2  }
0x2b6: {  	v5 =	vld [tilespmem:s18+$0x0];
	_ =	sdelay $0x4  }
0x2b7: {  	v5 =	vshra.s32 v5, $0x16  }
0x2b8: {  	v5 =	vadd.s32 $0x200, v5;
	_ =	sdelay $0x4  }
0x2b9: {  	[tilespmem:v5+s10+$0x0] =	vst.idx.add.s32.msk $0xffff, v1  }
0x2ba: {  	v5 =	vld [tilespmem:s18+$0x10];
	_ =	sdelay $0x4  }
0x2bb: {  	v5 =	vshra.s32 v5, $0x16  }
0x2bc: {  	v5 =	vadd.s32 $0x200, v5;
	_ =	sdelay $0x4  }
0x2bd: {  	[tilespmem:v5+s10+$0x0] =	vst.idx.add.s32.msk $0xffff, v1  }
0x2be: {  	v5 =	vld [tilespmem:s18+$0x20];
	_ =	sdelay $0x4  }
0x2bf: {  	v5 =	vshra.s32 v5, $0x16  }
0x2c0: {  	v5 =	vadd.s32 $0x200, v5;
	_ =	sdelay $0x4  }
0x2c1: {  	[tilespmem:v5+s10+$0x0] =	vst.idx.add.s32.msk $0xffff, v1  }
0x2c2: {  	v5 =	vld [tilespmem:s18+$0x30];
	_ =	sdelay $0x4  }
0x2c3: {  	v5 =	vshra.s32 v5, $0x16  }
0x2c4: {  	v5 =	vadd.s32 $0x200, v5;
	_ =	sdelay $0x4  }
0x2c5: {  	[tilespmem:v5+s10+$0x0] =	vst.idx.add.s32.msk $0xffff, v1  }
0x2c6: {  	v5 =	vld [tilespmem:s18+$0x40];
	_ =	sdelay $0x4  }
0x2c7: {  	v5 =	vshra.s32 v5, $0x16  }
0x2c8: {  	v5 =	vadd.s32 $0x200, v5;
	_ =	sdelay $0x4  }
0x2c9: {  	[tilespmem:v5+s10+$0x0] =	vst.idx.add.s32.msk $0xffff, v1  }
0x2ca: {  	v5 =	vld [tilespmem:s18+$0x50];
	_ =	sdelay $0x4  }
0x2cb: {  	v5 =	vshra.s32 v5, $0x16  }
0x2cc: {  	v5 =	vadd.s32 $0x200, v5;
	_ =	sdelay $0x4  }
0x2cd: {  	[tilespmem:v5+s10+$0x0] =	vst.idx.add.s32.msk $0xffff, v1  }
0x2ce: {  	v5 =	vld [tilespmem:s18+$0x60];
	_ =	sdelay $0x4  }
0x2cf: {  	v5 =	vshra.s32 v5, $0x16  }
0x2d0: {  	v5 =	vadd.s32 $0x200, v5;
	_ =	sdelay $0x4  }
0x2d1: {  	[tilespmem:v5+s10+$0x0] =	vst.idx.add.s32.msk $0xffff, v1  }
0x2d2: {  	v5 =	vld [tilespmem:s18+$0x70];
	_ =	sdelay $0x4  }
0x2d3: {  	v5 =	vshra.s32 v5, $0x16  }
0x2d4: {  	p0 =	sne.s32 s17, $0x1FE00;
	v5 =	vadd.s32 $0x200, v5  }
.Ltmp21:
0x2d5: {  	_ = 	snop;
	(pc) =	sbr.rel @p0 .LBB2_36-.Ltmp21, $2  }
0x2d6: {  	_ =	sdelay $0x2  }
0x2d7: {  	s17 =	sadd.s32 $0x200, s17;
	[tilespmem:v5+s10+$0x0] =	vst.idx.add.s32.msk $0xffff, v1  }
0x2d8: {  	s17 =	simm.s32 $0x83F0  }
0x2d9: {  	v5 =	vld [tilespmem:s17+$0x0];
	_ =	sdelay $0x4  }
0x2da: {  	(xrf0) =	vadd.scan.msk.s32 $0xffff, v5;
	_ =	sdelay $0x5  }
0x2db: {  	v5, _, _ =	vpop (xrf0)  }
0x2dc: {  	(v2sf) =	vpush v5, $0xF;
	_ =	sdelay $0x1  }
0x2dd: {  	s26 =	simm.s32 $0x83E0  }
0x2de: {  	v5 =	vld [tilespmem:s26+$0x0]  }
0x2df: {  	s28 =	simm.s32 $0x83D0  }
0x2e0: {  	v6 =	vld [tilespmem:s28+$0x0];
	_ =	sdelay $0x2  }
0x2e1: {  	(xrf0) =	vadd.scan.msk.s32 $0xffff, v5;
	_ =	sdelay $0x1  }
0x2e2: {  	(xrf0) =	vadd.scan.msk.s32 $0xffff, v6;
	_ =	sdelay $0x2  }
0x2e3: {  	s29 =	simm.s32 $0x83C0  }
0x2e4: {  	v7 =	vld [tilespmem:s29+$0x0];
	v6, _, _ =	vpop (xrf0)  }
0x2e5: {  	s31 =	spop (v2sf);
	(v2sf) =	vpush v6, $0xF  }
0x2e6: {  	v6, _, _ =	vpop (xrf0)  }
0x2e7: {  	(v2sf) =	vpush v6, $0xF;
	_ =	sdelay $0x1  }
0x2e8: {  	s30 =	simm.s32 $0x83B0;
	(xrf0) =	vadd.scan.msk.s32 $0xffff, v7  }
0x2e9: {  	v5 =	vld [tilespmem:s30+$0x0];
	_ =	sdelay $0x1  }
0x2ea: {  	s24 =	simm.s32 $0x3F;
	s23 =	simm.s32 $0x3E;
	s20 =	simm.s32 $0x3D  }
0x2eb: {  	s21 =	simm.s32 $0x3C;
	s19 =	simm.s32 $0x3B;
	s25 =	simm.s32 $0x3A  }
0x2ec: {  	p1 =	por $0x1, $0x1;
	s22 =	simm.s32 $0x0;
	s17 =	sadd.s32 $0x0, s31  }
0x2ed: {  	s18 =	simm.s32 $0x0;
	s26 =	simm.s32 $0x83A0;
	(xrf0) =	vadd.scan.msk.s32 $0xffff, v5;
	v5, _, _ =	vpop (xrf0);
	p2 =	sgt.s32 s17, $0x1FF  }
.LBB2_38:
0x2ee: {  	p0 =	sne.s32 s25, $0x0;
	p1 =	por !p1, !p2;
	s28 =	smov.u32 s25  }
0x2ef: {  	v6 =	vld [tilespmem:s26+$0x0];
	(v2sf) =	vpush v5, $0xF;
	s25 =	sadd.s32 $0xFFFFFFFF, s25;
	s29 =	smov.u32 s22;
	s22 =	smov.u32 s17  }
.Ltmp22:
0x2f0: {  	p1 =	por !p1, !p1;
	(pc) =	sbr.rel @p0 .LBB2_38-.Ltmp22, $4  }
0x2f1: {  	s16 =	smov.u32 @p1 s24;
	s18 =	smov.u32 @p1 s29;
	s24 =	smov.u32 s23  }
0x2f2: {  	s23 =	smov.u32 s20;
	s20 =	smov.u32 s21;
	s29 =	spop (v2sf)  }
0x2f3: {  	s21 =	smov.u32 s19;
	s19 =	smov.u32 s28;
	s17 =	sadd.s32 s17, s29  }
0x2f4: {  	s26 =	sadd.s32 $0xFFFFFFF0, s26;
	p1 =	slt.s32 s22, $0x200;
	(xrf0) =	vadd.scan.msk.s32 $0xffff, v6;
	v5, _, _ =	vpop (xrf0);
	p2 =	sgt.s32 s17, $0x1FF  }
0x2f5: {  	_ =	sdelay $0x4  }
0x2f6: {  	(v2sf) =	vpush v5, $0xF;
	v5, _, _ =	vpop (xrf0)  }
0x2f7: {  	(v2sf) =	vpush v5, $0xF;
	_ =	sdelay $0x6  }
0x2f8: {  	p0 =	por !p1, !p2  }
0x2f9: {  	s25 =	spop (v2sf);
	p0 =	por !p0, !p0  }
0x2fa: {  	s16 =	smov.u32 @p0 s24;
	s24 =	sadd.s32 s17, s25  }
0x2fb: {  	p3 =	slt.s32 s17, $0x200;
	p4 =	sgt.s32 s24, $0x1FF  }
0x2fc: {  	p1 =	por !p3, !p4  }
0x2fd: {  	p1 =	por !p1, !p1;
	s29 =	spop (v2sf)  }
0x2fe: {  	p5 =	slt.s32 s24, $0x200;
	s16 =	smov.u32 @p1 s23;
	s25 =	sadd.s32 s24, s29  }
0x2ff: {  	p4 =	sgt.s32 s25, $0x1FF;
	p6 =	slt.s32 s25, $0x200;
	s26 =	spop (v2sf)  }
0x300: {  	p2 =	por !p5, !p4;
	s26 =	sadd.s32 s25, s26;
	s28 =	spop (v2sf)  }
0x301: {  	p2 =	por !p2, !p2;
	p5 =	sgt.s32 s26, $0x1FF;
	s30 =	sadd.s32 s26, s28  }
0x302: {  	p4 =	por !p6, !p5;
	p6 =	slt.s32 s26, $0x200;
	p3 =	sgt.s32 s30, $0x1FF  }
0x303: {  	s16 =	smov.u32 @p2 s20;
	p5 =	por !p6, !p3;
	p3 =	por !p4, !p4  }
0x304: {  	s16 =	smov.u32 @p3 s21;
	p4 =	por !p5, !p5  }
0x305: {  	s16 =	smov.u32 @p4 s19  }
0x306: {  	s16 =	sshll.u32 s16, $0x4  }
0x307: {  	v6 =	vld [tilespmem:s16+$0x8000];
	_ =	sdelay $0x4  }
0x308: {  	(xrf0) =	vadd.scan.msk.s32 $0xffff, v6;
	_ =	sdelay $0x5  }
0x309: {  	v5, _, _ =	vpop (xrf0)  }
0x30a: {  	v7 =	vxor.u32 $0x80000000, v5  }
0x30b: {  	(xrf0) =	vmax.scan.msk.u32 $0xffff, v7;
	_ =	sdelay $0x5  }
0x30c: {  	v7, _, _ =	vpop (xrf0)  }
0x30d: {  	(v2sf) =	vpush v7, $0xF;
	_ =	sdelay $0xa  }
0x30e: {  	s18 =	smov.u32 @p0 s22  }
0x30f: {  	s18 =	smov.u32 @p1 s17  }
0x310: {  	s18 =	smov.u32 @p2 s24  }
0x311: {  	s18 =	smov.u32 @p3 s25  }
0x312: {  	s18 =	smov.u32 @p4 s26;
	s31 =	spop (v2sf)  }
0x313: {  	s17 =	sadd.s32 s31, s18  }
0x314: {  	v6 =	vsub.s32 v6, v5;
	s17 =	sadd.s32 $0x80000000, s17  }
0x315: {  	v6 =	vadd.s32 s17, v6  }
0x316: {  	vm0 =	vgt.s32 v6, $0x1FF  }
0x317: {  	s19 =	simm.s32 $0x0;
	s18 =	simm.s32 $0x40;
	v6 =	vmpcnt.ones.xlane vm0  }
.LBB2_40:
0x318: {  	p0 =	seq.s32 s18, $0xFC0;
	[tilespmem:s19+$0x8000] =	vst v0;
	s19 =	smov.u32 s18;
	s18 =	sadd.s32 $0x40, s18  }
.Ltmp23:
0x319: {  	(pc) =	sbr.rel @!p0 .LBB2_40-.Ltmp23, $2  }
0x31a: {  	_ =	sdelay $0x2  }
0x31b: {  	s19 =	sshra.s32 s19, $0x2  }
0x31c: {  	v6 =	vxor.u32 $0x80000000, v6  }
0x31d: {  	(xrf0) =	vmax.scan.msk.u32 $0xffff, v6;
	_ =	sdelay $0x5  }
0x31e: {  	v6, _, _ =	vpop (xrf0)  }
0x31f: {  	(v2sf) =	vpush v6, $0xF;
	_ =	sdelay $0xe  }
0x320: {  	s18 =	spop (v2sf)  }
0x321: {  	s18 =	sadd.s32 $0x7FFFFFFF, s18  }
0x322: {  	s16 =	sadd.s32 s16, s18  }
0x323: {  	s16 =	sshll.u32 s16, $0x16  }
0x324: {  	s16 =	sxor.u32 $0x80000000, s16  }
0x325: {  	s31 =	sshra.s32 s16, $0x16  }
0x326: {  	[tilespmem:s19+$0x8000] =	vst v0;
	s19 =	simm.s32 $0x0;
	v6 =	vmov s31  }
.LBB2_42:
0x327: {  	s20 =	sshra.s32 s19, $0x2  }
0x328: {  	v7 =	vld [tilespmem:s20+$0x0];
	_ =	sdelay $0x4  }
0x329: {  	v8 =	vshra.s32 v7, $0x16  }
0x32a: {  	v7 =	vshrl.u32 v7, $0xC;
	vm0 =	veq.s32 v8, v6  }
0x32b: {  	v7 =	vand.u32 $0x3FF, v7;
	_ =	sdelay $0x4  }
0x32c: {  	[tilespmem:v7+s10+$0x0] =	vst.idx.add.s32.msk vm0, v1  }
0x32d: {  	v7 =	vld [tilespmem:s20+$0x10];
	_ =	sdelay $0x4  }
0x32e: {  	v8 =	vshra.s32 v7, $0x16  }
0x32f: {  	v7 =	vshrl.u32 v7, $0xC;
	vm9 =	veq.s32 v8, v6  }
0x330: {  	v7 =	vand.u32 $0x3FF, v7;
	_ =	sdelay $0x4  }
0x331: {  	[tilespmem:v7+s10+$0x0] =	vst.idx.add.s32.msk vm9, v1  }
0x332: {  	v7 =	vld [tilespmem:s20+$0x20];
	_ =	sdelay $0x4  }
0x333: {  	v8 =	vshra.s32 v7, $0x16  }
0x334: {  	v7 =	vshrl.u32 v7, $0xC;
	vm10 =	veq.s32 v8, v6  }
0x335: {  	v7 =	vand.u32 $0x3FF, v7;
	_ =	sdelay $0x4  }
0x336: {  	[tilespmem:v7+s10+$0x0] =	vst.idx.add.s32.msk vm10, v1  }
0x337: {  	v7 =	vld [tilespmem:s20+$0x30];
	_ =	sdelay $0x4  }
0x338: {  	v8 =	vshra.s32 v7, $0x16  }
0x339: {  	v7 =	vshrl.u32 v7, $0xC;
	vm11 =	veq.s32 v8, v6  }
0x33a: {  	v7 =	vand.u32 $0x3FF, v7;
	_ =	sdelay $0x4  }
0x33b: {  	[tilespmem:v7+s10+$0x0] =	vst.idx.add.s32.msk vm11, v1  }
0x33c: {  	v7 =	vld [tilespmem:s20+$0x40];
	_ =	sdelay $0x4  }
0x33d: {  	v8 =	vshra.s32 v7, $0x16  }
0x33e: {  	v7 =	vshrl.u32 v7, $0xC;
	vm12 =	veq.s32 v8, v6  }
0x33f: {  	v7 =	vand.u32 $0x3FF, v7;
	_ =	sdelay $0x4  }
0x340: {  	[tilespmem:v7+s10+$0x0] =	vst.idx.add.s32.msk vm12, v1  }
0x341: {  	v7 =	vld [tilespmem:s20+$0x50];
	_ =	sdelay $0x4  }
0x342: {  	v8 =	vshra.s32 v7, $0x16  }
0x343: {  	v7 =	vshrl.u32 v7, $0xC;
	vm13 =	veq.s32 v8, v6  }
0x344: {  	v7 =	vand.u32 $0x3FF, v7;
	_ =	sdelay $0x4  }
0x345: {  	[tilespmem:v7+s10+$0x0] =	vst.idx.add.s32.msk vm13, v1  }
0x346: {  	v7 =	vld [tilespmem:s20+$0x60];
	_ =	sdelay $0x4  }
0x347: {  	v8 =	vshra.s32 v7, $0x16  }
0x348: {  	v7 =	vshrl.u32 v7, $0xC;
	vm14 =	veq.s32 v8, v6  }
0x349: {  	v7 =	vand.u32 $0x3FF, v7;
	_ =	sdelay $0x4  }
0x34a: {  	[tilespmem:v7+s10+$0x0] =	vst.idx.add.s32.msk vm14, v1  }
0x34b: {  	v7 =	vld [tilespmem:s20+$0x70];
	_ =	sdelay $0x4  }
0x34c: {  	v8 =	vshra.s32 v7, $0x16  }
0x34d: {  	v7 =	vshrl.u32 v7, $0xC;
	vm15 =	veq.s32 v8, v6  }
0x34e: {  	p0 =	sne.s32 s19, $0x1FE00;
	v7 =	vand.u32 $0x3FF, v7  }
.Ltmp24:
0x34f: {  	_ = 	snop;
	(pc) =	sbr.rel @p0 .LBB2_42-.Ltmp24, $2  }
0x350: {  	_ =	sdelay $0x2  }
0x351: {  	s19 =	sadd.s32 $0x200, s19;
	[tilespmem:v7+s10+$0x0] =	vst.idx.add.s32.msk vm15, v1  }
0x352: {  	v6 =	vmov s18;
	s23 =	simm.s32 $0x83F0  }
0x353: {  	vm0 =	veq.s32 v6, v2;
	v6 =	vld [tilespmem:s23+$0x0];
	_ =	sdelay $0x1  }
0x354: {  	v5 =	vnsel vm0, $0x0, v5  }
0x355: {  	(xrf0) =	vadd.scan.msk.s32 $0xffff, v5;
	_ =	sdelay $0x1  }
0x356: {  	(xrf0) =	vadd.scan.msk.s32 $0xffff, v6;
	_ =	sdelay $0x3  }
0x357: {  	v5, _, _ =	vpop (xrf0)  }
0x358: {  	(v2sf) =	vpush v5, $0xF  }
0x359: {  	v5, _, _ =	vpop (xrf0)  }
0x35a: {  	s24 =	simm.s32 $0x83E0;
	(v2sf) =	vpush v5, $0xF  }
0x35b: {  	v5 =	vld [tilespmem:s24+$0x0]  }
0x35c: {  	s25 =	simm.s32 $0x83D0  }
0x35d: {  	v6 =	vld [tilespmem:s25+$0x0];
	_ =	sdelay $0x2  }
0x35e: {  	(xrf0) =	vadd.scan.msk.s32 $0xffff, v5;
	_ =	sdelay $0x1  }
0x35f: {  	(xrf0) =	vadd.scan.msk.s32 $0xffff, v6;
	_ =	sdelay $0x2  }
0x360: {  	s26 =	simm.s32 $0x83C0  }
0x361: {  	v7 =	vld [tilespmem:s26+$0x0];
	v6, _, _ =	vpop (xrf0)  }
0x362: {  	s31 =	spop (v2sf);
	(v2sf) =	vpush v6, $0xF  }
0x363: {  	v6, _, _ =	vpop (xrf0)  }
0x364: {  	s20 =	spop (v2sf);
	(v2sf) =	vpush v6, $0xF;
	_ =	sdelay $0x1  }
0x365: {  	s19 =	simm.s32 $0x83B0;
	(xrf0) =	vadd.scan.msk.s32 $0xffff, v7  }
0x366: {  	v5 =	vld [tilespmem:s19+$0x0]  }
0x367: {  	s18 =	simm.s32 $0x0;
	s28 =	simm.s32 $0x3F;
	s22 =	simm.s32 $0x3B  }
0x368: {  	s29 =	simm.s32 $0x3A;
	s30 =	simm.s32 $0x83A0;
	s21 =	simm.s32 $0x0  }
0x369: {  	s26 =	simm.s32 $0x3E;
	s23 =	simm.s32 $0x3D;
	s17 =	ssub.s32 s17, s31  }
0x36a: {  	s25 =	simm.s32 $0x0;
	s19 =	ssub.s32 $0x200, s17;
	s20 =	sadd.s32 $0x0, s20  }
0x36b: {  	s24 =	simm.s32 $0x3C;
	(xrf0) =	vadd.scan.msk.s32 $0xffff, v5;
	v5, _, _ =	vpop (xrf0);
	p1 =	sgt.s32 s19, $0x0;
	p2 =	sge.s32 s20, s19  }
.LBB2_44:
0x36c: {  	p0 =	sne.s32 s29, $0x0;
	p1 =	por !p1, !p2;
	s31 =	smov.u32 s29  }
0x36d: {  	v6 =	vld [tilespmem:s30+$0x0];
	(v2sf) =	vpush v5, $0xF;
	s29 =	sadd.s32 $0xFFFFFFFF, s29;
	s1 =	smov.u32 s25;
	s25 =	smov.u32 s20  }
.Ltmp25:
0x36e: {  	p1 =	por !p1, !p1;
	(pc) =	sbr.rel @p0 .LBB2_44-.Ltmp25, $4  }
0x36f: {  	s18 =	smov.u32 @p1 s28;
	s21 =	smov.u32 @p1 s1;
	s28 =	smov.u32 s26  }
0x370: {  	s26 =	smov.u32 s23;
	s23 =	smov.u32 s24;
	s1 =	spop (v2sf)  }
0x371: {  	s24 =	smov.u32 s22;
	s22 =	smov.u32 s31;
	s20 =	sadd.s32 s20, s1  }
0x372: {  	s30 =	sadd.s32 $0xFFFFFFF0, s30;
	p1 =	slt.s32 s25, s19;
	(xrf0) =	vadd.scan.msk.s32 $0xffff, v6;
	v5, _, _ =	vpop (xrf0);
	p2 =	sge.s32 s20, s19  }
0x373: {  	_ =	sdelay $0x4  }
0x374: {  	(v2sf) =	vpush v5, $0xF;
	v5, _, _ =	vpop (xrf0)  }
0x375: {  	(v2sf) =	vpush v5, $0xF;
	_ =	sdelay $0x7  }
0x376: {  	s1 =	spop (v2sf)  }
0x377: {  	s1 =	sadd.s32 s20, s1  }
0x378: {  	p0 =	por !p1, !p2;
	p3 =	slt.s32 s20, s19;
	p4 =	sge.s32 s1, s19  }
0x379: {  	p0 =	por !p0, !p0;
	p1 =	por !p3, !p4  }
0x37a: {  	s18 =	smov.u32 @p0 s28;
	p1 =	por !p1, !p1;
	s29 =	spop (v2sf)  }
0x37b: {  	p5 =	slt.s32 s1, s19;
	s18 =	smov.u32 @p1 s26;
	s28 =	sadd.s32 s1, s29  }
0x37c: {  	p4 =	sge.s32 s28, s19;
	p6 =	slt.s32 s28, s19;
	s29 =	spop (v2sf)  }
0x37d: {  	p2 =	por !p5, !p4;
	s29 =	sadd.s32 s28, s29;
	s30 =	spop (v2sf)  }
0x37e: {  	p2 =	por !p2, !p2;
	p5 =	sge.s32 s29, s19;
	s30 =	sadd.s32 s29, s30  }
0x37f: {  	p4 =	por !p6, !p5;
	p6 =	slt.s32 s29, s19;
	p3 =	sge.s32 s30, s19  }
0x380: {  	s18 =	smov.u32 @p2 s23;
	p5 =	por !p6, !p3;
	p3 =	por !p4, !p4  }
0x381: {  	s18 =	smov.u32 @p3 s24;
	p4 =	por !p5, !p5  }
0x382: {  	s18 =	smov.u32 @p4 s22  }
0x383: {  	s22 =	sshll.u32 s18, $0x4  }
0x384: {  	v6 =	vld [tilespmem:s22+$0x8000];
	_ =	sdelay $0x4  }
0x385: {  	(xrf0) =	vadd.scan.msk.s32 $0xffff, v6;
	_ =	sdelay $0x5  }
0x386: {  	v5, _, _ =	vpop (xrf0)  }
0x387: {  	v7 =	vxor.u32 $0x80000000, v5  }
0x388: {  	(xrf0) =	vmax.scan.msk.u32 $0xffff, v7;
	_ =	sdelay $0x5  }
0x389: {  	v7, _, _ =	vpop (xrf0)  }
0x38a: {  	(v2sf) =	vpush v7, $0xF;
	_ =	sdelay $0xa  }
0x38b: {  	s21 =	smov.u32 @p0 s25  }
0x38c: {  	s21 =	smov.u32 @p1 s20  }
0x38d: {  	s21 =	smov.u32 @p2 s1  }
0x38e: {  	s21 =	smov.u32 @p3 s28  }
0x38f: {  	s21 =	smov.u32 @p4 s29;
	s31 =	spop (v2sf)  }
0x390: {  	s1 =	sadd.s32 s31, s21  }
0x391: {  	v6 =	vsub.s32 v6, v5;
	s18 =	sadd.s32 $0x80000000, s1  }
0x392: {  	v6 =	vadd.s32 s18, v6  }
0x393: {  	vm0 =	vge.s32 v6, s19  }
0x394: {  	s20 =	simm.s32 $0x0;
	s19 =	simm.s32 $0x40;
	v6 =	vmpcnt.ones.xlane vm0  }
.LBB2_46:
0x395: {  	p0 =	seq.s32 s19, $0xFC0;
	[tilespmem:s20+$0x8000] =	vst v0;
	s1 =	smov.u32 s19;
	s19 =	sadd.s32 $0x40, s19  }
.Ltmp26:
0x396: {  	(pc) =	sbr.rel @!p0 .LBB2_46-.Ltmp26, $2  }
0x397: {  	_ =	sdelay $0x2  }
0x398: {  	s20 =	sshra.s32 s1, $0x2  }
0x399: {  	v6 =	vxor.u32 $0x80000000, v6  }
0x39a: {  	(xrf0) =	vmax.scan.msk.u32 $0xffff, v6;
	_ =	sdelay $0x5  }
0x39b: {  	v6, _, _ =	vpop (xrf0)  }
0x39c: {  	(v2sf) =	vpush v6, $0xF;
	_ =	sdelay $0xe  }
0x39d: {  	s1 =	spop (v2sf)  }
0x39e: {  	s19 =	sadd.s32 $0x7FFFFFFF, s1  }
0x39f: {  	s1 =	sadd.s32 s22, s19  }
0x3a0: {  	s1 =	sshll.u32 s1, $0xC  }
0x3a1: {  	s16 =	sor.u32 s16, s1  }
0x3a2: {  	s1 =	sshra.s32 s16, $0xC  }
0x3a3: {  	[tilespmem:s20+$0x8000] =	vst v0;
	s20 =	simm.s32 $0x0;
	v6 =	vmov s1  }
.LBB2_48:
0x3a4: {  	s1 =	sshra.s32 s20, $0x2  }
0x3a5: {  	v7 =	vld [tilespmem:s1+$0x0];
	_ =	sdelay $0x4  }
0x3a6: {  	v8 =	vshra.s32 v7, $0xC  }
0x3a7: {  	v7 =	vshrl.u32 v7, $0x2;
	vm0 =	veq.s32 v8, v6  }
0x3a8: {  	v7 =	vand.u32 $0x3FF, v7;
	_ =	sdelay $0x4  }
0x3a9: {  	[tilespmem:v7+s10+$0x0] =	vst.idx.add.s32.msk vm0, v1  }
0x3aa: {  	v7 =	vld [tilespmem:s1+$0x10];
	_ =	sdelay $0x4  }
0x3ab: {  	v8 =	vshra.s32 v7, $0xC  }
0x3ac: {  	v7 =	vshrl.u32 v7, $0x2;
	vm9 =	veq.s32 v8, v6  }
0x3ad: {  	v7 =	vand.u32 $0x3FF, v7;
	_ =	sdelay $0x4  }
0x3ae: {  	[tilespmem:v7+s10+$0x0] =	vst.idx.add.s32.msk vm9, v1  }
0x3af: {  	v7 =	vld [tilespmem:s1+$0x20];
	_ =	sdelay $0x4  }
0x3b0: {  	v8 =	vshra.s32 v7, $0xC  }
0x3b1: {  	v7 =	vshrl.u32 v7, $0x2;
	vm10 =	veq.s32 v8, v6  }
0x3b2: {  	v7 =	vand.u32 $0x3FF, v7;
	_ =	sdelay $0x4  }
0x3b3: {  	[tilespmem:v7+s10+$0x0] =	vst.idx.add.s32.msk vm10, v1  }
0x3b4: {  	v7 =	vld [tilespmem:s1+$0x30];
	_ =	sdelay $0x4  }
0x3b5: {  	v8 =	vshra.s32 v7, $0xC  }
0x3b6: {  	v7 =	vshrl.u32 v7, $0x2;
	vm11 =	veq.s32 v8, v6  }
0x3b7: {  	v7 =	vand.u32 $0x3FF, v7;
	_ =	sdelay $0x4  }
0x3b8: {  	[tilespmem:v7+s10+$0x0] =	vst.idx.add.s32.msk vm11, v1  }
0x3b9: {  	v7 =	vld [tilespmem:s1+$0x40];
	_ =	sdelay $0x4  }
0x3ba: {  	v8 =	vshra.s32 v7, $0xC  }
0x3bb: {  	v7 =	vshrl.u32 v7, $0x2;
	vm12 =	veq.s32 v8, v6  }
0x3bc: {  	v7 =	vand.u32 $0x3FF, v7;
	_ =	sdelay $0x4  }
0x3bd: {  	[tilespmem:v7+s10+$0x0] =	vst.idx.add.s32.msk vm12, v1  }
0x3be: {  	v7 =	vld [tilespmem:s1+$0x50];
	_ =	sdelay $0x4  }
0x3bf: {  	v8 =	vshra.s32 v7, $0xC  }
0x3c0: {  	v7 =	vshrl.u32 v7, $0x2;
	vm13 =	veq.s32 v8, v6  }
0x3c1: {  	v7 =	vand.u32 $0x3FF, v7;
	_ =	sdelay $0x4  }
0x3c2: {  	[tilespmem:v7+s10+$0x0] =	vst.idx.add.s32.msk vm13, v1  }
0x3c3: {  	v7 =	vld [tilespmem:s1+$0x60];
	_ =	sdelay $0x4  }
0x3c4: {  	v8 =	vshra.s32 v7, $0xC  }
0x3c5: {  	v7 =	vshrl.u32 v7, $0x2;
	vm14 =	veq.s32 v8, v6  }
0x3c6: {  	v7 =	vand.u32 $0x3FF, v7;
	_ =	sdelay $0x4  }
0x3c7: {  	[tilespmem:v7+s10+$0x0] =	vst.idx.add.s32.msk vm14, v1  }
0x3c8: {  	v7 =	vld [tilespmem:s1+$0x70];
	_ =	sdelay $0x4  }
0x3c9: {  	v8 =	vshra.s32 v7, $0xC  }
0x3ca: {  	v7 =	vshrl.u32 v7, $0x2;
	vm15 =	veq.s32 v8, v6  }
0x3cb: {  	p0 =	sne.s32 s20, $0x1FE00;
	v7 =	vand.u32 $0x3FF, v7  }
.Ltmp27:
0x3cc: {  	_ = 	snop;
	(pc) =	sbr.rel @p0 .LBB2_48-.Ltmp27, $2  }
0x3cd: {  	_ =	sdelay $0x2  }
0x3ce: {  	s20 =	sadd.s32 $0x200, s20;
	[tilespmem:v7+s10+$0x0] =	vst.idx.add.s32.msk vm15, v1  }
0x3cf: {  	v6 =	vmov s19;
	s1 =	simm.s32 $0x83F0  }
0x3d0: {  	vm0 =	veq.s32 v6, v2;
	v6 =	vld [tilespmem:s1+$0x0];
	_ =	sdelay $0x1  }
0x3d1: {  	v5 =	vnsel vm0, $0x0, v5  }
0x3d2: {  	(xrf0) =	vadd.scan.msk.s32 $0xffff, v5;
	_ =	sdelay $0x1  }
0x3d3: {  	(xrf0) =	vadd.scan.msk.s32 $0xffff, v6;
	_ =	sdelay $0x3  }
0x3d4: {  	v5, _, _ =	vpop (xrf0)  }
0x3d5: {  	(v2sf) =	vpush v5, $0xF  }
0x3d6: {  	v5, _, _ =	vpop (xrf0)  }
0x3d7: {  	s23 =	simm.s32 $0x83E0;
	(v2sf) =	vpush v5, $0xF  }
0x3d8: {  	v5 =	vld [tilespmem:s23+$0x0]  }
0x3d9: {  	s24 =	simm.s32 $0x83D0  }
0x3da: {  	v6 =	vld [tilespmem:s24+$0x0];
	_ =	sdelay $0x2  }
0x3db: {  	(xrf0) =	vadd.scan.msk.s32 $0xffff, v5;
	_ =	sdelay $0x1  }
0x3dc: {  	(xrf0) =	vadd.scan.msk.s32 $0xffff, v6;
	_ =	sdelay $0x2  }
0x3dd: {  	s25 =	simm.s32 $0x83C0  }
0x3de: {  	v7 =	vld [tilespmem:s25+$0x0];
	v6, _, _ =	vpop (xrf0)  }
0x3df: {  	s26 =	spop (v2sf);
	(v2sf) =	vpush v6, $0xF  }
0x3e0: {  	v6, _, _ =	vpop (xrf0)  }
0x3e1: {  	s31 =	spop (v2sf);
	(v2sf) =	vpush v6, $0xF;
	_ =	sdelay $0x1  }
0x3e2: {  	s30 =	simm.s32 $0x83B0;
	(xrf0) =	vadd.scan.msk.s32 $0xffff, v7  }
0x3e3: {  	s17 =	sadd.s32 s18, s17;
	v5 =	vld [tilespmem:s30+$0x0]  }
0x3e4: {  	s18 =	simm.s32 $0x0;
	s22 =	simm.s32 $0x3D;
	s21 =	simm.s32 $0x3B  }
0x3e5: {  	s28 =	simm.s32 $0x3A;
	s29 =	simm.s32 $0x83A0;
	s20 =	simm.s32 $0x0  }
0x3e6: {  	s25 =	simm.s32 $0x3E;
	s24 =	simm.s32 $0x0;
	s1 =	ssub.s32 s26, s17  }
0x3e7: {  	s23 =	simm.s32 $0x3C;
	s17 =	sadd.s32 $0x200, s1;
	s19 =	sadd.s32 $0x0, s31  }
0x3e8: {  	(xrf0) =	vadd.scan.msk.s32 $0xffff, v5;
	s26 =	simm.s32 $0x3F;
	v5, _, _ =	vpop (xrf0);
	p1 =	sgt.s32 s17, $0x0;
	p2 =	sge.s32 s19, s17  }
.LBB2_50:
0x3e9: {  	p0 =	sne.s32 s28, $0x0;
	p1 =	por !p1, !p2;
	s1 =	smov.u32 s28  }
0x3ea: {  	v6 =	vld [tilespmem:s29+$0x0];
	(v2sf) =	vpush v5, $0xF;
	s28 =	sadd.s32 $0xFFFFFFFF, s28;
	s30 =	smov.u32 s24;
	s24 =	smov.u32 s19  }
.Ltmp28:
0x3eb: {  	p1 =	por !p1, !p1;
	(pc) =	sbr.rel @p0 .LBB2_50-.Ltmp28, $4  }
0x3ec: {  	s18 =	smov.u32 @p1 s26;
	s20 =	smov.u32 @p1 s30;
	s26 =	smov.u32 s25  }
0x3ed: {  	s25 =	smov.u32 s22;
	s22 =	smov.u32 s23;
	s30 =	spop (v2sf)  }
0x3ee: {  	s23 =	smov.u32 s21;
	s21 =	smov.u32 s1;
	s19 =	sadd.s32 s19, s30  }
0x3ef: {  	s29 =	sadd.s32 $0xFFFFFFF0, s29;
	p1 =	slt.s32 s24, s17;
	(xrf0) =	vadd.scan.msk.s32 $0xffff, v6;
	v5, _, _ =	vpop (xrf0);
	p2 =	sge.s32 s19, s17  }
0x3f0: {  	_ =	sdelay $0x4  }
0x3f1: {  	(v2sf) =	vpush v5, $0xF;
	v5, _, _ =	vpop (xrf0)  }
0x3f2: {  	(v2sf) =	vpush v5, $0xF;
	_ =	sdelay $0x7  }
0x3f3: {  	s1 =	spop (v2sf)  }
0x3f4: {  	s1 =	sadd.s32 s19, s1  }
0x3f5: {  	p0 =	por !p1, !p2;
	p3 =	slt.s32 s19, s17;
	p4 =	sge.s32 s1, s17  }
0x3f6: {  	p0 =	por !p0, !p0;
	p1 =	por !p3, !p4  }
0x3f7: {  	s18 =	smov.u32 @p0 s26;
	p1 =	por !p1, !p1;
	s30 =	spop (v2sf)  }
0x3f8: {  	p5 =	slt.s32 s1, s17;
	s18 =	smov.u32 @p1 s25;
	s26 =	sadd.s32 s1, s30  }
0x3f9: {  	p4 =	sge.s32 s26, s17;
	p6 =	slt.s32 s26, s17;
	s28 =	spop (v2sf)  }
0x3fa: {  	p2 =	por !p5, !p4;
	s28 =	sadd.s32 s26, s28;
	s29 =	spop (v2sf)  }
0x3fb: {  	p2 =	por !p2, !p2;
	p5 =	sge.s32 s28, s17;
	s31 =	sadd.s32 s28, s29  }
0x3fc: {  	p4 =	por !p6, !p5;
	p6 =	slt.s32 s28, s17;
	p3 =	sge.s32 s31, s17  }
0x3fd: {  	s18 =	smov.u32 @p2 s22;
	p5 =	por !p6, !p3;
	p3 =	por !p4, !p4  }
0x3fe: {  	s18 =	smov.u32 @p3 s23;
	p4 =	por !p5, !p5  }
0x3ff: {  	s18 =	smov.u32 @p4 s21  }
0x400: {  	s18 =	sshll.u32 s18, $0x4  }
0x401: {  	v5 =	vld [tilespmem:s18+$0x8000];
	_ =	sdelay $0x4  }
0x402: {  	(xrf0) =	vadd.scan.msk.s32 $0xffff, v5;
	_ =	sdelay $0x5  }
0x403: {  	v6, _, _ =	vpop (xrf0)  }
0x404: {  	v7 =	vxor.u32 $0x80000000, v6  }
0x405: {  	(xrf0) =	vmax.scan.msk.u32 $0xffff, v7;
	_ =	sdelay $0x5  }
0x406: {  	v7, _, _ =	vpop (xrf0)  }
0x407: {  	(v2sf) =	vpush v7, $0xF;
	_ =	sdelay $0xa  }
0x408: {  	s20 =	smov.u32 @p0 s24  }
0x409: {  	s20 =	smov.u32 @p1 s19  }
0x40a: {  	s20 =	smov.u32 @p2 s1  }
0x40b: {  	s20 =	smov.u32 @p3 s26  }
0x40c: {  	s20 =	smov.u32 @p4 s28;
	s29 =	spop (v2sf)  }
0x40d: {  	s1 =	sadd.s32 s29, s20  }
0x40e: {  	v5 =	vsub.s32 v5, v6;
	s1 =	sadd.s32 $0x80000000, s1  }
0x40f: {  	v5 =	vadd.s32 s1, v5  }
0x410: {  	vm0 =	vge.s32 v5, s17  }
0x411: {  	v5 =	vmpcnt.ones.xlane vm0;
	_ =	sdelay $0x1  }
0x412: {  	v5 =	vxor.u32 $0x80000000, v5  }
0x413: {  	(xrf0) =	vmax.scan.msk.u32 $0xffff, v5;
	_ =	sdelay $0x5  }
0x414: {  	v5, _, _ =	vpop (xrf0)  }
0x415: {  	(v2sf) =	vpush v5, $0xF;
	_ =	sdelay $0xe  }
0x416: {  	s30 =	spop (v2sf)  }
0x417: {  	s31 =	simm.s32 $0x0;
	s1 =	sadd.s32 s30, s18  }
0x418: {  	v6 =	vld [tilespmem:s31+$0x0];
	s1 =	sshll.u32 s1, $0x2  }
0x419: {  	v8 =	vld [tilespmem:s31+$0x10];
	s1 =	sadd.s32 $0xFFFFFFFC, s1  }
0x41a: {  	v10 =	vld [tilespmem:s31+$0x20];
	s16 =	sor.u32 s16, s1  }
0x41b: {  	v9 =	vld [tilespmem:s31+$0x30];
	s17 =	sor.u32 $0x2, s16  }
0x41c: {  	v7 =	vld [tilespmem:s31+$0x40];
	v5 =	vmov s17  }
0x41d: {  	vm0 =	vge.s32 v6, v5;
	v6 =	vld [tilespmem:s31+$0x50]  }
0x41e: {  	v11 =	vimm.s32 $0x0;
	v12 =	vsel vm0, $0x1, v0;
	vm0 =	vge.s32 v8, v5;
	v8 =	vld [tilespmem:s31+$0x60]  }
0x41f: {  	s19 =	simm.s32 $0x400;
	s18 =	simm.s32 $0x80;
	v11 =	vadd.s32 v12, v11;
	v12 =	vsel vm0, $0x1, v0;
	vm0 =	vge.s32 v10, v5;
	v10 =	vld [tilespmem:s31+$0x70]  }
.LBB2_52:
0x420: {  	p0 =	sne.s32 s19, $0x1FE00;
	v13 =	vld [tilespmem:s18+$0x0];
	v11 =	vadd.s32 v12, v11;
	v12 =	vsel vm0, $0x1, v0;
	vm0 =	vge.s32 v9, v5  }
0x421: {  	v14 =	vld [tilespmem:s18+$0x10];
	v9 =	vadd.s32 v12, v11;
	v11 =	vsel vm0, $0x1, v0;
	vm0 =	vge.s32 v7, v5  }
0x422: {  	v15 =	vld [tilespmem:s18+$0x20];
	v7 =	vadd.s32 v11, v9;
	v11 =	vsel vm0, $0x1, v0;
	vm0 =	vge.s32 v6, v5  }
.Ltmp29:
0x423: {  	v9 =	vld [tilespmem:s18+$0x30];
	v6 =	vadd.s32 v11, v7;
	v11 =	vsel vm0, $0x1, v0;
	vm0 =	vge.s32 v8, v5;
	(pc) =	sbr.rel @p0 .LBB2_52-.Ltmp29, $4  }
0x424: {  	v7 =	vld [tilespmem:s18+$0x40];
	v8 =	vadd.s32 v11, v6;
	v11 =	vsel vm0, $0x1, v0;
	vm0 =	vge.s32 v10, v5  }
0x425: {  	vm1 =	vge.s32 v13, v5;
	v6 =	vld [tilespmem:s18+$0x50];
	v10 =	vadd.s32 v11, v8;
	v11 =	vsel vm0, $0x1, v0  }
0x426: {  	v12 =	vsel vm1, $0x1, v0;
	vm0 =	vge.s32 v14, v5;
	v8 =	vld [tilespmem:s18+$0x60];
	v10 =	vadd.s32 v11, v10  }
0x427: {  	v11 =	vadd.s32 v12, v10;
	v12 =	vsel vm0, $0x1, v0;
	vm0 =	vge.s32 v15, v5;
	v10 =	vld [tilespmem:s18+$0x70];
	s18 =	sshra.s32 s19, $0x2;
	s19 =	sadd.s32 $0x200, s19  }
0x428: {  	v13 =	vld [tilespmem:s18+$0x0];
	v11 =	vadd.s32 v12, v11;
	v12 =	vsel vm0, $0x1, v0;
	vm0 =	vge.s32 v9, v5  }
0x429: {  	v9 =	vld [tilespmem:s18+$0x10];
	v11 =	vadd.s32 v12, v11;
	v12 =	vsel vm0, $0x1, v0;
	vm0 =	vge.s32 v7, v5  }
0x42a: {  	v7 =	vld [tilespmem:s18+$0x20];
	v11 =	vadd.s32 v12, v11;
	v12 =	vsel vm0, $0x1, v0;
	vm0 =	vge.s32 v6, v5  }
0x42b: {  	v6 =	vld [tilespmem:s18+$0x30];
	v11 =	vadd.s32 v12, v11;
	v12 =	vsel vm0, $0x1, v0;
	vm0 =	vge.s32 v8, v5  }
0x42c: {  	v8 =	vld [tilespmem:s18+$0x40];
	v11 =	vadd.s32 v12, v11;
	v12 =	vsel vm0, $0x1, v0;
	vm0 =	vge.s32 v10, v5  }
0x42d: {  	v10 =	vld [tilespmem:s18+$0x50];
	vm1 =	vge.s32 v13, v5;
	v11 =	vadd.s32 v12, v11;
	v12 =	vsel vm0, $0x1, v0  }
0x42e: {  	vm0 =	vge.s32 v9, v5;
	v9 =	vld [tilespmem:s18+$0x60];
	v13 =	vsel vm1, $0x1, v0;
	v11 =	vadd.s32 v12, v11  }
0x42f: {  	v12 =	vsel vm0, $0x1, v0;
	vm0 =	vge.s32 v7, v5;
	v7 =	vld [tilespmem:s18+$0x70];
	v11 =	vadd.s32 v13, v11  }
0x430: {  	v11 =	vadd.s32 v12, v11;
	v12 =	vsel vm0, $0x1, v0;
	vm0 =	vge.s32 v6, v5  }
0x431: {  	v6 =	vadd.s32 v12, v11;
	v11 =	vsel vm0, $0x1, v0;
	vm0 =	vge.s32 v8, v5  }
0x432: {  	v6 =	vadd.s32 v11, v6;
	v8 =	vsel vm0, $0x1, v0;
	vm0 =	vge.s32 v10, v5  }
0x433: {  	v6 =	vadd.s32 v8, v6;
	v8 =	vsel vm0, $0x1, v0;
	vm0 =	vge.s32 v9, v5  }
0x434: {  	v6 =	vadd.s32 v8, v6;
	v8 =	vsel vm0, $0x1, v0;
	vm0 =	vge.s32 v7, v5  }
0x435: {  	v5 =	vadd.s32 v8, v6;
	v6 =	vsel vm0, $0x1, v0  }
0x436: {  	v5 =	vadd.s32 v6, v5  }
0x437: {  	(xrf0) =	vadd.scan.msk.s32 $0xffff, v5;
	_ =	sdelay $0x5  }
0x438: {  	v5, _, _ =	vpop (xrf0)  }
0x439: {  	(v2sf) =	vpush v5, $0xF;
	_ =	sdelay $0xd  }
0x43a: {  	s1 =	simm.s32 $0x0  }
0x43b: {  	v6 =	vld [tilespmem:s1+$0x0];
	s31 =	spop (v2sf)  }
0x43c: {  	v8 =	vld [tilespmem:s1+$0x10];
	p0 =	sgt.s32 s31, $0x1FF  }
0x43d: {  	v10 =	vld [tilespmem:s1+$0x20];
	s16 =	smov.u32 @p0 s17  }
0x43e: {  	v9 =	vld [tilespmem:s1+$0x30];
	s17 =	sor.u32 $0x1, s16  }
0x43f: {  	v7 =	vld [tilespmem:s1+$0x40];
	v5 =	vmov s17  }
0x440: {  	vm0 =	vge.s32 v6, v5;
	v6 =	vld [tilespmem:s1+$0x50]  }
0x441: {  	v11 =	vimm.s32 $0x0;
	v12 =	vsel vm0, $0x1, v0;
	vm0 =	vge.s32 v8, v5;
	v8 =	vld [tilespmem:s1+$0x60]  }
0x442: {  	s19 =	simm.s32 $0x400;
	s18 =	simm.s32 $0x80;
	v11 =	vadd.s32 v12, v11;
	v12 =	vsel vm0, $0x1, v0;
	vm0 =	vge.s32 v10, v5;
	v10 =	vld [tilespmem:s1+$0x70]  }
.LBB2_54:
0x443: {  	p0 =	sne.s32 s19, $0x1FE00;
	v13 =	vld [tilespmem:s18+$0x0];
	v11 =	vadd.s32 v12, v11;
	v12 =	vsel vm0, $0x1, v0;
	vm0 =	vge.s32 v9, v5  }
0x444: {  	v14 =	vld [tilespmem:s18+$0x10];
	v9 =	vadd.s32 v12, v11;
	v11 =	vsel vm0, $0x1, v0;
	vm0 =	vge.s32 v7, v5  }
0x445: {  	v15 =	vld [tilespmem:s18+$0x20];
	v7 =	vadd.s32 v11, v9;
	v11 =	vsel vm0, $0x1, v0;
	vm0 =	vge.s32 v6, v5  }
.Ltmp30:
0x446: {  	v9 =	vld [tilespmem:s18+$0x30];
	v6 =	vadd.s32 v11, v7;
	v11 =	vsel vm0, $0x1, v0;
	vm0 =	vge.s32 v8, v5;
	(pc) =	sbr.rel @p0 .LBB2_54-.Ltmp30, $4  }
0x447: {  	v7 =	vld [tilespmem:s18+$0x40];
	v8 =	vadd.s32 v11, v6;
	v11 =	vsel vm0, $0x1, v0;
	vm0 =	vge.s32 v10, v5  }
0x448: {  	vm1 =	vge.s32 v13, v5;
	v6 =	vld [tilespmem:s18+$0x50];
	v10 =	vadd.s32 v11, v8;
	v11 =	vsel vm0, $0x1, v0  }
0x449: {  	v12 =	vsel vm1, $0x1, v0;
	vm0 =	vge.s32 v14, v5;
	v8 =	vld [tilespmem:s18+$0x60];
	v10 =	vadd.s32 v11, v10  }
0x44a: {  	v11 =	vadd.s32 v12, v10;
	v12 =	vsel vm0, $0x1, v0;
	vm0 =	vge.s32 v15, v5;
	v10 =	vld [tilespmem:s18+$0x70];
	s18 =	sshra.s32 s19, $0x2;
	s19 =	sadd.s32 $0x200, s19  }
0x44b: {  	v13 =	vld [tilespmem:s18+$0x0];
	v11 =	vadd.s32 v12, v11;
	v12 =	vsel vm0, $0x1, v0;
	vm8 =	vge.s32 v9, v5  }
0x44c: {  	v9 =	vld [tilespmem:s18+$0x10];
	v11 =	vadd.s32 v12, v11;
	v12 =	vsel vm8, $0x1, v0;
	vm9 =	vge.s32 v7, v5  }
0x44d: {  	v7 =	vld [tilespmem:s18+$0x20];
	v11 =	vadd.s32 v12, v11;
	v12 =	vsel vm9, $0x1, v0;
	vm10 =	vge.s32 v6, v5  }
0x44e: {  	v6 =	vld [tilespmem:s18+$0x30];
	v11 =	vadd.s32 v12, v11;
	v12 =	vsel vm10, $0x1, v0;
	vm11 =	vge.s32 v8, v5  }
0x44f: {  	v8 =	vld [tilespmem:s18+$0x40];
	v11 =	vadd.s32 v12, v11;
	v12 =	vsel vm11, $0x1, v0;
	vm4 =	vge.s32 v10, v5  }
0x450: {  	v10 =	vld [tilespmem:s18+$0x50];
	vm1 =	vge.s32 v13, v5;
	v11 =	vadd.s32 v12, v11;
	v12 =	vsel vm4, $0x1, v0  }
0x451: {  	vm5 =	vge.s32 v9, v5;
	v9 =	vld [tilespmem:s18+$0x60];
	v13 =	vsel vm1, $0x1, v0;
	v11 =	vadd.s32 v12, v11  }
0x452: {  	v12 =	vsel vm5, $0x1, v0;
	vm6 =	vge.s32 v7, v5;
	v7 =	vld [tilespmem:s18+$0x70];
	v11 =	vadd.s32 v13, v11  }
0x453: {  	vm7 =	vge.s32 v6, v5;
	v11 =	vadd.s32 v12, v11;
	v12 =	vsel vm6, $0x1, v0  }
0x454: {  	vm8 =	vge.s32 v8, v5;
	v6 =	vadd.s32 v12, v11;
	v11 =	vsel vm7, $0x1, v0  }
0x455: {  	v8 =	vsel vm8, $0x1, v0;
	vm9 =	vge.s32 v10, v5;
	v6 =	vadd.s32 v11, v6  }
0x456: {  	vm10 =	vge.s32 v9, v5;
	v6 =	vadd.s32 v8, v6;
	v8 =	vsel vm9, $0x1, v0  }
0x457: {  	vm11 =	vge.s32 v7, v5;
	v6 =	vadd.s32 v8, v6;
	v8 =	vsel vm10, $0x1, v0  }
0x458: {  	v5 =	vadd.s32 v8, v6;
	v6 =	vsel vm11, $0x1, v0  }
0x459: {  	(xrf0) =	vmax.scan.msk.f32 $0xffff, v4;
	v5 =	vadd.s32 v6, v5  }
0x45a: {  	(xrf0) =	vadd.scan.msk.s32 $0xffff, v5;
	_ =	sdelay $0x4  }
0x45b: {  	v4, _, _ =	vpop (xrf0)  }
0x45c: {  	v5, _, _ =	vpop (xrf0)  }
0x45d: {  	(v2sf) =	vpush v5, $0xF;
	_ =	sdelay $0xa  }
0x45e: {  	s1 =	simm.s32 $0x0  }
0x45f: {  	v14 =	vld [tilespmem:s1+$0x20]  }
0x460: {  	v16 =	vld [tilespmem:s1+$0x10]  }
0x461: {  	v6 =	vld [tilespmem:s1+$0x70]  }
0x462: {  	v13 =	vld [tilespmem:s1+$0x30];
	s31 =	spop (v2sf)  }
0x463: {  	v10 =	vld [tilespmem:s1+$0x50];
	p0 =	sgt.s32 s31, $0x1FF  }
0x464: {  	v9 =	vld [tilespmem:s1+$0x60];
	s16 =	smov.u32 @p0 s17  }
0x465: {  	v4 =	vbroadcast v4, $0xF;
	v12 =	vimm.f32 $0.0e+00;
	v11 =	vld [tilespmem:s1+$0x40];
	v5 =	vmov s16  }
0x466: {  	v15 =	vld [tilespmem:s1+$0x0];
	v7 =	vimm.s32 $0x0;
	v8 =	vimm.s32 $0x0;
	s16 =	simm.s32 $0x200;
	vm12 =	vgt.s32 v6, v5  }
.LBB2_56:
0x467: {  	vm3 =	veq.s32 v6, v5  }
0x468: {  	v17 =	vimm.s32 $0x0;
	v18 =	vxor.u32 $0x7FFFFFFF, v6;
	v20 =	vsel vm3, $0x1, v0  }
0x469: {  	vm0 =	veq.s32 v10, v5;
	vm2 =	veq.s32 v9, v5;
	vm1 =	veq.s32 v13, v5  }
0x46a: {  	vm15 =	veq.s32 v11, v5;
	vm5 =	vgt.s32 v9, v5;
	vm6 =	veq.s32 v16, v5  }
0x46b: {  	vm13 =	veq.s32 v14, v5;
	vm7 =	veq.s32 v15, v5;
	v17 =	vsel vm1, $0xFFFFFFFF, v17  }
0x46c: {  	vm11 =	vgt.s32 v13, v5;
	vm10 =	vgt.s32 v15, v5;
	[tilespmem:$0x1FFA0] =	vst v17;
	v17 =	vimm.s32 $0x0  }
0x46d: {  	vm14 =	vgt.s32 v16, v5;
	vm4 =	vlt.s32 v15, $0x0;
	v17 =	vsel vm6, $0xFFFFFFFF, v17  }
0x46e: {  	v19 =	vxor.u32 $0x7FFFFFFF, v16;
	vm8 =	vlt.s32 v16, $0x0;
	[tilespmem:$0x1FFB0] =	vst v17;
	v17 =	vimm.s32 $0x0  }
0x46f: {  	vm9 =	vlt.s32 v14, $0x0;
	vm1 =	vgt.s32 v14, v5;
	v17 =	vsel vm7, $0xFFFFFFFF, v17  }
0x470: {  	v16 =	vsel vm8, v19, v16;
	v19 =	vxor.u32 $0x7FFFFFFF, v14;
	[tilespmem:$0x1FFC0] =	vst v17;
	v17 =	vxor.u32 $0x7FFFFFFF, v15  }
0x471: {  	vm8 =	vlt.s32 v9, $0x0;
	v22 =	vsel vm13, $0x1, v0;
	v15 =	vsel vm4, v17, v15  }
0x472: {  	v28 =	vsel vm10, $0x1, v0;
	v16 =	vsub.f32 v16, v4;
	v15 =	vsub.f32 v15, v4  }
0x473: {  	v14 =	vsel vm9, v19, v14;
	v19 =	vxor.u32 $0x7FFFFFFF, v13;
	vm9 =	vlt.s32 v13, $0x0  }
0x474: {  	v7 =	vadd.s32 v28, v7;
	vm6 =	vgt.s32 v10, v5;
	v15 =	vmul.f32 $1.442695020e+00, v15  }
0x475: {  	v14 =	vsub.f32 v14, v4;
	v13 =	vsel vm9, v19, v13;
	vm9 =	vlt.s32 v11, $0x0  }
0x476: {  	v16 =	vmul.f32 $1.442695020e+00, v16;
	v13 =	vsub.f32 v13, v4;
	(erf) = vpow2.f32 v15  }
0x477: {  	vm7 =	vgt.s32 v11, v5;
	v14 =	vmul.f32 $1.442695020e+00, v14;
	v15 =	vxor.u32 $0x7FFFFFFF, v11  }
0x478: {  	v13 =	vmul.f32 $1.442695020e+00, v13;
	(erf) = vpow2.f32 v16;
	v11 =	vsel vm9, v15, v11  }
0x479: {  	v17 =	vxor.u32 $0x7FFFFFFF, v9;
	v11 =	vsub.f32 v11, v4;
	(erf) = vpow2.f32 v14  }
0x47a: {  	v15 =	vxor.u32 $0x7FFFFFFF, v10;
	vm9 =	vlt.s32 v10, $0x0;
	(erf) = vpow2.f32 v13  }
0x47b: {  	vm4 =	vlt.s32 v6, $0x0;
	v10 =	vsel vm9, v15, v10;
	v14 =	vmul.f32 $1.442695020e+00, v11  }
0x47c: {  	v59 =	vld [tilespmem:$0x1FFB0];
	v9 =	vsel vm8, v17, v9;
	v6 =	vsel vm4, v18, v6;
	v10 =	vsub.f32 v10, v4  }
0x47d: {  	v9 =	vsub.f32 v9, v4;
	v6 =	vsub.f32 v6, v4;
	(erf) = vpow2.f32 v14  }
0x47e: {  	v19 =	vsel vm12, $0x1, v0;
	v17 =	vsel vm2, $0x1, v0;
	v10 =	vmul.f32 $1.442695020e+00, v10  }
0x47f: {  	v25 =	vld [tilespmem:$0x1FFC0];
	v18 =	vsel vm0, $0x1, v0;
	v9 =	vmul.f32 $1.442695020e+00, v9;
	v6 =	vmul.f32 $1.442695020e+00, v6;
	v11 =	vpop (erf)  }
0x480: {  	v16 =	vsel vm6, $0x1, v0;
	(erf) = vpow2.f32 v10;
	v13 =	vnsel vm10, $0x0, v11  }
0x481: {  	v15 =	vsel vm5, $0x1, v0;
	vm9 =	vnez.u8 v59;
	v11 =	vpop (erf);
	v21 =	vadd.f32 v13, v12  }
0x482: {  	v14 =	vsel vm15, $0x1, v0;
	(erf) = vpow2.f32 v9;
	v11 =	vnsel vm14, $0x0, v11;
	v10 =	vpop (erf)  }
0x483: {  	v13 =	vsel vm11, $0x1, v0;
	(erf) = vpow2.f32 v6;
	v9 =	vpop (erf);
	v23 =	vadd.f32 v11, v21;
	v11 =	vld [tilespmem:$0x1FFA0]  }
0x484: {  	v10 =	vnsel vm1, $0x0, v10;
	v27 =	vnsel vm11, $0x0, v9;
	vm11 =	vnez.u8 v25  }
0x485: {  	v12 =	vsel vm7, $0x1, v0;
	v25 =	vsel vm11, $0x1, v0;
	v6 =	vadd.f32 v10, v23  }
0x486: {  	v10 =	vsel vm14, $0x1, v0;
	v23 =	vsel vm9, $0x1, v0;
	v9 =	vpop (erf);
	v8 =	vadd.s32 v25, v8  }
0x487: {  	s1 =	sshra.s32 s16, $0x2;
	v60 =	vnsel vm7, $0x0, v9;
	v7 =	vadd.s32 v10, v7;
	v26 =	vadd.f32 v27, v6  }
0x488: {  	v9 =	vld [tilespmem:s1+$0x60];
	v8 =	vadd.s32 v23, v8;
	vm8 =	vnez.u8 v11;
	v11 =	vsel vm1, $0x1, v0  }
0x489: {  	v6 =	vld [tilespmem:s1+$0x70];
	v8 =	vadd.s32 v22, v8;
	v24 =	vpop (erf);
	v61 =	vadd.f32 v60, v26;
	v7 =	vadd.s32 v11, v7  }
0x48a: {  	p0 =	sne.s32 s16, $0x1FE00;
	v10 =	vld [tilespmem:s1+$0x50];
	v58 =	vsel vm8, $0x1, v0;
	v24 =	vnsel vm6, $0x0, v24;
	v7 =	vadd.s32 v13, v7  }
.Ltmp31:
0x48b: {  	v11 =	vld [tilespmem:s1+$0x40];
	v63 =	vpop (erf);
	v8 =	vadd.s32 v58, v8;
	v62 =	vadd.f32 v24, v61;
	v7 =	vadd.s32 v12, v7;
	(pc) =	sbr.rel @p0 .LBB2_56-.Ltmp31, $4  }
0x48c: {  	v13 =	vld [tilespmem:s1+$0x30];
	v8 =	vadd.s32 v14, v8;
	v12 =	vnsel vm5, $0x0, v63;
	v7 =	vadd.s32 v16, v7  }
0x48d: {  	v14 =	vld [tilespmem:s1+$0x20];
	v8 =	vadd.s32 v18, v8;
	v18 =	vpop (erf);
	v12 =	vadd.f32 v12, v62;
	v7 =	vadd.s32 v15, v7  }
0x48e: {  	v16 =	vld [tilespmem:s1+$0x10];
	v8 =	vadd.s32 v17, v8;
	v17 =	vnsel vm12, $0x0, v18;
	vm12 =	vgt.s32 v6, v5  }
0x48f: {  	s16 =	sadd.s32 $0x200, s16;
	v15 =	vld [tilespmem:s1+$0x0];
	v7 =	vadd.s32 v19, v7;
	v8 =	vadd.s32 v20, v8;
	v12 =	vadd.f32 v17, v12  }
0x490: {  	vm7 =	veq.s32 v10, v5;
	v33 =	vxor.u32 $0x7FFFFFFF, v6;
	v20 =	vxor.u32 $0x7FFFFFFF, v9  }
0x491: {  	v36 =	vxor.u32 $0x7FFFFFFF, v11;
	vm8 =	vlt.s32 v11, $0x0;
	v21 =	vxor.u32 $0x7FFFFFFF, v10  }
0x492: {  	vm2 =	vlt.s32 v10, $0x0;
	vm9 =	vlt.s32 v9, $0x0;
	vm10 =	vlt.s32 v6, $0x0  }
0x493: {  	vm11 =	veq.s32 v9, v5;
	vm14 =	veq.s32 v11, v5;
	v53 =	vxor.u32 $0x7FFFFFFF, v5  }
0x494: {  	v60 =	vsel vm12, $0x1, v0;
	v34 =	vxor.u32 $0x7FFFFFFF, v13;
	vm1 =	vlt.s32 v13, $0x0  }
0x495: {  	v21 =	vsel vm2, v21, v10;
	v20 =	vsel vm9, v20, v9;
	vm13 =	veq.s32 v13, v5  }
0x496: {  	v22 =	vsel vm11, $0x1, v0;
	v37 =	vsel vm7, $0x1, v0;
	v24 =	vsel vm14, $0x1, v0  }
0x497: {  	vm9 =	vgt.s32 v10, v5;
	v17 =	vxor.u32 $0x7FFFFFFF, v15;
	vm0 =	vlt.s32 v15, $0x0  }
0x498: {  	vm14 =	vgt.s32 v9, v5;
	v19 =	vxor.u32 $0x7FFFFFFF, v14;
	v17 =	vsel vm0, v17, v15  }
0x499: {  	v18 =	vxor.u32 $0x7FFFFFFF, v16;
	vm5 =	vlt.s32 v16, $0x0;
	v17 =	vsub.f32 v17, v4  }
0x49a: {  	vm6 =	vlt.s32 v14, $0x0;
	v35 =	vsel vm1, v34, v13;
	v18 =	vsel vm5, v18, v16  }
0x49b: {  	vm4 =	veq.s32 v14, v5;
	v18 =	vsub.f32 v18, v4;
	v17 =	vmul.f32 $1.442695020e+00, v17  }
0x49c: {  	v26 =	vsel vm13, $0x1, v0;
	v39 =	vsub.f32 v21, v4;
	v19 =	vsel vm6, v19, v14  }
0x49d: {  	v19 =	vsub.f32 v19, v4;
	v18 =	vmul.f32 $1.442695020e+00, v18;
	(erf) = vpow2.f32 v17  }
0x49e: {  	v20 =	vsub.f32 v20, v4;
	vm13 =	vgt.s32 v11, v5;
	v56 =	vsel vm9, $0x1, v0  }
0x49f: {  	v32 =	vmul.f32 $1.442695020e+00, v19;
	v17 =	vsub.f32 v35, v4;
	(erf) = vpow2.f32 v18  }
0x4a0: {  	v58 =	vsel vm14, $0x1, v0;
	vm15 =	veq.s32 v16, v5;
	vm6 =	vgt.s32 v16, v5  }
0x4a1: {  	v18 =	vsel vm8, v36, v11;
	(erf) = vpow2.f32 v32;
	v17 =	vmul.f32 $1.442695020e+00, v17  }
0x4a2: {  	v42 =	vsel vm4, $0x1, v0;
	v55 =	vsel vm13, $0x1, v0;
	v18 =	vsub.f32 v18, v4  }
0x4a3: {  	vm5 =	vgt.s32 v14, v5;
	v41 =	vmul.f32 $1.442695020e+00, v39;
	(erf) = vpow2.f32 v17  }
0x4a4: {  	vm7 =	vgt.s32 v15, v5;
	v43 =	vmul.f32 $1.442695020e+00, v20;
	v38 =	vmul.f32 $1.442695020e+00, v18  }
0x4a5: {  	v46 =	vsel vm6, $0x1, v0;
	v49 =	vsel vm15, $0x1, v0;
	vm11 =	veq.s32 v15, v5  }
0x4a6: {  	vm15 =	veq.s32 v6, v5;
	v27 =	vsel vm5, $0x1, v0;
	v23 =	vpop (erf);
	(erf) = vpow2.f32 v38  }
0x4a7: {  	v52 =	vsel vm7, $0x1, v0;
	v15 =	vsel vm11, $0x1, v0;
	v19 =	vsel vm10, v33, v6  }
0x4a8: {  	v19 =	vsub.f32 v19, v4;
	v25 =	vpop (erf);
	v44 =	vnsel vm7, $0x0, v23;
	(erf) = vpow2.f32 v41  }
0x4a9: {  	v63 =	vsel vm15, $0x1, v0;
	vm10 =	vlt.s32 v5, $0x0;
	v12 =	vadd.f32 v44, v12  }
0x4aa: {  	v47 =	vmul.f32 $1.442695020e+00, v19;
	v40 =	vpop (erf);
	v45 =	vnsel vm6, $0x0, v25;
	(erf) = vpow2.f32 v43  }
0x4ab: {  	v7 =	vadd.s32 v52, v7;
	v8 =	vadd.s32 v15, v8;
	v51 =	vadd.f32 v45, v12  }
0x4ac: {  	v7 =	vadd.s32 v46, v7;
	v21 =	vnsel vm5, $0x0, v40;
	v48 =	vpop (erf);
	(erf) = vpow2.f32 v47  }
0x4ad: {  	vm8 =	vgt.s32 v13, v5;
	v13 =	vsel vm10, v53, v5;
	v10 =	vadd.f32 v21, v51  }
0x4ae: {  	v8 =	vadd.s32 v49, v8;
	v13 =	vsub.f32 v13, v4;
	v19 =	vnsel vm8, $0x0, v48  }
0x4af: {  	v7 =	vadd.s32 v27, v7;
	v8 =	vadd.s32 v42, v8;
	v10 =	vadd.f32 v19, v10;
	v54 =	vpop (erf)  }
0x4b0: {  	v50 =	vsel vm8, $0x1, v0;
	v13 =	vmul.f32 $1.442695020e+00, v13;
	v11 =	vnsel vm13, $0x0, v54  }
0x4b1: {  	v8 =	vadd.s32 v26, v8;
	v7 =	vadd.s32 v50, v7;
	v57 =	vpop (erf);
	v10 =	vadd.f32 v11, v10  }
0x4b2: {  	v7 =	vadd.s32 v55, v7;
	(erf) = vpow2.f32 v13;
	v19 =	vnsel vm9, $0x0, v57  }
0x4b3: {  	v8 =	vadd.s32 v24, v8;
	v7 =	vadd.s32 v56, v7;
	v59 =	vpop (erf);
	v10 =	vadd.f32 v19, v10  }
0x4b4: {  	v6 =	vadd.s32 v37, v8;
	v7 =	vadd.s32 v58, v7;
	v11 =	vnsel vm14, $0x0, v59  }
0x4b5: {  	v6 =	vadd.s32 v22, v6;
	v7 =	vadd.s32 v60, v7;
	v61 =	vpop (erf);
	v10 =	vadd.f32 v11, v10  }
0x4b6: {  	v6 =	vadd.s32 v63, v6;
	(xrf0) =	vadd.scan.msk.s32 $0xffff, v7;
	v11 =	vnsel vm12, $0x0, v61  }
0x4b7: {  	(xrf0) =	vadd.scan.msk.s32 $0xffff, v6;
	v62 =	vadd.f32 v11, v10;
	_ =	sdelay $0x1  }
0x4b8: {  	(xrf2) =	vadd.scan.msk.f32 $0xffff, v62;
	_ =	sdelay $0x1  }
0x4b9: {  	v6 =	vpop (erf)  }
0x4ba: {  	(xrf0) =	vmax.scan.msk.f32 $0xffff, v6;
	v6, _, _ =	vpop (xrf0)  }
0x4bb: {  	v7, _, _ =	vpop (xrf0);
	(v2sf) =	vpush v6, $0xF  }
0x4bc: {  	(v2sf) =	vpush v7, $0xF;
	_ =	sdelay $0x3  }
0x4bd: {  	v6, _, _ =	vpop (xrf0)  }
0x4be: {  	(v2sf) =	vpush v6, $0xF;
	v6, _, _ =	vpop (xrf2)  }
0x4bf: {  	(v2sf) =	vpush v6, $0xF;
	_ =	sdelay $0x7  }
0x4c0: {  	s1 =	spop (v2sf)  }
0x4c1: {  	s19 =	spop (v2sf);
	s18 =	ssub.s32 $0x200, s1  }
0x4c2: {  	p0 =	seq.s32 s19, s18  }
.Ltmp32:
0x4c3: {  	_ = 	snop;
	(pc) =	sbr.rel @p0 .LBB2_61-.Ltmp32, $3  }
0x4c4: {  	_ =	sdelay $0x1  }
0x4c5: {  	s20 =	simm.s32 $0x0;
	s16 =	spop (v2sf)  }
0x4c6: {  	s21 =	simm.s32 $0x0;
	s19 =	simm.s32 $0x8000;
	s17 =	spop (v2sf)  }
.LBB2_58:
0x4c7: {  	s22 =	simm.s32 $0x40  }
0x4c8: {  	v7 =	vld [tilespmem:s22+$0x30]  }
0x4c9: {  	v9 =	vld [tilespmem:s22+$0x20]  }
0x4ca: {  	s1 =	sshrl.u32 s10, s21;
	s30 =	simm.s32 $0x70;
	v8 =	vld [tilespmem:s22+$0x10]  }
0x4cb: {  	s25 =	simm.s32 $0x60;
	v10 =	vimm.s32 $0x0;
	s31 =	simm.s32 $0x30;
	s19 =	sadd.s32 s1, s20;
	v11 =	vld [tilespmem:s22+$0x0];
	v13 =	vor.u32 s30, v2  }
0x4cc: {  	s23 =	simm.s32 $0x50;
	s24 =	simm.s32 $0x20;
	s28 =	simm.s32 $0x40;
	v12 =	vld [tilespmem:s22+$0xFFFFFFF0];
	v14 =	vor.u32 s25, v2;
	v15 =	vor.u32 s31, v2;
	v6 =	vmov s19  }
0x4cd: {  	s26 =	simm.s32 $0x10;
	s25 =	simm.s32 $0x0;
	v16 =	vor.u32 s28, v2;
	v17 =	vor.u32 s23, v2;
	s23 =	simm.s32 $0xF0;
	vm4 =	vlt.s32 v13, v6;
	v13 =	vld [tilespmem:s22+$0xFFFFFFC0]  }
.LBB2_59:
0x4ce: {  	p0 =	sne.s32 s23, $0x7FF0;
	v18 =	vor.u32 s25, v2;
	v19 =	vld [tilespmem:s22+$0xFFFFFFD0];
	v20 =	vor.u32 s26, v2;
	v21 =	vor.u32 s24, v2  }
0x4cf: {  	vm5 =	vlt.s32 v16, v6;
	vm2 =	vlt.s32 v17, v6;
	vm0 =	vlt.s32 v14, v6;
	v22 =	vld [tilespmem:s22+$0xFFFFFFE0]  }
0x4d0: {  	vm8 =	vlt.s32 v15, v6;
	vm6 =	vlt.s32 v20, v6;
	vm7 =	vlt.s32 v21, v6  }
0x4d1: {  	vm3 =	veq.s32 v9, v5;
	vm1 =	veq.s32 v7, v5;
	vm9 =	vlt.s32 v18, v6  }
0x4d2: {  	vm12 =	veq.s32 v8, v5;
	vm11 =	veq.s32 v11, v5;
	vm10 =	veq.s32 v13, v5  }
0x4d3: {  	vm13 =	veq.s32 v12, v5;
	vm9 =	vmand vm9, vm10;
	vm10 =	veq.s32 v19, v5  }
0x4d4: {  	v7 =	vsel vm9, $0x1, v0;
	vm6 =	vmand vm6, vm10;
	vm9 =	veq.s32 v22, v5  }
0x4d5: {  	v7 =	vadd.s32 v7, v10;
	v8 =	vsel vm6, $0x1, v0;
	vm6 =	vmand vm7, vm9  }
0x4d6: {  	v7 =	vadd.s32 v8, v7;
	v8 =	vsel vm6, $0x1, v0;
	vm6 =	vmand vm8, vm13  }
0x4d7: {  	s22 =	sadd.s32 $0x80, s22;
	vm5 =	vmand vm5, vm11;
	v8 =	vadd.s32 v8, v7;
	v9 =	vsel vm6, $0x1, v0  }
0x4d8: {  	vm2 =	vmand vm2, vm12;
	v10 =	vsel vm5, $0x1, v0;
	v7 =	vld [tilespmem:s22+$0x30];
	v8 =	vadd.s32 v9, v8  }
.Ltmp33:
0x4d9: {  	vm0 =	vmand vm0, vm3;
	v11 =	vsel vm2, $0x1, v0;
	v9 =	vld [tilespmem:s22+$0x20];
	v10 =	vadd.s32 v10, v8;
	(pc) =	sbr.rel @p0 .LBB2_59-.Ltmp33, $4  }
0x4da: {  	v12 =	vsel vm0, $0x1, v0;
	vm0 =	vmand vm4, vm1;
	v8 =	vld [tilespmem:s22+$0x10];
	v10 =	vadd.s32 v11, v10  }
0x4db: {  	s1 =	sadd.s32 $0xFFFFFFE0, s23;
	s25 =	sadd.s32 $0xFFFFFFF0, s23;
	v13 =	vor.u32 s23, v2;
	v15 =	vsel vm0, $0x1, v0;
	v11 =	vld [tilespmem:s22+$0x0];
	v10 =	vadd.s32 v12, v10  }
0x4dc: {  	s24 =	sadd.s32 $0xFFFFFFB0, s23;
	s28 =	sadd.s32 $0xFFFFFFC0, s23;
	s29 =	sadd.s32 $0xFFFFFFD0, s23;
	v14 =	vor.u32 s25, v2;
	vm4 =	vlt.s32 v13, v6;
	v12 =	vld [tilespmem:s22+$0xFFFFFFF0];
	v10 =	vadd.s32 v15, v10  }
0x4dd: {  	s26 =	sadd.s32 $0xFFFFFFA0, s23;
	s25 =	sadd.s32 $0xFFFFFF90, s23;
	v16 =	vor.u32 s29, v2;
	v17 =	vor.u32 s1, v2;
	s23 =	sadd.s32 $0x80, s23;
	v15 =	vor.u32 s28, v2;
	v13 =	vld [tilespmem:s22+$0xFFFFFFC0]  }
0x4de: {  	v18 =	vor.u32 s25, v2;
	v19 =	vld [tilespmem:s22+$0xFFFFFFD0];
	v20 =	vor.u32 s26, v2;
	v21 =	vor.u32 s24, v2  }
0x4df: {  	v22 =	vld [tilespmem:s22+$0xFFFFFFE0];
	vm0 =	vlt.s32 v16, v6;
	vm1 =	vlt.s32 v17, v6;
	vm2 =	vlt.s32 v14, v6  }
0x4e0: {  	vm6 =	vlt.s32 v15, v6;
	vm8 =	veq.s32 v9, v5;
	vm9 =	veq.s32 v7, v5  }
0x4e1: {  	vm3 =	vlt.s32 v20, v6;
	vm5 =	vlt.s32 v21, v6;
	vm7 =	vlt.s32 v18, v6  }
0x4e2: {  	vm12 =	veq.s32 v8, v5;
	vm11 =	veq.s32 v11, v5;
	vm10 =	veq.s32 v13, v5  }
0x4e3: {  	vm13 =	veq.s32 v12, v5;
	vm7 =	vmand vm7, vm10;
	vm10 =	veq.s32 v19, v5  }
0x4e4: {  	vm15 =	veq.s32 v22, v5;
	v6 =	vsel vm7, $0x1, v0;
	vm3 =	vmand vm3, vm10  }
0x4e5: {  	vm7 =	vmand vm5, vm15;
	v6 =	vadd.s32 v6, v10;
	v7 =	vsel vm3, $0x1, v0  }
0x4e6: {  	vm10 =	vmand vm6, vm13;
	v6 =	vadd.s32 v7, v6;
	v7 =	vsel vm7, $0x1, v0  }
0x4e7: {  	vm0 =	vmand vm0, vm11;
	v6 =	vadd.s32 v7, v6;
	v7 =	vsel vm10, $0x1, v0  }
0x4e8: {  	vm13 =	vmand vm1, vm12;
	v6 =	vadd.s32 v7, v6;
	v7 =	vsel vm0, $0x1, v0  }
0x4e9: {  	vm14 =	vmand vm2, vm8;
	v6 =	vadd.s32 v7, v6;
	v7 =	vsel vm13, $0x1, v0  }
0x4ea: {  	vm15 =	vmand vm4, vm9;
	v6 =	vadd.s32 v7, v6;
	v7 =	vsel vm14, $0x1, v0  }
0x4eb: {  	v6 =	vadd.s32 v7, v6;
	v7 =	vsel vm15, $0x1, v0  }
0x4ec: {  	v6 =	vadd.s32 v7, v6  }
0x4ed: {  	(xrf0) =	vadd.scan.msk.s32 $0xffff, v6;
	_ =	sdelay $0x5  }
0x4ee: {  	v6, _, _ =	vpop (xrf0)  }
0x4ef: {  	(v2sf) =	vpush v6, $0xF;
	_ =	sdelay $0xe  }
0x4f0: {  	s1 =	spop (v2sf)  }
0x4f1: {  	s21 =	sadd.s32 $0x1, s21;
	p0 =	sgt.s32 s1, s18  }
0x4f2: {  	s19 =	smov.u32 @p0 s20;
	p0 =	sne.s32 s21, $0x10  }
.Ltmp34:
0x4f3: {  	_ = 	snop;
	(pc) =	sbr.rel @p0 .LBB2_58-.Ltmp34, $4  }
.Ltmp35:
0x4f4: {  	_ = 	snop;
	(pc) =	sbr.rel @!p0 .LBB2_61-.Ltmp35, $4  }
0x4f5: {  	_ = 	snop  }
0x4f6: {  	_ = 	snop  }
0x4f7: {  	s20 =	smov.u32 s19  }
0x4f8: {  	_ = 	snop  }
.LBB2_62:
0x4f9: {  	_ =	sfence.sel $0x180000  }
0x4fa: {  	[bflag:$0x0] =	sbarrier.arrive $0xFFFF  }
0x4fb: {  	_ =	strace $0x90000047  }
0x4fc: {  	[bflag:$0x2] =	sbarrier.arrive $0xFFFF  }
0x4fd: {  	p0 =	sne.s32 s0, $0x0;
	s0 =	rddreg [dreg:$0x2]  }
0x4fe: {  	s0 =	sadd.s32 @!p0 $0x100000, s0  }
0x4ff: {  	[sflag:s0] =	ssyncadd.tile.s32 @!p0 $0x1;
	_ =	shalt  }
.Lfunc_end2:
_tile_overlayer_lowered:
.L_overlay_start_2:
0x500: {  	(tag) =	ssettag $0x2  }
0x501: {  	s0 =	rddreg [dreg:$0x0];
	s2 =	stileid.u32  }
0x502: {  	s1 =	rddreg [dreg:$0x1];
	p0 =	sne.s32 s2, $0x0  }
0x503: {  	s3 =	rddreg [dreg:$0x2];
	[bflag:$0x3] =	sbarrier.arrive $0xFFFF;
	s2 =	simm.s32 @!p0 $0x1C01  }
0x504: {  	[timem:s3], [sflag:s2] =	dma.local @!p0 [hbm:s0], s1  }
0x505: {  	s0 =	simm.s32 @!p0 $0x1  }
0x506: {  	_ =	swait.ge @!p0 [sflag:s0], s1  }
0x507: {  	s1 =	ssub.s32 @!p0 $0x0, s1;
	[sflag:s0] =	ssyncset.done @!p0 $0x0  }
0x508: {  	[sflag:s0] =	ssyncadd.s32 @!p0 s1  }
0x509: {  	[bflag:$0x3] =	sbarrier.arrive $0xFFFF  }
0x50a: {  	_ =	shalt  }

</sc_bundles>
